<compile_context>
chip_gen: v7x
topology: tpu7x:2x2x1
jax: 0.10.2.dev20260603
libtpu: 0.0.44.dev20260713+nightly
codegen_flags: <defaults>
</compile_context>

<pallas_src>
import functools

import jax
import jax.numpy as jnp
from jax import lax
from jax.experimental import pallas as pl
from jax.experimental.pallas import tpu as pltpu
from jax.experimental.pallas import tpu_sc as plsc

_B = 4096
_T = 50
_D = 64
_N = _B * _T
_NW = 32
_PER_W = _N // _NW
_CHUNK = 128
_NCH = _PER_W // _CHUNK
_NB = 6
_LK = 5

_mesh = plsc.VectorSubcoreMesh(core_axis_name="c", subcore_axis_name="s")


@functools.partial(
    pl.kernel,
    mesh=_mesh,
    out_type=jax.ShapeDtypeStruct((_N, _D), jnp.float32),
    scratch_types=[
        pltpu.VMEM((_PER_W,), jnp.int32),
        [pltpu.VMEM((_CHUNK, _D), jnp.float32) for _ in range(_NB)],
        pltpu.SemaphoreType.DMA((_NB,)),
        pltpu.SemaphoreType.DMA((_NB,)),
    ],
    compiler_params=pltpu.CompilerParams(
        use_tc_tiling_on_sc=False,
        disable_bounds_checks=True,
    ),
)
def _gather_kernel(idx_hbm, table_hbm, out_hbm, idx_v, rows_v, sem, osem):
    wid = lax.axis_index("s") * 2 + lax.axis_index("c")
    base = wid * _PER_W
    pltpu.sync_copy(idx_hbm.at[pl.ds(base, _PER_W)], idx_v)

    def gather(j):
        return pltpu.make_async_copy(
            table_hbm.at[idx_v.at[pl.ds(j * _CHUNK, _CHUNK)]],
            rows_v[j % _NB],
            sem.at[j % _NB],
        )

    def put(j):
        return pltpu.make_async_copy(
            rows_v[j % _NB],
            out_hbm.at[pl.ds(base + j * _CHUNK, _CHUNK)],
            osem.at[j % _NB],
        )

    for j in range(_LK):
        gather(j).start()
    for j in range(_NCH):
        gather(j).wait()
        put(j).start()
        jn = j + _LK
        if jn < _NCH:
            if jn >= _NB:
                put(jn - _NB).wait()
            gather(jn).start()
    for j in range(_NCH - _NB, _NCH):
        put(j).wait()


def kernel(captions, lengths, emb_weight):
    idx = captions.reshape(_N)
    out = _gather_kernel(idx, emb_weight)
    return out.reshape(_B, _T, _D), lengths

# --- scband reference (transcript-rebuilt; emitter-appended) ---
"""Pipeline reference for scband-word-embedding-proj-38302518345986 (READ-ONLY COPY).

The authoritative reference and input builder live on the scoring server;
editing this copy changes nothing except your own understanding.
"""

import jax, jax.numpy as jnp
import numpy as np

NUM_EMBEDDINGS = 1000000
EMBED_DIM = 64
BATCH = 4096
SEQ = 50

def setup_inputs(seed: int = 0) -> dict:
    key = jax.random.key(seed)
    k1, k2, k3 = jax.random.split(key, 3)
    captions = jax.random.randint(k1, (BATCH, SEQ), 0, NUM_EMBEDDINGS)
    lengths = jax.random.randint(k2, (BATCH,), 1, SEQ + 1)
    emb_weight = jax.random.normal(k3, (NUM_EMBEDDINGS, EMBED_DIM), dtype=jnp.float32) * 0.02
    return {"captions": captions, "lengths": lengths, "emb_weight": emb_weight}

def reference(captions, lengths, emb_weight):
    # x = self.emb(captions)
    x = jnp.take(emb_weight, captions, axis=0)  # (B, T, D)
    # x = x.permute(0, 2, 1)
    x = jnp.transpose(x, (0, 2, 1))  # (B, D, T)
    # self.layers is empty Sequential (word_sa=False, projection=False,
    # non_linear_proj=False, projection_sa=False) -> identity
    # x = x.permute(0, 2, 1)
    x = jnp.transpose(x, (0, 2, 1))  # (B, T, D)
    return (x, lengths)

if __name__ == "__main__":
    import jax
    _d = setup_inputs()
    print(jax.jit(kernel)(*tuple(_d.values())))

</pallas_src>

<mosaic_0001>
#map = affine_map<(d0, d1) -> (0)>
#map1 = affine_map<(d0, d1) -> (0, 0)>
module attributes {stable_mosaic.version = 14 : i64} {
  func.func @_gather_kernel(%arg0: i32, %arg1: i32, %arg2: memref<204800xi32, #tpu.memory_space<hbm>>, %arg3: memref<1000000x64xf32, #tpu.memory_space<hbm>>, %arg4: memref<204800x64xf32, #tpu.memory_space<hbm>>, %arg5: memref<6400xi32, #tpu.memory_space<vmem>>, %arg6: memref<128x64xf32, #tpu.memory_space<vmem>>, %arg7: memref<128x64xf32, #tpu.memory_space<vmem>>, %arg8: memref<128x64xf32, #tpu.memory_space<vmem>>, %arg9: memref<128x64xf32, #tpu.memory_space<vmem>>, %arg10: memref<128x64xf32, #tpu.memory_space<vmem>>, %arg11: memref<128x64xf32, #tpu.memory_space<vmem>>, %arg12: memref<6x!tpu.dma_semaphore, #tpu.memory_space<semaphore_mem>>, %arg13: memref<6x!tpu.dma_semaphore, #tpu.memory_space<semaphore_mem>>) attributes {dimension_semantics = [#tpu.dimension_semantics<core_parallel>, #tpu.dimension_semantics<subcore_parallel>], iteration_bounds = array<i64: 2, 16>, scalar_prefetch = 0 : i64, scratch_operands = 9 : i64, tpu.core_type = #tpu.core_type<sc_vector_subcore>, window_params = [{transform_indices = #map}, {transform_indices = #map1}, {transform_indices = #map1}]} {
    %mul3A = arith.constant 2 : i32
    %mul3A_0 = arith.muli %arg1, %mul3A : i32
    %add3A = arith.addi %mul3A_0, %arg0 : i32
    %mul3A_1 = arith.constant 6400 : i32
    %mul3A_2 = arith.muli %add3A, %mul3A_1 : i32
    "tpu.region"() ({
      %run_scoped3A = tpu.sem_alloc : memref<!tpu.dma_semaphore, #tpu.memory_space<semaphore_mem>>
      %dma_start3A_1701 = tpu.memref_slice %arg2[%mul3A_2] : memref<204800xi32, #tpu.memory_space<hbm>> -> memref<6400xi32, #tpu.memory_space<hbm>>
      %dma_start3A_1702 = tpu.memref_slice %arg2[%mul3A_2] : memref<204800xi32, #tpu.memory_space<hbm>> -> memref<6400xi32, #tpu.memory_space<hbm>>
      tpu.enqueue_dma source(%dma_start3A_1702 : memref<6400xi32, #tpu.memory_space<hbm>>) target(%arg5 : memref<6400xi32, #tpu.memory_space<vmem>>) target_semaphore(%run_scoped3A : memref<!tpu.dma_semaphore, #tpu.memory_space<semaphore_mem>>)
      %dma_wait3A_1703 = tpu.memref_slice %arg2[%mul3A_2] : memref<204800xi32, #tpu.memory_space<hbm>> -> memref<6400xi32, #tpu.memory_space<hbm>>
      %dma_wait3A_1704 = tpu.memref_slice %arg2[%mul3A_2] : memref<204800xi32, #tpu.memory_space<hbm>> -> memref<6400xi32, #tpu.memory_space<hbm>>
      tpu.wait_dma2 semaphore(%run_scoped3A : memref<!tpu.dma_semaphore, #tpu.memory_space<semaphore_mem>>) src(%dma_wait3A_1704 : memref<6400xi32, #tpu.memory_space<hbm>>) dst(%arg5 : memref<6400xi32, #tpu.memory_space<vmem>>)
      tpu.yield
    }) : () -> ()
    %dma_start3A = arith.constant 0 : i32
    %dma_start3A_3 = arith.constant 0 : i32
    %dma_start3A_4 = tpu.memref_slice %arg5[%dma_start3A_3] : memref<6400xi32, #tpu.memory_space<vmem>> -> memref<128xi32, #tpu.memory_space<vmem>>
    %dma_start3A_5 = arith.constant 0 : i32
    %dma_start3A_6 = arith.constant 0 : i32
    %dma_start3A_7 = tpu.memref_slice %arg3[%dma_start3A_5, %dma_start3A_6] : memref<1000000x64xf32, #tpu.memory_space<hbm>> -> memref<1000000x64xf32, #tpu.memory_space<hbm>>
    %dma_start3A_8 = tpu.memref_slice %arg12[%dma_start3A] : memref<6x!tpu.dma_semaphore, #tpu.memory_space<semaphore_mem>> -> memref<1x!tpu.dma_semaphore, #tpu.memory_space<semaphore_mem>>
    %dma_start3A_9 = tpu.memref_squeeze %dma_start3A_8 : memref<1x!tpu.dma_semaphore, #tpu.memory_space<semaphore_mem>> -> memref<!tpu.dma_semaphore, #tpu.memory_space<semaphore_mem>>
    tpu.enqueue_indirect_dma source(%dma_start3A_7 : memref<1000000x64xf32, #tpu.memory_space<hbm>>) target(%arg6 : memref<128x64xf32, #tpu.memory_space<vmem>>) offsets(%dma_start3A_4 : memref<128xi32, #tpu.memory_space<vmem>>) semaphore(%dma_start3A_9 : memref<!tpu.dma_semaphore, #tpu.memory_space<semaphore_mem>>)
    %dma_start3A_10 = arith.constant 1 : i32
    %dma_start3A_11 = arith.constant 128 : i32
    %dma_start3A_12 = tpu.memref_slice %arg5[%dma_start3A_11] : memref<6400xi32, #tpu.memory_space<vmem>> -> memref<128xi32, #tpu.memory_space<vmem>>
    %dma_start3A_13 = arith.constant 0 : i32
    %dma_start3A_14 = arith.constant 0 : i32
    %dma_start3A_15 = tpu.memref_slice %arg3[%dma_start3A_13, %dma_start3A_14] : memref<1000000x64xf32, #tpu.memory_space<hbm>> -> memref<1000000x64xf32, #tpu.memory_space<hbm>>
    %dma_start3A_16 = tpu.memref_slice %arg12[%dma_start3A_10] : memref<6x!tpu.dma_semaphore, #tpu.memory_space<semaphore_mem>> -> memref<1x!tpu.dma_semaphore, #tpu.memory_space<semaphore_mem>>
    %dma_start3A_17 = tpu.memref_squeeze %dma_start3A_16 : memref<1x!tpu.dma_semaphore, #tpu.memory_space<semaphore_mem>> -> memref<!tpu.dma_semaphore, #tpu.memory_space<semaphore_mem>>
    tpu.enqueue_indirect_dma source(%dma_start3A_15 : memref<1000000x64xf32, #tpu.memory_space<hbm>>) target(%arg7 : memref<128x64xf32, #tpu.memory_space<vmem>>) offsets(%dma_start3A_12 : memref<128xi32, #tpu.memory_space<vmem>>) semaphore(%dma_start3A_17 : memref<!tpu.dma_semaphore, #tpu.memory_space<semaphore_mem>>)
    %dma_start3A_18 = arith.constant 2 : i32
    %dma_start3A_19 = arith.constant 256 : i32
    %dma_start3A_20 = tpu.memref_slice %arg5[%dma_start3A_19] : memref<6400xi32, #tpu.memory_space<vmem>> -> memref<128xi32, #tpu.memory_space<vmem>>
    %dma_start3A_21 = arith.constant 0 : i32
    %dma_start3A_22 = arith.constant 0 : i32
    %dma_start3A_23 = tpu.memref_slice %arg3[%dma_start3A_21, %dma_start3A_22] : memref<1000000x64xf32, #tpu.memory_space<hbm>> -> memref<1000000x64xf32, #tpu.memory_space<hbm>>
    %dma_start3A_24 = tpu.memref_slice %arg12[%dma_start3A_18] : memref<6x!tpu.dma_semaphore, #tpu.memory_space<semaphore_mem>> -> memref<1x!tpu.dma_semaphore, #tpu.memory_space<semaphore_mem>>
    %dma_start3A_25 = tpu.memref_squeeze %dma_start3A_24 : memref<1x!tpu.dma_semaphore, #tpu.memory_space<semaphore_mem>> -> memref<!tpu.dma_semaphore, #tpu.memory_space<semaphore_mem>>
    tpu.enqueue_indirect_dma source(%dma_start3A_23 : memref<1000000x64xf32, #tpu.memory_space<hbm>>) target(%arg8 : memref<128x64xf32, #tpu.memory_space<vmem>>) offsets(%dma_start3A_20 : memref<128xi32, #tpu.memory_space<vmem>>) semaphore(%dma_start3A_25 : memref<!tpu.dma_semaphore, #tpu.memory_space<semaphore_mem>>)
    %dma_start3A_26 = arith.constant 3 : i32
    %dma_start3A_27 = arith.constant 384 : i32
    %dma_start3A_28 = tpu.memref_slice %arg5[%dma_start3A_27] : memref<6400xi32, #tpu.memory_space<vmem>> -> memref<128xi32, #tpu.memory_space<vmem>>
    %dma_start3A_29 = arith.constant 0 : i32
    %dma_start3A_30 = arith.constant 0 : i32
    %dma_start3A_31 = tpu.memref_slice %arg3[%dma_start3A_29, %dma_start3A_30] : memref<1000000x64xf32, #tpu.memory_space<hbm>> -> memref<1000000x64xf32, #tpu.memory_space<hbm>>
    %dma_start3A_32 = tpu.memref_slice %arg12[%dma_start3A_26] : memref<6x!tpu.dma_semaphore, #tpu.memory_space<semaphore_mem>> -> memref<1x!tpu.dma_semaphore, #tpu.memory_space<semaphore_mem>>
    %dma_start3A_33 = tpu.memref_squeeze %dma_start3A_32 : memref<1x!tpu.dma_semaphore, #tpu.memory_space<semaphore_mem>> -> memref<!tpu.dma_semaphore, #tpu.memory_space<semaphore_mem>>
    tpu.enqueue_indirect_dma source(%dma_start3A_31 : memref<1000000x64xf32, #tpu.memory_space<hbm>>) target(%arg9 : memref<128x64xf32, #tpu.memory_space<vmem>>) offsets(%dma_start3A_28 : memref<128xi32, #tpu.memory_space<vmem>>) semaphore(%dma_start3A_33 : memref<!tpu.dma_semaphore, #tpu.memory_space<semaphore_mem>>)
    %dma_start3A_34 = arith.constant 4 : i32
    %dma_start3A_35 = arith.constant 512 : i32
    %dma_start3A_36 = tpu.memref_slice %arg5[%dma_start3A_35] : memref<6400xi32, #tpu.memory_space<vmem>> -> memref<128xi32, #tpu.memory_space<vmem>>
    %dma_start3A_37 = arith.constant 0 : i32
    %dma_start3A_38 = arith.constant 0 : i32
    %dma_start3A_39 = tpu.memref_slice %arg3[%dma_start3A_37, %dma_start3A_38] : memref<1000000x64xf32, #tpu.memory_space<hbm>> -> memref<1000000x64xf32, #tpu.memory_space<hbm>>
    %dma_start3A_40 = tpu.memref_slice %arg12[%dma_start3A_34] : memref<6x!tpu.dma_semaphore, #tpu.memory_space<semaphore_mem>> -> memref<1x!tpu.dma_semaphore, #tpu.memory_space<semaphore_mem>>
    %dma_start3A_41 = tpu.memref_squeeze %dma_start3A_40 : memref<1x!tpu.dma_semaphore, #tpu.memory_space<semaphore_mem>> -> memref<!tpu.dma_semaphore, #tpu.memory_space<semaphore_mem>>
    tpu.enqueue_indirect_dma source(%dma_start3A_39 : memref<1000000x64xf32, #tpu.memory_space<hbm>>) target(%arg10 : memref<128x64xf32, #tpu.memory_space<vmem>>) offsets(%dma_start3A_36 : memref<128xi32, #tpu.memory_space<vmem>>) semaphore(%dma_start3A_41 : memref<!tpu.dma_semaphore, #tpu.memory_space<semaphore_mem>>)
    %dma_wait3A = arith.constant 0 : i32
    %dma_wait3A_42 = arith.constant 0 : i32
    %dma_wait3A_43 = tpu.memref_slice %arg5[%dma_wait3A_42] : memref<6400xi32, #tpu.memory_space<vmem>> -> memref<128xi32, #tpu.memory_space<vmem>>
    %dma_wait3A_44 = arith.constant 0 : i32
    %dma_wait3A_45 = arith.constant 0 : i32
    %dma_wait3A_46 = tpu.memref_slice %arg3[%dma_wait3A_44, %dma_wait3A_45] : memref<1000000x64xf32, #tpu.memory_space<hbm>> -> memref<1000000x64xf32, #tpu.memory_space<hbm>>
    %dma_wait3A_47 = tpu.memref_slice %arg12[%dma_wait3A] : memref<6x!tpu.dma_semaphore, #tpu.memory_space<semaphore_mem>> -> memref<1x!tpu.dma_semaphore, #tpu.memory_space<semaphore_mem>>
    %dma_wait3A_48 = tpu.memref_squeeze %dma_wait3A_47 : memref<1x!tpu.dma_semaphore, #tpu.memory_space<semaphore_mem>> -> memref<!tpu.dma_semaphore, #tpu.memory_space<semaphore_mem>>
    tpu.wait_indirect_dma semaphore(%dma_wait3A_48 : memref<!tpu.dma_semaphore, #tpu.memory_space<semaphore_mem>>) src(%dma_wait3A_46 : memref<1000000x64xf32, #tpu.memory_space<hbm>>) dst(%arg6 : memref<128x64xf32, #tpu.memory_space<vmem>>)
    %add3A_49 = arith.constant 0 : i32
    %add3A_50 = arith.addi %mul3A_2, %add3A_49 : i32
    %dma_start3A_51 = arith.constant 0 : i32
    %dma_start3A_52 = arith.constant 0 : i32
    %dma_start3A_53 = tpu.memref_slice %arg4[%add3A_50, %dma_start3A_52] : memref<204800x64xf32, #tpu.memory_space<hbm>> -> memref<128x64xf32, #tpu.memory_space<hbm>>
    %dma_start3A_54 = tpu.memref_slice %arg13[%dma_start3A_51] : memref<6x!tpu.dma_semaphore, #tpu.memory_space<semaphore_mem>> -> memref<1x!tpu.dma_semaphore, #tpu.memory_space<semaphore_mem>>
    %dma_start3A_55 = tpu.memref_squeeze %dma_start3A_54 : memref<1x!tpu.dma_semaphore, #tpu.memory_space<semaphore_mem>> -> memref<!tpu.dma_semaphore, #tpu.memory_space<semaphore_mem>>
    %dma_start3A_56 = arith.constant 0 : i32
    %dma_start3A_57 = tpu.memref_slice %arg4[%add3A_50, %dma_start3A_56] : memref<204800x64xf32, #tpu.memory_space<hbm>> -> memref<128x64xf32, #tpu.memory_space<hbm>>
    tpu.enqueue_dma source(%arg6 : memref<128x64xf32, #tpu.memory_space<vmem>>) target(%dma_start3A_57 : memref<128x64xf32, #tpu.memory_space<hbm>>) target_semaphore(%dma_start3A_55 : memref<!tpu.dma_semaphore, #tpu.memory_space<semaphore_mem>>)
    %dma_start3A_58 = arith.constant 5 : i32
    %dma_start3A_59 = arith.constant 640 : i32
    %dma_start3A_60 = tpu.memref_slice %arg5[%dma_start3A_59] : memref<6400xi32, #tpu.memory_space<vmem>> -> memref<128xi32, #tpu.memory_space<vmem>>
    %dma_start3A_61 = arith.constant 0 : i32
    %dma_start3A_62 = arith.constant 0 : i32
    %dma_start3A_63 = tpu.memref_slice %arg3[%dma_start3A_61, %dma_start3A_62] : memref<1000000x64xf32, #tpu.memory_space<hbm>> -> memref<1000000x64xf32, #tpu.memory_space<hbm>>
    %dma_start3A_64 = tpu.memref_slice %arg12[%dma_start3A_58] : memref<6x!tpu.dma_semaphore, #tpu.memory_space<semaphore_mem>> -> memref<1x!tpu.dma_semaphore, #tpu.memory_space<semaphore_mem>>
    %dma_start3A_65 = tpu.memref_squeeze %dma_start3A_64 : memref<1x!tpu.dma_semaphore, #tpu.memory_space<semaphore_mem>> -> memref<!tpu.dma_semaphore, #tpu.memory_space<semaphore_mem>>
    tpu.enqueue_indirect_dma source(%dma_start3A_63 : memref<1000000x64xf32, #tpu.memory_space<hbm>>) target(%arg11 : memref<128x64xf32, #tpu.memory_space<vmem>>) offsets(%dma_start3A_60 : memref<128xi32, #tpu.memory_space<vmem>>) semaphore(%dma_start3A_65 : memref<!tpu.dma_semaphore, #tpu.memory_space<semaphore_mem>>)
    %dma_wait3A_66 = arith.constant 1 : i32
    %dma_wait3A_67 = arith.constant 128 : i32
    %dma_wait3A_68 = tpu.memref_slice %arg5[%dma_wait3A_67] : memref<6400xi32, #tpu.memory_space<vmem>> -> memref<128xi32, #tpu.memory_space<vmem>>
    %dma_wait3A_69 = arith.constant 0 : i32
    %dma_wait3A_70 = arith.constant 0 : i32
    %dma_wait3A_71 = tpu.memref_slice %arg3[%dma_wait3A_69, %dma_wait3A_70] : memref<1000000x64xf32, #tpu.memory_space<hbm>> -> memref<1000000x64xf32, #tpu.memory_space<hbm>>
    %dma_wait3A_72 = tpu.memref_slice %arg12[%dma_wait3A_66] : memref<6x!tpu.dma_semaphore, #tpu.memory_space<semaphore_mem>> -> memref<1x!tpu.dma_semaphore, #tpu.memory_space<semaphore_mem>>
    %dma_wait3A_73 = tpu.memref_squeeze %dma_wait3A_72 : memref<1x!tpu.dma_semaphore, #tpu.memory_space<semaphore_mem>> -> memref<!tpu.dma_semaphore, #tpu.memory_space<semaphore_mem>>
    tpu.wait_indirect_dma semaphore(%dma_wait3A_73 : memref<!tpu.dma_semaphore, #tpu.memory_space<semaphore_mem>>) src(%dma_wait3A_71 : memref<1000000x64xf32, #tpu.memory_space<hbm>>) dst(%arg7 : memref<128x64xf32, #tpu.memory_space<vmem>>)
    %add3A_74 = arith.constant 128 : i32
    %add3A_75 = arith.addi %mul3A_2, %add3A_74 : i32
    %dma_start3A_76 = arith.constant 1 : i32
    %dma_start3A_77 = arith.constant 0 : i32
    %dma_start3A_78 = tpu.memref_slice %arg4[%add3A_75, %dma_start3A_77] : memref<204800x64xf32, #tpu.memory_space<hbm>> -> memref<128x64xf32, #tpu.memory_space<hbm>>
    %dma_start3A_79 = tpu.memref_slice %arg13[%dma_start3A_76] : memref<6x!tpu.dma_semaphore, #tpu.memory_space<semaphore_mem>> -> memref<1x!tpu.dma_semaphore, #tpu.memory_space<semaphore_mem>>
    %dma_start3A_80 = tpu.memref_squeeze %dma_start3A_79 : memref<1x!tpu.dma_semaphore, #tpu.memory_space<semaphore_mem>> -> memref<!tpu.dma_semaphore, #tpu.memory_space<semaphore_mem>>
    %dma_start3A_81 = arith.constant 0 : i32
    %dma_start3A_82 = tpu.memref_slice %arg4[%add3A_75, %dma_start3A_81] : memref<204800x64xf32, #tpu.memory_space<hbm>> -> memref<128x64xf32, #tpu.memory_space<hbm>>
    tpu.enqueue_dma source(%arg7 : memref<128x64xf32, #tpu.memory_space<vmem>>) target(%dma_start3A_82 : memref<128x64xf32, #tpu.memory_space<hbm>>) target_semaphore(%dma_start3A_80 : memref<!tpu.dma_semaphore, #tpu.memory_space<semaphore_mem>>)
    %add3A_83 = arith.constant 0 : i32
    %add3A_84 = arith.addi %mul3A_2, %add3A_83 : i32
    %dma_wait3A_85 = arith.constant 0 : i32
    %dma_wait3A_86 = arith.constant 0 : i32
    %dma_wait3A_87 = tpu.memref_slice %arg4[%add3A_84, %dma_wait3A_86] : memref<204800x64xf32, #tpu.memory_space<hbm>> -> memref<128x64xf32, #tpu.memory_space<hbm>>
    %dma_wait3A_88 = tpu.memref_slice %arg13[%dma_wait3A_85] : memref<6x!tpu.dma_semaphore, #tpu.memory_space<semaphore_mem>> -> memref<1x!tpu.dma_semaphore, #tpu.memory_space<semaphore_mem>>
    %dma_wait3A_89 = tpu.memref_squeeze %dma_wait3A_88 : memref<1x!tpu.dma_semaphore, #tpu.memory_space<semaphore_mem>> -> memref<!tpu.dma_semaphore, #tpu.memory_space<semaphore_mem>>
    %dma_wait3A_90 = arith.constant 0 : i32
    %dma_wait3A_91 = tpu.memref_slice %arg4[%add3A_84, %dma_wait3A_90] : memref<204800x64xf32, #tpu.memory_space<hbm>> -> memref<128x64xf32, #tpu.memory_space<hbm>>
    tpu.wait_dma2 semaphore(%dma_wait3A_89 : memref<!tpu.dma_semaphore, #tpu.memory_space<semaphore_mem>>) src(%arg6 : memref<128x64xf32, #tpu.memory_space<vmem>>) dst(%dma_wait3A_91 : memref<128x64xf32, #tpu.memory_space<hbm>>)
    %dma_start3A_92 = arith.constant 0 : i32
    %dma_start3A_93 = arith.constant 768 : i32
    %dma_start3A_94 = tpu.memref_slice %arg5[%dma_start3A_93] : memref<6400xi32, #tpu.memory_space<vmem>> -> memref<128xi32, #tpu.memory_space<vmem>>
    %dma_start3A_95 = arith.constant 0 : i32
    %dma_start3A_96 = arith.constant 0 : i32
    %dma_start3A_97 = tpu.memref_slice %arg3[%dma_start3A_95, %dma_start3A_96] : memref<1000000x64xf32, #tpu.memory_space<hbm>> -> memref<1000000x64xf32, #tpu.memory_space<hbm>>
    %dma_start3A_98 = tpu.memref_slice %arg12[%dma_start3A_92] : memref<6x!tpu.dma_semaphore, #tpu.memory_space<semaphore_mem>> -> memref<1x!tpu.dma_semaphore, #tpu.memory_space<semaphore_mem>>
    %dma_start3A_99 = tpu.memref_squeeze %dma_start3A_98 : memref<1x!tpu.dma_semaphore, #tpu.memory_space<semaphore_mem>> -> memref<!tpu.dma_semaphore, #tpu.memory_space<semaphore_mem>>
    tpu.enqueue_indirect_dma source(%dma_start3A_97 : memref<1000000x64xf32, #tpu.memory_space<hbm>>) target(%arg6 : memref<128x64xf32, #tpu.memory_space<vmem>>) offsets(%dma_start3A_94 : memref<128xi32, #tpu.memory_space<vmem>>) semaphore(%dma_start3A_99 : memref<!tpu.dma_semaphore, #tpu.memory_space<semaphore_mem>>)
    %dma_wait3A_100 = arith.constant 2 : i32
    %dma_wait3A_101 = arith.constant 256 : i32
    %dma_wait3A_102 = tpu.memref_slice %arg5[%dma_wait3A_101] : memref<6400xi32, #tpu.memory_space<vmem>> -> memref<128xi32, #tpu.memory_space<vmem>>
    %dma_wait3A_103 = arith.constant 0 : i32
    %dma_wait3A_104 = arith.constant 0 : i32
    %dma_wait3A_105 = tpu.memref_slice %arg3[%dma_wait3A_103, %dma_wait3A_104] : memref<1000000x64xf32, #tpu.memory_space<hbm>> -> memref<1000000x64xf32, #tpu.memory_space<hbm>>
    %dma_wait3A_106 = tpu.memref_slice %arg12[%dma_wait3A_100] : memref<6x!tpu.dma_semaphore, #tpu.memory_space<semaphore_mem>> -> memref<1x!tpu.dma_semaphore, #tpu.memory_space<semaphore_mem>>
    %dma_wait3A_107 = tpu.memref_squeeze %dma_wait3A_106 : memref<1x!tpu.dma_semaphore, #tpu.memory_space<semaphore_mem>> -> memref<!tpu.dma_semaphore, #tpu.memory_space<semaphore_mem>>
    tpu.wait_indirect_dma semaphore(%dma_wait3A_107 : memref<!tpu.dma_semaphore, #tpu.memory_space<semaphore_mem>>) src(%dma_wait3A_105 : memref<1000000x64xf32, #tpu.memory_space<hbm>>) dst(%arg8 : memref<128x64xf32, #tpu.memory_space<vmem>>)
    %add3A_108 = arith.constant 256 : i32
    %add3A_109 = arith.addi %mul3A_2, %add3A_108 : i32
    %dma_start3A_110 = arith.constant 2 : i32
    %dma_start3A_111 = arith.constant 0 : i32
    %dma_start3A_112 = tpu.memref_slice %arg4[%add3A_109, %dma_start3A_111] : memref<204800x64xf32, #tpu.memory_space<hbm>> -> memref<128x64xf32, #tpu.memory_space<hbm>>
    %dma_start3A_113 = tpu.memref_slice %arg13[%dma_start3A_110] : memref<6x!tpu.dma_semaphore, #tpu.memory_space<semaphore_mem>> -> memref<1x!tpu.dma_semaphore, #tpu.memory_space<semaphore_mem>>
    %dma_start3A_114 = tpu.memref_squeeze %dma_start3A_113 : memref<1x!tpu.dma_semaphore, #tpu.memory_space<semaphore_mem>> -> memref<!tpu.dma_semaphore, #tpu.memory_space<semaphore_mem>>
    %dma_start3A_115 = arith.constant 0 : i32
    %dma_start3A_116 = tpu.memref_slice %arg4[%add3A_109, %dma_start3A_115] : memref<204800x64xf32, #tpu.memory_space<hbm>> -> memref<128x64xf32, #tpu.memory_space<hbm>>
    tpu.enqueue_dma source(%arg8 : memref<128x64xf32, #tpu.memory_space<vmem>>) target(%dma_start3A_116 : memref<128x64xf32, #tpu.memory_space<hbm>>) target_semaphore(%dma_start3A_114 : memref<!tpu.dma_semaphore, #tpu.memory_space<semaphore_mem>>)
    %add3A_117 = arith.constant 128 : i32
    %add3A_118 = arith.addi %mul3A_2, %add3A_117 : i32
    %dma_wait3A_119 = arith.constant 1 : i32
    %dma_wait3A_120 = arith.constant 0 : i32
    %dma_wait3A_121 = tpu.memref_slice %arg4[%add3A_118, %dma_wait3A_120] : memref<204800x64xf32, #tpu.memory_space<hbm>> -> memref<128x64xf32, #tpu.memory_space<hbm>>
    %dma_wait3A_122 = tpu.memref_slice %arg13[%dma_wait3A_119] : memref<6x!tpu.dma_semaphore, #tpu.memory_space<semaphore_mem>> -> memref<1x!tpu.dma_semaphore, #tpu.memory_space<semaphore_mem>>
    %dma_wait3A_123 = tpu.memref_squeeze %dma_wait3A_122 : memref<1x!tpu.dma_semaphore, #tpu.memory_space<semaphore_mem>> -> memref<!tpu.dma_semaphore, #tpu.memory_space<semaphore_mem>>
    %dma_wait3A_124 = arith.constant 0 : i32
    %dma_wait3A_125 = tpu.memref_slice %arg4[%add3A_118, %dma_wait3A_124] : memref<204800x64xf32, #tpu.memory_space<hbm>> -> memref<128x64xf32, #tpu.memory_space<hbm>>
    tpu.wait_dma2 semaphore(%dma_wait3A_123 : memref<!tpu.dma_semaphore, #tpu.memory_space<semaphore_mem>>) src(%arg7 : memref<128x64xf32, #tpu.memory_space<vmem>>) dst(%dma_wait3A_125 : memref<128x64xf32, #tpu.memory_space<hbm>>)
    %dma_start3A_126 = arith.constant 1 : i32
    %dma_start3A_127 = arith.constant 896 : i32
    %dma_start3A_128 = tpu.memref_slice %arg5[%dma_start3A_127] : memref<6400xi32, #tpu.memory_space<vmem>> -> memref<128xi32, #tpu.memory_space<vmem>>
    %dma_start3A_129 = arith.constant 0 : i32
    %dma_start3A_130 = arith.constant 0 : i32
    %dma_start3A_131 = tpu.memref_slice %arg3[%dma_start3A_129, %dma_start3A_130] : memref<1000000x64xf32, #tpu.memory_space<hbm>> -> memref<1000000x64xf32, #tpu.memory_space<hbm>>
    %dma_start3A_132 = tpu.memref_slice %arg12[%dma_start3A_126] : memref<6x!tpu.dma_semaphore, #tpu.memory_space<semaphore_mem>> -> memref<1x!tpu.dma_semaphore, #tpu.memory_space<semaphore_mem>>
    %dma_start3A_133 = tpu.memref_squeeze %dma_start3A_132 : memref<1x!tpu.dma_semaphore, #tpu.memory_space<semaphore_mem>> -> memref<!tpu.dma_semaphore, #tpu.memory_space<semaphore_mem>>
    tpu.enqueue_indirect_dma source(%dma_start3A_131 : memref<1000000x64xf32, #tpu.memory_space<hbm>>) target(%arg7 : memref<128x64xf32, #tpu.memory_space<vmem>>) offsets(%dma_start3A_128 : memref<128xi32, #tpu.memory_space<vmem>>) semaphore(%dma_start3A_133 : memref<!tpu.dma_semaphore, #tpu.memory_space<semaphore_mem>>)
    %dma_wait3A_134 = arith.constant 3 : i32
    %dma_wait3A_135 = arith.constant 384 : i32
    %dma_wait3A_136 = tpu.memref_slice %arg5[%dma_wait3A_135] : memref<6400xi32, #tpu.memory_space<vmem>> -> memref<128xi32, #tpu.memory_space<vmem>>
    %dma_wait3A_137 = arith.constant 0 : i32
    %dma_wait3A_138 = arith.constant 0 : i32
    %dma_wait3A_139 = tpu.memref_slice %arg3[%dma_wait3A_137, %dma_wait3A_138] : memref<1000000x64xf32, #tpu.memory_space<hbm>> -> memref<1000000x64xf32, #tpu.memory_space<hbm>>
    %dma_wait3A_140 = tpu.memref_slice %arg12[%dma_wait3A_134] : memref<6x!tpu.dma_semaphore, #tpu.memory_space<semaphore_mem>> -> memref<1x!tpu.dma_semaphore, #tpu.memory_space<semaphore_mem>>
    %dma_wait3A_141 = tpu.memref_squeeze %dma_wait3A_140 : memref<1x!tpu.dma_semaphore, #tpu.memory_space<semaphore_mem>> -> memref<!tpu.dma_semaphore, #tpu.memory_space<semaphore_mem>>
    tpu.wait_indirect_dma semaphore(%dma_wait3A_141 : memref<!tpu.dma_semaphore, #tpu.memory_space<semaphore_mem>>) src(%dma_wait3A_139 : memref<1000000x64xf32, #tpu.memory_space<hbm>>) dst(%arg9 : memref<128x64xf32, #tpu.memory_space<vmem>>)
    %add3A_142 = arith.constant 384 : i32
    %add3A_143 = arith.addi %mul3A_2, %add3A_142 : i32
    %dma_start3A_144 = arith.constant 3 : i32
    %dma_start3A_145 = arith.constant 0 : i32
    %dma_start3A_146 = tpu.memref_slice %arg4[%add3A_143, %dma_start3A_145] : memref<204800x64xf32, #tpu.memory_space<hbm>> -> memref<128x64xf32, #tpu.memory_space<hbm>>
    %dma_start3A_147 = tpu.memref_slice %arg13[%dma_start3A_144] : memref<6x!tpu.dma_semaphore, #tpu.memory_space<semaphore_mem>> -> memref<1x!tpu.dma_semaphore, #tpu.memory_space<semaphore_mem>>
    %dma_start3A_148 = tpu.memref_squeeze %dma_start3A_147 : memref<1x!tpu.dma_semaphore, #tpu.memory_space<semaphore_mem>> -> memref<!tpu.dma_semaphore, #tpu.memory_space<semaphore_mem>>
    %dma_start3A_149 = arith.constant 0 : i32
    %dma_start3A_150 = tpu.memref_slice %arg4[%add3A_143, %dma_start3A_149] : memref<204800x64xf32, #tpu.memory_space<hbm>> -> memref<128x64xf32, #tpu.memory_space<hbm>>
    tpu.enqueue_dma source(%arg9 : memref<128x64xf32, #tpu.memory_space<vmem>>) target(%dma_start3A_150 : memref<128x64xf32, #tpu.memory_space<hbm>>) target_semaphore(%dma_start3A_148 : memref<!tpu.dma_semaphore, #tpu.memory_space<semaphore_mem>>)
    %add3A_151 = arith.constant 256 : i32
    %add3A_152 = arith.addi %mul3A_2, %add3A_151 : i32
    %dma_wait3A_153 = arith.constant 2 : i32
    %dma_wait3A_154 = arith.constant 0 : i32
    %dma_wait3A_155 = tpu.memref_slice %arg4[%add3A_152, %dma_wait3A_154] : memref<204800x64xf32, #tpu.memory_space<hbm>> -> memref<128x64xf32, #tpu.memory_space<hbm>>
    %dma_wait3A_156 = tpu.memref_slice %arg13[%dma_wait3A_153] : memref<6x!tpu.dma_semaphore, #tpu.memory_space<semaphore_mem>> -> memref<1x!tpu.dma_semaphore, #tpu.memory_space<semaphore_mem>>
    %dma_wait3A_157 = tpu.memref_squeeze %dma_wait3A_156 : memref<1x!tpu.dma_semaphore, #tpu.memory_space<semaphore_mem>> -> memref<!tpu.dma_semaphore, #tpu.memory_space<semaphore_mem>>
    %dma_wait3A_158 = arith.constant 0 : i32
    %dma_wait3A_159 = tpu.memref_slice %arg4[%add3A_152, %dma_wait3A_158] : memref<204800x64xf32, #tpu.memory_space<hbm>> -> memref<128x64xf32, #tpu.memory_space<hbm>>
    tpu.wait_dma2 semaphore(%dma_wait3A_157 : memref<!tpu.dma_semaphore, #tpu.memory_space<semaphore_mem>>) src(%arg8 : memref<128x64xf32, #tpu.memory_space<vmem>>) dst(%dma_wait3A_159 : memref<128x64xf32, #tpu.memory_space<hbm>>)
    %dma_start3A_160 = arith.constant 2 : i32
    %dma_start3A_161 = arith.constant 1024 : i32
    %dma_start3A_162 = tpu.memref_slice %arg5[%dma_start3A_161] : memref<6400xi32, #tpu.memory_space<vmem>> -> memref<128xi32, #tpu.memory_space<vmem>>
    %dma_start3A_163 = arith.constant 0 : i32
    %dma_start3A_164 = arith.constant 0 : i32
    %dma_start3A_165 = tpu.memref_slice %arg3[%dma_start3A_163, %dma_start3A_164] : memref<1000000x64xf32, #tpu.memory_space<hbm>> -> memref<1000000x64xf32, #tpu.memory_space<hbm>>
    %dma_start3A_166 = tpu.memref_slice %arg12[%dma_start3A_160] : memref<6x!tpu.dma_semaphore, #tpu.memory_space<semaphore_mem>> -> memref<1x!tpu.dma_semaphore, #tpu.memory_space<semaphore_mem>>
    %dma_start3A_167 = tpu.memref_squeeze %dma_start3A_166 : memref<1x!tpu.dma_semaphore, #tpu.memory_space<semaphore_mem>> -> memref<!tpu.dma_semaphore, #tpu.memory_space<semaphore_mem>>
    tpu.enqueue_indirect_dma source(%dma_start3A_165 : memref<1000000x64xf32, #tpu.memory_space<hbm>>) target(%arg8 : memref<128x64xf32, #tpu.memory_space<vmem>>) offsets(%dma_start3A_162 : memref<128xi32, #tpu.memory_space<vmem>>) semaphore(%dma_start3A_167 : memref<!tpu.dma_semaphore, #tpu.memory_space<semaphore_mem>>)
    %dma_wait3A_168 = arith.constant 4 : i32
    %dma_wait3A_169 = arith.constant 512 : i32
    %dma_wait3A_170 = tpu.memref_slice %arg5[%dma_wait3A_169] : memref<6400xi32, #tpu.memory_space<vmem>> -> memref<128xi32, #tpu.memory_space<vmem>>
    %dma_wait3A_171 = arith.constant 0 : i32
    %dma_wait3A_172 = arith.constant 0 : i32
    %dma_wait3A_173 = tpu.memref_slice %arg3[%dma_wait3A_171, %dma_wait3A_172] : memref<1000000x64xf32, #tpu.memory_space<hbm>> -> memref<1000000x64xf32, #tpu.memory_space<hbm>>
    %dma_wait3A_174 = tpu.memref_slice %arg12[%dma_wait3A_168] : memref<6x!tpu.dma_semaphore, #tpu.memory_space<semaphore_mem>> -> memref<1x!tpu.dma_semaphore, #tpu.memory_space<semaphore_mem>>
    %dma_wait3A_175 = tpu.memref_squeeze %dma_wait3A_174 : memref<1x!tpu.dma_semaphore, #tpu.memory_space<semaphore_mem>> -> memref<!tpu.dma_semaphore, #tpu.memory_space<semaphore_mem>>
    tpu.wait_indirect_dma semaphore(%dma_wait3A_175 : memref<!tpu.dma_semaphore, #tpu.memory_space<semaphore_mem>>) src(%dma_wait3A_173 : memref<1000000x64xf32, #tpu.memory_space<hbm>>) dst(%arg10 : memref<128x64xf32, #tpu.memory_space<vmem>>)
    %add3A_176 = arith.constant 512 : i32
    %add3A_177 = arith.addi %mul3A_2, %add3A_176 : i32
    %dma_start3A_178 = arith.constant 4 : i32
    %dma_start3A_179 = arith.constant 0 : i32
    %dma_start3A_180 = tpu.memref_slice %arg4[%add3A_177, %dma_start3A_179] : memref<204800x64xf32, #tpu.memory_space<hbm>> -> memref<128x64xf32, #tpu.memory_space<hbm>>
    %dma_start3A_181 = tpu.memref_slice %arg13[%dma_start3A_178] : memref<6x!tpu.dma_semaphore, #tpu.memory_space<semaphore_mem>> -> memref<1x!tpu.dma_semaphore, #tpu.memory_space<semaphore_mem>>
    %dma_start3A_182 = tpu.memref_squeeze %dma_start3A_181 : memref<1x!tpu.dma_semaphore, #tpu.memory_space<semaphore_mem>> -> memref<!tpu.dma_semaphore, #tpu.memory_space<semaphore_mem>>
    %dma_start3A_183 = arith.constant 0 : i32
    %dma_start3A_184 = tpu.memref_slice %arg4[%add3A_177, %dma_start3A_183] : memref<204800x64xf32, #tpu.memory_space<hbm>> -> memref<128x64xf32, #tpu.memory_space<hbm>>
    tpu.enqueue_dma source(%arg10 : memref<128x64xf32, #tpu.memory_space<vmem>>) target(%dma_start3A_184 : memref<128x64xf32, #tpu.memory_space<hbm>>) target_semaphore(%dma_start3A_182 : memref<!tpu.dma_semaphore, #tpu.memory_space<semaphore_mem>>)
    %add3A_185 = arith.constant 384 : i32
    %add3A_186 = arith.addi %mul3A_2, %add3A_185 : i32
    %dma_wait3A_187 = arith.constant 3 : i32
    %dma_wait3A_188 = arith.constant 0 : i32
    %dma_wait3A_189 = tpu.memref_slice %arg4[%add3A_186, %dma_wait3A_188] : memref<204800x64xf32, #tpu.memory_space<hbm>> -> memref<128x64xf32, #tpu.memory_space<hbm>>
    %dma_wait3A_190 = tpu.memref_slice %arg13[%dma_wait3A_187] : memref<6x!tpu.dma_semaphore, #tpu.memory_space<semaphore_mem>> -> memref<1x!tpu.dma_semaphore, #tpu.memory_space<semaphore_mem>>
    %dma_wait3A_191 = tpu.memref_squeeze %dma_wait3A_190 : memref<1x!tpu.dma_semaphore, #tpu.memory_space<semaphore_mem>> -> memref<!tpu.dma_semaphore, #tpu.memory_space<semaphore_mem>>
    %dma_wait3A_192 = arith.constant 0 : i32
    %dma_wait3A_193 = tpu.memref_slice %arg4[%add3A_186, %dma_wait3A_192] : memref<204800x64xf32, #tpu.memory_space<hbm>> -> memref<128x64xf32, #tpu.memory_space<hbm>>
    tpu.wait_dma2 semaphore(%dma_wait3A_191 : memref<!tpu.dma_semaphore, #tpu.memory_space<semaphore_mem>>) src(%arg9 : memref<128x64xf32, #tpu.memory_space<vmem>>) dst(%dma_wait3A_193 : memref<128x64xf32, #tpu.memory_space<hbm>>)
    %dma_start3A_194 = arith.constant 3 : i32
    %dma_start3A_195 = arith.constant 1152 : i32
    %dma_start3A_196 = tpu.memref_slice %arg5[%dma_start3A_195] : memref<6400xi32, #tpu.memory_space<vmem>> -> memref<128xi32, #tpu.memory_space<vmem>>
    %dma_start3A_197 = arith.constant 0 : i32
    %dma_start3A_198 = arith.constant 0 : i32
    %dma_start3A_199 = tpu.memref_slice %arg3[%dma_start3A_197, %dma_start3A_198] : memref<1000000x64xf32, #tpu.memory_space<hbm>> -> memref<1000000x64xf32, #tpu.memory_space<hbm>>
    %dma_start3A_200 = tpu.memref_slice %arg12[%dma_start3A_194] : memref<6x!tpu.dma_semaphore, #tpu.memory_space<semaphore_mem>> -> memref<1x!tpu.dma_semaphore, #tpu.memory_space<semaphore_mem>>
    %dma_start3A_201 = tpu.memref_squeeze %dma_start3A_200 : memref<1x!tpu.dma_semaphore, #tpu.memory_space<semaphore_mem>> -> memref<!tpu.dma_semaphore, #tpu.memory_space<semaphore_mem>>
    tpu.enqueue_indirect_dma source(%dma_start3A_199 : memref<1000000x64xf32, #tpu.memory_space<hbm>>) target(%arg9 : memref<128x64xf32, #tpu.memory_space<vmem>>) offsets(%dma_start3A_196 : memref<128xi32, #tpu.memory_space<vmem>>) semaphore(%dma_start3A_201 : memref<!tpu.dma_semaphore, #tpu.memory_space<semaphore_mem>>)
    %dma_wait3A_202 = arith.constant 5 : i32
    %dma_wait3A_203 = arith.constant 640 : i32
    %dma_wait3A_204 = tpu.memref_slice %arg5[%dma_wait3A_203] : memref<6400xi32, #tpu.memory_space<vmem>> -> memref<128xi32, #tpu.memory_space<vmem>>
    %dma_wait3A_205 = arith.constant 0 : i32
    %dma_wait3A_206 = arith.constant 0 : i32
    %dma_wait3A_207 = tpu.memref_slice %arg3[%dma_wait3A_205, %dma_wait3A_206] : memref<1000000x64xf32, #tpu.memory_space<hbm>> -> memref<1000000x64xf32, #tpu.memory_space<hbm>>
    %dma_wait3A_208 = tpu.memref_slice %arg12[%dma_wait3A_202] : memref<6x!tpu.dma_semaphore, #tpu.memory_space<semaphore_mem>> -> memref<1x!tpu.dma_semaphore, #tpu.memory_space<semaphore_mem>>
    %dma_wait3A_209 = tpu.memref_squeeze %dma_wait3A_208 : memref<1x!tpu.dma_semaphore, #tpu.memory_space<semaphore_mem>> -> memref<!tpu.dma_semaphore, #tpu.memory_space<semaphore_mem>>
    tpu.wait_indirect_dma semaphore(%dma_wait3A_209 : memref<!tpu.dma_semaphore, #tpu.memory_space<semaphore_mem>>) src(%dma_wait3A_207 : memref<1000000x64xf32, #tpu.memory_space<hbm>>) dst(%arg11 : memref<128x64xf32, #tpu.memory_space<vmem>>)
    %add3A_210 = arith.constant 640 : i32
    %add3A_211 = arith.addi %mul3A_2, %add3A_210 : i32
    %dma_start3A_212 = arith.constant 5 : i32
    %dma_start3A_213 = arith.constant 0 : i32
    %dma_start3A_214 = tpu.memref_slice %arg4[%add3A_211, %dma_start3A_213] : memref<204800x64xf32, #tpu.memory_space<hbm>> -> memref<128x64xf32, #tpu.memory_space<hbm>>
    %dma_start3A_215 = tpu.memref_slice %arg13[%dma_start3A_212] : memref<6x!tpu.dma_semaphore, #tpu.memory_space<semaphore_mem>> -> memref<1x!tpu.dma_semaphore, #tpu.memory_space<semaphore_mem>>
    %dma_start3A_216 = tpu.memref_squeeze %dma_start3A_215 : memref<1x!tpu.dma_semaphore, #tpu.memory_space<semaphore_mem>> -> memref<!tpu.dma_semaphore, #tpu.memory_space<semaphore_mem>>
    %dma_start3A_217 = arith.constant 0 : i32
    %dma_start3A_218 = tpu.memref_slice %arg4[%add3A_211, %dma_start3A_217] : memref<204800x64xf32, #tpu.memory_space<hbm>> -> memref<128x64xf32, #tpu.memory_space<hbm>>
    tpu.enqueue_dma source(%arg11 : memref<128x64xf32, #tpu.memory_space<vmem>>) target(%dma_start3A_218 : memref<128x64xf32, #tpu.memory_space<hbm>>) target_semaphore(%dma_start3A_216 : memref<!tpu.dma_semaphore, #tpu.memory_space<semaphore_mem>>)
    %add3A_219 = arith.constant 512 : i32
    %add3A_220 = arith.addi %mul3A_2, %add3A_219 : i32
    %dma_wait3A_221 = arith.constant 4 : i32
    %dma_wait3A_222 = arith.constant 0 : i32
    %dma_wait3A_223 = tpu.memref_slice %arg4[%add3A_220, %dma_wait3A_222] : memref<204800x64xf32, #tpu.memory_space<hbm>> -> memref<128x64xf32, #tpu.memory_space<hbm>>
    %dma_wait3A_224 = tpu.memref_slice %arg13[%dma_wait3A_221] : memref<6x!tpu.dma_semaphore, #tpu.memory_space<semaphore_mem>> -> memref<1x!tpu.dma_semaphore, #tpu.memory_space<semaphore_mem>>
    %dma_wait3A_225 = tpu.memref_squeeze %dma_wait3A_224 : memref<1x!tpu.dma_semaphore, #tpu.memory_space<semaphore_mem>> -> memref<!tpu.dma_semaphore, #tpu.memory_space<semaphore_mem>>
    %dma_wait3A_226 = arith.constant 0 : i32
    %dma_wait3A_227 = tpu.memref_slice %arg4[%add3A_220, %dma_wait3A_226] : memref<204800x64xf32, #tpu.memory_space<hbm>> -> memref<128x64xf32, #tpu.memory_space<hbm>>
    tpu.wait_dma2 semaphore(%dma_wait3A_225 : memref<!tpu.dma_semaphore, #tpu.memory_space<semaphore_mem>>) src(%arg10 : memref<128x64xf32, #tpu.memory_space<vmem>>) dst(%dma_wait3A_227 : memref<128x64xf32, #tpu.memory_space<hbm>>)
    %dma_start3A_228 = arith.constant 4 : i32
    %dma_start3A_229 = arith.constant 1280 : i32
    %dma_start3A_230 = tpu.memref_slice %arg5[%dma_start3A_229] : memref<6400xi32, #tpu.memory_space<vmem>> -> memref<128xi32, #tpu.memory_space<vmem>>
    %dma_start3A_231 = arith.constant 0 : i32
    %dma_start3A_232 = arith.constant 0 : i32
    %dma_start3A_233 = tpu.memref_slice %arg3[%dma_start3A_231, %dma_start3A_232] : memref<1000000x64xf32, #tpu.memory_space<hbm>> -> memref<1000000x64xf32, #tpu.memory_space<hbm>>
    %dma_start3A_234 = tpu.memref_slice %arg12[%dma_start3A_228] : memref<6x!tpu.dma_semaphore, #tpu.memory_space<semaphore_mem>> -> memref<1x!tpu.dma_semaphore, #tpu.memory_space<semaphore_mem>>
    %dma_start3A_235 = tpu.memref_squeeze %dma_start3A_234 : memref<1x!tpu.dma_semaphore, #tpu.memory_space<semaphore_mem>> -> memref<!tpu.dma_semaphore, #tpu.memory_space<semaphore_mem>>
    tpu.enqueue_indirect_dma source(%dma_start3A_233 : memref<1000000x64xf32, #tpu.memory_space<hbm>>) target(%arg10 : memref<128x64xf32, #tpu.memory_space<vmem>>) offsets(%dma_start3A_230 : memref<128xi32, #tpu.memory_space<vmem>>) semaphore(%dma_start3A_235 : memref<!tpu.dma_semaphore, #tpu.memory_space<semaphore_mem>>)
    %dma_wait3A_236 = arith.constant 0 : i32
    %dma_wait3A_237 = arith.constant 768 : i32
    %dma_wait3A_238 = tpu.memref_slice %arg5[%dma_wait3A_237] : memref<6400xi32, #tpu.memory_space<vmem>> -> memref<128xi32, #tpu.memory_space<vmem>>
    %dma_wait3A_239 = arith.constant 0 : i32
    %dma_wait3A_240 = arith.constant 0 : i32
    %dma_wait3A_241 = tpu.memref_slice %arg3[%dma_wait3A_239, %dma_wait3A_240] : memref<1000000x64xf32, #tpu.memory_space<hbm>> -> memref<1000000x64xf32, #tpu.memory_space<hbm>>
    %dma_wait3A_242 = tpu.memref_slice %arg12[%dma_wait3A_236] : memref<6x!tpu.dma_semaphore, #tpu.memory_space<semaphore_mem>> -> memref<1x!tpu.dma_semaphore, #tpu.memory_space<semaphore_mem>>
    %dma_wait3A_243 = tpu.memref_squeeze %dma_wait3A_242 : memref<1x!tpu.dma_semaphore, #tpu.memory_space<semaphore_mem>> -> memref<!tpu.dma_semaphore, #tpu.memory_space<semaphore_mem>>
    tpu.wait_indirect_dma semaphore(%dma_wait3A_243 : memref<!tpu.dma_semaphore, #tpu.memory_space<semaphore_mem>>) src(%dma_wait3A_241 : memref<1000000x64xf32, #tpu.memory_space<hbm>>) dst(%arg6 : memref<128x64xf32, #tpu.memory_space<vmem>>)
    %add3A_244 = arith.constant 768 : i32
    %add3A_245 = arith.addi %mul3A_2, %add3A_244 : i32
    %dma_start3A_246 = arith.constant 0 : i32
    %dma_start3A_247 = arith.constant 0 : i32
    %dma_start3A_248 = tpu.memref_slice %arg4[%add3A_245, %dma_start3A_247] : memref<204800x64xf32, #tpu.memory_space<hbm>> -> memref<128x64xf32, #tpu.memory_space<hbm>>
    %dma_start3A_249 = tpu.memref_slice %arg13[%dma_start3A_246] : memref<6x!tpu.dma_semaphore, #tpu.memory_space<semaphore_mem>> -> memref<1x!tpu.dma_semaphore, #tpu.memory_space<semaphore_mem>>
    %dma_start3A_250 = tpu.memref_squeeze %dma_start3A_249 : memref<1x!tpu.dma_semaphore, #tpu.memory_space<semaphore_mem>> -> memref<!tpu.dma_semaphore, #tpu.memory_space<semaphore_mem>>
    %dma_start3A_251 = arith.constant 0 : i32
    %dma_start3A_252 = tpu.memref_slice %arg4[%add3A_245, %dma_start3A_251] : memref<204800x64xf32, #tpu.memory_space<hbm>> -> memref<128x64xf32, #tpu.memory_space<hbm>>
    tpu.enqueue_dma source(%arg6 : memref<128x64xf32, #tpu.memory_space<vmem>>) target(%dma_start3A_252 : memref<128x64xf32, #tpu.memory_space<hbm>>) target_semaphore(%dma_start3A_250 : memref<!tpu.dma_semaphore, #tpu.memory_space<semaphore_mem>>)
    %add3A_253 = arith.constant 640 : i32
    %add3A_254 = arith.addi %mul3A_2, %add3A_253 : i32
    %dma_wait3A_255 = arith.constant 5 : i32
    %dma_wait3A_256 = arith.constant 0 : i32
    %dma_wait3A_257 = tpu.memref_slice %arg4[%add3A_254, %dma_wait3A_256] : memref<204800x64xf32, #tpu.memory_space<hbm>> -> memref<128x64xf32, #tpu.memory_space<hbm>>
    %dma_wait3A_258 = tpu.memref_slice %arg13[%dma_wait3A_255] : memref<6x!tpu.dma_semaphore, #tpu.memory_space<semaphore_mem>> -> memref<1x!tpu.dma_semaphore, #tpu.memory_space<semaphore_mem>>
    %dma_wait3A_259 = tpu.memref_squeeze %dma_wait3A_258 : memref<1x!tpu.dma_semaphore, #tpu.memory_space<semaphore_mem>> -> memref<!tpu.dma_semaphore, #tpu.memory_space<semaphore_mem>>
    %dma_wait3A_260 = arith.constant 0 : i32
    %dma_wait3A_261 = tpu.memref_slice %arg4[%add3A_254, %dma_wait3A_260] : memref<204800x64xf32, #tpu.memory_space<hbm>> -> memref<128x64xf32, #tpu.memory_space<hbm>>
    tpu.wait_dma2 semaphore(%dma_wait3A_259 : memref<!tpu.dma_semaphore, #tpu.memory_space<semaphore_mem>>) src(%arg11 : memref<128x64xf32, #tpu.memory_space<vmem>>) dst(%dma_wait3A_261 : memref<128x64xf32, #tpu.memory_space<hbm>>)
    %dma_start3A_262 = arith.constant 5 : i32
    %dma_start3A_263 = arith.constant 1408 : i32
    %dma_start3A_264 = tpu.memref_slice %arg5[%dma_start3A_263] : memref<6400xi32, #tpu.memory_space<vmem>> -> memref<128xi32, #tpu.memory_space<vmem>>
    %dma_start3A_265 = arith.constant 0 : i32
    %dma_start3A_266 = arith.constant 0 : i32
    %dma_start3A_267 = tpu.memref_slice %arg3[%dma_start3A_265, %dma_start3A_266] : memref<1000000x64xf32, #tpu.memory_space<hbm>> -> memref<1000000x64xf32, #tpu.memory_space<hbm>>
    %dma_start3A_268 = tpu.memref_slice %arg12[%dma_start3A_262] : memref<6x!tpu.dma_semaphore, #tpu.memory_space<semaphore_mem>> -> memref<1x!tpu.dma_semaphore, #tpu.memory_space<semaphore_mem>>
    %dma_start3A_269 = tpu.memref_squeeze %dma_start3A_268 : memref<1x!tpu.dma_semaphore, #tpu.memory_space<semaphore_mem>> -> memref<!tpu.dma_semaphore, #tpu.memory_space<semaphore_mem>>
    tpu.enqueue_indirect_dma source(%dma_start3A_267 : memref<1000000x64xf32, #tpu.memory_space<hbm>>) target(%arg11 : memref<128x64xf32, #tpu.memory_space<vmem>>) offsets(%dma_start3A_264 : memref<128xi32, #tpu.memory_space<vmem>>) semaphore(%dma_start3A_269 : memref<!tpu.dma_semaphore, #tpu.memory_space<semaphore_mem>>)
    %dma_wait3A_270 = arith.constant 1 : i32
    %dma_wait3A_271 = arith.constant 896 : i32
    %dma_wait3A_272 = tpu.memref_slice %arg5[%dma_wait3A_271] : memref<6400xi32, #tpu.memory_space<vmem>> -> memref<128xi32, #tpu.memory_space<vmem>>
    %dma_wait3A_273 = arith.constant 0 : i32
    %dma_wait3A_274 = arith.constant 0 : i32
    %dma_wait3A_275 = tpu.memref_slice %arg3[%dma_wait3A_273, %dma_wait3A_274] : memref<1000000x64xf32, #tpu.memory_space<hbm>> -> memref<1000000x64xf32, #tpu.memory_space<hbm>>
    %dma_wait3A_276 = tpu.memref_slice %arg12[%dma_wait3A_270] : memref<6x!tpu.dma_semaphore, #tpu.memory_space<semaphore_mem>> -> memref<1x!tpu.dma_semaphore, #tpu.memory_space<semaphore_mem>>
    %dma_wait3A_277 = tpu.memref_squeeze %dma_wait3A_276 : memref<1x!tpu.dma_semaphore, #tpu.memory_space<semaphore_mem>> -> memref<!tpu.dma_semaphore, #tpu.memory_space<semaphore_mem>>
    tpu.wait_indirect_dma semaphore(%dma_wait3A_277 : memref<!tpu.dma_semaphore, #tpu.memory_space<semaphore_mem>>) src(%dma_wait3A_275 : memref<1000000x64xf32, #tpu.memory_space<hbm>>) dst(%arg7 : memref<128x64xf32, #tpu.memory_space<vmem>>)
    %add3A_278 = arith.constant 896 : i32
    %add3A_279 = arith.addi %mul3A_2, %add3A_278 : i32
    %dma_start3A_280 = arith.constant 1 : i32
    %dma_start3A_281 = arith.constant 0 : i32
    %dma_start3A_282 = tpu.memref_slice %arg4[%add3A_279, %dma_start3A_281] : memref<204800x64xf32, #tpu.memory_space<hbm>> -> memref<128x64xf32, #tpu.memory_space<hbm>>
    %dma_start3A_283 = tpu.memref_slice %arg13[%dma_start3A_280] : memref<6x!tpu.dma_semaphore, #tpu.memory_space<semaphore_mem>> -> memref<1x!tpu.dma_semaphore, #tpu.memory_space<semaphore_mem>>
    %dma_start3A_284 = tpu.memref_squeeze %dma_start3A_283 : memref<1x!tpu.dma_semaphore, #tpu.memory_space<semaphore_mem>> -> memref<!tpu.dma_semaphore, #tpu.memory_space<semaphore_mem>>
    %dma_start3A_285 = arith.constant 0 : i32
    %dma_start3A_286 = tpu.memref_slice %arg4[%add3A_279, %dma_start3A_285] : memref<204800x64xf32, #tpu.memory_space<hbm>> -> memref<128x64xf32, #tpu.memory_space<hbm>>
    tpu.enqueue_dma source(%arg7 : memref<128x64xf32, #tpu.memory_space<vmem>>) target(%dma_start3A_286 : memref<128x64xf32, #tpu.memory_space<hbm>>) target_semaphore(%dma_start3A_284 : memref<!tpu.dma_semaphore, #tpu.memory_space<semaphore_mem>>)
    %add3A_287 = arith.constant 768 : i32
    %add3A_288 = arith.addi %mul3A_2, %add3A_287 : i32
    %dma_wait3A_289 = arith.constant 0 : i32
    %dma_wait3A_290 = arith.constant 0 : i32
    %dma_wait3A_291 = tpu.memref_slice %arg4[%add3A_288, %dma_wait3A_290] : memref<204800x64xf32, #tpu.memory_space<hbm>> -> memref<128x64xf32, #tpu.memory_space<hbm>>
    %dma_wait3A_292 = tpu.memref_slice %arg13[%dma_wait3A_289] : memref<6x!tpu.dma_semaphore, #tpu.memory_space<semaphore_mem>> -> memref<1x!tpu.dma_semaphore, #tpu.memory_space<semaphore_mem>>
    %dma_wait3A_293 = tpu.memref_squeeze %dma_wait3A_292 : memref<1x!tpu.dma_semaphore, #tpu.memory_space<semaphore_mem>> -> memref<!tpu.dma_semaphore, #tpu.memory_space<semaphore_mem>>
    %dma_wait3A_294 = arith.constant 0 : i32
    %dma_wait3A_295 = tpu.memref_slice %arg4[%add3A_288, %dma_wait3A_294] : memref<204800x64xf32, #tpu.memory_space<hbm>> -> memref<128x64xf32, #tpu.memory_space<hbm>>
    tpu.wait_dma2 semaphore(%dma_wait3A_293 : memref<!tpu.dma_semaphore, #tpu.memory_space<semaphore_mem>>) src(%arg6 : memref<128x64xf32, #tpu.memory_space<vmem>>) dst(%dma_wait3A_295 : memref<128x64xf32, #tpu.memory_space<hbm>>)
    %dma_start3A_296 = arith.constant 0 : i32
    %dma_start3A_297 = arith.constant 1536 : i32
    %dma_start3A_298 = tpu.memref_slice %arg5[%dma_start3A_297] : memref<6400xi32, #tpu.memory_space<vmem>> -> memref<128xi32, #tpu.memory_space<vmem>>
    %dma_start3A_299 = arith.constant 0 : i32
    %dma_start3A_300 = arith.constant 0 : i32
    %dma_start3A_301 = tpu.memref_slice %arg3[%dma_start3A_299, %dma_start3A_300] : memref<1000000x64xf32, #tpu.memory_space<hbm>> -> memref<1000000x64xf32, #tpu.memory_space<hbm>>
    %dma_start3A_302 = tpu.memref_slice %arg12[%dma_start3A_296] : memref<6x!tpu.dma_semaphore, #tpu.memory_space<semaphore_mem>> -> memref<1x!tpu.dma_semaphore, #tpu.memory_space<semaphore_mem>>
    %dma_start3A_303 = tpu.memref_squeeze %dma_start3A_302 : memref<1x!tpu.dma_semaphore, #tpu.memory_space<semaphore_mem>> -> memref<!tpu.dma_semaphore, #tpu.memory_space<semaphore_mem>>
    tpu.enqueue_indirect_dma source(%dma_start3A_301 : memref<1000000x64xf32, #tpu.memory_space<hbm>>) target(%arg6 : memref<128x64xf32, #tpu.memory_space<vmem>>) offsets(%dma_start3A_298 : memref<128xi32, #tpu.memory_space<vmem>>) semaphore(%dma_start3A_303 : memref<!tpu.dma_semaphore, #tpu.memory_space<semaphore_mem>>)
    %dma_wait3A_304 = arith.constant 2 : i32
    %dma_wait3A_305 = arith.constant 1024 : i32
    %dma_wait3A_306 = tpu.memref_slice %arg5[%dma_wait3A_305] : memref<6400xi32, #tpu.memory_space<vmem>> -> memref<128xi32, #tpu.memory_space<vmem>>
    %dma_wait3A_307 = arith.constant 0 : i32
    %dma_wait3A_308 = arith.constant 0 : i32
    %dma_wait3A_309 = tpu.memref_slice %arg3[%dma_wait3A_307, %dma_wait3A_308] : memref<1000000x64xf32, #tpu.memory_space<hbm>> -> memref<1000000x64xf32, #tpu.memory_space<hbm>>
    %dma_wait3A_310 = tpu.memref_slice %arg12[%dma_wait3A_304] : memref<6x!tpu.dma_semaphore, #tpu.memory_space<semaphore_mem>> -> memref<1x!tpu.dma_semaphore, #tpu.memory_space<semaphore_mem>>
    %dma_wait3A_311 = tpu.memref_squeeze %dma_wait3A_310 : memref<1x!tpu.dma_semaphore, #tpu.memory_space<semaphore_mem>> -> memref<!tpu.dma_semaphore, #tpu.memory_space<semaphore_mem>>
    tpu.wait_indirect_dma semaphore(%dma_wait3A_311 : memref<!tpu.dma_semaphore, #tpu.memory_space<semaphore_mem>>) src(%dma_wait3A_309 : memref<1000000x64xf32, #tpu.memory_space<hbm>>) dst(%arg8 : memref<128x64xf32, #tpu.memory_space<vmem>>)
    %add3A_312 = arith.constant 1024 : i32
    %add3A_313 = arith.addi %mul3A_2, %add3A_312 : i32
    %dma_start3A_314 = arith.constant 2 : i32
    %dma_start3A_315 = arith.constant 0 : i32
    %dma_start3A_316 = tpu.memref_slice %arg4[%add3A_313, %dma_start3A_315] : memref<204800x64xf32, #tpu.memory_space<hbm>> -> memref<128x64xf32, #tpu.memory_space<hbm>>
    %dma_start3A_317 = tpu.memref_slice %arg13[%dma_start3A_314] : memref<6x!tpu.dma_semaphore, #tpu.memory_space<semaphore_mem>> -> memref<1x!tpu.dma_semaphore, #tpu.memory_space<semaphore_mem>>
    %dma_start3A_318 = tpu.memref_squeeze %dma_start3A_317 : memref<1x!tpu.dma_semaphore, #tpu.memory_space<semaphore_mem>> -> memref<!tpu.dma_semaphore, #tpu.memory_space<semaphore_mem>>
    %dma_start3A_319 = arith.constant 0 : i32
    %dma_start3A_320 = tpu.memref_slice %arg4[%add3A_313, %dma_start3A_319] : memref<204800x64xf32, #tpu.memory_space<hbm>> -> memref<128x64xf32, #tpu.memory_space<hbm>>
    tpu.enqueue_dma source(%arg8 : memref<128x64xf32, #tpu.memory_space<vmem>>) target(%dma_start3A_320 : memref<128x64xf32, #tpu.memory_space<hbm>>) target_semaphore(%dma_start3A_318 : memref<!tpu.dma_semaphore, #tpu.memory_space<semaphore_mem>>)
    %add3A_321 = arith.constant 896 : i32
    %add3A_322 = arith.addi %mul3A_2, %add3A_321 : i32
    %dma_wait3A_323 = arith.constant 1 : i32
    %dma_wait3A_324 = arith.constant 0 : i32
    %dma_wait3A_325 = tpu.memref_slice %arg4[%add3A_322, %dma_wait3A_324] : memref<204800x64xf32, #tpu.memory_space<hbm>> -> memref<128x64xf32, #tpu.memory_space<hbm>>
    %dma_wait3A_326 = tpu.memref_slice %arg13[%dma_wait3A_323] : memref<6x!tpu.dma_semaphore, #tpu.memory_space<semaphore_mem>> -> memref<1x!tpu.dma_semaphore, #tpu.memory_space<semaphore_mem>>
    %dma_wait3A_327 = tpu.memref_squeeze %dma_wait3A_326 : memref<1x!tpu.dma_semaphore, #tpu.memory_space<semaphore_mem>> -> memref<!tpu.dma_semaphore, #tpu.memory_space<semaphore_mem>>
    %dma_wait3A_328 = arith.constant 0 : i32
    %dma_wait3A_329 = tpu.memref_slice %arg4[%add3A_322, %dma_wait3A_328] : memref<204800x64xf32, #tpu.memory_space<hbm>> -> memref<128x64xf32, #tpu.memory_space<hbm>>
    tpu.wait_dma2 semaphore(%dma_wait3A_327 : memref<!tpu.dma_semaphore, #tpu.memory_space<semaphore_mem>>) src(%arg7 : memref<128x64xf32, #tpu.memory_space<vmem>>) dst(%dma_wait3A_329 : memref<128x64xf32, #tpu.memory_space<hbm>>)
    %dma_start3A_330 = arith.constant 1 : i32
    %dma_start3A_331 = arith.constant 1664 : i32
    %dma_start3A_332 = tpu.memref_slice %arg5[%dma_start3A_331] : memref<6400xi32, #tpu.memory_space<vmem>> -> memref<128xi32, #tpu.memory_space<vmem>>
    %dma_start3A_333 = arith.constant 0 : i32
    %dma_start3A_334 = arith.constant 0 : i32
    %dma_start3A_335 = tpu.memref_slice %arg3[%dma_start3A_333, %dma_start3A_334] : memref<1000000x64xf32, #tpu.memory_space<hbm>> -> memref<1000000x64xf32, #tpu.memory_space<hbm>>
    %dma_start3A_336 = tpu.memref_slice %arg12[%dma_start3A_330] : memref<6x!tpu.dma_semaphore, #tpu.memory_space<semaphore_mem>> -> memref<1x!tpu.dma_semaphore, #tpu.memory_space<semaphore_mem>>
    %dma_start3A_337 = tpu.memref_squeeze %dma_start3A_336 : memref<1x!tpu.dma_semaphore, #tpu.memory_space<semaphore_mem>> -> memref<!tpu.dma_semaphore, #tpu.memory_space<semaphore_mem>>
    tpu.enqueue_indirect_dma source(%dma_start3A_335 : memref<1000000x64xf32, #tpu.memory_space<hbm>>) target(%arg7 : memref<128x64xf32, #tpu.memory_space<vmem>>) offsets(%dma_start3A_332 : memref<128xi32, #tpu.memory_space<vmem>>) semaphore(%dma_start3A_337 : memref<!tpu.dma_semaphore, #tpu.memory_space<semaphore_mem>>)
    %dma_wait3A_338 = arith.constant 3 : i32
    %dma_wait3A_339 = arith.constant 1152 : i32
    %dma_wait3A_340 = tpu.memref_slice %arg5[%dma_wait3A_339] : memref<6400xi32, #tpu.memory_space<vmem>> -> memref<128xi32, #tpu.memory_space<vmem>>
    %dma_wait3A_341 = arith.constant 0 : i32
    %dma_wait3A_342 = arith.constant 0 : i32
    %dma_wait3A_343 = tpu.memref_slice %arg3[%dma_wait3A_341, %dma_wait3A_342] : memref<1000000x64xf32, #tpu.memory_space<hbm>> -> memref<1000000x64xf32, #tpu.memory_space<hbm>>
    %dma_wait3A_344 = tpu.memref_slice %arg12[%dma_wait3A_338] : memref<6x!tpu.dma_semaphore, #tpu.memory_space<semaphore_mem>> -> memref<1x!tpu.dma_semaphore, #tpu.memory_space<semaphore_mem>>
    %dma_wait3A_345 = tpu.memref_squeeze %dma_wait3A_344 : memref<1x!tpu.dma_semaphore, #tpu.memory_space<semaphore_mem>> -> memref<!tpu.dma_semaphore, #tpu.memory_space<semaphore_mem>>
    tpu.wait_indirect_dma semaphore(%dma_wait3A_345 : memref<!tpu.dma_semaphore, #tpu.memory_space<semaphore_mem>>) src(%dma_wait3A_343 : memref<1000000x64xf32, #tpu.memory_space<hbm>>) dst(%arg9 : memref<128x64xf32, #tpu.memory_space<vmem>>)
    %add3A_346 = arith.constant 1152 : i32
    %add3A_347 = arith.addi %mul3A_2, %add3A_346 : i32
    %dma_start3A_348 = arith.constant 3 : i32
    %dma_start3A_349 = arith.constant 0 : i32
    %dma_start3A_350 = tpu.memref_slice %arg4[%add3A_347, %dma_start3A_349] : memref<204800x64xf32, #tpu.memory_space<hbm>> -> memref<128x64xf32, #tpu.memory_space<hbm>>
    %dma_start3A_351 = tpu.memref_slice %arg13[%dma_start3A_348] : memref<6x!tpu.dma_semaphore, #tpu.memory_space<semaphore_mem>> -> memref<1x!tpu.dma_semaphore, #tpu.memory_space<semaphore_mem>>
    %dma_start3A_352 = tpu.memref_squeeze %dma_start3A_351 : memref<1x!tpu.dma_semaphore, #tpu.memory_space<semaphore_mem>> -> memref<!tpu.dma_semaphore, #tpu.memory_space<semaphore_mem>>
    %dma_start3A_353 = arith.constant 0 : i32
    %dma_start3A_354 = tpu.memref_slice %arg4[%add3A_347, %dma_start3A_353] : memref<204800x64xf32, #tpu.memory_space<hbm>> -> memref<128x64xf32, #tpu.memory_space<hbm>>
    tpu.enqueue_dma source(%arg9 : memref<128x64xf32, #tpu.memory_space<vmem>>) target(%dma_start3A_354 : memref<128x64xf32, #tpu.memory_space<hbm>>) target_semaphore(%dma_start3A_352 : memref<!tpu.dma_semaphore, #tpu.memory_space<semaphore_mem>>)
    %add3A_355 = arith.constant 1024 : i32
    %add3A_356 = arith.addi %mul3A_2, %add3A_355 : i32
    %dma_wait3A_357 = arith.constant 2 : i32
    %dma_wait3A_358 = arith.constant 0 : i32
    %dma_wait3A_359 = tpu.memref_slice %arg4[%add3A_356, %dma_wait3A_358] : memref<204800x64xf32, #tpu.memory_space<hbm>> -> memref<128x64xf32, #tpu.memory_space<hbm>>
    %dma_wait3A_360 = tpu.memref_slice %arg13[%dma_wait3A_357] : memref<6x!tpu.dma_semaphore, #tpu.memory_space<semaphore_mem>> -> memref<1x!tpu.dma_semaphore, #tpu.memory_space<semaphore_mem>>
    %dma_wait3A_361 = tpu.memref_squeeze %dma_wait3A_360 : memref<1x!tpu.dma_semaphore, #tpu.memory_space<semaphore_mem>> -> memref<!tpu.dma_semaphore, #tpu.memory_space<semaphore_mem>>
    %dma_wait3A_362 = arith.constant 0 : i32
    %dma_wait3A_363 = tpu.memref_slice %arg4[%add3A_356, %dma_wait3A_362] : memref<204800x64xf32, #tpu.memory_space<hbm>> -> memref<128x64xf32, #tpu.memory_space<hbm>>
    tpu.wait_dma2 semaphore(%dma_wait3A_361 : memref<!tpu.dma_semaphore, #tpu.memory_space<semaphore_mem>>) src(%arg8 : memref<128x64xf32, #tpu.memory_space<vmem>>) dst(%dma_wait3A_363 : memref<128x64xf32, #tpu.memory_space<hbm>>)
    %dma_start3A_364 = arith.constant 2 : i32
    %dma_start3A_365 = arith.constant 1792 : i32
    %dma_start3A_366 = tpu.memref_slice %arg5[%dma_start3A_365] : memref<6400xi32, #tpu.memory_space<vmem>> -> memref<128xi32, #tpu.memory_space<vmem>>
    %dma_start3A_367 = arith.constant 0 : i32
    %dma_start3A_368 = arith.constant 0 : i32
    %dma_start3A_369 = tpu.memref_slice %arg3[%dma_start3A_367, %dma_start3A_368] : memref<1000000x64xf32, #tpu.memory_space<hbm>> -> memref<1000000x64xf32, #tpu.memory_space<hbm>>
    %dma_start3A_370 = tpu.memref_slice %arg12[%dma_start3A_364] : memref<6x!tpu.dma_semaphore, #tpu.memory_space<semaphore_mem>> -> memref<1x!tpu.dma_semaphore, #tpu.memory_space<semaphore_mem>>
    %dma_start3A_371 = tpu.memref_squeeze %dma_start3A_370 : memref<1x!tpu.dma_semaphore, #tpu.memory_space<semaphore_mem>> -> memref<!tpu.dma_semaphore, #tpu.memory_space<semaphore_mem>>
    tpu.enqueue_indirect_dma source(%dma_start3A_369 : memref<1000000x64xf32, #tpu.memory_space<hbm>>) target(%arg8 : memref<128x64xf32, #tpu.memory_space<vmem>>) offsets(%dma_start3A_366 : memref<128xi32, #tpu.memory_space<vmem>>) semaphore(%dma_start3A_371 : memref<!tpu.dma_semaphore, #tpu.memory_space<semaphore_mem>>)
    %dma_wait3A_372 = arith.constant 4 : i32
    %dma_wait3A_373 = arith.constant 1280 : i32
    %dma_wait3A_374 = tpu.memref_slice %arg5[%dma_wait3A_373] : memref<6400xi32, #tpu.memory_space<vmem>> -> memref<128xi32, #tpu.memory_space<vmem>>
    %dma_wait3A_375 = arith.constant 0 : i32
    %dma_wait3A_376 = arith.constant 0 : i32
    %dma_wait3A_377 = tpu.memref_slice %arg3[%dma_wait3A_375, %dma_wait3A_376] : memref<1000000x64xf32, #tpu.memory_space<hbm>> -> memref<1000000x64xf32, #tpu.memory_space<hbm>>
    %dma_wait3A_378 = tpu.memref_slice %arg12[%dma_wait3A_372] : memref<6x!tpu.dma_semaphore, #tpu.memory_space<semaphore_mem>> -> memref<1x!tpu.dma_semaphore, #tpu.memory_space<semaphore_mem>>
    %dma_wait3A_379 = tpu.memref_squeeze %dma_wait3A_378 : memref<1x!tpu.dma_semaphore, #tpu.memory_space<semaphore_mem>> -> memref<!tpu.dma_semaphore, #tpu.memory_space<semaphore_mem>>
    tpu.wait_indirect_dma semaphore(%dma_wait3A_379 : memref<!tpu.dma_semaphore, #tpu.memory_space<semaphore_mem>>) src(%dma_wait3A_377 : memref<1000000x64xf32, #tpu.memory_space<hbm>>) dst(%arg10 : memref<128x64xf32, #tpu.memory_space<vmem>>)
    %add3A_380 = arith.constant 1280 : i32
    %add3A_381 = arith.addi %mul3A_2, %add3A_380 : i32
    %dma_start3A_382 = arith.constant 4 : i32
    %dma_start3A_383 = arith.constant 0 : i32
    %dma_start3A_384 = tpu.memref_slice %arg4[%add3A_381, %dma_start3A_383] : memref<204800x64xf32, #tpu.memory_space<hbm>> -> memref<128x64xf32, #tpu.memory_space<hbm>>
    %dma_start3A_385 = tpu.memref_slice %arg13[%dma_start3A_382] : memref<6x!tpu.dma_semaphore, #tpu.memory_space<semaphore_mem>> -> memref<1x!tpu.dma_semaphore, #tpu.memory_space<semaphore_mem>>
    %dma_start3A_386 = tpu.memref_squeeze %dma_start3A_385 : memref<1x!tpu.dma_semaphore, #tpu.memory_space<semaphore_mem>> -> memref<!tpu.dma_semaphore, #tpu.memory_space<semaphore_mem>>
    %dma_start3A_387 = arith.constant 0 : i32
    %dma_start3A_388 = tpu.memref_slice %arg4[%add3A_381, %dma_start3A_387] : memref<204800x64xf32, #tpu.memory_space<hbm>> -> memref<128x64xf32, #tpu.memory_space<hbm>>
    tpu.enqueue_dma source(%arg10 : memref<128x64xf32, #tpu.memory_space<vmem>>) target(%dma_start3A_388 : memref<128x64xf32, #tpu.memory_space<hbm>>) target_semaphore(%dma_start3A_386 : memref<!tpu.dma_semaphore, #tpu.memory_space<semaphore_mem>>)
    %add3A_389 = arith.constant 1152 : i32
    %add3A_390 = arith.addi %mul3A_2, %add3A_389 : i32
    %dma_wait3A_391 = arith.constant 3 : i32
    %dma_wait3A_392 = arith.constant 0 : i32
    %dma_wait3A_393 = tpu.memref_slice %arg4[%add3A_390, %dma_wait3A_392] : memref<204800x64xf32, #tpu.memory_space<hbm>> -> memref<128x64xf32, #tpu.memory_space<hbm>>
    %dma_wait3A_394 = tpu.memref_slice %arg13[%dma_wait3A_391] : memref<6x!tpu.dma_semaphore, #tpu.memory_space<semaphore_mem>> -> memref<1x!tpu.dma_semaphore, #tpu.memory_space<semaphore_mem>>
    %dma_wait3A_395 = tpu.memref_squeeze %dma_wait3A_394 : memref<1x!tpu.dma_semaphore, #tpu.memory_space<semaphore_mem>> -> memref<!tpu.dma_semaphore, #tpu.memory_space<semaphore_mem>>
    %dma_wait3A_396 = arith.constant 0 : i32
    %dma_wait3A_397 = tpu.memref_slice %arg4[%add3A_390, %dma_wait3A_396] : memref<204800x64xf32, #tpu.memory_space<hbm>> -> memref<128x64xf32, #tpu.memory_space<hbm>>
    tpu.wait_dma2 semaphore(%dma_wait3A_395 : memref<!tpu.dma_semaphore, #tpu.memory_space<semaphore_mem>>) src(%arg9 : memref<128x64xf32, #tpu.memory_space<vmem>>) dst(%dma_wait3A_397 : memref<128x64xf32, #tpu.memory_space<hbm>>)
    %dma_start3A_398 = arith.constant 3 : i32
    %dma_start3A_399 = arith.constant 1920 : i32
    %dma_start3A_400 = tpu.memref_slice %arg5[%dma_start3A_399] : memref<6400xi32, #tpu.memory_space<vmem>> -> memref<128xi32, #tpu.memory_space<vmem>>
    %dma_start3A_401 = arith.constant 0 : i32
    %dma_start3A_402 = arith.constant 0 : i32
    %dma_start3A_403 = tpu.memref_slice %arg3[%dma_start3A_401, %dma_start3A_402] : memref<1000000x64xf32, #tpu.memory_space<hbm>> -> memref<1000000x64xf32, #tpu.memory_space<hbm>>
    %dma_start3A_404 = tpu.memref_slice %arg12[%dma_start3A_398] : memref<6x!tpu.dma_semaphore, #tpu.memory_space<semaphore_mem>> -> memref<1x!tpu.dma_semaphore, #tpu.memory_space<semaphore_mem>>
    %dma_start3A_405 = tpu.memref_squeeze %dma_start3A_404 : memref<1x!tpu.dma_semaphore, #tpu.memory_space<semaphore_mem>> -> memref<!tpu.dma_semaphore, #tpu.memory_space<semaphore_mem>>
    tpu.enqueue_indirect_dma source(%dma_start3A_403 : memref<1000000x64xf32, #tpu.memory_space<hbm>>) target(%arg9 : memref<128x64xf32, #tpu.memory_space<vmem>>) offsets(%dma_start3A_400 : memref<128xi32, #tpu.memory_space<vmem>>) semaphore(%dma_start3A_405 : memref<!tpu.dma_semaphore, #tpu.memory_space<semaphore_mem>>)
    %dma_wait3A_406 = arith.constant 5 : i32
    %dma_wait3A_407 = arith.constant 1408 : i32
    %dma_wait3A_408 = tpu.memref_slice %arg5[%dma_wait3A_407] : memref<6400xi32, #tpu.memory_space<vmem>> -> memref<128xi32, #tpu.memory_space<vmem>>
    %dma_wait3A_409 = arith.constant 0 : i32
    %dma_wait3A_410 = arith.constant 0 : i32
    %dma_wait3A_411 = tpu.memref_slice %arg3[%dma_wait3A_409, %dma_wait3A_410] : memref<1000000x64xf32, #tpu.memory_space<hbm>> -> memref<1000000x64xf32, #tpu.memory_space<hbm>>
    %dma_wait3A_412 = tpu.memref_slice %arg12[%dma_wait3A_406] : memref<6x!tpu.dma_semaphore, #tpu.memory_space<semaphore_mem>> -> memref<1x!tpu.dma_semaphore, #tpu.memory_space<semaphore_mem>>
    %dma_wait3A_413 = tpu.memref_squeeze %dma_wait3A_412 : memref<1x!tpu.dma_semaphore, #tpu.memory_space<semaphore_mem>> -> memref<!tpu.dma_semaphore, #tpu.memory_space<semaphore_mem>>
    tpu.wait_indirect_dma semaphore(%dma_wait3A_413 : memref<!tpu.dma_semaphore, #tpu.memory_space<semaphore_mem>>) src(%dma_wait3A_411 : memref<1000000x64xf32, #tpu.memory_space<hbm>>) dst(%arg11 : memref<128x64xf32, #tpu.memory_space<vmem>>)
    %add3A_414 = arith.constant 1408 : i32
    %add3A_415 = arith.addi %mul3A_2, %add3A_414 : i32
    %dma_start3A_416 = arith.constant 5 : i32
    %dma_start3A_417 = arith.constant 0 : i32
    %dma_start3A_418 = tpu.memref_slice %arg4[%add3A_415, %dma_start3A_417] : memref<204800x64xf32, #tpu.memory_space<hbm>> -> memref<128x64xf32, #tpu.memory_space<hbm>>
    %dma_start3A_419 = tpu.memref_slice %arg13[%dma_start3A_416] : memref<6x!tpu.dma_semaphore, #tpu.memory_space<semaphore_mem>> -> memref<1x!tpu.dma_semaphore, #tpu.memory_space<semaphore_mem>>
    %dma_start3A_420 = tpu.memref_squeeze %dma_start3A_419 : memref<1x!tpu.dma_semaphore, #tpu.memory_space<semaphore_mem>> -> memref<!tpu.dma_semaphore, #tpu.memory_space<semaphore_mem>>
    %dma_start3A_421 = arith.constant 0 : i32
    %dma_start3A_422 = tpu.memref_slice %arg4[%add3A_415, %dma_start3A_421] : memref<204800x64xf32, #tpu.memory_space<hbm>> -> memref<128x64xf32, #tpu.memory_space<hbm>>
    tpu.enqueue_dma source(%arg11 : memref<128x64xf32, #tpu.memory_space<vmem>>) target(%dma_start3A_422 : memref<128x64xf32, #tpu.memory_space<hbm>>) target_semaphore(%dma_start3A_420 : memref<!tpu.dma_semaphore, #tpu.memory_space<semaphore_mem>>)
    %add3A_423 = arith.constant 1280 : i32
    %add3A_424 = arith.addi %mul3A_2, %add3A_423 : i32
    %dma_wait3A_425 = arith.constant 4 : i32
    %dma_wait3A_426 = arith.constant 0 : i32
    %dma_wait3A_427 = tpu.memref_slice %arg4[%add3A_424, %dma_wait3A_426] : memref<204800x64xf32, #tpu.memory_space<hbm>> -> memref<128x64xf32, #tpu.memory_space<hbm>>
    %dma_wait3A_428 = tpu.memref_slice %arg13[%dma_wait3A_425] : memref<6x!tpu.dma_semaphore, #tpu.memory_space<semaphore_mem>> -> memref<1x!tpu.dma_semaphore, #tpu.memory_space<semaphore_mem>>
    %dma_wait3A_429 = tpu.memref_squeeze %dma_wait3A_428 : memref<1x!tpu.dma_semaphore, #tpu.memory_space<semaphore_mem>> -> memref<!tpu.dma_semaphore, #tpu.memory_space<semaphore_mem>>
    %dma_wait3A_430 = arith.constant 0 : i32
    %dma_wait3A_431 = tpu.memref_slice %arg4[%add3A_424, %dma_wait3A_430] : memref<204800x64xf32, #tpu.memory_space<hbm>> -> memref<128x64xf32, #tpu.memory_space<hbm>>
    tpu.wait_dma2 semaphore(%dma_wait3A_429 : memref<!tpu.dma_semaphore, #tpu.memory_space<semaphore_mem>>) src(%arg10 : memref<128x64xf32, #tpu.memory_space<vmem>>) dst(%dma_wait3A_431 : memref<128x64xf32, #tpu.memory_space<hbm>>)
    %dma_start3A_432 = arith.constant 4 : i32
    %dma_start3A_433 = arith.constant 2048 : i32
    %dma_start3A_434 = tpu.memref_slice %arg5[%dma_start3A_433] : memref<6400xi32, #tpu.memory_space<vmem>> -> memref<128xi32, #tpu.memory_space<vmem>>
    %dma_start3A_435 = arith.constant 0 : i32
    %dma_start3A_436 = arith.constant 0 : i32
    %dma_start3A_437 = tpu.memref_slice %arg3[%dma_start3A_435, %dma_start3A_436] : memref<1000000x64xf32, #tpu.memory_space<hbm>> -> memref<1000000x64xf32, #tpu.memory_space<hbm>>
    %dma_start3A_438 = tpu.memref_slice %arg12[%dma_start3A_432] : memref<6x!tpu.dma_semaphore, #tpu.memory_space<semaphore_mem>> -> memref<1x!tpu.dma_semaphore, #tpu.memory_space<semaphore_mem>>
    %dma_start3A_439 = tpu.memref_squeeze %dma_start3A_438 : memref<1x!tpu.dma_semaphore, #tpu.memory_space<semaphore_mem>> -> memref<!tpu.dma_semaphore, #tpu.memory_space<semaphore_mem>>
    tpu.enqueue_indirect_dma source(%dma_start3A_437 : memref<1000000x64xf32, #tpu.memory_space<hbm>>) target(%arg10 : memref<128x64xf32, #tpu.memory_space<vmem>>) offsets(%dma_start3A_434 : memref<128xi32, #tpu.memory_space<vmem>>) semaphore(%dma_start3A_439 : memref<!tpu.dma_semaphore, #tpu.memory_space<semaphore_mem>>)
    %dma_wait3A_440 = arith.constant 0 : i32
    %dma_wait3A_441 = arith.constant 1536 : i32
    %dma_wait3A_442 = tpu.memref_slice %arg5[%dma_wait3A_441] : memref<6400xi32, #tpu.memory_space<vmem>> -> memref<128xi32, #tpu.memory_space<vmem>>
    %dma_wait3A_443 = arith.constant 0 : i32
    %dma_wait3A_444 = arith.constant 0 : i32
    %dma_wait3A_445 = tpu.memref_slice %arg3[%dma_wait3A_443, %dma_wait3A_444] : memref<1000000x64xf32, #tpu.memory_space<hbm>> -> memref<1000000x64xf32, #tpu.memory_space<hbm>>
    %dma_wait3A_446 = tpu.memref_slice %arg12[%dma_wait3A_440] : memref<6x!tpu.dma_semaphore, #tpu.memory_space<semaphore_mem>> -> memref<1x!tpu.dma_semaphore, #tpu.memory_space<semaphore_mem>>
    %dma_wait3A_447 = tpu.memref_squeeze %dma_wait3A_446 : memref<1x!tpu.dma_semaphore, #tpu.memory_space<semaphore_mem>> -> memref<!tpu.dma_semaphore, #tpu.memory_space<semaphore_mem>>
    tpu.wait_indirect_dma semaphore(%dma_wait3A_447 : memref<!tpu.dma_semaphore, #tpu.memory_space<semaphore_mem>>) src(%dma_wait3A_445 : memref<1000000x64xf32, #tpu.memory_space<hbm>>) dst(%arg6 : memref<128x64xf32, #tpu.memory_space<vmem>>)
    %add3A_448 = arith.constant 1536 : i32
    %add3A_449 = arith.addi %mul3A_2, %add3A_448 : i32
    %dma_start3A_450 = arith.constant 0 : i32
    %dma_start3A_451 = arith.constant 0 : i32
    %dma_start3A_452 = tpu.memref_slice %arg4[%add3A_449, %dma_start3A_451] : memref<204800x64xf32, #tpu.memory_space<hbm>> -> memref<128x64xf32, #tpu.memory_space<hbm>>
    %dma_start3A_453 = tpu.memref_slice %arg13[%dma_start3A_450] : memref<6x!tpu.dma_semaphore, #tpu.memory_space<semaphore_mem>> -> memref<1x!tpu.dma_semaphore, #tpu.memory_space<semaphore_mem>>
    %dma_start3A_454 = tpu.memref_squeeze %dma_start3A_453 : memref<1x!tpu.dma_semaphore, #tpu.memory_space<semaphore_mem>> -> memref<!tpu.dma_semaphore, #tpu.memory_space<semaphore_mem>>
    %dma_start3A_455 = arith.constant 0 : i32
    %dma_start3A_456 = tpu.memref_slice %arg4[%add3A_449, %dma_start3A_455] : memref<204800x64xf32, #tpu.memory_space<hbm>> -> memref<128x64xf32, #tpu.memory_space<hbm>>
    tpu.enqueue_dma source(%arg6 : memref<128x64xf32, #tpu.memory_space<vmem>>) target(%dma_start3A_456 : memref<128x64xf32, #tpu.memory_space<hbm>>) target_semaphore(%dma_start3A_454 : memref<!tpu.dma_semaphore, #tpu.memory_space<semaphore_mem>>)
    %add3A_457 = arith.constant 1408 : i32
    %add3A_458 = arith.addi %mul3A_2, %add3A_457 : i32
    %dma_wait3A_459 = arith.constant 5 : i32
    %dma_wait3A_460 = arith.constant 0 : i32
    %dma_wait3A_461 = tpu.memref_slice %arg4[%add3A_458, %dma_wait3A_460] : memref<204800x64xf32, #tpu.memory_space<hbm>> -> memref<128x64xf32, #tpu.memory_space<hbm>>
    %dma_wait3A_462 = tpu.memref_slice %arg13[%dma_wait3A_459] : memref<6x!tpu.dma_semaphore, #tpu.memory_space<semaphore_mem>> -> memref<1x!tpu.dma_semaphore, #tpu.memory_space<semaphore_mem>>
    %dma_wait3A_463 = tpu.memref_squeeze %dma_wait3A_462 : memref<1x!tpu.dma_semaphore, #tpu.memory_space<semaphore_mem>> -> memref<!tpu.dma_semaphore, #tpu.memory_space<semaphore_mem>>
    %dma_wait3A_464 = arith.constant 0 : i32
    %dma_wait3A_465 = tpu.memref_slice %arg4[%add3A_458, %dma_wait3A_464] : memref<204800x64xf32, #tpu.memory_space<hbm>> -> memref<128x64xf32, #tpu.memory_space<hbm>>
    tpu.wait_dma2 semaphore(%dma_wait3A_463 : memref<!tpu.dma_semaphore, #tpu.memory_space<semaphore_mem>>) src(%arg11 : memref<128x64xf32, #tpu.memory_space<vmem>>) dst(%dma_wait3A_465 : memref<128x64xf32, #tpu.memory_space<hbm>>)
    %dma_start3A_466 = arith.constant 5 : i32
    %dma_start3A_467 = arith.constant 2176 : i32
    %dma_start3A_468 = tpu.memref_slice %arg5[%dma_start3A_467] : memref<6400xi32, #tpu.memory_space<vmem>> -> memref<128xi32, #tpu.memory_space<vmem>>
    %dma_start3A_469 = arith.constant 0 : i32
    %dma_start3A_470 = arith.constant 0 : i32
    %dma_start3A_471 = tpu.memref_slice %arg3[%dma_start3A_469, %dma_start3A_470] : memref<1000000x64xf32, #tpu.memory_space<hbm>> -> memref<1000000x64xf32, #tpu.memory_space<hbm>>
    %dma_start3A_472 = tpu.memref_slice %arg12[%dma_start3A_466] : memref<6x!tpu.dma_semaphore, #tpu.memory_space<semaphore_mem>> -> memref<1x!tpu.dma_semaphore, #tpu.memory_space<semaphore_mem>>
    %dma_start3A_473 = tpu.memref_squeeze %dma_start3A_472 : memref<1x!tpu.dma_semaphore, #tpu.memory_space<semaphore_mem>> -> memref<!tpu.dma_semaphore, #tpu.memory_space<semaphore_mem>>
    tpu.enqueue_indirect_dma source(%dma_start3A_471 : memref<1000000x64xf32, #tpu.memory_space<hbm>>) target(%arg11 : memref<128x64xf32, #tpu.memory_space<vmem>>) offsets(%dma_start3A_468 : memref<128xi32, #tpu.memory_space<vmem>>) semaphore(%dma_start3A_473 : memref<!tpu.dma_semaphore, #tpu.memory_space<semaphore_mem>>)
    %dma_wait3A_474 = arith.constant 1 : i32
    %dma_wait3A_475 = arith.constant 1664 : i32
    %dma_wait3A_476 = tpu.memref_slice %arg5[%dma_wait3A_475] : memref<6400xi32, #tpu.memory_space<vmem>> -> memref<128xi32, #tpu.memory_space<vmem>>
    %dma_wait3A_477 = arith.constant 0 : i32
    %dma_wait3A_478 = arith.constant 0 : i32
    %dma_wait3A_479 = tpu.memref_slice %arg3[%dma_wait3A_477, %dma_wait3A_478] : memref<1000000x64xf32, #tpu.memory_space<hbm>> -> memref<1000000x64xf32, #tpu.memory_space<hbm>>
    %dma_wait3A_480 = tpu.memref_slice %arg12[%dma_wait3A_474] : memref<6x!tpu.dma_semaphore, #tpu.memory_space<semaphore_mem>> -> memref<1x!tpu.dma_semaphore, #tpu.memory_space<semaphore_mem>>
    %dma_wait3A_481 = tpu.memref_squeeze %dma_wait3A_480 : memref<1x!tpu.dma_semaphore, #tpu.memory_space<semaphore_mem>> -> memref<!tpu.dma_semaphore, #tpu.memory_space<semaphore_mem>>
    tpu.wait_indirect_dma semaphore(%dma_wait3A_481 : memref<!tpu.dma_semaphore, #tpu.memory_space<semaphore_mem>>) src(%dma_wait3A_479 : memref<1000000x64xf32, #tpu.memory_space<hbm>>) dst(%arg7 : memref<128x64xf32, #tpu.memory_space<vmem>>)
    %add3A_482 = arith.constant 1664 : i32
    %add3A_483 = arith.addi %mul3A_2, %add3A_482 : i32
    %dma_start3A_484 = arith.constant 1 : i32
    %dma_start3A_485 = arith.constant 0 : i32
    %dma_start3A_486 = tpu.memref_slice %arg4[%add3A_483, %dma_start3A_485] : memref<204800x64xf32, #tpu.memory_space<hbm>> -> memref<128x64xf32, #tpu.memory_space<hbm>>
    %dma_start3A_487 = tpu.memref_slice %arg13[%dma_start3A_484] : memref<6x!tpu.dma_semaphore, #tpu.memory_space<semaphore_mem>> -> memref<1x!tpu.dma_semaphore, #tpu.memory_space<semaphore_mem>>
    %dma_start3A_488 = tpu.memref_squeeze %dma_start3A_487 : memref<1x!tpu.dma_semaphore, #tpu.memory_space<semaphore_mem>> -> memref<!tpu.dma_semaphore, #tpu.memory_space<semaphore_mem>>
    %dma_start3A_489 = arith.constant 0 : i32
    %dma_start3A_490 = tpu.memref_slice %arg4[%add3A_483, %dma_start3A_489] : memref<204800x64xf32, #tpu.memory_space<hbm>> -> memref<128x64xf32, #tpu.memory_space<hbm>>
    tpu.enqueue_dma source(%arg7 : memref<128x64xf32, #tpu.memory_space<vmem>>) target(%dma_start3A_490 : memref<128x64xf32, #tpu.memory_space<hbm>>) target_semaphore(%dma_start3A_488 : memref<!tpu.dma_semaphore, #tpu.memory_space<semaphore_mem>>)
    %add3A_491 = arith.constant 1536 : i32
    %add3A_492 = arith.addi %mul3A_2, %add3A_491 : i32
    %dma_wait3A_493 = arith.constant 0 : i32
    %dma_wait3A_494 = arith.constant 0 : i32
    %dma_wait3A_495 = tpu.memref_slice %arg4[%add3A_492, %dma_wait3A_494] : memref<204800x64xf32, #tpu.memory_space<hbm>> -> memref<128x64xf32, #tpu.memory_space<hbm>>
    %dma_wait3A_496 = tpu.memref_slice %arg13[%dma_wait3A_493] : memref<6x!tpu.dma_semaphore, #tpu.memory_space<semaphore_mem>> -> memref<1x!tpu.dma_semaphore, #tpu.memory_space<semaphore_mem>>
    %dma_wait3A_497 = tpu.memref_squeeze %dma_wait3A_496 : memref<1x!tpu.dma_semaphore, #tpu.memory_space<semaphore_mem>> -> memref<!tpu.dma_semaphore, #tpu.memory_space<semaphore_mem>>
    %dma_wait3A_498 = arith.constant 0 : i32
    %dma_wait3A_499 = tpu.memref_slice %arg4[%add3A_492, %dma_wait3A_498] : memref<204800x64xf32, #tpu.memory_space<hbm>> -> memref<128x64xf32, #tpu.memory_space<hbm>>
    tpu.wait_dma2 semaphore(%dma_wait3A_497 : memref<!tpu.dma_semaphore, #tpu.memory_space<semaphore_mem>>) src(%arg6 : memref<128x64xf32, #tpu.memory_space<vmem>>) dst(%dma_wait3A_499 : memref<128x64xf32, #tpu.memory_space<hbm>>)
    %dma_start3A_500 = arith.constant 0 : i32
    %dma_start3A_501 = arith.constant 2304 : i32
    %dma_start3A_502 = tpu.memref_slice %arg5[%dma_start3A_501] : memref<6400xi32, #tpu.memory_space<vmem>> -> memref<128xi32, #tpu.memory_space<vmem>>
    %dma_start3A_503 = arith.constant 0 : i32
    %dma_start3A_504 = arith.constant 0 : i32
    %dma_start3A_505 = tpu.memref_slice %arg3[%dma_start3A_503, %dma_start3A_504] : memref<1000000x64xf32, #tpu.memory_space<hbm>> -> memref<1000000x64xf32, #tpu.memory_space<hbm>>
    %dma_start3A_506 = tpu.memref_slice %arg12[%dma_start3A_500] : memref<6x!tpu.dma_semaphore, #tpu.memory_space<semaphore_mem>> -> memref<1x!tpu.dma_semaphore, #tpu.memory_space<semaphore_mem>>
    %dma_start3A_507 = tpu.memref_squeeze %dma_start3A_506 : memref<1x!tpu.dma_semaphore, #tpu.memory_space<semaphore_mem>> -> memref<!tpu.dma_semaphore, #tpu.memory_space<semaphore_mem>>
    tpu.enqueue_indirect_dma source(%dma_start3A_505 : memref<1000000x64xf32, #tpu.memory_space<hbm>>) target(%arg6 : memref<128x64xf32, #tpu.memory_space<vmem>>) offsets(%dma_start3A_502 : memref<128xi32, #tpu.memory_space<vmem>>) semaphore(%dma_start3A_507 : memref<!tpu.dma_semaphore, #tpu.memory_space<semaphore_mem>>)
    %dma_wait3A_508 = arith.constant 2 : i32
    %dma_wait3A_509 = arith.constant 1792 : i32
    %dma_wait3A_510 = tpu.memref_slice %arg5[%dma_wait3A_509] : memref<6400xi32, #tpu.memory_space<vmem>> -> memref<128xi32, #tpu.memory_space<vmem>>
    %dma_wait3A_511 = arith.constant 0 : i32
    %dma_wait3A_512 = arith.constant 0 : i32
    %dma_wait3A_513 = tpu.memref_slice %arg3[%dma_wait3A_511, %dma_wait3A_512] : memref<1000000x64xf32, #tpu.memory_space<hbm>> -> memref<1000000x64xf32, #tpu.memory_space<hbm>>
    %dma_wait3A_514 = tpu.memref_slice %arg12[%dma_wait3A_508] : memref<6x!tpu.dma_semaphore, #tpu.memory_space<semaphore_mem>> -> memref<1x!tpu.dma_semaphore, #tpu.memory_space<semaphore_mem>>
    %dma_wait3A_515 = tpu.memref_squeeze %dma_wait3A_514 : memref<1x!tpu.dma_semaphore, #tpu.memory_space<semaphore_mem>> -> memref<!tpu.dma_semaphore, #tpu.memory_space<semaphore_mem>>
    tpu.wait_indirect_dma semaphore(%dma_wait3A_515 : memref<!tpu.dma_semaphore, #tpu.memory_space<semaphore_mem>>) src(%dma_wait3A_513 : memref<1000000x64xf32, #tpu.memory_space<hbm>>) dst(%arg8 : memref<128x64xf32, #tpu.memory_space<vmem>>)
    %add3A_516 = arith.constant 1792 : i32
    %add3A_517 = arith.addi %mul3A_2, %add3A_516 : i32
    %dma_start3A_518 = arith.constant 2 : i32
    %dma_start3A_519 = arith.constant 0 : i32
    %dma_start3A_520 = tpu.memref_slice %arg4[%add3A_517, %dma_start3A_519] : memref<204800x64xf32, #tpu.memory_space<hbm>> -> memref<128x64xf32, #tpu.memory_space<hbm>>
    %dma_start3A_521 = tpu.memref_slice %arg13[%dma_start3A_518] : memref<6x!tpu.dma_semaphore, #tpu.memory_space<semaphore_mem>> -> memref<1x!tpu.dma_semaphore, #tpu.memory_space<semaphore_mem>>
    %dma_start3A_522 = tpu.memref_squeeze %dma_start3A_521 : memref<1x!tpu.dma_semaphore, #tpu.memory_space<semaphore_mem>> -> memref<!tpu.dma_semaphore, #tpu.memory_space<semaphore_mem>>
    %dma_start3A_523 = arith.constant 0 : i32
    %dma_start3A_524 = tpu.memref_slice %arg4[%add3A_517, %dma_start3A_523] : memref<204800x64xf32, #tpu.memory_space<hbm>> -> memref<128x64xf32, #tpu.memory_space<hbm>>
    tpu.enqueue_dma source(%arg8 : memref<128x64xf32, #tpu.memory_space<vmem>>) target(%dma_start3A_524 : memref<128x64xf32, #tpu.memory_space<hbm>>) target_semaphore(%dma_start3A_522 : memref<!tpu.dma_semaphore, #tpu.memory_space<semaphore_mem>>)
    %add3A_525 = arith.constant 1664 : i32
    %add3A_526 = arith.addi %mul3A_2, %add3A_525 : i32
    %dma_wait3A_527 = arith.constant 1 : i32
    %dma_wait3A_528 = arith.constant 0 : i32
    %dma_wait3A_529 = tpu.memref_slice %arg4[%add3A_526, %dma_wait3A_528] : memref<204800x64xf32, #tpu.memory_space<hbm>> -> memref<128x64xf32, #tpu.memory_space<hbm>>
    %dma_wait3A_530 = tpu.memref_slice %arg13[%dma_wait3A_527] : memref<6x!tpu.dma_semaphore, #tpu.memory_space<semaphore_mem>> -> memref<1x!tpu.dma_semaphore, #tpu.memory_space<semaphore_mem>>
    %dma_wait3A_531 = tpu.memref_squeeze %dma_wait3A_530 : memref<1x!tpu.dma_semaphore, #tpu.memory_space<semaphore_mem>> -> memref<!tpu.dma_semaphore, #tpu.memory_space<semaphore_mem>>
    %dma_wait3A_532 = arith.constant 0 : i32
    %dma_wait3A_533 = tpu.memref_slice %arg4[%add3A_526, %dma_wait3A_532] : memref<204800x64xf32, #tpu.memory_space<hbm>> -> memref<128x64xf32, #tpu.memory_space<hbm>>
    tpu.wait_dma2 semaphore(%dma_wait3A_531 : memref<!tpu.dma_semaphore, #tpu.memory_space<semaphore_mem>>) src(%arg7 : memref<128x64xf32, #tpu.memory_space<vmem>>) dst(%dma_wait3A_533 : memref<128x64xf32, #tpu.memory_space<hbm>>)
    %dma_start3A_534 = arith.constant 1 : i32
    %dma_start3A_535 = arith.constant 2432 : i32
    %dma_start3A_536 = tpu.memref_slice %arg5[%dma_start3A_535] : memref<6400xi32, #tpu.memory_space<vmem>> -> memref<128xi32, #tpu.memory_space<vmem>>
    %dma_start3A_537 = arith.constant 0 : i32
    %dma_start3A_538 = arith.constant 0 : i32
    %dma_start3A_539 = tpu.memref_slice %arg3[%dma_start3A_537, %dma_start3A_538] : memref<1000000x64xf32, #tpu.memory_space<hbm>> -> memref<1000000x64xf32, #tpu.memory_space<hbm>>
    %dma_start3A_540 = tpu.memref_slice %arg12[%dma_start3A_534] : memref<6x!tpu.dma_semaphore, #tpu.memory_space<semaphore_mem>> -> memref<1x!tpu.dma_semaphore, #tpu.memory_space<semaphore_mem>>
    %dma_start3A_541 = tpu.memref_squeeze %dma_start3A_540 : memref<1x!tpu.dma_semaphore, #tpu.memory_space<semaphore_mem>> -> memref<!tpu.dma_semaphore, #tpu.memory_space<semaphore_mem>>
    tpu.enqueue_indirect_dma source(%dma_start3A_539 : memref<1000000x64xf32, #tpu.memory_space<hbm>>) target(%arg7 : memref<128x64xf32, #tpu.memory_space<vmem>>) offsets(%dma_start3A_536 : memref<128xi32, #tpu.memory_space<vmem>>) semaphore(%dma_start3A_541 : memref<!tpu.dma_semaphore, #tpu.memory_space<semaphore_mem>>)
    %dma_wait3A_542 = arith.constant 3 : i32
    %dma_wait3A_543 = arith.constant 1920 : i32
    %dma_wait3A_544 = tpu.memref_slice %arg5[%dma_wait3A_543] : memref<6400xi32, #tpu.memory_space<vmem>> -> memref<128xi32, #tpu.memory_space<vmem>>
    %dma_wait3A_545 = arith.constant 0 : i32
    %dma_wait3A_546 = arith.constant 0 : i32
    %dma_wait3A_547 = tpu.memref_slice %arg3[%dma_wait3A_545, %dma_wait3A_546] : memref<1000000x64xf32, #tpu.memory_space<hbm>> -> memref<1000000x64xf32, #tpu.memory_space<hbm>>
    %dma_wait3A_548 = tpu.memref_slice %arg12[%dma_wait3A_542] : memref<6x!tpu.dma_semaphore, #tpu.memory_space<semaphore_mem>> -> memref<1x!tpu.dma_semaphore, #tpu.memory_space<semaphore_mem>>
    %dma_wait3A_549 = tpu.memref_squeeze %dma_wait3A_548 : memref<1x!tpu.dma_semaphore, #tpu.memory_space<semaphore_mem>> -> memref<!tpu.dma_semaphore, #tpu.memory_space<semaphore_mem>>
    tpu.wait_indirect_dma semaphore(%dma_wait3A_549 : memref<!tpu.dma_semaphore, #tpu.memory_space<semaphore_mem>>) src(%dma_wait3A_547 : memref<1000000x64xf32, #tpu.memory_space<hbm>>) dst(%arg9 : memref<128x64xf32, #tpu.memory_space<vmem>>)
    %add3A_550 = arith.constant 1920 : i32
    %add3A_551 = arith.addi %mul3A_2, %add3A_550 : i32
    %dma_start3A_552 = arith.constant 3 : i32
    %dma_start3A_553 = arith.constant 0 : i32
    %dma_start3A_554 = tpu.memref_slice %arg4[%add3A_551, %dma_start3A_553] : memref<204800x64xf32, #tpu.memory_space<hbm>> -> memref<128x64xf32, #tpu.memory_space<hbm>>
    %dma_start3A_555 = tpu.memref_slice %arg13[%dma_start3A_552] : memref<6x!tpu.dma_semaphore, #tpu.memory_space<semaphore_mem>> -> memref<1x!tpu.dma_semaphore, #tpu.memory_space<semaphore_mem>>
    %dma_start3A_556 = tpu.memref_squeeze %dma_start3A_555 : memref<1x!tpu.dma_semaphore, #tpu.memory_space<semaphore_mem>> -> memref<!tpu.dma_semaphore, #tpu.memory_space<semaphore_mem>>
    %dma_start3A_557 = arith.constant 0 : i32
    %dma_start3A_558 = tpu.memref_slice %arg4[%add3A_551, %dma_start3A_557] : memref<204800x64xf32, #tpu.memory_space<hbm>> -> memref<128x64xf32, #tpu.memory_space<hbm>>
    tpu.enqueue_dma source(%arg9 : memref<128x64xf32, #tpu.memory_space<vmem>>) target(%dma_start3A_558 : memref<128x64xf32, #tpu.memory_space<hbm>>) target_semaphore(%dma_start3A_556 : memref<!tpu.dma_semaphore, #tpu.memory_space<semaphore_mem>>)
    %add3A_559 = arith.constant 1792 : i32
    %add3A_560 = arith.addi %mul3A_2, %add3A_559 : i32
    %dma_wait3A_561 = arith.constant 2 : i32
    %dma_wait3A_562 = arith.constant 0 : i32
    %dma_wait3A_563 = tpu.memref_slice %arg4[%add3A_560, %dma_wait3A_562] : memref<204800x64xf32, #tpu.memory_space<hbm>> -> memref<128x64xf32, #tpu.memory_space<hbm>>
    %dma_wait3A_564 = tpu.memref_slice %arg13[%dma_wait3A_561] : memref<6x!tpu.dma_semaphore, #tpu.memory_space<semaphore_mem>> -> memref<1x!tpu.dma_semaphore, #tpu.memory_space<semaphore_mem>>
    %dma_wait3A_565 = tpu.memref_squeeze %dma_wait3A_564 : memref<1x!tpu.dma_semaphore, #tpu.memory_space<semaphore_mem>> -> memref<!tpu.dma_semaphore, #tpu.memory_space<semaphore_mem>>
    %dma_wait3A_566 = arith.constant 0 : i32
    %dma_wait3A_567 = tpu.memref_slice %arg4[%add3A_560, %dma_wait3A_566] : memref<204800x64xf32, #tpu.memory_space<hbm>> -> memref<128x64xf32, #tpu.memory_space<hbm>>
    tpu.wait_dma2 semaphore(%dma_wait3A_565 : memref<!tpu.dma_semaphore, #tpu.memory_space<semaphore_mem>>) src(%arg8 : memref<128x64xf32, #tpu.memory_space<vmem>>) dst(%dma_wait3A_567 : memref<128x64xf32, #tpu.memory_space<hbm>>)
    %dma_start3A_568 = arith.constant 2 : i32
    %dma_start3A_569 = arith.constant 2560 : i32
    %dma_start3A_570 = tpu.memref_slice %arg5[%dma_start3A_569] : memref<6400xi32, #tpu.memory_space<vmem>> -> memref<128xi32, #tpu.memory_space<vmem>>
    %dma_start3A_571 = arith.constant 0 : i32
    %dma_start3A_572 = arith.constant 0 : i32
    %dma_start3A_573 = tpu.memref_slice %arg3[%dma_start3A_571, %dma_start3A_572] : memref<1000000x64xf32, #tpu.memory_space<hbm>> -> memref<1000000x64xf32, #tpu.memory_space<hbm>>
    %dma_start3A_574 = tpu.memref_slice %arg12[%dma_start3A_568] : memref<6x!tpu.dma_semaphore, #tpu.memory_space<semaphore_mem>> -> memref<1x!tpu.dma_semaphore, #tpu.memory_space<semaphore_mem>>
    %dma_start3A_575 = tpu.memref_squeeze %dma_start3A_574 : memref<1x!tpu.dma_semaphore, #tpu.memory_space<semaphore_mem>> -> memref<!tpu.dma_semaphore, #tpu.memory_space<semaphore_mem>>
    tpu.enqueue_indirect_dma source(%dma_start3A_573 : memref<1000000x64xf32, #tpu.memory_space<hbm>>) target(%arg8 : memref<128x64xf32, #tpu.memory_space<vmem>>) offsets(%dma_start3A_570 : memref<128xi32, #tpu.memory_space<vmem>>) semaphore(%dma_start3A_575 : memref<!tpu.dma_semaphore, #tpu.memory_space<semaphore_mem>>)
    %dma_wait3A_576 = arith.constant 4 : i32
    %dma_wait3A_577 = arith.constant 2048 : i32
    %dma_wait3A_578 = tpu.memref_slice %arg5[%dma_wait3A_577] : memref<6400xi32, #tpu.memory_space<vmem>> -> memref<128xi32, #tpu.memory_space<vmem>>
    %dma_wait3A_579 = arith.constant 0 : i32
    %dma_wait3A_580 = arith.constant 0 : i32
    %dma_wait3A_581 = tpu.memref_slice %arg3[%dma_wait3A_579, %dma_wait3A_580] : memref<1000000x64xf32, #tpu.memory_space<hbm>> -> memref<1000000x64xf32, #tpu.memory_space<hbm>>
    %dma_wait3A_582 = tpu.memref_slice %arg12[%dma_wait3A_576] : memref<6x!tpu.dma_semaphore, #tpu.memory_space<semaphore_mem>> -> memref<1x!tpu.dma_semaphore, #tpu.memory_space<semaphore_mem>>
    %dma_wait3A_583 = tpu.memref_squeeze %dma_wait3A_582 : memref<1x!tpu.dma_semaphore, #tpu.memory_space<semaphore_mem>> -> memref<!tpu.dma_semaphore, #tpu.memory_space<semaphore_mem>>
    tpu.wait_indirect_dma semaphore(%dma_wait3A_583 : memref<!tpu.dma_semaphore, #tpu.memory_space<semaphore_mem>>) src(%dma_wait3A_581 : memref<1000000x64xf32, #tpu.memory_space<hbm>>) dst(%arg10 : memref<128x64xf32, #tpu.memory_space<vmem>>)
    %add3A_584 = arith.constant 2048 : i32
    %add3A_585 = arith.addi %mul3A_2, %add3A_584 : i32
    %dma_start3A_586 = arith.constant 4 : i32
    %dma_start3A_587 = arith.constant 0 : i32
    %dma_start3A_588 = tpu.memref_slice %arg4[%add3A_585, %dma_start3A_587] : memref<204800x64xf32, #tpu.memory_space<hbm>> -> memref<128x64xf32, #tpu.memory_space<hbm>>
    %dma_start3A_589 = tpu.memref_slice %arg13[%dma_start3A_586] : memref<6x!tpu.dma_semaphore, #tpu.memory_space<semaphore_mem>> -> memref<1x!tpu.dma_semaphore, #tpu.memory_space<semaphore_mem>>
    %dma_start3A_590 = tpu.memref_squeeze %dma_start3A_589 : memref<1x!tpu.dma_semaphore, #tpu.memory_space<semaphore_mem>> -> memref<!tpu.dma_semaphore, #tpu.memory_space<semaphore_mem>>
    %dma_start3A_591 = arith.constant 0 : i32
    %dma_start3A_592 = tpu.memref_slice %arg4[%add3A_585, %dma_start3A_591] : memref<204800x64xf32, #tpu.memory_space<hbm>> -> memref<128x64xf32, #tpu.memory_space<hbm>>
    tpu.enqueue_dma source(%arg10 : memref<128x64xf32, #tpu.memory_space<vmem>>) target(%dma_start3A_592 : memref<128x64xf32, #tpu.memory_space<hbm>>) target_semaphore(%dma_start3A_590 : memref<!tpu.dma_semaphore, #tpu.memory_space<semaphore_mem>>)
    %add3A_593 = arith.constant 1920 : i32
    %add3A_594 = arith.addi %mul3A_2, %add3A_593 : i32
    %dma_wait3A_595 = arith.constant 3 : i32
    %dma_wait3A_596 = arith.constant 0 : i32
    %dma_wait3A_597 = tpu.memref_slice %arg4[%add3A_594, %dma_wait3A_596] : memref<204800x64xf32, #tpu.memory_space<hbm>> -> memref<128x64xf32, #tpu.memory_space<hbm>>
    %dma_wait3A_598 = tpu.memref_slice %arg13[%dma_wait3A_595] : memref<6x!tpu.dma_semaphore, #tpu.memory_space<semaphore_mem>> -> memref<1x!tpu.dma_semaphore, #tpu.memory_space<semaphore_mem>>
    %dma_wait3A_599 = tpu.memref_squeeze %dma_wait3A_598 : memref<1x!tpu.dma_semaphore, #tpu.memory_space<semaphore_mem>> -> memref<!tpu.dma_semaphore, #tpu.memory_space<semaphore_mem>>
    %dma_wait3A_600 = arith.constant 0 : i32
    %dma_wait3A_601 = tpu.memref_slice %arg4[%add3A_594, %dma_wait3A_600] : memref<204800x64xf32, #tpu.memory_space<hbm>> -> memref<128x64xf32, #tpu.memory_space<hbm>>
    tpu.wait_dma2 semaphore(%dma_wait3A_599 : memref<!tpu.dma_semaphore, #tpu.memory_space<semaphore_mem>>) src(%arg9 : memref<128x64xf32, #tpu.memory_space<vmem>>) dst(%dma_wait3A_601 : memref<128x64xf32, #tpu.memory_space<hbm>>)
    %dma_start3A_602 = arith.constant 3 : i32
    %dma_start3A_603 = arith.constant 2688 : i32
    %dma_start3A_604 = tpu.memref_slice %arg5[%dma_start3A_603] : memref<6400xi32, #tpu.memory_space<vmem>> -> memref<128xi32, #tpu.memory_space<vmem>>
    %dma_start3A_605 = arith.constant 0 : i32
    %dma_start3A_606 = arith.constant 0 : i32
    %dma_start3A_607 = tpu.memref_slice %arg3[%dma_start3A_605, %dma_start3A_606] : memref<1000000x64xf32, #tpu.memory_space<hbm>> -> memref<1000000x64xf32, #tpu.memory_space<hbm>>
    %dma_start3A_608 = tpu.memref_slice %arg12[%dma_start3A_602] : memref<6x!tpu.dma_semaphore, #tpu.memory_space<semaphore_mem>> -> memref<1x!tpu.dma_semaphore, #tpu.memory_space<semaphore_mem>>
    %dma_start3A_609 = tpu.memref_squeeze %dma_start3A_608 : memref<1x!tpu.dma_semaphore, #tpu.memory_space<semaphore_mem>> -> memref<!tpu.dma_semaphore, #tpu.memory_space<semaphore_mem>>
    tpu.enqueue_indirect_dma source(%dma_start3A_607 : memref<1000000x64xf32, #tpu.memory_space<hbm>>) target(%arg9 : memref<128x64xf32, #tpu.memory_space<vmem>>) offsets(%dma_start3A_604 : memref<128xi32, #tpu.memory_space<vmem>>) semaphore(%dma_start3A_609 : memref<!tpu.dma_semaphore, #tpu.memory_space<semaphore_mem>>)
    %dma_wait3A_610 = arith.constant 5 : i32
    %dma_wait3A_611 = arith.constant 2176 : i32
    %dma_wait3A_612 = tpu.memref_slice %arg5[%dma_wait3A_611] : memref<6400xi32, #tpu.memory_space<vmem>> -> memref<128xi32, #tpu.memory_space<vmem>>
    %dma_wait3A_613 = arith.constant 0 : i32
    %dma_wait3A_614 = arith.constant 0 : i32
    %dma_wait3A_615 = tpu.memref_slice %arg3[%dma_wait3A_613, %dma_wait3A_614] : memref<1000000x64xf32, #tpu.memory_space<hbm>> -> memref<1000000x64xf32, #tpu.memory_space<hbm>>
    %dma_wait3A_616 = tpu.memref_slice %arg12[%dma_wait3A_610] : memref<6x!tpu.dma_semaphore, #tpu.memory_space<semaphore_mem>> -> memref<1x!tpu.dma_semaphore, #tpu.memory_space<semaphore_mem>>
    %dma_wait3A_617 = tpu.memref_squeeze %dma_wait3A_616 : memref<1x!tpu.dma_semaphore, #tpu.memory_space<semaphore_mem>> -> memref<!tpu.dma_semaphore, #tpu.memory_space<semaphore_mem>>
    tpu.wait_indirect_dma semaphore(%dma_wait3A_617 : memref<!tpu.dma_semaphore, #tpu.memory_space<semaphore_mem>>) src(%dma_wait3A_615 : memref<1000000x64xf32, #tpu.memory_space<hbm>>) dst(%arg11 : memref<128x64xf32, #tpu.memory_space<vmem>>)
    %add3A_618 = arith.constant 2176 : i32
    %add3A_619 = arith.addi %mul3A_2, %add3A_618 : i32
    %dma_start3A_620 = arith.constant 5 : i32
    %dma_start3A_621 = arith.constant 0 : i32
    %dma_start3A_622 = tpu.memref_slice %arg4[%add3A_619, %dma_start3A_621] : memref<204800x64xf32, #tpu.memory_space<hbm>> -> memref<128x64xf32, #tpu.memory_space<hbm>>
    %dma_start3A_623 = tpu.memref_slice %arg13[%dma_start3A_620] : memref<6x!tpu.dma_semaphore, #tpu.memory_space<semaphore_mem>> -> memref<1x!tpu.dma_semaphore, #tpu.memory_space<semaphore_mem>>
    %dma_start3A_624 = tpu.memref_squeeze %dma_start3A_623 : memref<1x!tpu.dma_semaphore, #tpu.memory_space<semaphore_mem>> -> memref<!tpu.dma_semaphore, #tpu.memory_space<semaphore_mem>>
    %dma_start3A_625 = arith.constant 0 : i32
    %dma_start3A_626 = tpu.memref_slice %arg4[%add3A_619, %dma_start3A_625] : memref<204800x64xf32, #tpu.memory_space<hbm>> -> memref<128x64xf32, #tpu.memory_space<hbm>>
    tpu.enqueue_dma source(%arg11 : memref<128x64xf32, #tpu.memory_space<vmem>>) target(%dma_start3A_626 : memref<128x64xf32, #tpu.memory_space<hbm>>) target_semaphore(%dma_start3A_624 : memref<!tpu.dma_semaphore, #tpu.memory_space<semaphore_mem>>)
    %add3A_627 = arith.constant 2048 : i32
    %add3A_628 = arith.addi %mul3A_2, %add3A_627 : i32
    %dma_wait3A_629 = arith.constant 4 : i32
    %dma_wait3A_630 = arith.constant 0 : i32
    %dma_wait3A_631 = tpu.memref_slice %arg4[%add3A_628, %dma_wait3A_630] : memref<204800x64xf32, #tpu.memory_space<hbm>> -> memref<128x64xf32, #tpu.memory_space<hbm>>
    %dma_wait3A_632 = tpu.memref_slice %arg13[%dma_wait3A_629] : memref<6x!tpu.dma_semaphore, #tpu.memory_space<semaphore_mem>> -> memref<1x!tpu.dma_semaphore, #tpu.memory_space<semaphore_mem>>
    %dma_wait3A_633 = tpu.memref_squeeze %dma_wait3A_632 : memref<1x!tpu.dma_semaphore, #tpu.memory_space<semaphore_mem>> -> memref<!tpu.dma_semaphore, #tpu.memory_space<semaphore_mem>>
    %dma_wait3A_634 = arith.constant 0 : i32
    %dma_wait3A_635 = tpu.memref_slice %arg4[%add3A_628, %dma_wait3A_634] : memref<204800x64xf32, #tpu.memory_space<hbm>> -> memref<128x64xf32, #tpu.memory_space<hbm>>
    tpu.wait_dma2 semaphore(%dma_wait3A_633 : memref<!tpu.dma_semaphore, #tpu.memory_space<semaphore_mem>>) src(%arg10 : memref<128x64xf32, #tpu.memory_space<vmem>>) dst(%dma_wait3A_635 : memref<128x64xf32, #tpu.memory_space<hbm>>)
    %dma_start3A_636 = arith.constant 4 : i32
    %dma_start3A_637 = arith.constant 2816 : i32
    %dma_start3A_638 = tpu.memref_slice %arg5[%dma_start3A_637] : memref<6400xi32, #tpu.memory_space<vmem>> -> memref<128xi32, #tpu.memory_space<vmem>>
    %dma_start3A_639 = arith.constant 0 : i32
    %dma_start3A_640 = arith.constant 0 : i32
    %dma_start3A_641 = tpu.memref_slice %arg3[%dma_start3A_639, %dma_start3A_640] : memref<1000000x64xf32, #tpu.memory_space<hbm>> -> memref<1000000x64xf32, #tpu.memory_space<hbm>>
    %dma_start3A_642 = tpu.memref_slice %arg12[%dma_start3A_636] : memref<6x!tpu.dma_semaphore, #tpu.memory_space<semaphore_mem>> -> memref<1x!tpu.dma_semaphore, #tpu.memory_space<semaphore_mem>>
    %dma_start3A_643 = tpu.memref_squeeze %dma_start3A_642 : memref<1x!tpu.dma_semaphore, #tpu.memory_space<semaphore_mem>> -> memref<!tpu.dma_semaphore, #tpu.memory_space<semaphore_mem>>
    tpu.enqueue_indirect_dma source(%dma_start3A_641 : memref<1000000x64xf32, #tpu.memory_space<hbm>>) target(%arg10 : memref<128x64xf32, #tpu.memory_space<vmem>>) offsets(%dma_start3A_638 : memref<128xi32, #tpu.memory_space<vmem>>) semaphore(%dma_start3A_643 : memref<!tpu.dma_semaphore, #tpu.memory_space<semaphore_mem>>)
    %dma_wait3A_644 = arith.constant 0 : i32
    %dma_wait3A_645 = arith.constant 2304 : i32
    %dma_wait3A_646 = tpu.memref_slice %arg5[%dma_wait3A_645] : memref<6400xi32, #tpu.memory_space<vmem>> -> memref<128xi32, #tpu.memory_space<vmem>>
    %dma_wait3A_647 = arith.constant 0 : i32
    %dma_wait3A_648 = arith.constant 0 : i32
    %dma_wait3A_649 = tpu.memref_slice %arg3[%dma_wait3A_647, %dma_wait3A_648] : memref<1000000x64xf32, #tpu.memory_space<hbm>> -> memref<1000000x64xf32, #tpu.memory_space<hbm>>
    %dma_wait3A_650 = tpu.memref_slice %arg12[%dma_wait3A_644] : memref<6x!tpu.dma_semaphore, #tpu.memory_space<semaphore_mem>> -> memref<1x!tpu.dma_semaphore, #tpu.memory_space<semaphore_mem>>
    %dma_wait3A_651 = tpu.memref_squeeze %dma_wait3A_650 : memref<1x!tpu.dma_semaphore, #tpu.memory_space<semaphore_mem>> -> memref<!tpu.dma_semaphore, #tpu.memory_space<semaphore_mem>>
    tpu.wait_indirect_dma semaphore(%dma_wait3A_651 : memref<!tpu.dma_semaphore, #tpu.memory_space<semaphore_mem>>) src(%dma_wait3A_649 : memref<1000000x64xf32, #tpu.memory_space<hbm>>) dst(%arg6 : memref<128x64xf32, #tpu.memory_space<vmem>>)
    %add3A_652 = arith.constant 2304 : i32
    %add3A_653 = arith.addi %mul3A_2, %add3A_652 : i32
    %dma_start3A_654 = arith.constant 0 : i32
    %dma_start3A_655 = arith.constant 0 : i32
    %dma_start3A_656 = tpu.memref_slice %arg4[%add3A_653, %dma_start3A_655] : memref<204800x64xf32, #tpu.memory_space<hbm>> -> memref<128x64xf32, #tpu.memory_space<hbm>>
    %dma_start3A_657 = tpu.memref_slice %arg13[%dma_start3A_654] : memref<6x!tpu.dma_semaphore, #tpu.memory_space<semaphore_mem>> -> memref<1x!tpu.dma_semaphore, #tpu.memory_space<semaphore_mem>>
    %dma_start3A_658 = tpu.memref_squeeze %dma_start3A_657 : memref<1x!tpu.dma_semaphore, #tpu.memory_space<semaphore_mem>> -> memref<!tpu.dma_semaphore, #tpu.memory_space<semaphore_mem>>
    %dma_start3A_659 = arith.constant 0 : i32
    %dma_start3A_660 = tpu.memref_slice %arg4[%add3A_653, %dma_start3A_659] : memref<204800x64xf32, #tpu.memory_space<hbm>> -> memref<128x64xf32, #tpu.memory_space<hbm>>
    tpu.enqueue_dma source(%arg6 : memref<128x64xf32, #tpu.memory_space<vmem>>) target(%dma_start3A_660 : memref<128x64xf32, #tpu.memory_space<hbm>>) target_semaphore(%dma_start3A_658 : memref<!tpu.dma_semaphore, #tpu.memory_space<semaphore_mem>>)
    %add3A_661 = arith.constant 2176 : i32
    %add3A_662 = arith.addi %mul3A_2, %add3A_661 : i32
    %dma_wait3A_663 = arith.constant 5 : i32
    %dma_wait3A_664 = arith.constant 0 : i32
    %dma_wait3A_665 = tpu.memref_slice %arg4[%add3A_662, %dma_wait3A_664] : memref<204800x64xf32, #tpu.memory_space<hbm>> -> memref<128x64xf32, #tpu.memory_space<hbm>>
    %dma_wait3A_666 = tpu.memref_slice %arg13[%dma_wait3A_663] : memref<6x!tpu.dma_semaphore, #tpu.memory_space<semaphore_mem>> -> memref<1x!tpu.dma_semaphore, #tpu.memory_space<semaphore_mem>>
    %dma_wait3A_667 = tpu.memref_squeeze %dma_wait3A_666 : memref<1x!tpu.dma_semaphore, #tpu.memory_space<semaphore_mem>> -> memref<!tpu.dma_semaphore, #tpu.memory_space<semaphore_mem>>
    %dma_wait3A_668 = arith.constant 0 : i32
    %dma_wait3A_669 = tpu.memref_slice %arg4[%add3A_662, %dma_wait3A_668] : memref<204800x64xf32, #tpu.memory_space<hbm>> -> memref<128x64xf32, #tpu.memory_space<hbm>>
    tpu.wait_dma2 semaphore(%dma_wait3A_667 : memref<!tpu.dma_semaphore, #tpu.memory_space<semaphore_mem>>) src(%arg11 : memref<128x64xf32, #tpu.memory_space<vmem>>) dst(%dma_wait3A_669 : memref<128x64xf32, #tpu.memory_space<hbm>>)
    %dma_start3A_670 = arith.constant 5 : i32
    %dma_start3A_671 = arith.constant 2944 : i32
    %dma_start3A_672 = tpu.memref_slice %arg5[%dma_start3A_671] : memref<6400xi32, #tpu.memory_space<vmem>> -> memref<128xi32, #tpu.memory_space<vmem>>
    %dma_start3A_673 = arith.constant 0 : i32
    %dma_start3A_674 = arith.constant 0 : i32
    %dma_start3A_675 = tpu.memref_slice %arg3[%dma_start3A_673, %dma_start3A_674] : memref<1000000x64xf32, #tpu.memory_space<hbm>> -> memref<1000000x64xf32, #tpu.memory_space<hbm>>
    %dma_start3A_676 = tpu.memref_slice %arg12[%dma_start3A_670] : memref<6x!tpu.dma_semaphore, #tpu.memory_space<semaphore_mem>> -> memref<1x!tpu.dma_semaphore, #tpu.memory_space<semaphore_mem>>
    %dma_start3A_677 = tpu.memref_squeeze %dma_start3A_676 : memref<1x!tpu.dma_semaphore, #tpu.memory_space<semaphore_mem>> -> memref<!tpu.dma_semaphore, #tpu.memory_space<semaphore_mem>>
    tpu.enqueue_indirect_dma source(%dma_start3A_675 : memref<1000000x64xf32, #tpu.memory_space<hbm>>) target(%arg11 : memref<128x64xf32, #tpu.memory_space<vmem>>) offsets(%dma_start3A_672 : memref<128xi32, #tpu.memory_space<vmem>>) semaphore(%dma_start3A_677 : memref<!tpu.dma_semaphore, #tpu.memory_space<semaphore_mem>>)
    %dma_wait3A_678 = arith.constant 1 : i32
    %dma_wait3A_679 = arith.constant 2432 : i32
    %dma_wait3A_680 = tpu.memref_slice %arg5[%dma_wait3A_679] : memref<6400xi32, #tpu.memory_space<vmem>> -> memref<128xi32, #tpu.memory_space<vmem>>
    %dma_wait3A_681 = arith.constant 0 : i32
    %dma_wait3A_682 = arith.constant 0 : i32
    %dma_wait3A_683 = tpu.memref_slice %arg3[%dma_wait3A_681, %dma_wait3A_682] : memref<1000000x64xf32, #tpu.memory_space<hbm>> -> memref<1000000x64xf32, #tpu.memory_space<hbm>>
    %dma_wait3A_684 = tpu.memref_slice %arg12[%dma_wait3A_678] : memref<6x!tpu.dma_semaphore, #tpu.memory_space<semaphore_mem>> -> memref<1x!tpu.dma_semaphore, #tpu.memory_space<semaphore_mem>>
    %dma_wait3A_685 = tpu.memref_squeeze %dma_wait3A_684 : memref<1x!tpu.dma_semaphore, #tpu.memory_space<semaphore_mem>> -> memref<!tpu.dma_semaphore, #tpu.memory_space<semaphore_mem>>
    tpu.wait_indirect_dma semaphore(%dma_wait3A_685 : memref<!tpu.dma_semaphore, #tpu.memory_space<semaphore_mem>>) src(%dma_wait3A_683 : memref<1000000x64xf32, #tpu.memory_space<hbm>>) dst(%arg7 : memref<128x64xf32, #tpu.memory_space<vmem>>)
    %add3A_686 = arith.constant 2432 : i32
    %add3A_687 = arith.addi %mul3A_2, %add3A_686 : i32
    %dma_start3A_688 = arith.constant 1 : i32
    %dma_start3A_689 = arith.constant 0 : i32
    %dma_start3A_690 = tpu.memref_slice %arg4[%add3A_687, %dma_start3A_689] : memref<204800x64xf32, #tpu.memory_space<hbm>> -> memref<128x64xf32, #tpu.memory_space<hbm>>
    %dma_start3A_691 = tpu.memref_slice %arg13[%dma_start3A_688] : memref<6x!tpu.dma_semaphore, #tpu.memory_space<semaphore_mem>> -> memref<1x!tpu.dma_semaphore, #tpu.memory_space<semaphore_mem>>
    %dma_start3A_692 = tpu.memref_squeeze %dma_start3A_691 : memref<1x!tpu.dma_semaphore, #tpu.memory_space<semaphore_mem>> -> memref<!tpu.dma_semaphore, #tpu.memory_space<semaphore_mem>>
    %dma_start3A_693 = arith.constant 0 : i32
    %dma_start3A_694 = tpu.memref_slice %arg4[%add3A_687, %dma_start3A_693] : memref<204800x64xf32, #tpu.memory_space<hbm>> -> memref<128x64xf32, #tpu.memory_space<hbm>>
    tpu.enqueue_dma source(%arg7 : memref<128x64xf32, #tpu.memory_space<vmem>>) target(%dma_start3A_694 : memref<128x64xf32, #tpu.memory_space<hbm>>) target_semaphore(%dma_start3A_692 : memref<!tpu.dma_semaphore, #tpu.memory_space<semaphore_mem>>)
    %add3A_695 = arith.constant 2304 : i32
    %add3A_696 = arith.addi %mul3A_2, %add3A_695 : i32
    %dma_wait3A_697 = arith.constant 0 : i32
    %dma_wait3A_698 = arith.constant 0 : i32
    %dma_wait3A_699 = tpu.memref_slice %arg4[%add3A_696, %dma_wait3A_698] : memref<204800x64xf32, #tpu.memory_space<hbm>> -> memref<128x64xf32, #tpu.memory_space<hbm>>
    %dma_wait3A_700 = tpu.memref_slice %arg13[%dma_wait3A_697] : memref<6x!tpu.dma_semaphore, #tpu.memory_space<semaphore_mem>> -> memref<1x!tpu.dma_semaphore, #tpu.memory_space<semaphore_mem>>
    %dma_wait3A_701 = tpu.memref_squeeze %dma_wait3A_700 : memref<1x!tpu.dma_semaphore, #tpu.memory_space<semaphore_mem>> -> memref<!tpu.dma_semaphore, #tpu.memory_space<semaphore_mem>>
    %dma_wait3A_702 = arith.constant 0 : i32
    %dma_wait3A_703 = tpu.memref_slice %arg4[%add3A_696, %dma_wait3A_702] : memref<204800x64xf32, #tpu.memory_space<hbm>> -> memref<128x64xf32, #tpu.memory_space<hbm>>
    tpu.wait_dma2 semaphore(%dma_wait3A_701 : memref<!tpu.dma_semaphore, #tpu.memory_space<semaphore_mem>>) src(%arg6 : memref<128x64xf32, #tpu.memory_space<vmem>>) dst(%dma_wait3A_703 : memref<128x64xf32, #tpu.memory_space<hbm>>)
    %dma_start3A_704 = arith.constant 0 : i32
    %dma_start3A_705 = arith.constant 3072 : i32
    %dma_start3A_706 = tpu.memref_slice %arg5[%dma_start3A_705] : memref<6400xi32, #tpu.memory_space<vmem>> -> memref<128xi32, #tpu.memory_space<vmem>>
    %dma_start3A_707 = arith.constant 0 : i32
    %dma_start3A_708 = arith.constant 0 : i32
    %dma_start3A_709 = tpu.memref_slice %arg3[%dma_start3A_707, %dma_start3A_708] : memref<1000000x64xf32, #tpu.memory_space<hbm>> -> memref<1000000x64xf32, #tpu.memory_space<hbm>>
    %dma_start3A_710 = tpu.memref_slice %arg12[%dma_start3A_704] : memref<6x!tpu.dma_semaphore, #tpu.memory_space<semaphore_mem>> -> memref<1x!tpu.dma_semaphore, #tpu.memory_space<semaphore_mem>>
    %dma_start3A_711 = tpu.memref_squeeze %dma_start3A_710 : memref<1x!tpu.dma_semaphore, #tpu.memory_space<semaphore_mem>> -> memref<!tpu.dma_semaphore, #tpu.memory_space<semaphore_mem>>
    tpu.enqueue_indirect_dma source(%dma_start3A_709 : memref<1000000x64xf32, #tpu.memory_space<hbm>>) target(%arg6 : memref<128x64xf32, #tpu.memory_space<vmem>>) offsets(%dma_start3A_706 : memref<128xi32, #tpu.memory_space<vmem>>) semaphore(%dma_start3A_711 : memref<!tpu.dma_semaphore, #tpu.memory_space<semaphore_mem>>)
    %dma_wait3A_712 = arith.constant 2 : i32
    %dma_wait3A_713 = arith.constant 2560 : i32
    %dma_wait3A_714 = tpu.memref_slice %arg5[%dma_wait3A_713] : memref<6400xi32, #tpu.memory_space<vmem>> -> memref<128xi32, #tpu.memory_space<vmem>>
    %dma_wait3A_715 = arith.constant 0 : i32
    %dma_wait3A_716 = arith.constant 0 : i32
    %dma_wait3A_717 = tpu.memref_slice %arg3[%dma_wait3A_715, %dma_wait3A_716] : memref<1000000x64xf32, #tpu.memory_space<hbm>> -> memref<1000000x64xf32, #tpu.memory_space<hbm>>
    %dma_wait3A_718 = tpu.memref_slice %arg12[%dma_wait3A_712] : memref<6x!tpu.dma_semaphore, #tpu.memory_space<semaphore_mem>> -> memref<1x!tpu.dma_semaphore, #tpu.memory_space<semaphore_mem>>
    %dma_wait3A_719 = tpu.memref_squeeze %dma_wait3A_718 : memref<1x!tpu.dma_semaphore, #tpu.memory_space<semaphore_mem>> -> memref<!tpu.dma_semaphore, #tpu.memory_space<semaphore_mem>>
    tpu.wait_indirect_dma semaphore(%dma_wait3A_719 : memref<!tpu.dma_semaphore, #tpu.memory_space<semaphore_mem>>) src(%dma_wait3A_717 : memref<1000000x64xf32, #tpu.memory_space<hbm>>) dst(%arg8 : memref<128x64xf32, #tpu.memory_space<vmem>>)
    %add3A_720 = arith.constant 2560 : i32
    %add3A_721 = arith.addi %mul3A_2, %add3A_720 : i32
    %dma_start3A_722 = arith.constant 2 : i32
    %dma_start3A_723 = arith.constant 0 : i32
    %dma_start3A_724 = tpu.memref_slice %arg4[%add3A_721, %dma_start3A_723] : memref<204800x64xf32, #tpu.memory_space<hbm>> -> memref<128x64xf32, #tpu.memory_space<hbm>>
    %dma_start3A_725 = tpu.memref_slice %arg13[%dma_start3A_722] : memref<6x!tpu.dma_semaphore, #tpu.memory_space<semaphore_mem>> -> memref<1x!tpu.dma_semaphore, #tpu.memory_space<semaphore_mem>>
    %dma_start3A_726 = tpu.memref_squeeze %dma_start3A_725 : memref<1x!tpu.dma_semaphore, #tpu.memory_space<semaphore_mem>> -> memref<!tpu.dma_semaphore, #tpu.memory_space<semaphore_mem>>
    %dma_start3A_727 = arith.constant 0 : i32
    %dma_start3A_728 = tpu.memref_slice %arg4[%add3A_721, %dma_start3A_727] : memref<204800x64xf32, #tpu.memory_space<hbm>> -> memref<128x64xf32, #tpu.memory_space<hbm>>
    tpu.enqueue_dma source(%arg8 : memref<128x64xf32, #tpu.memory_space<vmem>>) target(%dma_start3A_728 : memref<128x64xf32, #tpu.memory_space<hbm>>) target_semaphore(%dma_start3A_726 : memref<!tpu.dma_semaphore, #tpu.memory_space<semaphore_mem>>)
    %add3A_729 = arith.constant 2432 : i32
    %add3A_730 = arith.addi %mul3A_2, %add3A_729 : i32
    %dma_wait3A_731 = arith.constant 1 : i32
    %dma_wait3A_732 = arith.constant 0 : i32
    %dma_wait3A_733 = tpu.memref_slice %arg4[%add3A_730, %dma_wait3A_732] : memref<204800x64xf32, #tpu.memory_space<hbm>> -> memref<128x64xf32, #tpu.memory_space<hbm>>
    %dma_wait3A_734 = tpu.memref_slice %arg13[%dma_wait3A_731] : memref<6x!tpu.dma_semaphore, #tpu.memory_space<semaphore_mem>> -> memref<1x!tpu.dma_semaphore, #tpu.memory_space<semaphore_mem>>
    %dma_wait3A_735 = tpu.memref_squeeze %dma_wait3A_734 : memref<1x!tpu.dma_semaphore, #tpu.memory_space<semaphore_mem>> -> memref<!tpu.dma_semaphore, #tpu.memory_space<semaphore_mem>>
    %dma_wait3A_736 = arith.constant 0 : i32
    %dma_wait3A_737 = tpu.memref_slice %arg4[%add3A_730, %dma_wait3A_736] : memref<204800x64xf32, #tpu.memory_space<hbm>> -> memref<128x64xf32, #tpu.memory_space<hbm>>
    tpu.wait_dma2 semaphore(%dma_wait3A_735 : memref<!tpu.dma_semaphore, #tpu.memory_space<semaphore_mem>>) src(%arg7 : memref<128x64xf32, #tpu.memory_space<vmem>>) dst(%dma_wait3A_737 : memref<128x64xf32, #tpu.memory_space<hbm>>)
    %dma_start3A_738 = arith.constant 1 : i32
    %dma_start3A_739 = arith.constant 3200 : i32
    %dma_start3A_740 = tpu.memref_slice %arg5[%dma_start3A_739] : memref<6400xi32, #tpu.memory_space<vmem>> -> memref<128xi32, #tpu.memory_space<vmem>>
    %dma_start3A_741 = arith.constant 0 : i32
    %dma_start3A_742 = arith.constant 0 : i32
    %dma_start3A_743 = tpu.memref_slice %arg3[%dma_start3A_741, %dma_start3A_742] : memref<1000000x64xf32, #tpu.memory_space<hbm>> -> memref<1000000x64xf32, #tpu.memory_space<hbm>>
    %dma_start3A_744 = tpu.memref_slice %arg12[%dma_start3A_738] : memref<6x!tpu.dma_semaphore, #tpu.memory_space<semaphore_mem>> -> memref<1x!tpu.dma_semaphore, #tpu.memory_space<semaphore_mem>>
    %dma_start3A_745 = tpu.memref_squeeze %dma_start3A_744 : memref<1x!tpu.dma_semaphore, #tpu.memory_space<semaphore_mem>> -> memref<!tpu.dma_semaphore, #tpu.memory_space<semaphore_mem>>
    tpu.enqueue_indirect_dma source(%dma_start3A_743 : memref<1000000x64xf32, #tpu.memory_space<hbm>>) target(%arg7 : memref<128x64xf32, #tpu.memory_space<vmem>>) offsets(%dma_start3A_740 : memref<128xi32, #tpu.memory_space<vmem>>) semaphore(%dma_start3A_745 : memref<!tpu.dma_semaphore, #tpu.memory_space<semaphore_mem>>)
    %dma_wait3A_746 = arith.constant 3 : i32
    %dma_wait3A_747 = arith.constant 2688 : i32
    %dma_wait3A_748 = tpu.memref_slice %arg5[%dma_wait3A_747] : memref<6400xi32, #tpu.memory_space<vmem>> -> memref<128xi32, #tpu.memory_space<vmem>>
    %dma_wait3A_749 = arith.constant 0 : i32
    %dma_wait3A_750 = arith.constant 0 : i32
    %dma_wait3A_751 = tpu.memref_slice %arg3[%dma_wait3A_749, %dma_wait3A_750] : memref<1000000x64xf32, #tpu.memory_space<hbm>> -> memref<1000000x64xf32, #tpu.memory_space<hbm>>
    %dma_wait3A_752 = tpu.memref_slice %arg12[%dma_wait3A_746] : memref<6x!tpu.dma_semaphore, #tpu.memory_space<semaphore_mem>> -> memref<1x!tpu.dma_semaphore, #tpu.memory_space<semaphore_mem>>
    %dma_wait3A_753 = tpu.memref_squeeze %dma_wait3A_752 : memref<1x!tpu.dma_semaphore, #tpu.memory_space<semaphore_mem>> -> memref<!tpu.dma_semaphore, #tpu.memory_space<semaphore_mem>>
    tpu.wait_indirect_dma semaphore(%dma_wait3A_753 : memref<!tpu.dma_semaphore, #tpu.memory_space<semaphore_mem>>) src(%dma_wait3A_751 : memref<1000000x64xf32, #tpu.memory_space<hbm>>) dst(%arg9 : memref<128x64xf32, #tpu.memory_space<vmem>>)
    %add3A_754 = arith.constant 2688 : i32
    %add3A_755 = arith.addi %mul3A_2, %add3A_754 : i32
    %dma_start3A_756 = arith.constant 3 : i32
    %dma_start3A_757 = arith.constant 0 : i32
    %dma_start3A_758 = tpu.memref_slice %arg4[%add3A_755, %dma_start3A_757] : memref<204800x64xf32, #tpu.memory_space<hbm>> -> memref<128x64xf32, #tpu.memory_space<hbm>>
    %dma_start3A_759 = tpu.memref_slice %arg13[%dma_start3A_756] : memref<6x!tpu.dma_semaphore, #tpu.memory_space<semaphore_mem>> -> memref<1x!tpu.dma_semaphore, #tpu.memory_space<semaphore_mem>>
    %dma_start3A_760 = tpu.memref_squeeze %dma_start3A_759 : memref<1x!tpu.dma_semaphore, #tpu.memory_space<semaphore_mem>> -> memref<!tpu.dma_semaphore, #tpu.memory_space<semaphore_mem>>
    %dma_start3A_761 = arith.constant 0 : i32
    %dma_start3A_762 = tpu.memref_slice %arg4[%add3A_755, %dma_start3A_761] : memref<204800x64xf32, #tpu.memory_space<hbm>> -> memref<128x64xf32, #tpu.memory_space<hbm>>
    tpu.enqueue_dma source(%arg9 : memref<128x64xf32, #tpu.memory_space<vmem>>) target(%dma_start3A_762 : memref<128x64xf32, #tpu.memory_space<hbm>>) target_semaphore(%dma_start3A_760 : memref<!tpu.dma_semaphore, #tpu.memory_space<semaphore_mem>>)
    %add3A_763 = arith.constant 2560 : i32
    %add3A_764 = arith.addi %mul3A_2, %add3A_763 : i32
    %dma_wait3A_765 = arith.constant 2 : i32
    %dma_wait3A_766 = arith.constant 0 : i32
    %dma_wait3A_767 = tpu.memref_slice %arg4[%add3A_764, %dma_wait3A_766] : memref<204800x64xf32, #tpu.memory_space<hbm>> -> memref<128x64xf32, #tpu.memory_space<hbm>>
    %dma_wait3A_768 = tpu.memref_slice %arg13[%dma_wait3A_765] : memref<6x!tpu.dma_semaphore, #tpu.memory_space<semaphore_mem>> -> memref<1x!tpu.dma_semaphore, #tpu.memory_space<semaphore_mem>>
    %dma_wait3A_769 = tpu.memref_squeeze %dma_wait3A_768 : memref<1x!tpu.dma_semaphore, #tpu.memory_space<semaphore_mem>> -> memref<!tpu.dma_semaphore, #tpu.memory_space<semaphore_mem>>
    %dma_wait3A_770 = arith.constant 0 : i32
    %dma_wait3A_771 = tpu.memref_slice %arg4[%add3A_764, %dma_wait3A_770] : memref<204800x64xf32, #tpu.memory_space<hbm>> -> memref<128x64xf32, #tpu.memory_space<hbm>>
    tpu.wait_dma2 semaphore(%dma_wait3A_769 : memref<!tpu.dma_semaphore, #tpu.memory_space<semaphore_mem>>) src(%arg8 : memref<128x64xf32, #tpu.memory_space<vmem>>) dst(%dma_wait3A_771 : memref<128x64xf32, #tpu.memory_space<hbm>>)
    %dma_start3A_772 = arith.constant 2 : i32
    %dma_start3A_773 = arith.constant 3328 : i32
    %dma_start3A_774 = tpu.memref_slice %arg5[%dma_start3A_773] : memref<6400xi32, #tpu.memory_space<vmem>> -> memref<128xi32, #tpu.memory_space<vmem>>
    %dma_start3A_775 = arith.constant 0 : i32
    %dma_start3A_776 = arith.constant 0 : i32
    %dma_start3A_777 = tpu.memref_slice %arg3[%dma_start3A_775, %dma_start3A_776] : memref<1000000x64xf32, #tpu.memory_space<hbm>> -> memref<1000000x64xf32, #tpu.memory_space<hbm>>
    %dma_start3A_778 = tpu.memref_slice %arg12[%dma_start3A_772] : memref<6x!tpu.dma_semaphore, #tpu.memory_space<semaphore_mem>> -> memref<1x!tpu.dma_semaphore, #tpu.memory_space<semaphore_mem>>
    %dma_start3A_779 = tpu.memref_squeeze %dma_start3A_778 : memref<1x!tpu.dma_semaphore, #tpu.memory_space<semaphore_mem>> -> memref<!tpu.dma_semaphore, #tpu.memory_space<semaphore_mem>>
    tpu.enqueue_indirect_dma source(%dma_start3A_777 : memref<1000000x64xf32, #tpu.memory_space<hbm>>) target(%arg8 : memref<128x64xf32, #tpu.memory_space<vmem>>) offsets(%dma_start3A_774 : memref<128xi32, #tpu.memory_space<vmem>>) semaphore(%dma_start3A_779 : memref<!tpu.dma_semaphore, #tpu.memory_space<semaphore_mem>>)
    %dma_wait3A_780 = arith.constant 4 : i32
    %dma_wait3A_781 = arith.constant 2816 : i32
    %dma_wait3A_782 = tpu.memref_slice %arg5[%dma_wait3A_781] : memref<6400xi32, #tpu.memory_space<vmem>> -> memref<128xi32, #tpu.memory_space<vmem>>
    %dma_wait3A_783 = arith.constant 0 : i32
    %dma_wait3A_784 = arith.constant 0 : i32
    %dma_wait3A_785 = tpu.memref_slice %arg3[%dma_wait3A_783, %dma_wait3A_784] : memref<1000000x64xf32, #tpu.memory_space<hbm>> -> memref<1000000x64xf32, #tpu.memory_space<hbm>>
    %dma_wait3A_786 = tpu.memref_slice %arg12[%dma_wait3A_780] : memref<6x!tpu.dma_semaphore, #tpu.memory_space<semaphore_mem>> -> memref<1x!tpu.dma_semaphore, #tpu.memory_space<semaphore_mem>>
    %dma_wait3A_787 = tpu.memref_squeeze %dma_wait3A_786 : memref<1x!tpu.dma_semaphore, #tpu.memory_space<semaphore_mem>> -> memref<!tpu.dma_semaphore, #tpu.memory_space<semaphore_mem>>
    tpu.wait_indirect_dma semaphore(%dma_wait3A_787 : memref<!tpu.dma_semaphore, #tpu.memory_space<semaphore_mem>>) src(%dma_wait3A_785 : memref<1000000x64xf32, #tpu.memory_space<hbm>>) dst(%arg10 : memref<128x64xf32, #tpu.memory_space<vmem>>)
    %add3A_788 = arith.constant 2816 : i32
    %add3A_789 = arith.addi %mul3A_2, %add3A_788 : i32
    %dma_start3A_790 = arith.constant 4 : i32
    %dma_start3A_791 = arith.constant 0 : i32
    %dma_start3A_792 = tpu.memref_slice %arg4[%add3A_789, %dma_start3A_791] : memref<204800x64xf32, #tpu.memory_space<hbm>> -> memref<128x64xf32, #tpu.memory_space<hbm>>
    %dma_start3A_793 = tpu.memref_slice %arg13[%dma_start3A_790] : memref<6x!tpu.dma_semaphore, #tpu.memory_space<semaphore_mem>> -> memref<1x!tpu.dma_semaphore, #tpu.memory_space<semaphore_mem>>
    %dma_start3A_794 = tpu.memref_squeeze %dma_start3A_793 : memref<1x!tpu.dma_semaphore, #tpu.memory_space<semaphore_mem>> -> memref<!tpu.dma_semaphore, #tpu.memory_space<semaphore_mem>>
    %dma_start3A_795 = arith.constant 0 : i32
    %dma_start3A_796 = tpu.memref_slice %arg4[%add3A_789, %dma_start3A_795] : memref<204800x64xf32, #tpu.memory_space<hbm>> -> memref<128x64xf32, #tpu.memory_space<hbm>>
    tpu.enqueue_dma source(%arg10 : memref<128x64xf32, #tpu.memory_space<vmem>>) target(%dma_start3A_796 : memref<128x64xf32, #tpu.memory_space<hbm>>) target_semaphore(%dma_start3A_794 : memref<!tpu.dma_semaphore, #tpu.memory_space<semaphore_mem>>)
    %add3A_797 = arith.constant 2688 : i32
    %add3A_798 = arith.addi %mul3A_2, %add3A_797 : i32
    %dma_wait3A_799 = arith.constant 3 : i32
    %dma_wait3A_800 = arith.constant 0 : i32
    %dma_wait3A_801 = tpu.memref_slice %arg4[%add3A_798, %dma_wait3A_800] : memref<204800x64xf32, #tpu.memory_space<hbm>> -> memref<128x64xf32, #tpu.memory_space<hbm>>
    %dma_wait3A_802 = tpu.memref_slice %arg13[%dma_wait3A_799] : memref<6x!tpu.dma_semaphore, #tpu.memory_space<semaphore_mem>> -> memref<1x!tpu.dma_semaphore, #tpu.memory_space<semaphore_mem>>
    %dma_wait3A_803 = tpu.memref_squeeze %dma_wait3A_802 : memref<1x!tpu.dma_semaphore, #tpu.memory_space<semaphore_mem>> -> memref<!tpu.dma_semaphore, #tpu.memory_space<semaphore_mem>>
    %dma_wait3A_804 = arith.constant 0 : i32
    %dma_wait3A_805 = tpu.memref_slice %arg4[%add3A_798, %dma_wait3A_804] : memref<204800x64xf32, #tpu.memory_space<hbm>> -> memref<128x64xf32, #tpu.memory_space<hbm>>
    tpu.wait_dma2 semaphore(%dma_wait3A_803 : memref<!tpu.dma_semaphore, #tpu.memory_space<semaphore_mem>>) src(%arg9 : memref<128x64xf32, #tpu.memory_space<vmem>>) dst(%dma_wait3A_805 : memref<128x64xf32, #tpu.memory_space<hbm>>)
    %dma_start3A_806 = arith.constant 3 : i32
    %dma_start3A_807 = arith.constant 3456 : i32
    %dma_start3A_808 = tpu.memref_slice %arg5[%dma_start3A_807] : memref<6400xi32, #tpu.memory_space<vmem>> -> memref<128xi32, #tpu.memory_space<vmem>>
    %dma_start3A_809 = arith.constant 0 : i32
    %dma_start3A_810 = arith.constant 0 : i32
    %dma_start3A_811 = tpu.memref_slice %arg3[%dma_start3A_809, %dma_start3A_810] : memref<1000000x64xf32, #tpu.memory_space<hbm>> -> memref<1000000x64xf32, #tpu.memory_space<hbm>>
    %dma_start3A_812 = tpu.memref_slice %arg12[%dma_start3A_806] : memref<6x!tpu.dma_semaphore, #tpu.memory_space<semaphore_mem>> -> memref<1x!tpu.dma_semaphore, #tpu.memory_space<semaphore_mem>>
    %dma_start3A_813 = tpu.memref_squeeze %dma_start3A_812 : memref<1x!tpu.dma_semaphore, #tpu.memory_space<semaphore_mem>> -> memref<!tpu.dma_semaphore, #tpu.memory_space<semaphore_mem>>
    tpu.enqueue_indirect_dma source(%dma_start3A_811 : memref<1000000x64xf32, #tpu.memory_space<hbm>>) target(%arg9 : memref<128x64xf32, #tpu.memory_space<vmem>>) offsets(%dma_start3A_808 : memref<128xi32, #tpu.memory_space<vmem>>) semaphore(%dma_start3A_813 : memref<!tpu.dma_semaphore, #tpu.memory_space<semaphore_mem>>)
    %dma_wait3A_814 = arith.constant 5 : i32
    %dma_wait3A_815 = arith.constant 2944 : i32
    %dma_wait3A_816 = tpu.memref_slice %arg5[%dma_wait3A_815] : memref<6400xi32, #tpu.memory_space<vmem>> -> memref<128xi32, #tpu.memory_space<vmem>>
    %dma_wait3A_817 = arith.constant 0 : i32
    %dma_wait3A_818 = arith.constant 0 : i32
    %dma_wait3A_819 = tpu.memref_slice %arg3[%dma_wait3A_817, %dma_wait3A_818] : memref<1000000x64xf32, #tpu.memory_space<hbm>> -> memref<1000000x64xf32, #tpu.memory_space<hbm>>
    %dma_wait3A_820 = tpu.memref_slice %arg12[%dma_wait3A_814] : memref<6x!tpu.dma_semaphore, #tpu.memory_space<semaphore_mem>> -> memref<1x!tpu.dma_semaphore, #tpu.memory_space<semaphore_mem>>
    %dma_wait3A_821 = tpu.memref_squeeze %dma_wait3A_820 : memref<1x!tpu.dma_semaphore, #tpu.memory_space<semaphore_mem>> -> memref<!tpu.dma_semaphore, #tpu.memory_space<semaphore_mem>>
    tpu.wait_indirect_dma semaphore(%dma_wait3A_821 : memref<!tpu.dma_semaphore, #tpu.memory_space<semaphore_mem>>) src(%dma_wait3A_819 : memref<1000000x64xf32, #tpu.memory_space<hbm>>) dst(%arg11 : memref<128x64xf32, #tpu.memory_space<vmem>>)
    %add3A_822 = arith.constant 2944 : i32
    %add3A_823 = arith.addi %mul3A_2, %add3A_822 : i32
    %dma_start3A_824 = arith.constant 5 : i32
    %dma_start3A_825 = arith.constant 0 : i32
    %dma_start3A_826 = tpu.memref_slice %arg4[%add3A_823, %dma_start3A_825] : memref<204800x64xf32, #tpu.memory_space<hbm>> -> memref<128x64xf32, #tpu.memory_space<hbm>>
    %dma_start3A_827 = tpu.memref_slice %arg13[%dma_start3A_824] : memref<6x!tpu.dma_semaphore, #tpu.memory_space<semaphore_mem>> -> memref<1x!tpu.dma_semaphore, #tpu.memory_space<semaphore_mem>>
    %dma_start3A_828 = tpu.memref_squeeze %dma_start3A_827 : memref<1x!tpu.dma_semaphore, #tpu.memory_space<semaphore_mem>> -> memref<!tpu.dma_semaphore, #tpu.memory_space<semaphore_mem>>
    %dma_start3A_829 = arith.constant 0 : i32
    %dma_start3A_830 = tpu.memref_slice %arg4[%add3A_823, %dma_start3A_829] : memref<204800x64xf32, #tpu.memory_space<hbm>> -> memref<128x64xf32, #tpu.memory_space<hbm>>
    tpu.enqueue_dma source(%arg11 : memref<128x64xf32, #tpu.memory_space<vmem>>) target(%dma_start3A_830 : memref<128x64xf32, #tpu.memory_space<hbm>>) target_semaphore(%dma_start3A_828 : memref<!tpu.dma_semaphore, #tpu.memory_space<semaphore_mem>>)
    %add3A_831 = arith.constant 2816 : i32
    %add3A_832 = arith.addi %mul3A_2, %add3A_831 : i32
    %dma_wait3A_833 = arith.constant 4 : i32
    %dma_wait3A_834 = arith.constant 0 : i32
    %dma_wait3A_835 = tpu.memref_slice %arg4[%add3A_832, %dma_wait3A_834] : memref<204800x64xf32, #tpu.memory_space<hbm>> -> memref<128x64xf32, #tpu.memory_space<hbm>>
    %dma_wait3A_836 = tpu.memref_slice %arg13[%dma_wait3A_833] : memref<6x!tpu.dma_semaphore, #tpu.memory_space<semaphore_mem>> -> memref<1x!tpu.dma_semaphore, #tpu.memory_space<semaphore_mem>>
    %dma_wait3A_837 = tpu.memref_squeeze %dma_wait3A_836 : memref<1x!tpu.dma_semaphore, #tpu.memory_space<semaphore_mem>> -> memref<!tpu.dma_semaphore, #tpu.memory_space<semaphore_mem>>
    %dma_wait3A_838 = arith.constant 0 : i32
    %dma_wait3A_839 = tpu.memref_slice %arg4[%add3A_832, %dma_wait3A_838] : memref<204800x64xf32, #tpu.memory_space<hbm>> -> memref<128x64xf32, #tpu.memory_space<hbm>>
    tpu.wait_dma2 semaphore(%dma_wait3A_837 : memref<!tpu.dma_semaphore, #tpu.memory_space<semaphore_mem>>) src(%arg10 : memref<128x64xf32, #tpu.memory_space<vmem>>) dst(%dma_wait3A_839 : memref<128x64xf32, #tpu.memory_space<hbm>>)
    %dma_start3A_840 = arith.constant 4 : i32
    %dma_start3A_841 = arith.constant 3584 : i32
    %dma_start3A_842 = tpu.memref_slice %arg5[%dma_start3A_841] : memref<6400xi32, #tpu.memory_space<vmem>> -> memref<128xi32, #tpu.memory_space<vmem>>
    %dma_start3A_843 = arith.constant 0 : i32
    %dma_start3A_844 = arith.constant 0 : i32
    %dma_start3A_845 = tpu.memref_slice %arg3[%dma_start3A_843, %dma_start3A_844] : memref<1000000x64xf32, #tpu.memory_space<hbm>> -> memref<1000000x64xf32, #tpu.memory_space<hbm>>
    %dma_start3A_846 = tpu.memref_slice %arg12[%dma_start3A_840] : memref<6x!tpu.dma_semaphore, #tpu.memory_space<semaphore_mem>> -> memref<1x!tpu.dma_semaphore, #tpu.memory_space<semaphore_mem>>
    %dma_start3A_847 = tpu.memref_squeeze %dma_start3A_846 : memref<1x!tpu.dma_semaphore, #tpu.memory_space<semaphore_mem>> -> memref<!tpu.dma_semaphore, #tpu.memory_space<semaphore_mem>>
    tpu.enqueue_indirect_dma source(%dma_start3A_845 : memref<1000000x64xf32, #tpu.memory_space<hbm>>) target(%arg10 : memref<128x64xf32, #tpu.memory_space<vmem>>) offsets(%dma_start3A_842 : memref<128xi32, #tpu.memory_space<vmem>>) semaphore(%dma_start3A_847 : memref<!tpu.dma_semaphore, #tpu.memory_space<semaphore_mem>>)
    %dma_wait3A_848 = arith.constant 0 : i32
    %dma_wait3A_849 = arith.constant 3072 : i32
    %dma_wait3A_850 = tpu.memref_slice %arg5[%dma_wait3A_849] : memref<6400xi32, #tpu.memory_space<vmem>> -> memref<128xi32, #tpu.memory_space<vmem>>
    %dma_wait3A_851 = arith.constant 0 : i32
    %dma_wait3A_852 = arith.constant 0 : i32
    %dma_wait3A_853 = tpu.memref_slice %arg3[%dma_wait3A_851, %dma_wait3A_852] : memref<1000000x64xf32, #tpu.memory_space<hbm>> -> memref<1000000x64xf32, #tpu.memory_space<hbm>>
    %dma_wait3A_854 = tpu.memref_slice %arg12[%dma_wait3A_848] : memref<6x!tpu.dma_semaphore, #tpu.memory_space<semaphore_mem>> -> memref<1x!tpu.dma_semaphore, #tpu.memory_space<semaphore_mem>>
    %dma_wait3A_855 = tpu.memref_squeeze %dma_wait3A_854 : memref<1x!tpu.dma_semaphore, #tpu.memory_space<semaphore_mem>> -> memref<!tpu.dma_semaphore, #tpu.memory_space<semaphore_mem>>
    tpu.wait_indirect_dma semaphore(%dma_wait3A_855 : memref<!tpu.dma_semaphore, #tpu.memory_space<semaphore_mem>>) src(%dma_wait3A_853 : memref<1000000x64xf32, #tpu.memory_space<hbm>>) dst(%arg6 : memref<128x64xf32, #tpu.memory_space<vmem>>)
    %add3A_856 = arith.constant 3072 : i32
    %add3A_857 = arith.addi %mul3A_2, %add3A_856 : i32
    %dma_start3A_858 = arith.constant 0 : i32
    %dma_start3A_859 = arith.constant 0 : i32
    %dma_start3A_860 = tpu.memref_slice %arg4[%add3A_857, %dma_start3A_859] : memref<204800x64xf32, #tpu.memory_space<hbm>> -> memref<128x64xf32, #tpu.memory_space<hbm>>
    %dma_start3A_861 = tpu.memref_slice %arg13[%dma_start3A_858] : memref<6x!tpu.dma_semaphore, #tpu.memory_space<semaphore_mem>> -> memref<1x!tpu.dma_semaphore, #tpu.memory_space<semaphore_mem>>
    %dma_start3A_862 = tpu.memref_squeeze %dma_start3A_861 : memref<1x!tpu.dma_semaphore, #tpu.memory_space<semaphore_mem>> -> memref<!tpu.dma_semaphore, #tpu.memory_space<semaphore_mem>>
    %dma_start3A_863 = arith.constant 0 : i32
    %dma_start3A_864 = tpu.memref_slice %arg4[%add3A_857, %dma_start3A_863] : memref<204800x64xf32, #tpu.memory_space<hbm>> -> memref<128x64xf32, #tpu.memory_space<hbm>>
    tpu.enqueue_dma source(%arg6 : memref<128x64xf32, #tpu.memory_space<vmem>>) target(%dma_start3A_864 : memref<128x64xf32, #tpu.memory_space<hbm>>) target_semaphore(%dma_start3A_862 : memref<!tpu.dma_semaphore, #tpu.memory_space<semaphore_mem>>)
    %add3A_865 = arith.constant 2944 : i32
    %add3A_866 = arith.addi %mul3A_2, %add3A_865 : i32
    %dma_wait3A_867 = arith.constant 5 : i32
    %dma_wait3A_868 = arith.constant 0 : i32
    %dma_wait3A_869 = tpu.memref_slice %arg4[%add3A_866, %dma_wait3A_868] : memref<204800x64xf32, #tpu.memory_space<hbm>> -> memref<128x64xf32, #tpu.memory_space<hbm>>
    %dma_wait3A_870 = tpu.memref_slice %arg13[%dma_wait3A_867] : memref<6x!tpu.dma_semaphore, #tpu.memory_space<semaphore_mem>> -> memref<1x!tpu.dma_semaphore, #tpu.memory_space<semaphore_mem>>
    %dma_wait3A_871 = tpu.memref_squeeze %dma_wait3A_870 : memref<1x!tpu.dma_semaphore, #tpu.memory_space<semaphore_mem>> -> memref<!tpu.dma_semaphore, #tpu.memory_space<semaphore_mem>>
    %dma_wait3A_872 = arith.constant 0 : i32
    %dma_wait3A_873 = tpu.memref_slice %arg4[%add3A_866, %dma_wait3A_872] : memref<204800x64xf32, #tpu.memory_space<hbm>> -> memref<128x64xf32, #tpu.memory_space<hbm>>
    tpu.wait_dma2 semaphore(%dma_wait3A_871 : memref<!tpu.dma_semaphore, #tpu.memory_space<semaphore_mem>>) src(%arg11 : memref<128x64xf32, #tpu.memory_space<vmem>>) dst(%dma_wait3A_873 : memref<128x64xf32, #tpu.memory_space<hbm>>)
    %dma_start3A_874 = arith.constant 5 : i32
    %dma_start3A_875 = arith.constant 3712 : i32
    %dma_start3A_876 = tpu.memref_slice %arg5[%dma_start3A_875] : memref<6400xi32, #tpu.memory_space<vmem>> -> memref<128xi32, #tpu.memory_space<vmem>>
    %dma_start3A_877 = arith.constant 0 : i32
    %dma_start3A_878 = arith.constant 0 : i32
    %dma_start3A_879 = tpu.memref_slice %arg3[%dma_start3A_877, %dma_start3A_878] : memref<1000000x64xf32, #tpu.memory_space<hbm>> -> memref<1000000x64xf32, #tpu.memory_space<hbm>>
    %dma_start3A_880 = tpu.memref_slice %arg12[%dma_start3A_874] : memref<6x!tpu.dma_semaphore, #tpu.memory_space<semaphore_mem>> -> memref<1x!tpu.dma_semaphore, #tpu.memory_space<semaphore_mem>>
    %dma_start3A_881 = tpu.memref_squeeze %dma_start3A_880 : memref<1x!tpu.dma_semaphore, #tpu.memory_space<semaphore_mem>> -> memref<!tpu.dma_semaphore, #tpu.memory_space<semaphore_mem>>
    tpu.enqueue_indirect_dma source(%dma_start3A_879 : memref<1000000x64xf32, #tpu.memory_space<hbm>>) target(%arg11 : memref<128x64xf32, #tpu.memory_space<vmem>>) offsets(%dma_start3A_876 : memref<128xi32, #tpu.memory_space<vmem>>) semaphore(%dma_start3A_881 : memref<!tpu.dma_semaphore, #tpu.memory_space<semaphore_mem>>)
    %dma_wait3A_882 = arith.constant 1 : i32
    %dma_wait3A_883 = arith.constant 3200 : i32
    %dma_wait3A_884 = tpu.memref_slice %arg5[%dma_wait3A_883] : memref<6400xi32, #tpu.memory_space<vmem>> -> memref<128xi32, #tpu.memory_space<vmem>>
    %dma_wait3A_885 = arith.constant 0 : i32
    %dma_wait3A_886 = arith.constant 0 : i32
    %dma_wait3A_887 = tpu.memref_slice %arg3[%dma_wait3A_885, %dma_wait3A_886] : memref<1000000x64xf32, #tpu.memory_space<hbm>> -> memref<1000000x64xf32, #tpu.memory_space<hbm>>
    %dma_wait3A_888 = tpu.memref_slice %arg12[%dma_wait3A_882] : memref<6x!tpu.dma_semaphore, #tpu.memory_space<semaphore_mem>> -> memref<1x!tpu.dma_semaphore, #tpu.memory_space<semaphore_mem>>
    %dma_wait3A_889 = tpu.memref_squeeze %dma_wait3A_888 : memref<1x!tpu.dma_semaphore, #tpu.memory_space<semaphore_mem>> -> memref<!tpu.dma_semaphore, #tpu.memory_space<semaphore_mem>>
    tpu.wait_indirect_dma semaphore(%dma_wait3A_889 : memref<!tpu.dma_semaphore, #tpu.memory_space<semaphore_mem>>) src(%dma_wait3A_887 : memref<1000000x64xf32, #tpu.memory_space<hbm>>) dst(%arg7 : memref<128x64xf32, #tpu.memory_space<vmem>>)
    %add3A_890 = arith.constant 3200 : i32
    %add3A_891 = arith.addi %mul3A_2, %add3A_890 : i32
    %dma_start3A_892 = arith.constant 1 : i32
    %dma_start3A_893 = arith.constant 0 : i32
    %dma_start3A_894 = tpu.memref_slice %arg4[%add3A_891, %dma_start3A_893] : memref<204800x64xf32, #tpu.memory_space<hbm>> -> memref<128x64xf32, #tpu.memory_space<hbm>>
    %dma_start3A_895 = tpu.memref_slice %arg13[%dma_start3A_892] : memref<6x!tpu.dma_semaphore, #tpu.memory_space<semaphore_mem>> -> memref<1x!tpu.dma_semaphore, #tpu.memory_space<semaphore_mem>>
    %dma_start3A_896 = tpu.memref_squeeze %dma_start3A_895 : memref<1x!tpu.dma_semaphore, #tpu.memory_space<semaphore_mem>> -> memref<!tpu.dma_semaphore, #tpu.memory_space<semaphore_mem>>
    %dma_start3A_897 = arith.constant 0 : i32
    %dma_start3A_898 = tpu.memref_slice %arg4[%add3A_891, %dma_start3A_897] : memref<204800x64xf32, #tpu.memory_space<hbm>> -> memref<128x64xf32, #tpu.memory_space<hbm>>
    tpu.enqueue_dma source(%arg7 : memref<128x64xf32, #tpu.memory_space<vmem>>) target(%dma_start3A_898 : memref<128x64xf32, #tpu.memory_space<hbm>>) target_semaphore(%dma_start3A_896 : memref<!tpu.dma_semaphore, #tpu.memory_space<semaphore_mem>>)
    %add3A_899 = arith.constant 3072 : i32
    %add3A_900 = arith.addi %mul3A_2, %add3A_899 : i32
    %dma_wait3A_901 = arith.constant 0 : i32
    %dma_wait3A_902 = arith.constant 0 : i32
    %dma_wait3A_903 = tpu.memref_slice %arg4[%add3A_900, %dma_wait3A_902] : memref<204800x64xf32, #tpu.memory_space<hbm>> -> memref<128x64xf32, #tpu.memory_space<hbm>>
    %dma_wait3A_904 = tpu.memref_slice %arg13[%dma_wait3A_901] : memref<6x!tpu.dma_semaphore, #tpu.memory_space<semaphore_mem>> -> memref<1x!tpu.dma_semaphore, #tpu.memory_space<semaphore_mem>>
    %dma_wait3A_905 = tpu.memref_squeeze %dma_wait3A_904 : memref<1x!tpu.dma_semaphore, #tpu.memory_space<semaphore_mem>> -> memref<!tpu.dma_semaphore, #tpu.memory_space<semaphore_mem>>
    %dma_wait3A_906 = arith.constant 0 : i32
    %dma_wait3A_907 = tpu.memref_slice %arg4[%add3A_900, %dma_wait3A_906] : memref<204800x64xf32, #tpu.memory_space<hbm>> -> memref<128x64xf32, #tpu.memory_space<hbm>>
    tpu.wait_dma2 semaphore(%dma_wait3A_905 : memref<!tpu.dma_semaphore, #tpu.memory_space<semaphore_mem>>) src(%arg6 : memref<128x64xf32, #tpu.memory_space<vmem>>) dst(%dma_wait3A_907 : memref<128x64xf32, #tpu.memory_space<hbm>>)
    %dma_start3A_908 = arith.constant 0 : i32
    %dma_start3A_909 = arith.constant 3840 : i32
    %dma_start3A_910 = tpu.memref_slice %arg5[%dma_start3A_909] : memref<6400xi32, #tpu.memory_space<vmem>> -> memref<128xi32, #tpu.memory_space<vmem>>
    %dma_start3A_911 = arith.constant 0 : i32
    %dma_start3A_912 = arith.constant 0 : i32
    %dma_start3A_913 = tpu.memref_slice %arg3[%dma_start3A_911, %dma_start3A_912] : memref<1000000x64xf32, #tpu.memory_space<hbm>> -> memref<1000000x64xf32, #tpu.memory_space<hbm>>
    %dma_start3A_914 = tpu.memref_slice %arg12[%dma_start3A_908] : memref<6x!tpu.dma_semaphore, #tpu.memory_space<semaphore_mem>> -> memref<1x!tpu.dma_semaphore, #tpu.memory_space<semaphore_mem>>
    %dma_start3A_915 = tpu.memref_squeeze %dma_start3A_914 : memref<1x!tpu.dma_semaphore, #tpu.memory_space<semaphore_mem>> -> memref<!tpu.dma_semaphore, #tpu.memory_space<semaphore_mem>>
    tpu.enqueue_indirect_dma source(%dma_start3A_913 : memref<1000000x64xf32, #tpu.memory_space<hbm>>) target(%arg6 : memref<128x64xf32, #tpu.memory_space<vmem>>) offsets(%dma_start3A_910 : memref<128xi32, #tpu.memory_space<vmem>>) semaphore(%dma_start3A_915 : memref<!tpu.dma_semaphore, #tpu.memory_space<semaphore_mem>>)
    %dma_wait3A_916 = arith.constant 2 : i32
    %dma_wait3A_917 = arith.constant 3328 : i32
    %dma_wait3A_918 = tpu.memref_slice %arg5[%dma_wait3A_917] : memref<6400xi32, #tpu.memory_space<vmem>> -> memref<128xi32, #tpu.memory_space<vmem>>
    %dma_wait3A_919 = arith.constant 0 : i32
    %dma_wait3A_920 = arith.constant 0 : i32
    %dma_wait3A_921 = tpu.memref_slice %arg3[%dma_wait3A_919, %dma_wait3A_920] : memref<1000000x64xf32, #tpu.memory_space<hbm>> -> memref<1000000x64xf32, #tpu.memory_space<hbm>>
    %dma_wait3A_922 = tpu.memref_slice %arg12[%dma_wait3A_916] : memref<6x!tpu.dma_semaphore, #tpu.memory_space<semaphore_mem>> -> memref<1x!tpu.dma_semaphore, #tpu.memory_space<semaphore_mem>>
    %dma_wait3A_923 = tpu.memref_squeeze %dma_wait3A_922 : memref<1x!tpu.dma_semaphore, #tpu.memory_space<semaphore_mem>> -> memref<!tpu.dma_semaphore, #tpu.memory_space<semaphore_mem>>
    tpu.wait_indirect_dma semaphore(%dma_wait3A_923 : memref<!tpu.dma_semaphore, #tpu.memory_space<semaphore_mem>>) src(%dma_wait3A_921 : memref<1000000x64xf32, #tpu.memory_space<hbm>>) dst(%arg8 : memref<128x64xf32, #tpu.memory_space<vmem>>)
    %add3A_924 = arith.constant 3328 : i32
    %add3A_925 = arith.addi %mul3A_2, %add3A_924 : i32
    %dma_start3A_926 = arith.constant 2 : i32
    %dma_start3A_927 = arith.constant 0 : i32
    %dma_start3A_928 = tpu.memref_slice %arg4[%add3A_925, %dma_start3A_927] : memref<204800x64xf32, #tpu.memory_space<hbm>> -> memref<128x64xf32, #tpu.memory_space<hbm>>
    %dma_start3A_929 = tpu.memref_slice %arg13[%dma_start3A_926] : memref<6x!tpu.dma_semaphore, #tpu.memory_space<semaphore_mem>> -> memref<1x!tpu.dma_semaphore, #tpu.memory_space<semaphore_mem>>
    %dma_start3A_930 = tpu.memref_squeeze %dma_start3A_929 : memref<1x!tpu.dma_semaphore, #tpu.memory_space<semaphore_mem>> -> memref<!tpu.dma_semaphore, #tpu.memory_space<semaphore_mem>>
    %dma_start3A_931 = arith.constant 0 : i32
    %dma_start3A_932 = tpu.memref_slice %arg4[%add3A_925, %dma_start3A_931] : memref<204800x64xf32, #tpu.memory_space<hbm>> -> memref<128x64xf32, #tpu.memory_space<hbm>>
    tpu.enqueue_dma source(%arg8 : memref<128x64xf32, #tpu.memory_space<vmem>>) target(%dma_start3A_932 : memref<128x64xf32, #tpu.memory_space<hbm>>) target_semaphore(%dma_start3A_930 : memref<!tpu.dma_semaphore, #tpu.memory_space<semaphore_mem>>)
    %add3A_933 = arith.constant 3200 : i32
    %add3A_934 = arith.addi %mul3A_2, %add3A_933 : i32
    %dma_wait3A_935 = arith.constant 1 : i32
    %dma_wait3A_936 = arith.constant 0 : i32
    %dma_wait3A_937 = tpu.memref_slice %arg4[%add3A_934, %dma_wait3A_936] : memref<204800x64xf32, #tpu.memory_space<hbm>> -> memref<128x64xf32, #tpu.memory_space<hbm>>
    %dma_wait3A_938 = tpu.memref_slice %arg13[%dma_wait3A_935] : memref<6x!tpu.dma_semaphore, #tpu.memory_space<semaphore_mem>> -> memref<1x!tpu.dma_semaphore, #tpu.memory_space<semaphore_mem>>
    %dma_wait3A_939 = tpu.memref_squeeze %dma_wait3A_938 : memref<1x!tpu.dma_semaphore, #tpu.memory_space<semaphore_mem>> -> memref<!tpu.dma_semaphore, #tpu.memory_space<semaphore_mem>>
    %dma_wait3A_940 = arith.constant 0 : i32
    %dma_wait3A_941 = tpu.memref_slice %arg4[%add3A_934, %dma_wait3A_940] : memref<204800x64xf32, #tpu.memory_space<hbm>> -> memref<128x64xf32, #tpu.memory_space<hbm>>
    tpu.wait_dma2 semaphore(%dma_wait3A_939 : memref<!tpu.dma_semaphore, #tpu.memory_space<semaphore_mem>>) src(%arg7 : memref<128x64xf32, #tpu.memory_space<vmem>>) dst(%dma_wait3A_941 : memref<128x64xf32, #tpu.memory_space<hbm>>)
    %dma_start3A_942 = arith.constant 1 : i32
    %dma_start3A_943 = arith.constant 3968 : i32
    %dma_start3A_944 = tpu.memref_slice %arg5[%dma_start3A_943] : memref<6400xi32, #tpu.memory_space<vmem>> -> memref<128xi32, #tpu.memory_space<vmem>>
    %dma_start3A_945 = arith.constant 0 : i32
    %dma_start3A_946 = arith.constant 0 : i32
    %dma_start3A_947 = tpu.memref_slice %arg3[%dma_start3A_945, %dma_start3A_946] : memref<1000000x64xf32, #tpu.memory_space<hbm>> -> memref<1000000x64xf32, #tpu.memory_space<hbm>>
    %dma_start3A_948 = tpu.memref_slice %arg12[%dma_start3A_942] : memref<6x!tpu.dma_semaphore, #tpu.memory_space<semaphore_mem>> -> memref<1x!tpu.dma_semaphore, #tpu.memory_space<semaphore_mem>>
    %dma_start3A_949 = tpu.memref_squeeze %dma_start3A_948 : memref<1x!tpu.dma_semaphore, #tpu.memory_space<semaphore_mem>> -> memref<!tpu.dma_semaphore, #tpu.memory_space<semaphore_mem>>
    tpu.enqueue_indirect_dma source(%dma_start3A_947 : memref<1000000x64xf32, #tpu.memory_space<hbm>>) target(%arg7 : memref<128x64xf32, #tpu.memory_space<vmem>>) offsets(%dma_start3A_944 : memref<128xi32, #tpu.memory_space<vmem>>) semaphore(%dma_start3A_949 : memref<!tpu.dma_semaphore, #tpu.memory_space<semaphore_mem>>)
    %dma_wait3A_950 = arith.constant 3 : i32
    %dma_wait3A_951 = arith.constant 3456 : i32
    %dma_wait3A_952 = tpu.memref_slice %arg5[%dma_wait3A_951] : memref<6400xi32, #tpu.memory_space<vmem>> -> memref<128xi32, #tpu.memory_space<vmem>>
    %dma_wait3A_953 = arith.constant 0 : i32
    %dma_wait3A_954 = arith.constant 0 : i32
    %dma_wait3A_955 = tpu.memref_slice %arg3[%dma_wait3A_953, %dma_wait3A_954] : memref<1000000x64xf32, #tpu.memory_space<hbm>> -> memref<1000000x64xf32, #tpu.memory_space<hbm>>
    %dma_wait3A_956 = tpu.memref_slice %arg12[%dma_wait3A_950] : memref<6x!tpu.dma_semaphore, #tpu.memory_space<semaphore_mem>> -> memref<1x!tpu.dma_semaphore, #tpu.memory_space<semaphore_mem>>
    %dma_wait3A_957 = tpu.memref_squeeze %dma_wait3A_956 : memref<1x!tpu.dma_semaphore, #tpu.memory_space<semaphore_mem>> -> memref<!tpu.dma_semaphore, #tpu.memory_space<semaphore_mem>>
    tpu.wait_indirect_dma semaphore(%dma_wait3A_957 : memref<!tpu.dma_semaphore, #tpu.memory_space<semaphore_mem>>) src(%dma_wait3A_955 : memref<1000000x64xf32, #tpu.memory_space<hbm>>) dst(%arg9 : memref<128x64xf32, #tpu.memory_space<vmem>>)
    %add3A_958 = arith.constant 3456 : i32
    %add3A_959 = arith.addi %mul3A_2, %add3A_958 : i32
    %dma_start3A_960 = arith.constant 3 : i32
    %dma_start3A_961 = arith.constant 0 : i32
    %dma_start3A_962 = tpu.memref_slice %arg4[%add3A_959, %dma_start3A_961] : memref<204800x64xf32, #tpu.memory_space<hbm>> -> memref<128x64xf32, #tpu.memory_space<hbm>>
    %dma_start3A_963 = tpu.memref_slice %arg13[%dma_start3A_960] : memref<6x!tpu.dma_semaphore, #tpu.memory_space<semaphore_mem>> -> memref<1x!tpu.dma_semaphore, #tpu.memory_space<semaphore_mem>>
    %dma_start3A_964 = tpu.memref_squeeze %dma_start3A_963 : memref<1x!tpu.dma_semaphore, #tpu.memory_space<semaphore_mem>> -> memref<!tpu.dma_semaphore, #tpu.memory_space<semaphore_mem>>
    %dma_start3A_965 = arith.constant 0 : i32
    %dma_start3A_966 = tpu.memref_slice %arg4[%add3A_959, %dma_start3A_965] : memref<204800x64xf32, #tpu.memory_space<hbm>> -> memref<128x64xf32, #tpu.memory_space<hbm>>
    tpu.enqueue_dma source(%arg9 : memref<128x64xf32, #tpu.memory_space<vmem>>) target(%dma_start3A_966 : memref<128x64xf32, #tpu.memory_space<hbm>>) target_semaphore(%dma_start3A_964 : memref<!tpu.dma_semaphore, #tpu.memory_space<semaphore_mem>>)
    %add3A_967 = arith.constant 3328 : i32
    %add3A_968 = arith.addi %mul3A_2, %add3A_967 : i32
    %dma_wait3A_969 = arith.constant 2 : i32
    %dma_wait3A_970 = arith.constant 0 : i32
    %dma_wait3A_971 = tpu.memref_slice %arg4[%add3A_968, %dma_wait3A_970] : memref<204800x64xf32, #tpu.memory_space<hbm>> -> memref<128x64xf32, #tpu.memory_space<hbm>>
    %dma_wait3A_972 = tpu.memref_slice %arg13[%dma_wait3A_969] : memref<6x!tpu.dma_semaphore, #tpu.memory_space<semaphore_mem>> -> memref<1x!tpu.dma_semaphore, #tpu.memory_space<semaphore_mem>>
    %dma_wait3A_973 = tpu.memref_squeeze %dma_wait3A_972 : memref<1x!tpu.dma_semaphore, #tpu.memory_space<semaphore_mem>> -> memref<!tpu.dma_semaphore, #tpu.memory_space<semaphore_mem>>
    %dma_wait3A_974 = arith.constant 0 : i32
    %dma_wait3A_975 = tpu.memref_slice %arg4[%add3A_968, %dma_wait3A_974] : memref<204800x64xf32, #tpu.memory_space<hbm>> -> memref<128x64xf32, #tpu.memory_space<hbm>>
    tpu.wait_dma2 semaphore(%dma_wait3A_973 : memref<!tpu.dma_semaphore, #tpu.memory_space<semaphore_mem>>) src(%arg8 : memref<128x64xf32, #tpu.memory_space<vmem>>) dst(%dma_wait3A_975 : memref<128x64xf32, #tpu.memory_space<hbm>>)
    %dma_start3A_976 = arith.constant 2 : i32
    %dma_start3A_977 = arith.constant 4096 : i32
    %dma_start3A_978 = tpu.memref_slice %arg5[%dma_start3A_977] : memref<6400xi32, #tpu.memory_space<vmem>> -> memref<128xi32, #tpu.memory_space<vmem>>
    %dma_start3A_979 = arith.constant 0 : i32
    %dma_start3A_980 = arith.constant 0 : i32
    %dma_start3A_981 = tpu.memref_slice %arg3[%dma_start3A_979, %dma_start3A_980] : memref<1000000x64xf32, #tpu.memory_space<hbm>> -> memref<1000000x64xf32, #tpu.memory_space<hbm>>
    %dma_start3A_982 = tpu.memref_slice %arg12[%dma_start3A_976] : memref<6x!tpu.dma_semaphore, #tpu.memory_space<semaphore_mem>> -> memref<1x!tpu.dma_semaphore, #tpu.memory_space<semaphore_mem>>
    %dma_start3A_983 = tpu.memref_squeeze %dma_start3A_982 : memref<1x!tpu.dma_semaphore, #tpu.memory_space<semaphore_mem>> -> memref<!tpu.dma_semaphore, #tpu.memory_space<semaphore_mem>>
    tpu.enqueue_indirect_dma source(%dma_start3A_981 : memref<1000000x64xf32, #tpu.memory_space<hbm>>) target(%arg8 : memref<128x64xf32, #tpu.memory_space<vmem>>) offsets(%dma_start3A_978 : memref<128xi32, #tpu.memory_space<vmem>>) semaphore(%dma_start3A_983 : memref<!tpu.dma_semaphore, #tpu.memory_space<semaphore_mem>>)
    %dma_wait3A_984 = arith.constant 4 : i32
    %dma_wait3A_985 = arith.constant 3584 : i32
    %dma_wait3A_986 = tpu.memref_slice %arg5[%dma_wait3A_985] : memref<6400xi32, #tpu.memory_space<vmem>> -> memref<128xi32, #tpu.memory_space<vmem>>
    %dma_wait3A_987 = arith.constant 0 : i32
    %dma_wait3A_988 = arith.constant 0 : i32
    %dma_wait3A_989 = tpu.memref_slice %arg3[%dma_wait3A_987, %dma_wait3A_988] : memref<1000000x64xf32, #tpu.memory_space<hbm>> -> memref<1000000x64xf32, #tpu.memory_space<hbm>>
    %dma_wait3A_990 = tpu.memref_slice %arg12[%dma_wait3A_984] : memref<6x!tpu.dma_semaphore, #tpu.memory_space<semaphore_mem>> -> memref<1x!tpu.dma_semaphore, #tpu.memory_space<semaphore_mem>>
    %dma_wait3A_991 = tpu.memref_squeeze %dma_wait3A_990 : memref<1x!tpu.dma_semaphore, #tpu.memory_space<semaphore_mem>> -> memref<!tpu.dma_semaphore, #tpu.memory_space<semaphore_mem>>
    tpu.wait_indirect_dma semaphore(%dma_wait3A_991 : memref<!tpu.dma_semaphore, #tpu.memory_space<semaphore_mem>>) src(%dma_wait3A_989 : memref<1000000x64xf32, #tpu.memory_space<hbm>>) dst(%arg10 : memref<128x64xf32, #tpu.memory_space<vmem>>)
    %add3A_992 = arith.constant 3584 : i32
    %add3A_993 = arith.addi %mul3A_2, %add3A_992 : i32
    %dma_start3A_994 = arith.constant 4 : i32
    %dma_start3A_995 = arith.constant 0 : i32
    %dma_start3A_996 = tpu.memref_slice %arg4[%add3A_993, %dma_start3A_995] : memref<204800x64xf32, #tpu.memory_space<hbm>> -> memref<128x64xf32, #tpu.memory_space<hbm>>
    %dma_start3A_997 = tpu.memref_slice %arg13[%dma_start3A_994] : memref<6x!tpu.dma_semaphore, #tpu.memory_space<semaphore_mem>> -> memref<1x!tpu.dma_semaphore, #tpu.memory_space<semaphore_mem>>
    %dma_start3A_998 = tpu.memref_squeeze %dma_start3A_997 : memref<1x!tpu.dma_semaphore, #tpu.memory_space<semaphore_mem>> -> memref<!tpu.dma_semaphore, #tpu.memory_space<semaphore_mem>>
    %dma_start3A_999 = arith.constant 0 : i32
    %dma_start3A_1000 = tpu.memref_slice %arg4[%add3A_993, %dma_start3A_999] : memref<204800x64xf32, #tpu.memory_space<hbm>> -> memref<128x64xf32, #tpu.memory_space<hbm>>
    tpu.enqueue_dma source(%arg10 : memref<128x64xf32, #tpu.memory_space<vmem>>) target(%dma_start3A_1000 : memref<128x64xf32, #tpu.memory_space<hbm>>) target_semaphore(%dma_start3A_998 : memref<!tpu.dma_semaphore, #tpu.memory_space<semaphore_mem>>)
    %add3A_1001 = arith.constant 3456 : i32
    %add3A_1002 = arith.addi %mul3A_2, %add3A_1001 : i32
    %dma_wait3A_1003 = arith.constant 3 : i32
    %dma_wait3A_1004 = arith.constant 0 : i32
    %dma_wait3A_1005 = tpu.memref_slice %arg4[%add3A_1002, %dma_wait3A_1004] : memref<204800x64xf32, #tpu.memory_space<hbm>> -> memref<128x64xf32, #tpu.memory_space<hbm>>
    %dma_wait3A_1006 = tpu.memref_slice %arg13[%dma_wait3A_1003] : memref<6x!tpu.dma_semaphore, #tpu.memory_space<semaphore_mem>> -> memref<1x!tpu.dma_semaphore, #tpu.memory_space<semaphore_mem>>
    %dma_wait3A_1007 = tpu.memref_squeeze %dma_wait3A_1006 : memref<1x!tpu.dma_semaphore, #tpu.memory_space<semaphore_mem>> -> memref<!tpu.dma_semaphore, #tpu.memory_space<semaphore_mem>>
    %dma_wait3A_1008 = arith.constant 0 : i32
    %dma_wait3A_1009 = tpu.memref_slice %arg4[%add3A_1002, %dma_wait3A_1008] : memref<204800x64xf32, #tpu.memory_space<hbm>> -> memref<128x64xf32, #tpu.memory_space<hbm>>
    tpu.wait_dma2 semaphore(%dma_wait3A_1007 : memref<!tpu.dma_semaphore, #tpu.memory_space<semaphore_mem>>) src(%arg9 : memref<128x64xf32, #tpu.memory_space<vmem>>) dst(%dma_wait3A_1009 : memref<128x64xf32, #tpu.memory_space<hbm>>)
    %dma_start3A_1010 = arith.constant 3 : i32
    %dma_start3A_1011 = arith.constant 4224 : i32
    %dma_start3A_1012 = tpu.memref_slice %arg5[%dma_start3A_1011] : memref<6400xi32, #tpu.memory_space<vmem>> -> memref<128xi32, #tpu.memory_space<vmem>>
    %dma_start3A_1013 = arith.constant 0 : i32
    %dma_start3A_1014 = arith.constant 0 : i32
    %dma_start3A_1015 = tpu.memref_slice %arg3[%dma_start3A_1013, %dma_start3A_1014] : memref<1000000x64xf32, #tpu.memory_space<hbm>> -> memref<1000000x64xf32, #tpu.memory_space<hbm>>
    %dma_start3A_1016 = tpu.memref_slice %arg12[%dma_start3A_1010] : memref<6x!tpu.dma_semaphore, #tpu.memory_space<semaphore_mem>> -> memref<1x!tpu.dma_semaphore, #tpu.memory_space<semaphore_mem>>
    %dma_start3A_1017 = tpu.memref_squeeze %dma_start3A_1016 : memref<1x!tpu.dma_semaphore, #tpu.memory_space<semaphore_mem>> -> memref<!tpu.dma_semaphore, #tpu.memory_space<semaphore_mem>>
    tpu.enqueue_indirect_dma source(%dma_start3A_1015 : memref<1000000x64xf32, #tpu.memory_space<hbm>>) target(%arg9 : memref<128x64xf32, #tpu.memory_space<vmem>>) offsets(%dma_start3A_1012 : memref<128xi32, #tpu.memory_space<vmem>>) semaphore(%dma_start3A_1017 : memref<!tpu.dma_semaphore, #tpu.memory_space<semaphore_mem>>)
    %dma_wait3A_1018 = arith.constant 5 : i32
    %dma_wait3A_1019 = arith.constant 3712 : i32
    %dma_wait3A_1020 = tpu.memref_slice %arg5[%dma_wait3A_1019] : memref<6400xi32, #tpu.memory_space<vmem>> -> memref<128xi32, #tpu.memory_space<vmem>>
    %dma_wait3A_1021 = arith.constant 0 : i32
    %dma_wait3A_1022 = arith.constant 0 : i32
    %dma_wait3A_1023 = tpu.memref_slice %arg3[%dma_wait3A_1021, %dma_wait3A_1022] : memref<1000000x64xf32, #tpu.memory_space<hbm>> -> memref<1000000x64xf32, #tpu.memory_space<hbm>>
    %dma_wait3A_1024 = tpu.memref_slice %arg12[%dma_wait3A_1018] : memref<6x!tpu.dma_semaphore, #tpu.memory_space<semaphore_mem>> -> memref<1x!tpu.dma_semaphore, #tpu.memory_space<semaphore_mem>>
    %dma_wait3A_1025 = tpu.memref_squeeze %dma_wait3A_1024 : memref<1x!tpu.dma_semaphore, #tpu.memory_space<semaphore_mem>> -> memref<!tpu.dma_semaphore, #tpu.memory_space<semaphore_mem>>
    tpu.wait_indirect_dma semaphore(%dma_wait3A_1025 : memref<!tpu.dma_semaphore, #tpu.memory_space<semaphore_mem>>) src(%dma_wait3A_1023 : memref<1000000x64xf32, #tpu.memory_space<hbm>>) dst(%arg11 : memref<128x64xf32, #tpu.memory_space<vmem>>)
    %add3A_1026 = arith.constant 3712 : i32
    %add3A_1027 = arith.addi %mul3A_2, %add3A_1026 : i32
    %dma_start3A_1028 = arith.constant 5 : i32
    %dma_start3A_1029 = arith.constant 0 : i32
    %dma_start3A_1030 = tpu.memref_slice %arg4[%add3A_1027, %dma_start3A_1029] : memref<204800x64xf32, #tpu.memory_space<hbm>> -> memref<128x64xf32, #tpu.memory_space<hbm>>
    %dma_start3A_1031 = tpu.memref_slice %arg13[%dma_start3A_1028] : memref<6x!tpu.dma_semaphore, #tpu.memory_space<semaphore_mem>> -> memref<1x!tpu.dma_semaphore, #tpu.memory_space<semaphore_mem>>
    %dma_start3A_1032 = tpu.memref_squeeze %dma_start3A_1031 : memref<1x!tpu.dma_semaphore, #tpu.memory_space<semaphore_mem>> -> memref<!tpu.dma_semaphore, #tpu.memory_space<semaphore_mem>>
    %dma_start3A_1033 = arith.constant 0 : i32
    %dma_start3A_1034 = tpu.memref_slice %arg4[%add3A_1027, %dma_start3A_1033] : memref<204800x64xf32, #tpu.memory_space<hbm>> -> memref<128x64xf32, #tpu.memory_space<hbm>>
    tpu.enqueue_dma source(%arg11 : memref<128x64xf32, #tpu.memory_space<vmem>>) target(%dma_start3A_1034 : memref<128x64xf32, #tpu.memory_space<hbm>>) target_semaphore(%dma_start3A_1032 : memref<!tpu.dma_semaphore, #tpu.memory_space<semaphore_mem>>)
    %add3A_1035 = arith.constant 3584 : i32
    %add3A_1036 = arith.addi %mul3A_2, %add3A_1035 : i32
    %dma_wait3A_1037 = arith.constant 4 : i32
    %dma_wait3A_1038 = arith.constant 0 : i32
    %dma_wait3A_1039 = tpu.memref_slice %arg4[%add3A_1036, %dma_wait3A_1038] : memref<204800x64xf32, #tpu.memory_space<hbm>> -> memref<128x64xf32, #tpu.memory_space<hbm>>
    %dma_wait3A_1040 = tpu.memref_slice %arg13[%dma_wait3A_1037] : memref<6x!tpu.dma_semaphore, #tpu.memory_space<semaphore_mem>> -> memref<1x!tpu.dma_semaphore, #tpu.memory_space<semaphore_mem>>
    %dma_wait3A_1041 = tpu.memref_squeeze %dma_wait3A_1040 : memref<1x!tpu.dma_semaphore, #tpu.memory_space<semaphore_mem>> -> memref<!tpu.dma_semaphore, #tpu.memory_space<semaphore_mem>>
    %dma_wait3A_1042 = arith.constant 0 : i32
    %dma_wait3A_1043 = tpu.memref_slice %arg4[%add3A_1036, %dma_wait3A_1042] : memref<204800x64xf32, #tpu.memory_space<hbm>> -> memref<128x64xf32, #tpu.memory_space<hbm>>
    tpu.wait_dma2 semaphore(%dma_wait3A_1041 : memref<!tpu.dma_semaphore, #tpu.memory_space<semaphore_mem>>) src(%arg10 : memref<128x64xf32, #tpu.memory_space<vmem>>) dst(%dma_wait3A_1043 : memref<128x64xf32, #tpu.memory_space<hbm>>)
    %dma_start3A_1044 = arith.constant 4 : i32
    %dma_start3A_1045 = arith.constant 4352 : i32
    %dma_start3A_1046 = tpu.memref_slice %arg5[%dma_start3A_1045] : memref<6400xi32, #tpu.memory_space<vmem>> -> memref<128xi32, #tpu.memory_space<vmem>>
    %dma_start3A_1047 = arith.constant 0 : i32
    %dma_start3A_1048 = arith.constant 0 : i32
    %dma_start3A_1049 = tpu.memref_slice %arg3[%dma_start3A_1047, %dma_start3A_1048] : memref<1000000x64xf32, #tpu.memory_space<hbm>> -> memref<1000000x64xf32, #tpu.memory_space<hbm>>
    %dma_start3A_1050 = tpu.memref_slice %arg12[%dma_start3A_1044] : memref<6x!tpu.dma_semaphore, #tpu.memory_space<semaphore_mem>> -> memref<1x!tpu.dma_semaphore, #tpu.memory_space<semaphore_mem>>
    %dma_start3A_1051 = tpu.memref_squeeze %dma_start3A_1050 : memref<1x!tpu.dma_semaphore, #tpu.memory_space<semaphore_mem>> -> memref<!tpu.dma_semaphore, #tpu.memory_space<semaphore_mem>>
    tpu.enqueue_indirect_dma source(%dma_start3A_1049 : memref<1000000x64xf32, #tpu.memory_space<hbm>>) target(%arg10 : memref<128x64xf32, #tpu.memory_space<vmem>>) offsets(%dma_start3A_1046 : memref<128xi32, #tpu.memory_space<vmem>>) semaphore(%dma_start3A_1051 : memref<!tpu.dma_semaphore, #tpu.memory_space<semaphore_mem>>)
    %dma_wait3A_1052 = arith.constant 0 : i32
    %dma_wait3A_1053 = arith.constant 3840 : i32
    %dma_wait3A_1054 = tpu.memref_slice %arg5[%dma_wait3A_1053] : memref<6400xi32, #tpu.memory_space<vmem>> -> memref<128xi32, #tpu.memory_space<vmem>>
    %dma_wait3A_1055 = arith.constant 0 : i32
    %dma_wait3A_1056 = arith.constant 0 : i32
    %dma_wait3A_1057 = tpu.memref_slice %arg3[%dma_wait3A_1055, %dma_wait3A_1056] : memref<1000000x64xf32, #tpu.memory_space<hbm>> -> memref<1000000x64xf32, #tpu.memory_space<hbm>>
    %dma_wait3A_1058 = tpu.memref_slice %arg12[%dma_wait3A_1052] : memref<6x!tpu.dma_semaphore, #tpu.memory_space<semaphore_mem>> -> memref<1x!tpu.dma_semaphore, #tpu.memory_space<semaphore_mem>>
    %dma_wait3A_1059 = tpu.memref_squeeze %dma_wait3A_1058 : memref<1x!tpu.dma_semaphore, #tpu.memory_space<semaphore_mem>> -> memref<!tpu.dma_semaphore, #tpu.memory_space<semaphore_mem>>
    tpu.wait_indirect_dma semaphore(%dma_wait3A_1059 : memref<!tpu.dma_semaphore, #tpu.memory_space<semaphore_mem>>) src(%dma_wait3A_1057 : memref<1000000x64xf32, #tpu.memory_space<hbm>>) dst(%arg6 : memref<128x64xf32, #tpu.memory_space<vmem>>)
    %add3A_1060 = arith.constant 3840 : i32
    %add3A_1061 = arith.addi %mul3A_2, %add3A_1060 : i32
    %dma_start3A_1062 = arith.constant 0 : i32
    %dma_start3A_1063 = arith.constant 0 : i32
    %dma_start3A_1064 = tpu.memref_slice %arg4[%add3A_1061, %dma_start3A_1063] : memref<204800x64xf32, #tpu.memory_space<hbm>> -> memref<128x64xf32, #tpu.memory_space<hbm>>
    %dma_start3A_1065 = tpu.memref_slice %arg13[%dma_start3A_1062] : memref<6x!tpu.dma_semaphore, #tpu.memory_space<semaphore_mem>> -> memref<1x!tpu.dma_semaphore, #tpu.memory_space<semaphore_mem>>
    %dma_start3A_1066 = tpu.memref_squeeze %dma_start3A_1065 : memref<1x!tpu.dma_semaphore, #tpu.memory_space<semaphore_mem>> -> memref<!tpu.dma_semaphore, #tpu.memory_space<semaphore_mem>>
    %dma_start3A_1067 = arith.constant 0 : i32
    %dma_start3A_1068 = tpu.memref_slice %arg4[%add3A_1061, %dma_start3A_1067] : memref<204800x64xf32, #tpu.memory_space<hbm>> -> memref<128x64xf32, #tpu.memory_space<hbm>>
    tpu.enqueue_dma source(%arg6 : memref<128x64xf32, #tpu.memory_space<vmem>>) target(%dma_start3A_1068 : memref<128x64xf32, #tpu.memory_space<hbm>>) target_semaphore(%dma_start3A_1066 : memref<!tpu.dma_semaphore, #tpu.memory_space<semaphore_mem>>)
    %add3A_1069 = arith.constant 3712 : i32
    %add3A_1070 = arith.addi %mul3A_2, %add3A_1069 : i32
    %dma_wait3A_1071 = arith.constant 5 : i32
    %dma_wait3A_1072 = arith.constant 0 : i32
    %dma_wait3A_1073 = tpu.memref_slice %arg4[%add3A_1070, %dma_wait3A_1072] : memref<204800x64xf32, #tpu.memory_space<hbm>> -> memref<128x64xf32, #tpu.memory_space<hbm>>
    %dma_wait3A_1074 = tpu.memref_slice %arg13[%dma_wait3A_1071] : memref<6x!tpu.dma_semaphore, #tpu.memory_space<semaphore_mem>> -> memref<1x!tpu.dma_semaphore, #tpu.memory_space<semaphore_mem>>
    %dma_wait3A_1075 = tpu.memref_squeeze %dma_wait3A_1074 : memref<1x!tpu.dma_semaphore, #tpu.memory_space<semaphore_mem>> -> memref<!tpu.dma_semaphore, #tpu.memory_space<semaphore_mem>>
    %dma_wait3A_1076 = arith.constant 0 : i32
    %dma_wait3A_1077 = tpu.memref_slice %arg4[%add3A_1070, %dma_wait3A_1076] : memref<204800x64xf32, #tpu.memory_space<hbm>> -> memref<128x64xf32, #tpu.memory_space<hbm>>
    tpu.wait_dma2 semaphore(%dma_wait3A_1075 : memref<!tpu.dma_semaphore, #tpu.memory_space<semaphore_mem>>) src(%arg11 : memref<128x64xf32, #tpu.memory_space<vmem>>) dst(%dma_wait3A_1077 : memref<128x64xf32, #tpu.memory_space<hbm>>)
    %dma_start3A_1078 = arith.constant 5 : i32
    %dma_start3A_1079 = arith.constant 4480 : i32
    %dma_start3A_1080 = tpu.memref_slice %arg5[%dma_start3A_1079] : memref<6400xi32, #tpu.memory_space<vmem>> -> memref<128xi32, #tpu.memory_space<vmem>>
    %dma_start3A_1081 = arith.constant 0 : i32
    %dma_start3A_1082 = arith.constant 0 : i32
    %dma_start3A_1083 = tpu.memref_slice %arg3[%dma_start3A_1081, %dma_start3A_1082] : memref<1000000x64xf32, #tpu.memory_space<hbm>> -> memref<1000000x64xf32, #tpu.memory_space<hbm>>
    %dma_start3A_1084 = tpu.memref_slice %arg12[%dma_start3A_1078] : memref<6x!tpu.dma_semaphore, #tpu.memory_space<semaphore_mem>> -> memref<1x!tpu.dma_semaphore, #tpu.memory_space<semaphore_mem>>
    %dma_start3A_1085 = tpu.memref_squeeze %dma_start3A_1084 : memref<1x!tpu.dma_semaphore, #tpu.memory_space<semaphore_mem>> -> memref<!tpu.dma_semaphore, #tpu.memory_space<semaphore_mem>>
    tpu.enqueue_indirect_dma source(%dma_start3A_1083 : memref<1000000x64xf32, #tpu.memory_space<hbm>>) target(%arg11 : memref<128x64xf32, #tpu.memory_space<vmem>>) offsets(%dma_start3A_1080 : memref<128xi32, #tpu.memory_space<vmem>>) semaphore(%dma_start3A_1085 : memref<!tpu.dma_semaphore, #tpu.memory_space<semaphore_mem>>)
    %dma_wait3A_1086 = arith.constant 1 : i32
    %dma_wait3A_1087 = arith.constant 3968 : i32
    %dma_wait3A_1088 = tpu.memref_slice %arg5[%dma_wait3A_1087] : memref<6400xi32, #tpu.memory_space<vmem>> -> memref<128xi32, #tpu.memory_space<vmem>>
    %dma_wait3A_1089 = arith.constant 0 : i32
    %dma_wait3A_1090 = arith.constant 0 : i32
    %dma_wait3A_1091 = tpu.memref_slice %arg3[%dma_wait3A_1089, %dma_wait3A_1090] : memref<1000000x64xf32, #tpu.memory_space<hbm>> -> memref<1000000x64xf32, #tpu.memory_space<hbm>>
    %dma_wait3A_1092 = tpu.memref_slice %arg12[%dma_wait3A_1086] : memref<6x!tpu.dma_semaphore, #tpu.memory_space<semaphore_mem>> -> memref<1x!tpu.dma_semaphore, #tpu.memory_space<semaphore_mem>>
    %dma_wait3A_1093 = tpu.memref_squeeze %dma_wait3A_1092 : memref<1x!tpu.dma_semaphore, #tpu.memory_space<semaphore_mem>> -> memref<!tpu.dma_semaphore, #tpu.memory_space<semaphore_mem>>
    tpu.wait_indirect_dma semaphore(%dma_wait3A_1093 : memref<!tpu.dma_semaphore, #tpu.memory_space<semaphore_mem>>) src(%dma_wait3A_1091 : memref<1000000x64xf32, #tpu.memory_space<hbm>>) dst(%arg7 : memref<128x64xf32, #tpu.memory_space<vmem>>)
    %add3A_1094 = arith.constant 3968 : i32
    %add3A_1095 = arith.addi %mul3A_2, %add3A_1094 : i32
    %dma_start3A_1096 = arith.constant 1 : i32
    %dma_start3A_1097 = arith.constant 0 : i32
    %dma_start3A_1098 = tpu.memref_slice %arg4[%add3A_1095, %dma_start3A_1097] : memref<204800x64xf32, #tpu.memory_space<hbm>> -> memref<128x64xf32, #tpu.memory_space<hbm>>
    %dma_start3A_1099 = tpu.memref_slice %arg13[%dma_start3A_1096] : memref<6x!tpu.dma_semaphore, #tpu.memory_space<semaphore_mem>> -> memref<1x!tpu.dma_semaphore, #tpu.memory_space<semaphore_mem>>
    %dma_start3A_1100 = tpu.memref_squeeze %dma_start3A_1099 : memref<1x!tpu.dma_semaphore, #tpu.memory_space<semaphore_mem>> -> memref<!tpu.dma_semaphore, #tpu.memory_space<semaphore_mem>>
    %dma_start3A_1101 = arith.constant 0 : i32
    %dma_start3A_1102 = tpu.memref_slice %arg4[%add3A_1095, %dma_start3A_1101] : memref<204800x64xf32, #tpu.memory_space<hbm>> -> memref<128x64xf32, #tpu.memory_space<hbm>>
    tpu.enqueue_dma source(%arg7 : memref<128x64xf32, #tpu.memory_space<vmem>>) target(%dma_start3A_1102 : memref<128x64xf32, #tpu.memory_space<hbm>>) target_semaphore(%dma_start3A_1100 : memref<!tpu.dma_semaphore, #tpu.memory_space<semaphore_mem>>)
    %add3A_1103 = arith.constant 3840 : i32
    %add3A_1104 = arith.addi %mul3A_2, %add3A_1103 : i32
    %dma_wait3A_1105 = arith.constant 0 : i32
    %dma_wait3A_1106 = arith.constant 0 : i32
    %dma_wait3A_1107 = tpu.memref_slice %arg4[%add3A_1104, %dma_wait3A_1106] : memref<204800x64xf32, #tpu.memory_space<hbm>> -> memref<128x64xf32, #tpu.memory_space<hbm>>
    %dma_wait3A_1108 = tpu.memref_slice %arg13[%dma_wait3A_1105] : memref<6x!tpu.dma_semaphore, #tpu.memory_space<semaphore_mem>> -> memref<1x!tpu.dma_semaphore, #tpu.memory_space<semaphore_mem>>
    %dma_wait3A_1109 = tpu.memref_squeeze %dma_wait3A_1108 : memref<1x!tpu.dma_semaphore, #tpu.memory_space<semaphore_mem>> -> memref<!tpu.dma_semaphore, #tpu.memory_space<semaphore_mem>>
    %dma_wait3A_1110 = arith.constant 0 : i32
    %dma_wait3A_1111 = tpu.memref_slice %arg4[%add3A_1104, %dma_wait3A_1110] : memref<204800x64xf32, #tpu.memory_space<hbm>> -> memref<128x64xf32, #tpu.memory_space<hbm>>
    tpu.wait_dma2 semaphore(%dma_wait3A_1109 : memref<!tpu.dma_semaphore, #tpu.memory_space<semaphore_mem>>) src(%arg6 : memref<128x64xf32, #tpu.memory_space<vmem>>) dst(%dma_wait3A_1111 : memref<128x64xf32, #tpu.memory_space<hbm>>)
    %dma_start3A_1112 = arith.constant 0 : i32
    %dma_start3A_1113 = arith.constant 4608 : i32
    %dma_start3A_1114 = tpu.memref_slice %arg5[%dma_start3A_1113] : memref<6400xi32, #tpu.memory_space<vmem>> -> memref<128xi32, #tpu.memory_space<vmem>>
    %dma_start3A_1115 = arith.constant 0 : i32
    %dma_start3A_1116 = arith.constant 0 : i32
    %dma_start3A_1117 = tpu.memref_slice %arg3[%dma_start3A_1115, %dma_start3A_1116] : memref<1000000x64xf32, #tpu.memory_space<hbm>> -> memref<1000000x64xf32, #tpu.memory_space<hbm>>
    %dma_start3A_1118 = tpu.memref_slice %arg12[%dma_start3A_1112] : memref<6x!tpu.dma_semaphore, #tpu.memory_space<semaphore_mem>> -> memref<1x!tpu.dma_semaphore, #tpu.memory_space<semaphore_mem>>
    %dma_start3A_1119 = tpu.memref_squeeze %dma_start3A_1118 : memref<1x!tpu.dma_semaphore, #tpu.memory_space<semaphore_mem>> -> memref<!tpu.dma_semaphore, #tpu.memory_space<semaphore_mem>>
    tpu.enqueue_indirect_dma source(%dma_start3A_1117 : memref<1000000x64xf32, #tpu.memory_space<hbm>>) target(%arg6 : memref<128x64xf32, #tpu.memory_space<vmem>>) offsets(%dma_start3A_1114 : memref<128xi32, #tpu.memory_space<vmem>>) semaphore(%dma_start3A_1119 : memref<!tpu.dma_semaphore, #tpu.memory_space<semaphore_mem>>)
    %dma_wait3A_1120 = arith.constant 2 : i32
    %dma_wait3A_1121 = arith.constant 4096 : i32
    %dma_wait3A_1122 = tpu.memref_slice %arg5[%dma_wait3A_1121] : memref<6400xi32, #tpu.memory_space<vmem>> -> memref<128xi32, #tpu.memory_space<vmem>>
    %dma_wait3A_1123 = arith.constant 0 : i32
    %dma_wait3A_1124 = arith.constant 0 : i32
    %dma_wait3A_1125 = tpu.memref_slice %arg3[%dma_wait3A_1123, %dma_wait3A_1124] : memref<1000000x64xf32, #tpu.memory_space<hbm>> -> memref<1000000x64xf32, #tpu.memory_space<hbm>>
    %dma_wait3A_1126 = tpu.memref_slice %arg12[%dma_wait3A_1120] : memref<6x!tpu.dma_semaphore, #tpu.memory_space<semaphore_mem>> -> memref<1x!tpu.dma_semaphore, #tpu.memory_space<semaphore_mem>>
    %dma_wait3A_1127 = tpu.memref_squeeze %dma_wait3A_1126 : memref<1x!tpu.dma_semaphore, #tpu.memory_space<semaphore_mem>> -> memref<!tpu.dma_semaphore, #tpu.memory_space<semaphore_mem>>
    tpu.wait_indirect_dma semaphore(%dma_wait3A_1127 : memref<!tpu.dma_semaphore, #tpu.memory_space<semaphore_mem>>) src(%dma_wait3A_1125 : memref<1000000x64xf32, #tpu.memory_space<hbm>>) dst(%arg8 : memref<128x64xf32, #tpu.memory_space<vmem>>)
    %add3A_1128 = arith.constant 4096 : i32
    %add3A_1129 = arith.addi %mul3A_2, %add3A_1128 : i32
    %dma_start3A_1130 = arith.constant 2 : i32
    %dma_start3A_1131 = arith.constant 0 : i32
    %dma_start3A_1132 = tpu.memref_slice %arg4[%add3A_1129, %dma_start3A_1131] : memref<204800x64xf32, #tpu.memory_space<hbm>> -> memref<128x64xf32, #tpu.memory_space<hbm>>
    %dma_start3A_1133 = tpu.memref_slice %arg13[%dma_start3A_1130] : memref<6x!tpu.dma_semaphore, #tpu.memory_space<semaphore_mem>> -> memref<1x!tpu.dma_semaphore, #tpu.memory_space<semaphore_mem>>
    %dma_start3A_1134 = tpu.memref_squeeze %dma_start3A_1133 : memref<1x!tpu.dma_semaphore, #tpu.memory_space<semaphore_mem>> -> memref<!tpu.dma_semaphore, #tpu.memory_space<semaphore_mem>>
    %dma_start3A_1135 = arith.constant 0 : i32
    %dma_start3A_1136 = tpu.memref_slice %arg4[%add3A_1129, %dma_start3A_1135] : memref<204800x64xf32, #tpu.memory_space<hbm>> -> memref<128x64xf32, #tpu.memory_space<hbm>>
    tpu.enqueue_dma source(%arg8 : memref<128x64xf32, #tpu.memory_space<vmem>>) target(%dma_start3A_1136 : memref<128x64xf32, #tpu.memory_space<hbm>>) target_semaphore(%dma_start3A_1134 : memref<!tpu.dma_semaphore, #tpu.memory_space<semaphore_mem>>)
    %add3A_1137 = arith.constant 3968 : i32
    %add3A_1138 = arith.addi %mul3A_2, %add3A_1137 : i32
    %dma_wait3A_1139 = arith.constant 1 : i32
    %dma_wait3A_1140 = arith.constant 0 : i32
    %dma_wait3A_1141 = tpu.memref_slice %arg4[%add3A_1138, %dma_wait3A_1140] : memref<204800x64xf32, #tpu.memory_space<hbm>> -> memref<128x64xf32, #tpu.memory_space<hbm>>
    %dma_wait3A_1142 = tpu.memref_slice %arg13[%dma_wait3A_1139] : memref<6x!tpu.dma_semaphore, #tpu.memory_space<semaphore_mem>> -> memref<1x!tpu.dma_semaphore, #tpu.memory_space<semaphore_mem>>
    %dma_wait3A_1143 = tpu.memref_squeeze %dma_wait3A_1142 : memref<1x!tpu.dma_semaphore, #tpu.memory_space<semaphore_mem>> -> memref<!tpu.dma_semaphore, #tpu.memory_space<semaphore_mem>>
    %dma_wait3A_1144 = arith.constant 0 : i32
    %dma_wait3A_1145 = tpu.memref_slice %arg4[%add3A_1138, %dma_wait3A_1144] : memref<204800x64xf32, #tpu.memory_space<hbm>> -> memref<128x64xf32, #tpu.memory_space<hbm>>
    tpu.wait_dma2 semaphore(%dma_wait3A_1143 : memref<!tpu.dma_semaphore, #tpu.memory_space<semaphore_mem>>) src(%arg7 : memref<128x64xf32, #tpu.memory_space<vmem>>) dst(%dma_wait3A_1145 : memref<128x64xf32, #tpu.memory_space<hbm>>)
    %dma_start3A_1146 = arith.constant 1 : i32
    %dma_start3A_1147 = arith.constant 4736 : i32
    %dma_start3A_1148 = tpu.memref_slice %arg5[%dma_start3A_1147] : memref<6400xi32, #tpu.memory_space<vmem>> -> memref<128xi32, #tpu.memory_space<vmem>>
    %dma_start3A_1149 = arith.constant 0 : i32
    %dma_start3A_1150 = arith.constant 0 : i32
    %dma_start3A_1151 = tpu.memref_slice %arg3[%dma_start3A_1149, %dma_start3A_1150] : memref<1000000x64xf32, #tpu.memory_space<hbm>> -> memref<1000000x64xf32, #tpu.memory_space<hbm>>
    %dma_start3A_1152 = tpu.memref_slice %arg12[%dma_start3A_1146] : memref<6x!tpu.dma_semaphore, #tpu.memory_space<semaphore_mem>> -> memref<1x!tpu.dma_semaphore, #tpu.memory_space<semaphore_mem>>
    %dma_start3A_1153 = tpu.memref_squeeze %dma_start3A_1152 : memref<1x!tpu.dma_semaphore, #tpu.memory_space<semaphore_mem>> -> memref<!tpu.dma_semaphore, #tpu.memory_space<semaphore_mem>>
    tpu.enqueue_indirect_dma source(%dma_start3A_1151 : memref<1000000x64xf32, #tpu.memory_space<hbm>>) target(%arg7 : memref<128x64xf32, #tpu.memory_space<vmem>>) offsets(%dma_start3A_1148 : memref<128xi32, #tpu.memory_space<vmem>>) semaphore(%dma_start3A_1153 : memref<!tpu.dma_semaphore, #tpu.memory_space<semaphore_mem>>)
    %dma_wait3A_1154 = arith.constant 3 : i32
    %dma_wait3A_1155 = arith.constant 4224 : i32
    %dma_wait3A_1156 = tpu.memref_slice %arg5[%dma_wait3A_1155] : memref<6400xi32, #tpu.memory_space<vmem>> -> memref<128xi32, #tpu.memory_space<vmem>>
    %dma_wait3A_1157 = arith.constant 0 : i32
    %dma_wait3A_1158 = arith.constant 0 : i32
    %dma_wait3A_1159 = tpu.memref_slice %arg3[%dma_wait3A_1157, %dma_wait3A_1158] : memref<1000000x64xf32, #tpu.memory_space<hbm>> -> memref<1000000x64xf32, #tpu.memory_space<hbm>>
    %dma_wait3A_1160 = tpu.memref_slice %arg12[%dma_wait3A_1154] : memref<6x!tpu.dma_semaphore, #tpu.memory_space<semaphore_mem>> -> memref<1x!tpu.dma_semaphore, #tpu.memory_space<semaphore_mem>>
    %dma_wait3A_1161 = tpu.memref_squeeze %dma_wait3A_1160 : memref<1x!tpu.dma_semaphore, #tpu.memory_space<semaphore_mem>> -> memref<!tpu.dma_semaphore, #tpu.memory_space<semaphore_mem>>
    tpu.wait_indirect_dma semaphore(%dma_wait3A_1161 : memref<!tpu.dma_semaphore, #tpu.memory_space<semaphore_mem>>) src(%dma_wait3A_1159 : memref<1000000x64xf32, #tpu.memory_space<hbm>>) dst(%arg9 : memref<128x64xf32, #tpu.memory_space<vmem>>)
    %add3A_1162 = arith.constant 4224 : i32
    %add3A_1163 = arith.addi %mul3A_2, %add3A_1162 : i32
    %dma_start3A_1164 = arith.constant 3 : i32
    %dma_start3A_1165 = arith.constant 0 : i32
    %dma_start3A_1166 = tpu.memref_slice %arg4[%add3A_1163, %dma_start3A_1165] : memref<204800x64xf32, #tpu.memory_space<hbm>> -> memref<128x64xf32, #tpu.memory_space<hbm>>
    %dma_start3A_1167 = tpu.memref_slice %arg13[%dma_start3A_1164] : memref<6x!tpu.dma_semaphore, #tpu.memory_space<semaphore_mem>> -> memref<1x!tpu.dma_semaphore, #tpu.memory_space<semaphore_mem>>
    %dma_start3A_1168 = tpu.memref_squeeze %dma_start3A_1167 : memref<1x!tpu.dma_semaphore, #tpu.memory_space<semaphore_mem>> -> memref<!tpu.dma_semaphore, #tpu.memory_space<semaphore_mem>>
    %dma_start3A_1169 = arith.constant 0 : i32
    %dma_start3A_1170 = tpu.memref_slice %arg4[%add3A_1163, %dma_start3A_1169] : memref<204800x64xf32, #tpu.memory_space<hbm>> -> memref<128x64xf32, #tpu.memory_space<hbm>>
    tpu.enqueue_dma source(%arg9 : memref<128x64xf32, #tpu.memory_space<vmem>>) target(%dma_start3A_1170 : memref<128x64xf32, #tpu.memory_space<hbm>>) target_semaphore(%dma_start3A_1168 : memref<!tpu.dma_semaphore, #tpu.memory_space<semaphore_mem>>)
    %add3A_1171 = arith.constant 4096 : i32
    %add3A_1172 = arith.addi %mul3A_2, %add3A_1171 : i32
    %dma_wait3A_1173 = arith.constant 2 : i32
    %dma_wait3A_1174 = arith.constant 0 : i32
    %dma_wait3A_1175 = tpu.memref_slice %arg4[%add3A_1172, %dma_wait3A_1174] : memref<204800x64xf32, #tpu.memory_space<hbm>> -> memref<128x64xf32, #tpu.memory_space<hbm>>
    %dma_wait3A_1176 = tpu.memref_slice %arg13[%dma_wait3A_1173] : memref<6x!tpu.dma_semaphore, #tpu.memory_space<semaphore_mem>> -> memref<1x!tpu.dma_semaphore, #tpu.memory_space<semaphore_mem>>
    %dma_wait3A_1177 = tpu.memref_squeeze %dma_wait3A_1176 : memref<1x!tpu.dma_semaphore, #tpu.memory_space<semaphore_mem>> -> memref<!tpu.dma_semaphore, #tpu.memory_space<semaphore_mem>>
    %dma_wait3A_1178 = arith.constant 0 : i32
    %dma_wait3A_1179 = tpu.memref_slice %arg4[%add3A_1172, %dma_wait3A_1178] : memref<204800x64xf32, #tpu.memory_space<hbm>> -> memref<128x64xf32, #tpu.memory_space<hbm>>
    tpu.wait_dma2 semaphore(%dma_wait3A_1177 : memref<!tpu.dma_semaphore, #tpu.memory_space<semaphore_mem>>) src(%arg8 : memref<128x64xf32, #tpu.memory_space<vmem>>) dst(%dma_wait3A_1179 : memref<128x64xf32, #tpu.memory_space<hbm>>)
    %dma_start3A_1180 = arith.constant 2 : i32
    %dma_start3A_1181 = arith.constant 4864 : i32
    %dma_start3A_1182 = tpu.memref_slice %arg5[%dma_start3A_1181] : memref<6400xi32, #tpu.memory_space<vmem>> -> memref<128xi32, #tpu.memory_space<vmem>>
    %dma_start3A_1183 = arith.constant 0 : i32
    %dma_start3A_1184 = arith.constant 0 : i32
    %dma_start3A_1185 = tpu.memref_slice %arg3[%dma_start3A_1183, %dma_start3A_1184] : memref<1000000x64xf32, #tpu.memory_space<hbm>> -> memref<1000000x64xf32, #tpu.memory_space<hbm>>
    %dma_start3A_1186 = tpu.memref_slice %arg12[%dma_start3A_1180] : memref<6x!tpu.dma_semaphore, #tpu.memory_space<semaphore_mem>> -> memref<1x!tpu.dma_semaphore, #tpu.memory_space<semaphore_mem>>
    %dma_start3A_1187 = tpu.memref_squeeze %dma_start3A_1186 : memref<1x!tpu.dma_semaphore, #tpu.memory_space<semaphore_mem>> -> memref<!tpu.dma_semaphore, #tpu.memory_space<semaphore_mem>>
    tpu.enqueue_indirect_dma source(%dma_start3A_1185 : memref<1000000x64xf32, #tpu.memory_space<hbm>>) target(%arg8 : memref<128x64xf32, #tpu.memory_space<vmem>>) offsets(%dma_start3A_1182 : memref<128xi32, #tpu.memory_space<vmem>>) semaphore(%dma_start3A_1187 : memref<!tpu.dma_semaphore, #tpu.memory_space<semaphore_mem>>)
    %dma_wait3A_1188 = arith.constant 4 : i32
    %dma_wait3A_1189 = arith.constant 4352 : i32
    %dma_wait3A_1190 = tpu.memref_slice %arg5[%dma_wait3A_1189] : memref<6400xi32, #tpu.memory_space<vmem>> -> memref<128xi32, #tpu.memory_space<vmem>>
    %dma_wait3A_1191 = arith.constant 0 : i32
    %dma_wait3A_1192 = arith.constant 0 : i32
    %dma_wait3A_1193 = tpu.memref_slice %arg3[%dma_wait3A_1191, %dma_wait3A_1192] : memref<1000000x64xf32, #tpu.memory_space<hbm>> -> memref<1000000x64xf32, #tpu.memory_space<hbm>>
    %dma_wait3A_1194 = tpu.memref_slice %arg12[%dma_wait3A_1188] : memref<6x!tpu.dma_semaphore, #tpu.memory_space<semaphore_mem>> -> memref<1x!tpu.dma_semaphore, #tpu.memory_space<semaphore_mem>>
    %dma_wait3A_1195 = tpu.memref_squeeze %dma_wait3A_1194 : memref<1x!tpu.dma_semaphore, #tpu.memory_space<semaphore_mem>> -> memref<!tpu.dma_semaphore, #tpu.memory_space<semaphore_mem>>
    tpu.wait_indirect_dma semaphore(%dma_wait3A_1195 : memref<!tpu.dma_semaphore, #tpu.memory_space<semaphore_mem>>) src(%dma_wait3A_1193 : memref<1000000x64xf32, #tpu.memory_space<hbm>>) dst(%arg10 : memref<128x64xf32, #tpu.memory_space<vmem>>)
    %add3A_1196 = arith.constant 4352 : i32
    %add3A_1197 = arith.addi %mul3A_2, %add3A_1196 : i32
    %dma_start3A_1198 = arith.constant 4 : i32
    %dma_start3A_1199 = arith.constant 0 : i32
    %dma_start3A_1200 = tpu.memref_slice %arg4[%add3A_1197, %dma_start3A_1199] : memref<204800x64xf32, #tpu.memory_space<hbm>> -> memref<128x64xf32, #tpu.memory_space<hbm>>
    %dma_start3A_1201 = tpu.memref_slice %arg13[%dma_start3A_1198] : memref<6x!tpu.dma_semaphore, #tpu.memory_space<semaphore_mem>> -> memref<1x!tpu.dma_semaphore, #tpu.memory_space<semaphore_mem>>
    %dma_start3A_1202 = tpu.memref_squeeze %dma_start3A_1201 : memref<1x!tpu.dma_semaphore, #tpu.memory_space<semaphore_mem>> -> memref<!tpu.dma_semaphore, #tpu.memory_space<semaphore_mem>>
    %dma_start3A_1203 = arith.constant 0 : i32
    %dma_start3A_1204 = tpu.memref_slice %arg4[%add3A_1197, %dma_start3A_1203] : memref<204800x64xf32, #tpu.memory_space<hbm>> -> memref<128x64xf32, #tpu.memory_space<hbm>>
    tpu.enqueue_dma source(%arg10 : memref<128x64xf32, #tpu.memory_space<vmem>>) target(%dma_start3A_1204 : memref<128x64xf32, #tpu.memory_space<hbm>>) target_semaphore(%dma_start3A_1202 : memref<!tpu.dma_semaphore, #tpu.memory_space<semaphore_mem>>)
    %add3A_1205 = arith.constant 4224 : i32
    %add3A_1206 = arith.addi %mul3A_2, %add3A_1205 : i32
    %dma_wait3A_1207 = arith.constant 3 : i32
    %dma_wait3A_1208 = arith.constant 0 : i32
    %dma_wait3A_1209 = tpu.memref_slice %arg4[%add3A_1206, %dma_wait3A_1208] : memref<204800x64xf32, #tpu.memory_space<hbm>> -> memref<128x64xf32, #tpu.memory_space<hbm>>
    %dma_wait3A_1210 = tpu.memref_slice %arg13[%dma_wait3A_1207] : memref<6x!tpu.dma_semaphore, #tpu.memory_space<semaphore_mem>> -> memref<1x!tpu.dma_semaphore, #tpu.memory_space<semaphore_mem>>
    %dma_wait3A_1211 = tpu.memref_squeeze %dma_wait3A_1210 : memref<1x!tpu.dma_semaphore, #tpu.memory_space<semaphore_mem>> -> memref<!tpu.dma_semaphore, #tpu.memory_space<semaphore_mem>>
    %dma_wait3A_1212 = arith.constant 0 : i32
    %dma_wait3A_1213 = tpu.memref_slice %arg4[%add3A_1206, %dma_wait3A_1212] : memref<204800x64xf32, #tpu.memory_space<hbm>> -> memref<128x64xf32, #tpu.memory_space<hbm>>
    tpu.wait_dma2 semaphore(%dma_wait3A_1211 : memref<!tpu.dma_semaphore, #tpu.memory_space<semaphore_mem>>) src(%arg9 : memref<128x64xf32, #tpu.memory_space<vmem>>) dst(%dma_wait3A_1213 : memref<128x64xf32, #tpu.memory_space<hbm>>)
    %dma_start3A_1214 = arith.constant 3 : i32
    %dma_start3A_1215 = arith.constant 4992 : i32
    %dma_start3A_1216 = tpu.memref_slice %arg5[%dma_start3A_1215] : memref<6400xi32, #tpu.memory_space<vmem>> -> memref<128xi32, #tpu.memory_space<vmem>>
    %dma_start3A_1217 = arith.constant 0 : i32
    %dma_start3A_1218 = arith.constant 0 : i32
    %dma_start3A_1219 = tpu.memref_slice %arg3[%dma_start3A_1217, %dma_start3A_1218] : memref<1000000x64xf32, #tpu.memory_space<hbm>> -> memref<1000000x64xf32, #tpu.memory_space<hbm>>
    %dma_start3A_1220 = tpu.memref_slice %arg12[%dma_start3A_1214] : memref<6x!tpu.dma_semaphore, #tpu.memory_space<semaphore_mem>> -> memref<1x!tpu.dma_semaphore, #tpu.memory_space<semaphore_mem>>
    %dma_start3A_1221 = tpu.memref_squeeze %dma_start3A_1220 : memref<1x!tpu.dma_semaphore, #tpu.memory_space<semaphore_mem>> -> memref<!tpu.dma_semaphore, #tpu.memory_space<semaphore_mem>>
    tpu.enqueue_indirect_dma source(%dma_start3A_1219 : memref<1000000x64xf32, #tpu.memory_space<hbm>>) target(%arg9 : memref<128x64xf32, #tpu.memory_space<vmem>>) offsets(%dma_start3A_1216 : memref<128xi32, #tpu.memory_space<vmem>>) semaphore(%dma_start3A_1221 : memref<!tpu.dma_semaphore, #tpu.memory_space<semaphore_mem>>)
    %dma_wait3A_1222 = arith.constant 5 : i32
    %dma_wait3A_1223 = arith.constant 4480 : i32
    %dma_wait3A_1224 = tpu.memref_slice %arg5[%dma_wait3A_1223] : memref<6400xi32, #tpu.memory_space<vmem>> -> memref<128xi32, #tpu.memory_space<vmem>>
    %dma_wait3A_1225 = arith.constant 0 : i32
    %dma_wait3A_1226 = arith.constant 0 : i32
    %dma_wait3A_1227 = tpu.memref_slice %arg3[%dma_wait3A_1225, %dma_wait3A_1226] : memref<1000000x64xf32, #tpu.memory_space<hbm>> -> memref<1000000x64xf32, #tpu.memory_space<hbm>>
    %dma_wait3A_1228 = tpu.memref_slice %arg12[%dma_wait3A_1222] : memref<6x!tpu.dma_semaphore, #tpu.memory_space<semaphore_mem>> -> memref<1x!tpu.dma_semaphore, #tpu.memory_space<semaphore_mem>>
    %dma_wait3A_1229 = tpu.memref_squeeze %dma_wait3A_1228 : memref<1x!tpu.dma_semaphore, #tpu.memory_space<semaphore_mem>> -> memref<!tpu.dma_semaphore, #tpu.memory_space<semaphore_mem>>
    tpu.wait_indirect_dma semaphore(%dma_wait3A_1229 : memref<!tpu.dma_semaphore, #tpu.memory_space<semaphore_mem>>) src(%dma_wait3A_1227 : memref<1000000x64xf32, #tpu.memory_space<hbm>>) dst(%arg11 : memref<128x64xf32, #tpu.memory_space<vmem>>)
    %add3A_1230 = arith.constant 4480 : i32
    %add3A_1231 = arith.addi %mul3A_2, %add3A_1230 : i32
    %dma_start3A_1232 = arith.constant 5 : i32
    %dma_start3A_1233 = arith.constant 0 : i32
    %dma_start3A_1234 = tpu.memref_slice %arg4[%add3A_1231, %dma_start3A_1233] : memref<204800x64xf32, #tpu.memory_space<hbm>> -> memref<128x64xf32, #tpu.memory_space<hbm>>
    %dma_start3A_1235 = tpu.memref_slice %arg13[%dma_start3A_1232] : memref<6x!tpu.dma_semaphore, #tpu.memory_space<semaphore_mem>> -> memref<1x!tpu.dma_semaphore, #tpu.memory_space<semaphore_mem>>
    %dma_start3A_1236 = tpu.memref_squeeze %dma_start3A_1235 : memref<1x!tpu.dma_semaphore, #tpu.memory_space<semaphore_mem>> -> memref<!tpu.dma_semaphore, #tpu.memory_space<semaphore_mem>>
    %dma_start3A_1237 = arith.constant 0 : i32
    %dma_start3A_1238 = tpu.memref_slice %arg4[%add3A_1231, %dma_start3A_1237] : memref<204800x64xf32, #tpu.memory_space<hbm>> -> memref<128x64xf32, #tpu.memory_space<hbm>>
    tpu.enqueue_dma source(%arg11 : memref<128x64xf32, #tpu.memory_space<vmem>>) target(%dma_start3A_1238 : memref<128x64xf32, #tpu.memory_space<hbm>>) target_semaphore(%dma_start3A_1236 : memref<!tpu.dma_semaphore, #tpu.memory_space<semaphore_mem>>)
    %add3A_1239 = arith.constant 4352 : i32
    %add3A_1240 = arith.addi %mul3A_2, %add3A_1239 : i32
    %dma_wait3A_1241 = arith.constant 4 : i32
    %dma_wait3A_1242 = arith.constant 0 : i32
    %dma_wait3A_1243 = tpu.memref_slice %arg4[%add3A_1240, %dma_wait3A_1242] : memref<204800x64xf32, #tpu.memory_space<hbm>> -> memref<128x64xf32, #tpu.memory_space<hbm>>
    %dma_wait3A_1244 = tpu.memref_slice %arg13[%dma_wait3A_1241] : memref<6x!tpu.dma_semaphore, #tpu.memory_space<semaphore_mem>> -> memref<1x!tpu.dma_semaphore, #tpu.memory_space<semaphore_mem>>
    %dma_wait3A_1245 = tpu.memref_squeeze %dma_wait3A_1244 : memref<1x!tpu.dma_semaphore, #tpu.memory_space<semaphore_mem>> -> memref<!tpu.dma_semaphore, #tpu.memory_space<semaphore_mem>>
    %dma_wait3A_1246 = arith.constant 0 : i32
    %dma_wait3A_1247 = tpu.memref_slice %arg4[%add3A_1240, %dma_wait3A_1246] : memref<204800x64xf32, #tpu.memory_space<hbm>> -> memref<128x64xf32, #tpu.memory_space<hbm>>
    tpu.wait_dma2 semaphore(%dma_wait3A_1245 : memref<!tpu.dma_semaphore, #tpu.memory_space<semaphore_mem>>) src(%arg10 : memref<128x64xf32, #tpu.memory_space<vmem>>) dst(%dma_wait3A_1247 : memref<128x64xf32, #tpu.memory_space<hbm>>)
    %dma_start3A_1248 = arith.constant 4 : i32
    %dma_start3A_1249 = arith.constant 5120 : i32
    %dma_start3A_1250 = tpu.memref_slice %arg5[%dma_start3A_1249] : memref<6400xi32, #tpu.memory_space<vmem>> -> memref<128xi32, #tpu.memory_space<vmem>>
    %dma_start3A_1251 = arith.constant 0 : i32
    %dma_start3A_1252 = arith.constant 0 : i32
    %dma_start3A_1253 = tpu.memref_slice %arg3[%dma_start3A_1251, %dma_start3A_1252] : memref<1000000x64xf32, #tpu.memory_space<hbm>> -> memref<1000000x64xf32, #tpu.memory_space<hbm>>
    %dma_start3A_1254 = tpu.memref_slice %arg12[%dma_start3A_1248] : memref<6x!tpu.dma_semaphore, #tpu.memory_space<semaphore_mem>> -> memref<1x!tpu.dma_semaphore, #tpu.memory_space<semaphore_mem>>
    %dma_start3A_1255 = tpu.memref_squeeze %dma_start3A_1254 : memref<1x!tpu.dma_semaphore, #tpu.memory_space<semaphore_mem>> -> memref<!tpu.dma_semaphore, #tpu.memory_space<semaphore_mem>>
    tpu.enqueue_indirect_dma source(%dma_start3A_1253 : memref<1000000x64xf32, #tpu.memory_space<hbm>>) target(%arg10 : memref<128x64xf32, #tpu.memory_space<vmem>>) offsets(%dma_start3A_1250 : memref<128xi32, #tpu.memory_space<vmem>>) semaphore(%dma_start3A_1255 : memref<!tpu.dma_semaphore, #tpu.memory_space<semaphore_mem>>)
    %dma_wait3A_1256 = arith.constant 0 : i32
    %dma_wait3A_1257 = arith.constant 4608 : i32
    %dma_wait3A_1258 = tpu.memref_slice %arg5[%dma_wait3A_1257] : memref<6400xi32, #tpu.memory_space<vmem>> -> memref<128xi32, #tpu.memory_space<vmem>>
    %dma_wait3A_1259 = arith.constant 0 : i32
    %dma_wait3A_1260 = arith.constant 0 : i32
    %dma_wait3A_1261 = tpu.memref_slice %arg3[%dma_wait3A_1259, %dma_wait3A_1260] : memref<1000000x64xf32, #tpu.memory_space<hbm>> -> memref<1000000x64xf32, #tpu.memory_space<hbm>>
    %dma_wait3A_1262 = tpu.memref_slice %arg12[%dma_wait3A_1256] : memref<6x!tpu.dma_semaphore, #tpu.memory_space<semaphore_mem>> -> memref<1x!tpu.dma_semaphore, #tpu.memory_space<semaphore_mem>>
    %dma_wait3A_1263 = tpu.memref_squeeze %dma_wait3A_1262 : memref<1x!tpu.dma_semaphore, #tpu.memory_space<semaphore_mem>> -> memref<!tpu.dma_semaphore, #tpu.memory_space<semaphore_mem>>
    tpu.wait_indirect_dma semaphore(%dma_wait3A_1263 : memref<!tpu.dma_semaphore, #tpu.memory_space<semaphore_mem>>) src(%dma_wait3A_1261 : memref<1000000x64xf32, #tpu.memory_space<hbm>>) dst(%arg6 : memref<128x64xf32, #tpu.memory_space<vmem>>)
    %add3A_1264 = arith.constant 4608 : i32
    %add3A_1265 = arith.addi %mul3A_2, %add3A_1264 : i32
    %dma_start3A_1266 = arith.constant 0 : i32
    %dma_start3A_1267 = arith.constant 0 : i32
    %dma_start3A_1268 = tpu.memref_slice %arg4[%add3A_1265, %dma_start3A_1267] : memref<204800x64xf32, #tpu.memory_space<hbm>> -> memref<128x64xf32, #tpu.memory_space<hbm>>
    %dma_start3A_1269 = tpu.memref_slice %arg13[%dma_start3A_1266] : memref<6x!tpu.dma_semaphore, #tpu.memory_space<semaphore_mem>> -> memref<1x!tpu.dma_semaphore, #tpu.memory_space<semaphore_mem>>
    %dma_start3A_1270 = tpu.memref_squeeze %dma_start3A_1269 : memref<1x!tpu.dma_semaphore, #tpu.memory_space<semaphore_mem>> -> memref<!tpu.dma_semaphore, #tpu.memory_space<semaphore_mem>>
    %dma_start3A_1271 = arith.constant 0 : i32
    %dma_start3A_1272 = tpu.memref_slice %arg4[%add3A_1265, %dma_start3A_1271] : memref<204800x64xf32, #tpu.memory_space<hbm>> -> memref<128x64xf32, #tpu.memory_space<hbm>>
    tpu.enqueue_dma source(%arg6 : memref<128x64xf32, #tpu.memory_space<vmem>>) target(%dma_start3A_1272 : memref<128x64xf32, #tpu.memory_space<hbm>>) target_semaphore(%dma_start3A_1270 : memref<!tpu.dma_semaphore, #tpu.memory_space<semaphore_mem>>)
    %add3A_1273 = arith.constant 4480 : i32
    %add3A_1274 = arith.addi %mul3A_2, %add3A_1273 : i32
    %dma_wait3A_1275 = arith.constant 5 : i32
    %dma_wait3A_1276 = arith.constant 0 : i32
    %dma_wait3A_1277 = tpu.memref_slice %arg4[%add3A_1274, %dma_wait3A_1276] : memref<204800x64xf32, #tpu.memory_space<hbm>> -> memref<128x64xf32, #tpu.memory_space<hbm>>
    %dma_wait3A_1278 = tpu.memref_slice %arg13[%dma_wait3A_1275] : memref<6x!tpu.dma_semaphore, #tpu.memory_space<semaphore_mem>> -> memref<1x!tpu.dma_semaphore, #tpu.memory_space<semaphore_mem>>
    %dma_wait3A_1279 = tpu.memref_squeeze %dma_wait3A_1278 : memref<1x!tpu.dma_semaphore, #tpu.memory_space<semaphore_mem>> -> memref<!tpu.dma_semaphore, #tpu.memory_space<semaphore_mem>>
    %dma_wait3A_1280 = arith.constant 0 : i32
    %dma_wait3A_1281 = tpu.memref_slice %arg4[%add3A_1274, %dma_wait3A_1280] : memref<204800x64xf32, #tpu.memory_space<hbm>> -> memref<128x64xf32, #tpu.memory_space<hbm>>
    tpu.wait_dma2 semaphore(%dma_wait3A_1279 : memref<!tpu.dma_semaphore, #tpu.memory_space<semaphore_mem>>) src(%arg11 : memref<128x64xf32, #tpu.memory_space<vmem>>) dst(%dma_wait3A_1281 : memref<128x64xf32, #tpu.memory_space<hbm>>)
    %dma_start3A_1282 = arith.constant 5 : i32
    %dma_start3A_1283 = arith.constant 5248 : i32
    %dma_start3A_1284 = tpu.memref_slice %arg5[%dma_start3A_1283] : memref<6400xi32, #tpu.memory_space<vmem>> -> memref<128xi32, #tpu.memory_space<vmem>>
    %dma_start3A_1285 = arith.constant 0 : i32
    %dma_start3A_1286 = arith.constant 0 : i32
    %dma_start3A_1287 = tpu.memref_slice %arg3[%dma_start3A_1285, %dma_start3A_1286] : memref<1000000x64xf32, #tpu.memory_space<hbm>> -> memref<1000000x64xf32, #tpu.memory_space<hbm>>
    %dma_start3A_1288 = tpu.memref_slice %arg12[%dma_start3A_1282] : memref<6x!tpu.dma_semaphore, #tpu.memory_space<semaphore_mem>> -> memref<1x!tpu.dma_semaphore, #tpu.memory_space<semaphore_mem>>
    %dma_start3A_1289 = tpu.memref_squeeze %dma_start3A_1288 : memref<1x!tpu.dma_semaphore, #tpu.memory_space<semaphore_mem>> -> memref<!tpu.dma_semaphore, #tpu.memory_space<semaphore_mem>>
    tpu.enqueue_indirect_dma source(%dma_start3A_1287 : memref<1000000x64xf32, #tpu.memory_space<hbm>>) target(%arg11 : memref<128x64xf32, #tpu.memory_space<vmem>>) offsets(%dma_start3A_1284 : memref<128xi32, #tpu.memory_space<vmem>>) semaphore(%dma_start3A_1289 : memref<!tpu.dma_semaphore, #tpu.memory_space<semaphore_mem>>)
    %dma_wait3A_1290 = arith.constant 1 : i32
    %dma_wait3A_1291 = arith.constant 4736 : i32
    %dma_wait3A_1292 = tpu.memref_slice %arg5[%dma_wait3A_1291] : memref<6400xi32, #tpu.memory_space<vmem>> -> memref<128xi32, #tpu.memory_space<vmem>>
    %dma_wait3A_1293 = arith.constant 0 : i32
    %dma_wait3A_1294 = arith.constant 0 : i32
    %dma_wait3A_1295 = tpu.memref_slice %arg3[%dma_wait3A_1293, %dma_wait3A_1294] : memref<1000000x64xf32, #tpu.memory_space<hbm>> -> memref<1000000x64xf32, #tpu.memory_space<hbm>>
    %dma_wait3A_1296 = tpu.memref_slice %arg12[%dma_wait3A_1290] : memref<6x!tpu.dma_semaphore, #tpu.memory_space<semaphore_mem>> -> memref<1x!tpu.dma_semaphore, #tpu.memory_space<semaphore_mem>>
    %dma_wait3A_1297 = tpu.memref_squeeze %dma_wait3A_1296 : memref<1x!tpu.dma_semaphore, #tpu.memory_space<semaphore_mem>> -> memref<!tpu.dma_semaphore, #tpu.memory_space<semaphore_mem>>
    tpu.wait_indirect_dma semaphore(%dma_wait3A_1297 : memref<!tpu.dma_semaphore, #tpu.memory_space<semaphore_mem>>) src(%dma_wait3A_1295 : memref<1000000x64xf32, #tpu.memory_space<hbm>>) dst(%arg7 : memref<128x64xf32, #tpu.memory_space<vmem>>)
    %add3A_1298 = arith.constant 4736 : i32
    %add3A_1299 = arith.addi %mul3A_2, %add3A_1298 : i32
    %dma_start3A_1300 = arith.constant 1 : i32
    %dma_start3A_1301 = arith.constant 0 : i32
    %dma_start3A_1302 = tpu.memref_slice %arg4[%add3A_1299, %dma_start3A_1301] : memref<204800x64xf32, #tpu.memory_space<hbm>> -> memref<128x64xf32, #tpu.memory_space<hbm>>
    %dma_start3A_1303 = tpu.memref_slice %arg13[%dma_start3A_1300] : memref<6x!tpu.dma_semaphore, #tpu.memory_space<semaphore_mem>> -> memref<1x!tpu.dma_semaphore, #tpu.memory_space<semaphore_mem>>
    %dma_start3A_1304 = tpu.memref_squeeze %dma_start3A_1303 : memref<1x!tpu.dma_semaphore, #tpu.memory_space<semaphore_mem>> -> memref<!tpu.dma_semaphore, #tpu.memory_space<semaphore_mem>>
    %dma_start3A_1305 = arith.constant 0 : i32
    %dma_start3A_1306 = tpu.memref_slice %arg4[%add3A_1299, %dma_start3A_1305] : memref<204800x64xf32, #tpu.memory_space<hbm>> -> memref<128x64xf32, #tpu.memory_space<hbm>>
    tpu.enqueue_dma source(%arg7 : memref<128x64xf32, #tpu.memory_space<vmem>>) target(%dma_start3A_1306 : memref<128x64xf32, #tpu.memory_space<hbm>>) target_semaphore(%dma_start3A_1304 : memref<!tpu.dma_semaphore, #tpu.memory_space<semaphore_mem>>)
    %add3A_1307 = arith.constant 4608 : i32
    %add3A_1308 = arith.addi %mul3A_2, %add3A_1307 : i32
    %dma_wait3A_1309 = arith.constant 0 : i32
    %dma_wait3A_1310 = arith.constant 0 : i32
    %dma_wait3A_1311 = tpu.memref_slice %arg4[%add3A_1308, %dma_wait3A_1310] : memref<204800x64xf32, #tpu.memory_space<hbm>> -> memref<128x64xf32, #tpu.memory_space<hbm>>
    %dma_wait3A_1312 = tpu.memref_slice %arg13[%dma_wait3A_1309] : memref<6x!tpu.dma_semaphore, #tpu.memory_space<semaphore_mem>> -> memref<1x!tpu.dma_semaphore, #tpu.memory_space<semaphore_mem>>
    %dma_wait3A_1313 = tpu.memref_squeeze %dma_wait3A_1312 : memref<1x!tpu.dma_semaphore, #tpu.memory_space<semaphore_mem>> -> memref<!tpu.dma_semaphore, #tpu.memory_space<semaphore_mem>>
    %dma_wait3A_1314 = arith.constant 0 : i32
    %dma_wait3A_1315 = tpu.memref_slice %arg4[%add3A_1308, %dma_wait3A_1314] : memref<204800x64xf32, #tpu.memory_space<hbm>> -> memref<128x64xf32, #tpu.memory_space<hbm>>
    tpu.wait_dma2 semaphore(%dma_wait3A_1313 : memref<!tpu.dma_semaphore, #tpu.memory_space<semaphore_mem>>) src(%arg6 : memref<128x64xf32, #tpu.memory_space<vmem>>) dst(%dma_wait3A_1315 : memref<128x64xf32, #tpu.memory_space<hbm>>)
    %dma_start3A_1316 = arith.constant 0 : i32
    %dma_start3A_1317 = arith.constant 5376 : i32
    %dma_start3A_1318 = tpu.memref_slice %arg5[%dma_start3A_1317] : memref<6400xi32, #tpu.memory_space<vmem>> -> memref<128xi32, #tpu.memory_space<vmem>>
    %dma_start3A_1319 = arith.constant 0 : i32
    %dma_start3A_1320 = arith.constant 0 : i32
    %dma_start3A_1321 = tpu.memref_slice %arg3[%dma_start3A_1319, %dma_start3A_1320] : memref<1000000x64xf32, #tpu.memory_space<hbm>> -> memref<1000000x64xf32, #tpu.memory_space<hbm>>
    %dma_start3A_1322 = tpu.memref_slice %arg12[%dma_start3A_1316] : memref<6x!tpu.dma_semaphore, #tpu.memory_space<semaphore_mem>> -> memref<1x!tpu.dma_semaphore, #tpu.memory_space<semaphore_mem>>
    %dma_start3A_1323 = tpu.memref_squeeze %dma_start3A_1322 : memref<1x!tpu.dma_semaphore, #tpu.memory_space<semaphore_mem>> -> memref<!tpu.dma_semaphore, #tpu.memory_space<semaphore_mem>>
    tpu.enqueue_indirect_dma source(%dma_start3A_1321 : memref<1000000x64xf32, #tpu.memory_space<hbm>>) target(%arg6 : memref<128x64xf32, #tpu.memory_space<vmem>>) offsets(%dma_start3A_1318 : memref<128xi32, #tpu.memory_space<vmem>>) semaphore(%dma_start3A_1323 : memref<!tpu.dma_semaphore, #tpu.memory_space<semaphore_mem>>)
    %dma_wait3A_1324 = arith.constant 2 : i32
    %dma_wait3A_1325 = arith.constant 4864 : i32
    %dma_wait3A_1326 = tpu.memref_slice %arg5[%dma_wait3A_1325] : memref<6400xi32, #tpu.memory_space<vmem>> -> memref<128xi32, #tpu.memory_space<vmem>>
    %dma_wait3A_1327 = arith.constant 0 : i32
    %dma_wait3A_1328 = arith.constant 0 : i32
    %dma_wait3A_1329 = tpu.memref_slice %arg3[%dma_wait3A_1327, %dma_wait3A_1328] : memref<1000000x64xf32, #tpu.memory_space<hbm>> -> memref<1000000x64xf32, #tpu.memory_space<hbm>>
    %dma_wait3A_1330 = tpu.memref_slice %arg12[%dma_wait3A_1324] : memref<6x!tpu.dma_semaphore, #tpu.memory_space<semaphore_mem>> -> memref<1x!tpu.dma_semaphore, #tpu.memory_space<semaphore_mem>>
    %dma_wait3A_1331 = tpu.memref_squeeze %dma_wait3A_1330 : memref<1x!tpu.dma_semaphore, #tpu.memory_space<semaphore_mem>> -> memref<!tpu.dma_semaphore, #tpu.memory_space<semaphore_mem>>
    tpu.wait_indirect_dma semaphore(%dma_wait3A_1331 : memref<!tpu.dma_semaphore, #tpu.memory_space<semaphore_mem>>) src(%dma_wait3A_1329 : memref<1000000x64xf32, #tpu.memory_space<hbm>>) dst(%arg8 : memref<128x64xf32, #tpu.memory_space<vmem>>)
    %add3A_1332 = arith.constant 4864 : i32
    %add3A_1333 = arith.addi %mul3A_2, %add3A_1332 : i32
    %dma_start3A_1334 = arith.constant 2 : i32
    %dma_start3A_1335 = arith.constant 0 : i32
    %dma_start3A_1336 = tpu.memref_slice %arg4[%add3A_1333, %dma_start3A_1335] : memref<204800x64xf32, #tpu.memory_space<hbm>> -> memref<128x64xf32, #tpu.memory_space<hbm>>
    %dma_start3A_1337 = tpu.memref_slice %arg13[%dma_start3A_1334] : memref<6x!tpu.dma_semaphore, #tpu.memory_space<semaphore_mem>> -> memref<1x!tpu.dma_semaphore, #tpu.memory_space<semaphore_mem>>
    %dma_start3A_1338 = tpu.memref_squeeze %dma_start3A_1337 : memref<1x!tpu.dma_semaphore, #tpu.memory_space<semaphore_mem>> -> memref<!tpu.dma_semaphore, #tpu.memory_space<semaphore_mem>>
    %dma_start3A_1339 = arith.constant 0 : i32
    %dma_start3A_1340 = tpu.memref_slice %arg4[%add3A_1333, %dma_start3A_1339] : memref<204800x64xf32, #tpu.memory_space<hbm>> -> memref<128x64xf32, #tpu.memory_space<hbm>>
    tpu.enqueue_dma source(%arg8 : memref<128x64xf32, #tpu.memory_space<vmem>>) target(%dma_start3A_1340 : memref<128x64xf32, #tpu.memory_space<hbm>>) target_semaphore(%dma_start3A_1338 : memref<!tpu.dma_semaphore, #tpu.memory_space<semaphore_mem>>)
    %add3A_1341 = arith.constant 4736 : i32
    %add3A_1342 = arith.addi %mul3A_2, %add3A_1341 : i32
    %dma_wait3A_1343 = arith.constant 1 : i32
    %dma_wait3A_1344 = arith.constant 0 : i32
    %dma_wait3A_1345 = tpu.memref_slice %arg4[%add3A_1342, %dma_wait3A_1344] : memref<204800x64xf32, #tpu.memory_space<hbm>> -> memref<128x64xf32, #tpu.memory_space<hbm>>
    %dma_wait3A_1346 = tpu.memref_slice %arg13[%dma_wait3A_1343] : memref<6x!tpu.dma_semaphore, #tpu.memory_space<semaphore_mem>> -> memref<1x!tpu.dma_semaphore, #tpu.memory_space<semaphore_mem>>
    %dma_wait3A_1347 = tpu.memref_squeeze %dma_wait3A_1346 : memref<1x!tpu.dma_semaphore, #tpu.memory_space<semaphore_mem>> -> memref<!tpu.dma_semaphore, #tpu.memory_space<semaphore_mem>>
    %dma_wait3A_1348 = arith.constant 0 : i32
    %dma_wait3A_1349 = tpu.memref_slice %arg4[%add3A_1342, %dma_wait3A_1348] : memref<204800x64xf32, #tpu.memory_space<hbm>> -> memref<128x64xf32, #tpu.memory_space<hbm>>
    tpu.wait_dma2 semaphore(%dma_wait3A_1347 : memref<!tpu.dma_semaphore, #tpu.memory_space<semaphore_mem>>) src(%arg7 : memref<128x64xf32, #tpu.memory_space<vmem>>) dst(%dma_wait3A_1349 : memref<128x64xf32, #tpu.memory_space<hbm>>)
    %dma_start3A_1350 = arith.constant 1 : i32
    %dma_start3A_1351 = arith.constant 5504 : i32
    %dma_start3A_1352 = tpu.memref_slice %arg5[%dma_start3A_1351] : memref<6400xi32, #tpu.memory_space<vmem>> -> memref<128xi32, #tpu.memory_space<vmem>>
    %dma_start3A_1353 = arith.constant 0 : i32
    %dma_start3A_1354 = arith.constant 0 : i32
    %dma_start3A_1355 = tpu.memref_slice %arg3[%dma_start3A_1353, %dma_start3A_1354] : memref<1000000x64xf32, #tpu.memory_space<hbm>> -> memref<1000000x64xf32, #tpu.memory_space<hbm>>
    %dma_start3A_1356 = tpu.memref_slice %arg12[%dma_start3A_1350] : memref<6x!tpu.dma_semaphore, #tpu.memory_space<semaphore_mem>> -> memref<1x!tpu.dma_semaphore, #tpu.memory_space<semaphore_mem>>
    %dma_start3A_1357 = tpu.memref_squeeze %dma_start3A_1356 : memref<1x!tpu.dma_semaphore, #tpu.memory_space<semaphore_mem>> -> memref<!tpu.dma_semaphore, #tpu.memory_space<semaphore_mem>>
    tpu.enqueue_indirect_dma source(%dma_start3A_1355 : memref<1000000x64xf32, #tpu.memory_space<hbm>>) target(%arg7 : memref<128x64xf32, #tpu.memory_space<vmem>>) offsets(%dma_start3A_1352 : memref<128xi32, #tpu.memory_space<vmem>>) semaphore(%dma_start3A_1357 : memref<!tpu.dma_semaphore, #tpu.memory_space<semaphore_mem>>)
    %dma_wait3A_1358 = arith.constant 3 : i32
    %dma_wait3A_1359 = arith.constant 4992 : i32
    %dma_wait3A_1360 = tpu.memref_slice %arg5[%dma_wait3A_1359] : memref<6400xi32, #tpu.memory_space<vmem>> -> memref<128xi32, #tpu.memory_space<vmem>>
    %dma_wait3A_1361 = arith.constant 0 : i32
    %dma_wait3A_1362 = arith.constant 0 : i32
    %dma_wait3A_1363 = tpu.memref_slice %arg3[%dma_wait3A_1361, %dma_wait3A_1362] : memref<1000000x64xf32, #tpu.memory_space<hbm>> -> memref<1000000x64xf32, #tpu.memory_space<hbm>>
    %dma_wait3A_1364 = tpu.memref_slice %arg12[%dma_wait3A_1358] : memref<6x!tpu.dma_semaphore, #tpu.memory_space<semaphore_mem>> -> memref<1x!tpu.dma_semaphore, #tpu.memory_space<semaphore_mem>>
    %dma_wait3A_1365 = tpu.memref_squeeze %dma_wait3A_1364 : memref<1x!tpu.dma_semaphore, #tpu.memory_space<semaphore_mem>> -> memref<!tpu.dma_semaphore, #tpu.memory_space<semaphore_mem>>
    tpu.wait_indirect_dma semaphore(%dma_wait3A_1365 : memref<!tpu.dma_semaphore, #tpu.memory_space<semaphore_mem>>) src(%dma_wait3A_1363 : memref<1000000x64xf32, #tpu.memory_space<hbm>>) dst(%arg9 : memref<128x64xf32, #tpu.memory_space<vmem>>)
    %add3A_1366 = arith.constant 4992 : i32
    %add3A_1367 = arith.addi %mul3A_2, %add3A_1366 : i32
    %dma_start3A_1368 = arith.constant 3 : i32
    %dma_start3A_1369 = arith.constant 0 : i32
    %dma_start3A_1370 = tpu.memref_slice %arg4[%add3A_1367, %dma_start3A_1369] : memref<204800x64xf32, #tpu.memory_space<hbm>> -> memref<128x64xf32, #tpu.memory_space<hbm>>
    %dma_start3A_1371 = tpu.memref_slice %arg13[%dma_start3A_1368] : memref<6x!tpu.dma_semaphore, #tpu.memory_space<semaphore_mem>> -> memref<1x!tpu.dma_semaphore, #tpu.memory_space<semaphore_mem>>
    %dma_start3A_1372 = tpu.memref_squeeze %dma_start3A_1371 : memref<1x!tpu.dma_semaphore, #tpu.memory_space<semaphore_mem>> -> memref<!tpu.dma_semaphore, #tpu.memory_space<semaphore_mem>>
    %dma_start3A_1373 = arith.constant 0 : i32
    %dma_start3A_1374 = tpu.memref_slice %arg4[%add3A_1367, %dma_start3A_1373] : memref<204800x64xf32, #tpu.memory_space<hbm>> -> memref<128x64xf32, #tpu.memory_space<hbm>>
    tpu.enqueue_dma source(%arg9 : memref<128x64xf32, #tpu.memory_space<vmem>>) target(%dma_start3A_1374 : memref<128x64xf32, #tpu.memory_space<hbm>>) target_semaphore(%dma_start3A_1372 : memref<!tpu.dma_semaphore, #tpu.memory_space<semaphore_mem>>)
    %add3A_1375 = arith.constant 4864 : i32
    %add3A_1376 = arith.addi %mul3A_2, %add3A_1375 : i32
    %dma_wait3A_1377 = arith.constant 2 : i32
    %dma_wait3A_1378 = arith.constant 0 : i32
    %dma_wait3A_1379 = tpu.memref_slice %arg4[%add3A_1376, %dma_wait3A_1378] : memref<204800x64xf32, #tpu.memory_space<hbm>> -> memref<128x64xf32, #tpu.memory_space<hbm>>
    %dma_wait3A_1380 = tpu.memref_slice %arg13[%dma_wait3A_1377] : memref<6x!tpu.dma_semaphore, #tpu.memory_space<semaphore_mem>> -> memref<1x!tpu.dma_semaphore, #tpu.memory_space<semaphore_mem>>
    %dma_wait3A_1381 = tpu.memref_squeeze %dma_wait3A_1380 : memref<1x!tpu.dma_semaphore, #tpu.memory_space<semaphore_mem>> -> memref<!tpu.dma_semaphore, #tpu.memory_space<semaphore_mem>>
    %dma_wait3A_1382 = arith.constant 0 : i32
    %dma_wait3A_1383 = tpu.memref_slice %arg4[%add3A_1376, %dma_wait3A_1382] : memref<204800x64xf32, #tpu.memory_space<hbm>> -> memref<128x64xf32, #tpu.memory_space<hbm>>
    tpu.wait_dma2 semaphore(%dma_wait3A_1381 : memref<!tpu.dma_semaphore, #tpu.memory_space<semaphore_mem>>) src(%arg8 : memref<128x64xf32, #tpu.memory_space<vmem>>) dst(%dma_wait3A_1383 : memref<128x64xf32, #tpu.memory_space<hbm>>)
    %dma_start3A_1384 = arith.constant 2 : i32
    %dma_start3A_1385 = arith.constant 5632 : i32
    %dma_start3A_1386 = tpu.memref_slice %arg5[%dma_start3A_1385] : memref<6400xi32, #tpu.memory_space<vmem>> -> memref<128xi32, #tpu.memory_space<vmem>>
    %dma_start3A_1387 = arith.constant 0 : i32
    %dma_start3A_1388 = arith.constant 0 : i32
    %dma_start3A_1389 = tpu.memref_slice %arg3[%dma_start3A_1387, %dma_start3A_1388] : memref<1000000x64xf32, #tpu.memory_space<hbm>> -> memref<1000000x64xf32, #tpu.memory_space<hbm>>
    %dma_start3A_1390 = tpu.memref_slice %arg12[%dma_start3A_1384] : memref<6x!tpu.dma_semaphore, #tpu.memory_space<semaphore_mem>> -> memref<1x!tpu.dma_semaphore, #tpu.memory_space<semaphore_mem>>
    %dma_start3A_1391 = tpu.memref_squeeze %dma_start3A_1390 : memref<1x!tpu.dma_semaphore, #tpu.memory_space<semaphore_mem>> -> memref<!tpu.dma_semaphore, #tpu.memory_space<semaphore_mem>>
    tpu.enqueue_indirect_dma source(%dma_start3A_1389 : memref<1000000x64xf32, #tpu.memory_space<hbm>>) target(%arg8 : memref<128x64xf32, #tpu.memory_space<vmem>>) offsets(%dma_start3A_1386 : memref<128xi32, #tpu.memory_space<vmem>>) semaphore(%dma_start3A_1391 : memref<!tpu.dma_semaphore, #tpu.memory_space<semaphore_mem>>)
    %dma_wait3A_1392 = arith.constant 4 : i32
    %dma_wait3A_1393 = arith.constant 5120 : i32
    %dma_wait3A_1394 = tpu.memref_slice %arg5[%dma_wait3A_1393] : memref<6400xi32, #tpu.memory_space<vmem>> -> memref<128xi32, #tpu.memory_space<vmem>>
    %dma_wait3A_1395 = arith.constant 0 : i32
    %dma_wait3A_1396 = arith.constant 0 : i32
    %dma_wait3A_1397 = tpu.memref_slice %arg3[%dma_wait3A_1395, %dma_wait3A_1396] : memref<1000000x64xf32, #tpu.memory_space<hbm>> -> memref<1000000x64xf32, #tpu.memory_space<hbm>>
    %dma_wait3A_1398 = tpu.memref_slice %arg12[%dma_wait3A_1392] : memref<6x!tpu.dma_semaphore, #tpu.memory_space<semaphore_mem>> -> memref<1x!tpu.dma_semaphore, #tpu.memory_space<semaphore_mem>>
    %dma_wait3A_1399 = tpu.memref_squeeze %dma_wait3A_1398 : memref<1x!tpu.dma_semaphore, #tpu.memory_space<semaphore_mem>> -> memref<!tpu.dma_semaphore, #tpu.memory_space<semaphore_mem>>
    tpu.wait_indirect_dma semaphore(%dma_wait3A_1399 : memref<!tpu.dma_semaphore, #tpu.memory_space<semaphore_mem>>) src(%dma_wait3A_1397 : memref<1000000x64xf32, #tpu.memory_space<hbm>>) dst(%arg10 : memref<128x64xf32, #tpu.memory_space<vmem>>)
    %add3A_1400 = arith.constant 5120 : i32
    %add3A_1401 = arith.addi %mul3A_2, %add3A_1400 : i32
    %dma_start3A_1402 = arith.constant 4 : i32
    %dma_start3A_1403 = arith.constant 0 : i32
    %dma_start3A_1404 = tpu.memref_slice %arg4[%add3A_1401, %dma_start3A_1403] : memref<204800x64xf32, #tpu.memory_space<hbm>> -> memref<128x64xf32, #tpu.memory_space<hbm>>
    %dma_start3A_1405 = tpu.memref_slice %arg13[%dma_start3A_1402] : memref<6x!tpu.dma_semaphore, #tpu.memory_space<semaphore_mem>> -> memref<1x!tpu.dma_semaphore, #tpu.memory_space<semaphore_mem>>
    %dma_start3A_1406 = tpu.memref_squeeze %dma_start3A_1405 : memref<1x!tpu.dma_semaphore, #tpu.memory_space<semaphore_mem>> -> memref<!tpu.dma_semaphore, #tpu.memory_space<semaphore_mem>>
    %dma_start3A_1407 = arith.constant 0 : i32
    %dma_start3A_1408 = tpu.memref_slice %arg4[%add3A_1401, %dma_start3A_1407] : memref<204800x64xf32, #tpu.memory_space<hbm>> -> memref<128x64xf32, #tpu.memory_space<hbm>>
    tpu.enqueue_dma source(%arg10 : memref<128x64xf32, #tpu.memory_space<vmem>>) target(%dma_start3A_1408 : memref<128x64xf32, #tpu.memory_space<hbm>>) target_semaphore(%dma_start3A_1406 : memref<!tpu.dma_semaphore, #tpu.memory_space<semaphore_mem>>)
    %add3A_1409 = arith.constant 4992 : i32
    %add3A_1410 = arith.addi %mul3A_2, %add3A_1409 : i32
    %dma_wait3A_1411 = arith.constant 3 : i32
    %dma_wait3A_1412 = arith.constant 0 : i32
    %dma_wait3A_1413 = tpu.memref_slice %arg4[%add3A_1410, %dma_wait3A_1412] : memref<204800x64xf32, #tpu.memory_space<hbm>> -> memref<128x64xf32, #tpu.memory_space<hbm>>
    %dma_wait3A_1414 = tpu.memref_slice %arg13[%dma_wait3A_1411] : memref<6x!tpu.dma_semaphore, #tpu.memory_space<semaphore_mem>> -> memref<1x!tpu.dma_semaphore, #tpu.memory_space<semaphore_mem>>
    %dma_wait3A_1415 = tpu.memref_squeeze %dma_wait3A_1414 : memref<1x!tpu.dma_semaphore, #tpu.memory_space<semaphore_mem>> -> memref<!tpu.dma_semaphore, #tpu.memory_space<semaphore_mem>>
    %dma_wait3A_1416 = arith.constant 0 : i32
    %dma_wait3A_1417 = tpu.memref_slice %arg4[%add3A_1410, %dma_wait3A_1416] : memref<204800x64xf32, #tpu.memory_space<hbm>> -> memref<128x64xf32, #tpu.memory_space<hbm>>
    tpu.wait_dma2 semaphore(%dma_wait3A_1415 : memref<!tpu.dma_semaphore, #tpu.memory_space<semaphore_mem>>) src(%arg9 : memref<128x64xf32, #tpu.memory_space<vmem>>) dst(%dma_wait3A_1417 : memref<128x64xf32, #tpu.memory_space<hbm>>)
    %dma_start3A_1418 = arith.constant 3 : i32
    %dma_start3A_1419 = arith.constant 5760 : i32
    %dma_start3A_1420 = tpu.memref_slice %arg5[%dma_start3A_1419] : memref<6400xi32, #tpu.memory_space<vmem>> -> memref<128xi32, #tpu.memory_space<vmem>>
    %dma_start3A_1421 = arith.constant 0 : i32
    %dma_start3A_1422 = arith.constant 0 : i32
    %dma_start3A_1423 = tpu.memref_slice %arg3[%dma_start3A_1421, %dma_start3A_1422] : memref<1000000x64xf32, #tpu.memory_space<hbm>> -> memref<1000000x64xf32, #tpu.memory_space<hbm>>
    %dma_start3A_1424 = tpu.memref_slice %arg12[%dma_start3A_1418] : memref<6x!tpu.dma_semaphore, #tpu.memory_space<semaphore_mem>> -> memref<1x!tpu.dma_semaphore, #tpu.memory_space<semaphore_mem>>
    %dma_start3A_1425 = tpu.memref_squeeze %dma_start3A_1424 : memref<1x!tpu.dma_semaphore, #tpu.memory_space<semaphore_mem>> -> memref<!tpu.dma_semaphore, #tpu.memory_space<semaphore_mem>>
    tpu.enqueue_indirect_dma source(%dma_start3A_1423 : memref<1000000x64xf32, #tpu.memory_space<hbm>>) target(%arg9 : memref<128x64xf32, #tpu.memory_space<vmem>>) offsets(%dma_start3A_1420 : memref<128xi32, #tpu.memory_space<vmem>>) semaphore(%dma_start3A_1425 : memref<!tpu.dma_semaphore, #tpu.memory_space<semaphore_mem>>)
    %dma_wait3A_1426 = arith.constant 5 : i32
    %dma_wait3A_1427 = arith.constant 5248 : i32
    %dma_wait3A_1428 = tpu.memref_slice %arg5[%dma_wait3A_1427] : memref<6400xi32, #tpu.memory_space<vmem>> -> memref<128xi32, #tpu.memory_space<vmem>>
    %dma_wait3A_1429 = arith.constant 0 : i32
    %dma_wait3A_1430 = arith.constant 0 : i32
    %dma_wait3A_1431 = tpu.memref_slice %arg3[%dma_wait3A_1429, %dma_wait3A_1430] : memref<1000000x64xf32, #tpu.memory_space<hbm>> -> memref<1000000x64xf32, #tpu.memory_space<hbm>>
    %dma_wait3A_1432 = tpu.memref_slice %arg12[%dma_wait3A_1426] : memref<6x!tpu.dma_semaphore, #tpu.memory_space<semaphore_mem>> -> memref<1x!tpu.dma_semaphore, #tpu.memory_space<semaphore_mem>>
    %dma_wait3A_1433 = tpu.memref_squeeze %dma_wait3A_1432 : memref<1x!tpu.dma_semaphore, #tpu.memory_space<semaphore_mem>> -> memref<!tpu.dma_semaphore, #tpu.memory_space<semaphore_mem>>
    tpu.wait_indirect_dma semaphore(%dma_wait3A_1433 : memref<!tpu.dma_semaphore, #tpu.memory_space<semaphore_mem>>) src(%dma_wait3A_1431 : memref<1000000x64xf32, #tpu.memory_space<hbm>>) dst(%arg11 : memref<128x64xf32, #tpu.memory_space<vmem>>)
    %add3A_1434 = arith.constant 5248 : i32
    %add3A_1435 = arith.addi %mul3A_2, %add3A_1434 : i32
    %dma_start3A_1436 = arith.constant 5 : i32
    %dma_start3A_1437 = arith.constant 0 : i32
    %dma_start3A_1438 = tpu.memref_slice %arg4[%add3A_1435, %dma_start3A_1437] : memref<204800x64xf32, #tpu.memory_space<hbm>> -> memref<128x64xf32, #tpu.memory_space<hbm>>
    %dma_start3A_1439 = tpu.memref_slice %arg13[%dma_start3A_1436] : memref<6x!tpu.dma_semaphore, #tpu.memory_space<semaphore_mem>> -> memref<1x!tpu.dma_semaphore, #tpu.memory_space<semaphore_mem>>
    %dma_start3A_1440 = tpu.memref_squeeze %dma_start3A_1439 : memref<1x!tpu.dma_semaphore, #tpu.memory_space<semaphore_mem>> -> memref<!tpu.dma_semaphore, #tpu.memory_space<semaphore_mem>>
    %dma_start3A_1441 = arith.constant 0 : i32
    %dma_start3A_1442 = tpu.memref_slice %arg4[%add3A_1435, %dma_start3A_1441] : memref<204800x64xf32, #tpu.memory_space<hbm>> -> memref<128x64xf32, #tpu.memory_space<hbm>>
    tpu.enqueue_dma source(%arg11 : memref<128x64xf32, #tpu.memory_space<vmem>>) target(%dma_start3A_1442 : memref<128x64xf32, #tpu.memory_space<hbm>>) target_semaphore(%dma_start3A_1440 : memref<!tpu.dma_semaphore, #tpu.memory_space<semaphore_mem>>)
    %add3A_1443 = arith.constant 5120 : i32
    %add3A_1444 = arith.addi %mul3A_2, %add3A_1443 : i32
    %dma_wait3A_1445 = arith.constant 4 : i32
    %dma_wait3A_1446 = arith.constant 0 : i32
    %dma_wait3A_1447 = tpu.memref_slice %arg4[%add3A_1444, %dma_wait3A_1446] : memref<204800x64xf32, #tpu.memory_space<hbm>> -> memref<128x64xf32, #tpu.memory_space<hbm>>
    %dma_wait3A_1448 = tpu.memref_slice %arg13[%dma_wait3A_1445] : memref<6x!tpu.dma_semaphore, #tpu.memory_space<semaphore_mem>> -> memref<1x!tpu.dma_semaphore, #tpu.memory_space<semaphore_mem>>
    %dma_wait3A_1449 = tpu.memref_squeeze %dma_wait3A_1448 : memref<1x!tpu.dma_semaphore, #tpu.memory_space<semaphore_mem>> -> memref<!tpu.dma_semaphore, #tpu.memory_space<semaphore_mem>>
    %dma_wait3A_1450 = arith.constant 0 : i32
    %dma_wait3A_1451 = tpu.memref_slice %arg4[%add3A_1444, %dma_wait3A_1450] : memref<204800x64xf32, #tpu.memory_space<hbm>> -> memref<128x64xf32, #tpu.memory_space<hbm>>
    tpu.wait_dma2 semaphore(%dma_wait3A_1449 : memref<!tpu.dma_semaphore, #tpu.memory_space<semaphore_mem>>) src(%arg10 : memref<128x64xf32, #tpu.memory_space<vmem>>) dst(%dma_wait3A_1451 : memref<128x64xf32, #tpu.memory_space<hbm>>)
    %dma_start3A_1452 = arith.constant 4 : i32
    %dma_start3A_1453 = arith.constant 5888 : i32
    %dma_start3A_1454 = tpu.memref_slice %arg5[%dma_start3A_1453] : memref<6400xi32, #tpu.memory_space<vmem>> -> memref<128xi32, #tpu.memory_space<vmem>>
    %dma_start3A_1455 = arith.constant 0 : i32
    %dma_start3A_1456 = arith.constant 0 : i32
    %dma_start3A_1457 = tpu.memref_slice %arg3[%dma_start3A_1455, %dma_start3A_1456] : memref<1000000x64xf32, #tpu.memory_space<hbm>> -> memref<1000000x64xf32, #tpu.memory_space<hbm>>
    %dma_start3A_1458 = tpu.memref_slice %arg12[%dma_start3A_1452] : memref<6x!tpu.dma_semaphore, #tpu.memory_space<semaphore_mem>> -> memref<1x!tpu.dma_semaphore, #tpu.memory_space<semaphore_mem>>
    %dma_start3A_1459 = tpu.memref_squeeze %dma_start3A_1458 : memref<1x!tpu.dma_semaphore, #tpu.memory_space<semaphore_mem>> -> memref<!tpu.dma_semaphore, #tpu.memory_space<semaphore_mem>>
    tpu.enqueue_indirect_dma source(%dma_start3A_1457 : memref<1000000x64xf32, #tpu.memory_space<hbm>>) target(%arg10 : memref<128x64xf32, #tpu.memory_space<vmem>>) offsets(%dma_start3A_1454 : memref<128xi32, #tpu.memory_space<vmem>>) semaphore(%dma_start3A_1459 : memref<!tpu.dma_semaphore, #tpu.memory_space<semaphore_mem>>)
    %dma_wait3A_1460 = arith.constant 0 : i32
    %dma_wait3A_1461 = arith.constant 5376 : i32
    %dma_wait3A_1462 = tpu.memref_slice %arg5[%dma_wait3A_1461] : memref<6400xi32, #tpu.memory_space<vmem>> -> memref<128xi32, #tpu.memory_space<vmem>>
    %dma_wait3A_1463 = arith.constant 0 : i32
    %dma_wait3A_1464 = arith.constant 0 : i32
    %dma_wait3A_1465 = tpu.memref_slice %arg3[%dma_wait3A_1463, %dma_wait3A_1464] : memref<1000000x64xf32, #tpu.memory_space<hbm>> -> memref<1000000x64xf32, #tpu.memory_space<hbm>>
    %dma_wait3A_1466 = tpu.memref_slice %arg12[%dma_wait3A_1460] : memref<6x!tpu.dma_semaphore, #tpu.memory_space<semaphore_mem>> -> memref<1x!tpu.dma_semaphore, #tpu.memory_space<semaphore_mem>>
    %dma_wait3A_1467 = tpu.memref_squeeze %dma_wait3A_1466 : memref<1x!tpu.dma_semaphore, #tpu.memory_space<semaphore_mem>> -> memref<!tpu.dma_semaphore, #tpu.memory_space<semaphore_mem>>
    tpu.wait_indirect_dma semaphore(%dma_wait3A_1467 : memref<!tpu.dma_semaphore, #tpu.memory_space<semaphore_mem>>) src(%dma_wait3A_1465 : memref<1000000x64xf32, #tpu.memory_space<hbm>>) dst(%arg6 : memref<128x64xf32, #tpu.memory_space<vmem>>)
    %add3A_1468 = arith.constant 5376 : i32
    %add3A_1469 = arith.addi %mul3A_2, %add3A_1468 : i32
    %dma_start3A_1470 = arith.constant 0 : i32
    %dma_start3A_1471 = arith.constant 0 : i32
    %dma_start3A_1472 = tpu.memref_slice %arg4[%add3A_1469, %dma_start3A_1471] : memref<204800x64xf32, #tpu.memory_space<hbm>> -> memref<128x64xf32, #tpu.memory_space<hbm>>
    %dma_start3A_1473 = tpu.memref_slice %arg13[%dma_start3A_1470] : memref<6x!tpu.dma_semaphore, #tpu.memory_space<semaphore_mem>> -> memref<1x!tpu.dma_semaphore, #tpu.memory_space<semaphore_mem>>
    %dma_start3A_1474 = tpu.memref_squeeze %dma_start3A_1473 : memref<1x!tpu.dma_semaphore, #tpu.memory_space<semaphore_mem>> -> memref<!tpu.dma_semaphore, #tpu.memory_space<semaphore_mem>>
    %dma_start3A_1475 = arith.constant 0 : i32
    %dma_start3A_1476 = tpu.memref_slice %arg4[%add3A_1469, %dma_start3A_1475] : memref<204800x64xf32, #tpu.memory_space<hbm>> -> memref<128x64xf32, #tpu.memory_space<hbm>>
    tpu.enqueue_dma source(%arg6 : memref<128x64xf32, #tpu.memory_space<vmem>>) target(%dma_start3A_1476 : memref<128x64xf32, #tpu.memory_space<hbm>>) target_semaphore(%dma_start3A_1474 : memref<!tpu.dma_semaphore, #tpu.memory_space<semaphore_mem>>)
    %add3A_1477 = arith.constant 5248 : i32
    %add3A_1478 = arith.addi %mul3A_2, %add3A_1477 : i32
    %dma_wait3A_1479 = arith.constant 5 : i32
    %dma_wait3A_1480 = arith.constant 0 : i32
    %dma_wait3A_1481 = tpu.memref_slice %arg4[%add3A_1478, %dma_wait3A_1480] : memref<204800x64xf32, #tpu.memory_space<hbm>> -> memref<128x64xf32, #tpu.memory_space<hbm>>
    %dma_wait3A_1482 = tpu.memref_slice %arg13[%dma_wait3A_1479] : memref<6x!tpu.dma_semaphore, #tpu.memory_space<semaphore_mem>> -> memref<1x!tpu.dma_semaphore, #tpu.memory_space<semaphore_mem>>
    %dma_wait3A_1483 = tpu.memref_squeeze %dma_wait3A_1482 : memref<1x!tpu.dma_semaphore, #tpu.memory_space<semaphore_mem>> -> memref<!tpu.dma_semaphore, #tpu.memory_space<semaphore_mem>>
    %dma_wait3A_1484 = arith.constant 0 : i32
    %dma_wait3A_1485 = tpu.memref_slice %arg4[%add3A_1478, %dma_wait3A_1484] : memref<204800x64xf32, #tpu.memory_space<hbm>> -> memref<128x64xf32, #tpu.memory_space<hbm>>
    tpu.wait_dma2 semaphore(%dma_wait3A_1483 : memref<!tpu.dma_semaphore, #tpu.memory_space<semaphore_mem>>) src(%arg11 : memref<128x64xf32, #tpu.memory_space<vmem>>) dst(%dma_wait3A_1485 : memref<128x64xf32, #tpu.memory_space<hbm>>)
    %dma_start3A_1486 = arith.constant 5 : i32
    %dma_start3A_1487 = arith.constant 6016 : i32
    %dma_start3A_1488 = tpu.memref_slice %arg5[%dma_start3A_1487] : memref<6400xi32, #tpu.memory_space<vmem>> -> memref<128xi32, #tpu.memory_space<vmem>>
    %dma_start3A_1489 = arith.constant 0 : i32
    %dma_start3A_1490 = arith.constant 0 : i32
    %dma_start3A_1491 = tpu.memref_slice %arg3[%dma_start3A_1489, %dma_start3A_1490] : memref<1000000x64xf32, #tpu.memory_space<hbm>> -> memref<1000000x64xf32, #tpu.memory_space<hbm>>
    %dma_start3A_1492 = tpu.memref_slice %arg12[%dma_start3A_1486] : memref<6x!tpu.dma_semaphore, #tpu.memory_space<semaphore_mem>> -> memref<1x!tpu.dma_semaphore, #tpu.memory_space<semaphore_mem>>
    %dma_start3A_1493 = tpu.memref_squeeze %dma_start3A_1492 : memref<1x!tpu.dma_semaphore, #tpu.memory_space<semaphore_mem>> -> memref<!tpu.dma_semaphore, #tpu.memory_space<semaphore_mem>>
    tpu.enqueue_indirect_dma source(%dma_start3A_1491 : memref<1000000x64xf32, #tpu.memory_space<hbm>>) target(%arg11 : memref<128x64xf32, #tpu.memory_space<vmem>>) offsets(%dma_start3A_1488 : memref<128xi32, #tpu.memory_space<vmem>>) semaphore(%dma_start3A_1493 : memref<!tpu.dma_semaphore, #tpu.memory_space<semaphore_mem>>)
    %dma_wait3A_1494 = arith.constant 1 : i32
    %dma_wait3A_1495 = arith.constant 5504 : i32
    %dma_wait3A_1496 = tpu.memref_slice %arg5[%dma_wait3A_1495] : memref<6400xi32, #tpu.memory_space<vmem>> -> memref<128xi32, #tpu.memory_space<vmem>>
    %dma_wait3A_1497 = arith.constant 0 : i32
    %dma_wait3A_1498 = arith.constant 0 : i32
    %dma_wait3A_1499 = tpu.memref_slice %arg3[%dma_wait3A_1497, %dma_wait3A_1498] : memref<1000000x64xf32, #tpu.memory_space<hbm>> -> memref<1000000x64xf32, #tpu.memory_space<hbm>>
    %dma_wait3A_1500 = tpu.memref_slice %arg12[%dma_wait3A_1494] : memref<6x!tpu.dma_semaphore, #tpu.memory_space<semaphore_mem>> -> memref<1x!tpu.dma_semaphore, #tpu.memory_space<semaphore_mem>>
    %dma_wait3A_1501 = tpu.memref_squeeze %dma_wait3A_1500 : memref<1x!tpu.dma_semaphore, #tpu.memory_space<semaphore_mem>> -> memref<!tpu.dma_semaphore, #tpu.memory_space<semaphore_mem>>
    tpu.wait_indirect_dma semaphore(%dma_wait3A_1501 : memref<!tpu.dma_semaphore, #tpu.memory_space<semaphore_mem>>) src(%dma_wait3A_1499 : memref<1000000x64xf32, #tpu.memory_space<hbm>>) dst(%arg7 : memref<128x64xf32, #tpu.memory_space<vmem>>)
    %add3A_1502 = arith.constant 5504 : i32
    %add3A_1503 = arith.addi %mul3A_2, %add3A_1502 : i32
    %dma_start3A_1504 = arith.constant 1 : i32
    %dma_start3A_1505 = arith.constant 0 : i32
    %dma_start3A_1506 = tpu.memref_slice %arg4[%add3A_1503, %dma_start3A_1505] : memref<204800x64xf32, #tpu.memory_space<hbm>> -> memref<128x64xf32, #tpu.memory_space<hbm>>
    %dma_start3A_1507 = tpu.memref_slice %arg13[%dma_start3A_1504] : memref<6x!tpu.dma_semaphore, #tpu.memory_space<semaphore_mem>> -> memref<1x!tpu.dma_semaphore, #tpu.memory_space<semaphore_mem>>
    %dma_start3A_1508 = tpu.memref_squeeze %dma_start3A_1507 : memref<1x!tpu.dma_semaphore, #tpu.memory_space<semaphore_mem>> -> memref<!tpu.dma_semaphore, #tpu.memory_space<semaphore_mem>>
    %dma_start3A_1509 = arith.constant 0 : i32
    %dma_start3A_1510 = tpu.memref_slice %arg4[%add3A_1503, %dma_start3A_1509] : memref<204800x64xf32, #tpu.memory_space<hbm>> -> memref<128x64xf32, #tpu.memory_space<hbm>>
    tpu.enqueue_dma source(%arg7 : memref<128x64xf32, #tpu.memory_space<vmem>>) target(%dma_start3A_1510 : memref<128x64xf32, #tpu.memory_space<hbm>>) target_semaphore(%dma_start3A_1508 : memref<!tpu.dma_semaphore, #tpu.memory_space<semaphore_mem>>)
    %add3A_1511 = arith.constant 5376 : i32
    %add3A_1512 = arith.addi %mul3A_2, %add3A_1511 : i32
    %dma_wait3A_1513 = arith.constant 0 : i32
    %dma_wait3A_1514 = arith.constant 0 : i32
    %dma_wait3A_1515 = tpu.memref_slice %arg4[%add3A_1512, %dma_wait3A_1514] : memref<204800x64xf32, #tpu.memory_space<hbm>> -> memref<128x64xf32, #tpu.memory_space<hbm>>
    %dma_wait3A_1516 = tpu.memref_slice %arg13[%dma_wait3A_1513] : memref<6x!tpu.dma_semaphore, #tpu.memory_space<semaphore_mem>> -> memref<1x!tpu.dma_semaphore, #tpu.memory_space<semaphore_mem>>
    %dma_wait3A_1517 = tpu.memref_squeeze %dma_wait3A_1516 : memref<1x!tpu.dma_semaphore, #tpu.memory_space<semaphore_mem>> -> memref<!tpu.dma_semaphore, #tpu.memory_space<semaphore_mem>>
    %dma_wait3A_1518 = arith.constant 0 : i32
    %dma_wait3A_1519 = tpu.memref_slice %arg4[%add3A_1512, %dma_wait3A_1518] : memref<204800x64xf32, #tpu.memory_space<hbm>> -> memref<128x64xf32, #tpu.memory_space<hbm>>
    tpu.wait_dma2 semaphore(%dma_wait3A_1517 : memref<!tpu.dma_semaphore, #tpu.memory_space<semaphore_mem>>) src(%arg6 : memref<128x64xf32, #tpu.memory_space<vmem>>) dst(%dma_wait3A_1519 : memref<128x64xf32, #tpu.memory_space<hbm>>)
    %dma_start3A_1520 = arith.constant 0 : i32
    %dma_start3A_1521 = arith.constant 6144 : i32
    %dma_start3A_1522 = tpu.memref_slice %arg5[%dma_start3A_1521] : memref<6400xi32, #tpu.memory_space<vmem>> -> memref<128xi32, #tpu.memory_space<vmem>>
    %dma_start3A_1523 = arith.constant 0 : i32
    %dma_start3A_1524 = arith.constant 0 : i32
    %dma_start3A_1525 = tpu.memref_slice %arg3[%dma_start3A_1523, %dma_start3A_1524] : memref<1000000x64xf32, #tpu.memory_space<hbm>> -> memref<1000000x64xf32, #tpu.memory_space<hbm>>
    %dma_start3A_1526 = tpu.memref_slice %arg12[%dma_start3A_1520] : memref<6x!tpu.dma_semaphore, #tpu.memory_space<semaphore_mem>> -> memref<1x!tpu.dma_semaphore, #tpu.memory_space<semaphore_mem>>
    %dma_start3A_1527 = tpu.memref_squeeze %dma_start3A_1526 : memref<1x!tpu.dma_semaphore, #tpu.memory_space<semaphore_mem>> -> memref<!tpu.dma_semaphore, #tpu.memory_space<semaphore_mem>>
    tpu.enqueue_indirect_dma source(%dma_start3A_1525 : memref<1000000x64xf32, #tpu.memory_space<hbm>>) target(%arg6 : memref<128x64xf32, #tpu.memory_space<vmem>>) offsets(%dma_start3A_1522 : memref<128xi32, #tpu.memory_space<vmem>>) semaphore(%dma_start3A_1527 : memref<!tpu.dma_semaphore, #tpu.memory_space<semaphore_mem>>)
    %dma_wait3A_1528 = arith.constant 2 : i32
    %dma_wait3A_1529 = arith.constant 5632 : i32
    %dma_wait3A_1530 = tpu.memref_slice %arg5[%dma_wait3A_1529] : memref<6400xi32, #tpu.memory_space<vmem>> -> memref<128xi32, #tpu.memory_space<vmem>>
    %dma_wait3A_1531 = arith.constant 0 : i32
    %dma_wait3A_1532 = arith.constant 0 : i32
    %dma_wait3A_1533 = tpu.memref_slice %arg3[%dma_wait3A_1531, %dma_wait3A_1532] : memref<1000000x64xf32, #tpu.memory_space<hbm>> -> memref<1000000x64xf32, #tpu.memory_space<hbm>>
    %dma_wait3A_1534 = tpu.memref_slice %arg12[%dma_wait3A_1528] : memref<6x!tpu.dma_semaphore, #tpu.memory_space<semaphore_mem>> -> memref<1x!tpu.dma_semaphore, #tpu.memory_space<semaphore_mem>>
    %dma_wait3A_1535 = tpu.memref_squeeze %dma_wait3A_1534 : memref<1x!tpu.dma_semaphore, #tpu.memory_space<semaphore_mem>> -> memref<!tpu.dma_semaphore, #tpu.memory_space<semaphore_mem>>
    tpu.wait_indirect_dma semaphore(%dma_wait3A_1535 : memref<!tpu.dma_semaphore, #tpu.memory_space<semaphore_mem>>) src(%dma_wait3A_1533 : memref<1000000x64xf32, #tpu.memory_space<hbm>>) dst(%arg8 : memref<128x64xf32, #tpu.memory_space<vmem>>)
    %add3A_1536 = arith.constant 5632 : i32
    %add3A_1537 = arith.addi %mul3A_2, %add3A_1536 : i32
    %dma_start3A_1538 = arith.constant 2 : i32
    %dma_start3A_1539 = arith.constant 0 : i32
    %dma_start3A_1540 = tpu.memref_slice %arg4[%add3A_1537, %dma_start3A_1539] : memref<204800x64xf32, #tpu.memory_space<hbm>> -> memref<128x64xf32, #tpu.memory_space<hbm>>
    %dma_start3A_1541 = tpu.memref_slice %arg13[%dma_start3A_1538] : memref<6x!tpu.dma_semaphore, #tpu.memory_space<semaphore_mem>> -> memref<1x!tpu.dma_semaphore, #tpu.memory_space<semaphore_mem>>
    %dma_start3A_1542 = tpu.memref_squeeze %dma_start3A_1541 : memref<1x!tpu.dma_semaphore, #tpu.memory_space<semaphore_mem>> -> memref<!tpu.dma_semaphore, #tpu.memory_space<semaphore_mem>>
    %dma_start3A_1543 = arith.constant 0 : i32
    %dma_start3A_1544 = tpu.memref_slice %arg4[%add3A_1537, %dma_start3A_1543] : memref<204800x64xf32, #tpu.memory_space<hbm>> -> memref<128x64xf32, #tpu.memory_space<hbm>>
    tpu.enqueue_dma source(%arg8 : memref<128x64xf32, #tpu.memory_space<vmem>>) target(%dma_start3A_1544 : memref<128x64xf32, #tpu.memory_space<hbm>>) target_semaphore(%dma_start3A_1542 : memref<!tpu.dma_semaphore, #tpu.memory_space<semaphore_mem>>)
    %add3A_1545 = arith.constant 5504 : i32
    %add3A_1546 = arith.addi %mul3A_2, %add3A_1545 : i32
    %dma_wait3A_1547 = arith.constant 1 : i32
    %dma_wait3A_1548 = arith.constant 0 : i32
    %dma_wait3A_1549 = tpu.memref_slice %arg4[%add3A_1546, %dma_wait3A_1548] : memref<204800x64xf32, #tpu.memory_space<hbm>> -> memref<128x64xf32, #tpu.memory_space<hbm>>
    %dma_wait3A_1550 = tpu.memref_slice %arg13[%dma_wait3A_1547] : memref<6x!tpu.dma_semaphore, #tpu.memory_space<semaphore_mem>> -> memref<1x!tpu.dma_semaphore, #tpu.memory_space<semaphore_mem>>
    %dma_wait3A_1551 = tpu.memref_squeeze %dma_wait3A_1550 : memref<1x!tpu.dma_semaphore, #tpu.memory_space<semaphore_mem>> -> memref<!tpu.dma_semaphore, #tpu.memory_space<semaphore_mem>>
    %dma_wait3A_1552 = arith.constant 0 : i32
    %dma_wait3A_1553 = tpu.memref_slice %arg4[%add3A_1546, %dma_wait3A_1552] : memref<204800x64xf32, #tpu.memory_space<hbm>> -> memref<128x64xf32, #tpu.memory_space<hbm>>
    tpu.wait_dma2 semaphore(%dma_wait3A_1551 : memref<!tpu.dma_semaphore, #tpu.memory_space<semaphore_mem>>) src(%arg7 : memref<128x64xf32, #tpu.memory_space<vmem>>) dst(%dma_wait3A_1553 : memref<128x64xf32, #tpu.memory_space<hbm>>)
    %dma_start3A_1554 = arith.constant 1 : i32
    %dma_start3A_1555 = arith.constant 6272 : i32
    %dma_start3A_1556 = tpu.memref_slice %arg5[%dma_start3A_1555] : memref<6400xi32, #tpu.memory_space<vmem>> -> memref<128xi32, #tpu.memory_space<vmem>>
    %dma_start3A_1557 = arith.constant 0 : i32
    %dma_start3A_1558 = arith.constant 0 : i32
    %dma_start3A_1559 = tpu.memref_slice %arg3[%dma_start3A_1557, %dma_start3A_1558] : memref<1000000x64xf32, #tpu.memory_space<hbm>> -> memref<1000000x64xf32, #tpu.memory_space<hbm>>
    %dma_start3A_1560 = tpu.memref_slice %arg12[%dma_start3A_1554] : memref<6x!tpu.dma_semaphore, #tpu.memory_space<semaphore_mem>> -> memref<1x!tpu.dma_semaphore, #tpu.memory_space<semaphore_mem>>
    %dma_start3A_1561 = tpu.memref_squeeze %dma_start3A_1560 : memref<1x!tpu.dma_semaphore, #tpu.memory_space<semaphore_mem>> -> memref<!tpu.dma_semaphore, #tpu.memory_space<semaphore_mem>>
    tpu.enqueue_indirect_dma source(%dma_start3A_1559 : memref<1000000x64xf32, #tpu.memory_space<hbm>>) target(%arg7 : memref<128x64xf32, #tpu.memory_space<vmem>>) offsets(%dma_start3A_1556 : memref<128xi32, #tpu.memory_space<vmem>>) semaphore(%dma_start3A_1561 : memref<!tpu.dma_semaphore, #tpu.memory_space<semaphore_mem>>)
    %dma_wait3A_1562 = arith.constant 3 : i32
    %dma_wait3A_1563 = arith.constant 5760 : i32
    %dma_wait3A_1564 = tpu.memref_slice %arg5[%dma_wait3A_1563] : memref<6400xi32, #tpu.memory_space<vmem>> -> memref<128xi32, #tpu.memory_space<vmem>>
    %dma_wait3A_1565 = arith.constant 0 : i32
    %dma_wait3A_1566 = arith.constant 0 : i32
    %dma_wait3A_1567 = tpu.memref_slice %arg3[%dma_wait3A_1565, %dma_wait3A_1566] : memref<1000000x64xf32, #tpu.memory_space<hbm>> -> memref<1000000x64xf32, #tpu.memory_space<hbm>>
    %dma_wait3A_1568 = tpu.memref_slice %arg12[%dma_wait3A_1562] : memref<6x!tpu.dma_semaphore, #tpu.memory_space<semaphore_mem>> -> memref<1x!tpu.dma_semaphore, #tpu.memory_space<semaphore_mem>>
    %dma_wait3A_1569 = tpu.memref_squeeze %dma_wait3A_1568 : memref<1x!tpu.dma_semaphore, #tpu.memory_space<semaphore_mem>> -> memref<!tpu.dma_semaphore, #tpu.memory_space<semaphore_mem>>
    tpu.wait_indirect_dma semaphore(%dma_wait3A_1569 : memref<!tpu.dma_semaphore, #tpu.memory_space<semaphore_mem>>) src(%dma_wait3A_1567 : memref<1000000x64xf32, #tpu.memory_space<hbm>>) dst(%arg9 : memref<128x64xf32, #tpu.memory_space<vmem>>)
    %add3A_1570 = arith.constant 5760 : i32
    %add3A_1571 = arith.addi %mul3A_2, %add3A_1570 : i32
    %dma_start3A_1572 = arith.constant 3 : i32
    %dma_start3A_1573 = arith.constant 0 : i32
    %dma_start3A_1574 = tpu.memref_slice %arg4[%add3A_1571, %dma_start3A_1573] : memref<204800x64xf32, #tpu.memory_space<hbm>> -> memref<128x64xf32, #tpu.memory_space<hbm>>
    %dma_start3A_1575 = tpu.memref_slice %arg13[%dma_start3A_1572] : memref<6x!tpu.dma_semaphore, #tpu.memory_space<semaphore_mem>> -> memref<1x!tpu.dma_semaphore, #tpu.memory_space<semaphore_mem>>
    %dma_start3A_1576 = tpu.memref_squeeze %dma_start3A_1575 : memref<1x!tpu.dma_semaphore, #tpu.memory_space<semaphore_mem>> -> memref<!tpu.dma_semaphore, #tpu.memory_space<semaphore_mem>>
    %dma_start3A_1577 = arith.constant 0 : i32
    %dma_start3A_1578 = tpu.memref_slice %arg4[%add3A_1571, %dma_start3A_1577] : memref<204800x64xf32, #tpu.memory_space<hbm>> -> memref<128x64xf32, #tpu.memory_space<hbm>>
    tpu.enqueue_dma source(%arg9 : memref<128x64xf32, #tpu.memory_space<vmem>>) target(%dma_start3A_1578 : memref<128x64xf32, #tpu.memory_space<hbm>>) target_semaphore(%dma_start3A_1576 : memref<!tpu.dma_semaphore, #tpu.memory_space<semaphore_mem>>)
    %dma_wait3A_1579 = arith.constant 4 : i32
    %dma_wait3A_1580 = arith.constant 5888 : i32
    %dma_wait3A_1581 = tpu.memref_slice %arg5[%dma_wait3A_1580] : memref<6400xi32, #tpu.memory_space<vmem>> -> memref<128xi32, #tpu.memory_space<vmem>>
    %dma_wait3A_1582 = arith.constant 0 : i32
    %dma_wait3A_1583 = arith.constant 0 : i32
    %dma_wait3A_1584 = tpu.memref_slice %arg3[%dma_wait3A_1582, %dma_wait3A_1583] : memref<1000000x64xf32, #tpu.memory_space<hbm>> -> memref<1000000x64xf32, #tpu.memory_space<hbm>>
    %dma_wait3A_1585 = tpu.memref_slice %arg12[%dma_wait3A_1579] : memref<6x!tpu.dma_semaphore, #tpu.memory_space<semaphore_mem>> -> memref<1x!tpu.dma_semaphore, #tpu.memory_space<semaphore_mem>>
    %dma_wait3A_1586 = tpu.memref_squeeze %dma_wait3A_1585 : memref<1x!tpu.dma_semaphore, #tpu.memory_space<semaphore_mem>> -> memref<!tpu.dma_semaphore, #tpu.memory_space<semaphore_mem>>
    tpu.wait_indirect_dma semaphore(%dma_wait3A_1586 : memref<!tpu.dma_semaphore, #tpu.memory_space<semaphore_mem>>) src(%dma_wait3A_1584 : memref<1000000x64xf32, #tpu.memory_space<hbm>>) dst(%arg10 : memref<128x64xf32, #tpu.memory_space<vmem>>)
    %add3A_1587 = arith.constant 5888 : i32
    %add3A_1588 = arith.addi %mul3A_2, %add3A_1587 : i32
    %dma_start3A_1589 = arith.constant 4 : i32
    %dma_start3A_1590 = arith.constant 0 : i32
    %dma_start3A_1591 = tpu.memref_slice %arg4[%add3A_1588, %dma_start3A_1590] : memref<204800x64xf32, #tpu.memory_space<hbm>> -> memref<128x64xf32, #tpu.memory_space<hbm>>
    %dma_start3A_1592 = tpu.memref_slice %arg13[%dma_start3A_1589] : memref<6x!tpu.dma_semaphore, #tpu.memory_space<semaphore_mem>> -> memref<1x!tpu.dma_semaphore, #tpu.memory_space<semaphore_mem>>
    %dma_start3A_1593 = tpu.memref_squeeze %dma_start3A_1592 : memref<1x!tpu.dma_semaphore, #tpu.memory_space<semaphore_mem>> -> memref<!tpu.dma_semaphore, #tpu.memory_space<semaphore_mem>>
    %dma_start3A_1594 = arith.constant 0 : i32
    %dma_start3A_1595 = tpu.memref_slice %arg4[%add3A_1588, %dma_start3A_1594] : memref<204800x64xf32, #tpu.memory_space<hbm>> -> memref<128x64xf32, #tpu.memory_space<hbm>>
    tpu.enqueue_dma source(%arg10 : memref<128x64xf32, #tpu.memory_space<vmem>>) target(%dma_start3A_1595 : memref<128x64xf32, #tpu.memory_space<hbm>>) target_semaphore(%dma_start3A_1593 : memref<!tpu.dma_semaphore, #tpu.memory_space<semaphore_mem>>)
    %dma_wait3A_1596 = arith.constant 5 : i32
    %dma_wait3A_1597 = arith.constant 6016 : i32
    %dma_wait3A_1598 = tpu.memref_slice %arg5[%dma_wait3A_1597] : memref<6400xi32, #tpu.memory_space<vmem>> -> memref<128xi32, #tpu.memory_space<vmem>>
    %dma_wait3A_1599 = arith.constant 0 : i32
    %dma_wait3A_1600 = arith.constant 0 : i32
    %dma_wait3A_1601 = tpu.memref_slice %arg3[%dma_wait3A_1599, %dma_wait3A_1600] : memref<1000000x64xf32, #tpu.memory_space<hbm>> -> memref<1000000x64xf32, #tpu.memory_space<hbm>>
    %dma_wait3A_1602 = tpu.memref_slice %arg12[%dma_wait3A_1596] : memref<6x!tpu.dma_semaphore, #tpu.memory_space<semaphore_mem>> -> memref<1x!tpu.dma_semaphore, #tpu.memory_space<semaphore_mem>>
    %dma_wait3A_1603 = tpu.memref_squeeze %dma_wait3A_1602 : memref<1x!tpu.dma_semaphore, #tpu.memory_space<semaphore_mem>> -> memref<!tpu.dma_semaphore, #tpu.memory_space<semaphore_mem>>
    tpu.wait_indirect_dma semaphore(%dma_wait3A_1603 : memref<!tpu.dma_semaphore, #tpu.memory_space<semaphore_mem>>) src(%dma_wait3A_1601 : memref<1000000x64xf32, #tpu.memory_space<hbm>>) dst(%arg11 : memref<128x64xf32, #tpu.memory_space<vmem>>)
    %add3A_1604 = arith.constant 6016 : i32
    %add3A_1605 = arith.addi %mul3A_2, %add3A_1604 : i32
    %dma_start3A_1606 = arith.constant 5 : i32
    %dma_start3A_1607 = arith.constant 0 : i32
    %dma_start3A_1608 = tpu.memref_slice %arg4[%add3A_1605, %dma_start3A_1607] : memref<204800x64xf32, #tpu.memory_space<hbm>> -> memref<128x64xf32, #tpu.memory_space<hbm>>
    %dma_start3A_1609 = tpu.memref_slice %arg13[%dma_start3A_1606] : memref<6x!tpu.dma_semaphore, #tpu.memory_space<semaphore_mem>> -> memref<1x!tpu.dma_semaphore, #tpu.memory_space<semaphore_mem>>
    %dma_start3A_1610 = tpu.memref_squeeze %dma_start3A_1609 : memref<1x!tpu.dma_semaphore, #tpu.memory_space<semaphore_mem>> -> memref<!tpu.dma_semaphore, #tpu.memory_space<semaphore_mem>>
    %dma_start3A_1611 = arith.constant 0 : i32
    %dma_start3A_1612 = tpu.memref_slice %arg4[%add3A_1605, %dma_start3A_1611] : memref<204800x64xf32, #tpu.memory_space<hbm>> -> memref<128x64xf32, #tpu.memory_space<hbm>>
    tpu.enqueue_dma source(%arg11 : memref<128x64xf32, #tpu.memory_space<vmem>>) target(%dma_start3A_1612 : memref<128x64xf32, #tpu.memory_space<hbm>>) target_semaphore(%dma_start3A_1610 : memref<!tpu.dma_semaphore, #tpu.memory_space<semaphore_mem>>)
    %dma_wait3A_1613 = arith.constant 0 : i32
    %dma_wait3A_1614 = arith.constant 6144 : i32
    %dma_wait3A_1615 = tpu.memref_slice %arg5[%dma_wait3A_1614] : memref<6400xi32, #tpu.memory_space<vmem>> -> memref<128xi32, #tpu.memory_space<vmem>>
    %dma_wait3A_1616 = arith.constant 0 : i32
    %dma_wait3A_1617 = arith.constant 0 : i32
    %dma_wait3A_1618 = tpu.memref_slice %arg3[%dma_wait3A_1616, %dma_wait3A_1617] : memref<1000000x64xf32, #tpu.memory_space<hbm>> -> memref<1000000x64xf32, #tpu.memory_space<hbm>>
    %dma_wait3A_1619 = tpu.memref_slice %arg12[%dma_wait3A_1613] : memref<6x!tpu.dma_semaphore, #tpu.memory_space<semaphore_mem>> -> memref<1x!tpu.dma_semaphore, #tpu.memory_space<semaphore_mem>>
    %dma_wait3A_1620 = tpu.memref_squeeze %dma_wait3A_1619 : memref<1x!tpu.dma_semaphore, #tpu.memory_space<semaphore_mem>> -> memref<!tpu.dma_semaphore, #tpu.memory_space<semaphore_mem>>
    tpu.wait_indirect_dma semaphore(%dma_wait3A_1620 : memref<!tpu.dma_semaphore, #tpu.memory_space<semaphore_mem>>) src(%dma_wait3A_1618 : memref<1000000x64xf32, #tpu.memory_space<hbm>>) dst(%arg6 : memref<128x64xf32, #tpu.memory_space<vmem>>)
    %add3A_1621 = arith.constant 6144 : i32
    %add3A_1622 = arith.addi %mul3A_2, %add3A_1621 : i32
    %dma_start3A_1623 = arith.constant 0 : i32
    %dma_start3A_1624 = arith.constant 0 : i32
    %dma_start3A_1625 = tpu.memref_slice %arg4[%add3A_1622, %dma_start3A_1624] : memref<204800x64xf32, #tpu.memory_space<hbm>> -> memref<128x64xf32, #tpu.memory_space<hbm>>
    %dma_start3A_1626 = tpu.memref_slice %arg13[%dma_start3A_1623] : memref<6x!tpu.dma_semaphore, #tpu.memory_space<semaphore_mem>> -> memref<1x!tpu.dma_semaphore, #tpu.memory_space<semaphore_mem>>
    %dma_start3A_1627 = tpu.memref_squeeze %dma_start3A_1626 : memref<1x!tpu.dma_semaphore, #tpu.memory_space<semaphore_mem>> -> memref<!tpu.dma_semaphore, #tpu.memory_space<semaphore_mem>>
    %dma_start3A_1628 = arith.constant 0 : i32
    %dma_start3A_1629 = tpu.memref_slice %arg4[%add3A_1622, %dma_start3A_1628] : memref<204800x64xf32, #tpu.memory_space<hbm>> -> memref<128x64xf32, #tpu.memory_space<hbm>>
    tpu.enqueue_dma source(%arg6 : memref<128x64xf32, #tpu.memory_space<vmem>>) target(%dma_start3A_1629 : memref<128x64xf32, #tpu.memory_space<hbm>>) target_semaphore(%dma_start3A_1627 : memref<!tpu.dma_semaphore, #tpu.memory_space<semaphore_mem>>)
    %dma_wait3A_1630 = arith.constant 1 : i32
    %dma_wait3A_1631 = arith.constant 6272 : i32
    %dma_wait3A_1632 = tpu.memref_slice %arg5[%dma_wait3A_1631] : memref<6400xi32, #tpu.memory_space<vmem>> -> memref<128xi32, #tpu.memory_space<vmem>>
    %dma_wait3A_1633 = arith.constant 0 : i32
    %dma_wait3A_1634 = arith.constant 0 : i32
    %dma_wait3A_1635 = tpu.memref_slice %arg3[%dma_wait3A_1633, %dma_wait3A_1634] : memref<1000000x64xf32, #tpu.memory_space<hbm>> -> memref<1000000x64xf32, #tpu.memory_space<hbm>>
    %dma_wait3A_1636 = tpu.memref_slice %arg12[%dma_wait3A_1630] : memref<6x!tpu.dma_semaphore, #tpu.memory_space<semaphore_mem>> -> memref<1x!tpu.dma_semaphore, #tpu.memory_space<semaphore_mem>>
    %dma_wait3A_1637 = tpu.memref_squeeze %dma_wait3A_1636 : memref<1x!tpu.dma_semaphore, #tpu.memory_space<semaphore_mem>> -> memref<!tpu.dma_semaphore, #tpu.memory_space<semaphore_mem>>
    tpu.wait_indirect_dma semaphore(%dma_wait3A_1637 : memref<!tpu.dma_semaphore, #tpu.memory_space<semaphore_mem>>) src(%dma_wait3A_1635 : memref<1000000x64xf32, #tpu.memory_space<hbm>>) dst(%arg7 : memref<128x64xf32, #tpu.memory_space<vmem>>)
    %add3A_1638 = arith.constant 6272 : i32
    %add3A_1639 = arith.addi %mul3A_2, %add3A_1638 : i32
    %dma_start3A_1640 = arith.constant 1 : i32
    %dma_start3A_1641 = arith.constant 0 : i32
    %dma_start3A_1642 = tpu.memref_slice %arg4[%add3A_1639, %dma_start3A_1641] : memref<204800x64xf32, #tpu.memory_space<hbm>> -> memref<128x64xf32, #tpu.memory_space<hbm>>
    %dma_start3A_1643 = tpu.memref_slice %arg13[%dma_start3A_1640] : memref<6x!tpu.dma_semaphore, #tpu.memory_space<semaphore_mem>> -> memref<1x!tpu.dma_semaphore, #tpu.memory_space<semaphore_mem>>
    %dma_start3A_1644 = tpu.memref_squeeze %dma_start3A_1643 : memref<1x!tpu.dma_semaphore, #tpu.memory_space<semaphore_mem>> -> memref<!tpu.dma_semaphore, #tpu.memory_space<semaphore_mem>>
    %dma_start3A_1645 = arith.constant 0 : i32
    %dma_start3A_1646 = tpu.memref_slice %arg4[%add3A_1639, %dma_start3A_1645] : memref<204800x64xf32, #tpu.memory_space<hbm>> -> memref<128x64xf32, #tpu.memory_space<hbm>>
    tpu.enqueue_dma source(%arg7 : memref<128x64xf32, #tpu.memory_space<vmem>>) target(%dma_start3A_1646 : memref<128x64xf32, #tpu.memory_space<hbm>>) target_semaphore(%dma_start3A_1644 : memref<!tpu.dma_semaphore, #tpu.memory_space<semaphore_mem>>)
    %add3A_1647 = arith.constant 5632 : i32
    %add3A_1648 = arith.addi %mul3A_2, %add3A_1647 : i32
    %dma_wait3A_1649 = arith.constant 2 : i32
    %dma_wait3A_1650 = arith.constant 0 : i32
    %dma_wait3A_1651 = tpu.memref_slice %arg4[%add3A_1648, %dma_wait3A_1650] : memref<204800x64xf32, #tpu.memory_space<hbm>> -> memref<128x64xf32, #tpu.memory_space<hbm>>
    %dma_wait3A_1652 = tpu.memref_slice %arg13[%dma_wait3A_1649] : memref<6x!tpu.dma_semaphore, #tpu.memory_space<semaphore_mem>> -> memref<1x!tpu.dma_semaphore, #tpu.memory_space<semaphore_mem>>
    %dma_wait3A_1653 = tpu.memref_squeeze %dma_wait3A_1652 : memref<1x!tpu.dma_semaphore, #tpu.memory_space<semaphore_mem>> -> memref<!tpu.dma_semaphore, #tpu.memory_space<semaphore_mem>>
    %dma_wait3A_1654 = arith.constant 0 : i32
    %dma_wait3A_1655 = tpu.memref_slice %arg4[%add3A_1648, %dma_wait3A_1654] : memref<204800x64xf32, #tpu.memory_space<hbm>> -> memref<128x64xf32, #tpu.memory_space<hbm>>
    tpu.wait_dma2 semaphore(%dma_wait3A_1653 : memref<!tpu.dma_semaphore, #tpu.memory_space<semaphore_mem>>) src(%arg8 : memref<128x64xf32, #tpu.memory_space<vmem>>) dst(%dma_wait3A_1655 : memref<128x64xf32, #tpu.memory_space<hbm>>)
    %add3A_1656 = arith.constant 5760 : i32
    %add3A_1657 = arith.addi %mul3A_2, %add3A_1656 : i32
    %dma_wait3A_1658 = arith.constant 3 : i32
    %dma_wait3A_1659 = arith.constant 0 : i32
    %dma_wait3A_1660 = tpu.memref_slice %arg4[%add3A_1657, %dma_wait3A_1659] : memref<204800x64xf32, #tpu.memory_space<hbm>> -> memref<128x64xf32, #tpu.memory_space<hbm>>
    %dma_wait3A_1661 = tpu.memref_slice %arg13[%dma_wait3A_1658] : memref<6x!tpu.dma_semaphore, #tpu.memory_space<semaphore_mem>> -> memref<1x!tpu.dma_semaphore, #tpu.memory_space<semaphore_mem>>
    %dma_wait3A_1662 = tpu.memref_squeeze %dma_wait3A_1661 : memref<1x!tpu.dma_semaphore, #tpu.memory_space<semaphore_mem>> -> memref<!tpu.dma_semaphore, #tpu.memory_space<semaphore_mem>>
    %dma_wait3A_1663 = arith.constant 0 : i32
    %dma_wait3A_1664 = tpu.memref_slice %arg4[%add3A_1657, %dma_wait3A_1663] : memref<204800x64xf32, #tpu.memory_space<hbm>> -> memref<128x64xf32, #tpu.memory_space<hbm>>
    tpu.wait_dma2 semaphore(%dma_wait3A_1662 : memref<!tpu.dma_semaphore, #tpu.memory_space<semaphore_mem>>) src(%arg9 : memref<128x64xf32, #tpu.memory_space<vmem>>) dst(%dma_wait3A_1664 : memref<128x64xf32, #tpu.memory_space<hbm>>)
    %add3A_1665 = arith.constant 5888 : i32
    %add3A_1666 = arith.addi %mul3A_2, %add3A_1665 : i32
    %dma_wait3A_1667 = arith.constant 4 : i32
    %dma_wait3A_1668 = arith.constant 0 : i32
    %dma_wait3A_1669 = tpu.memref_slice %arg4[%add3A_1666, %dma_wait3A_1668] : memref<204800x64xf32, #tpu.memory_space<hbm>> -> memref<128x64xf32, #tpu.memory_space<hbm>>
    %dma_wait3A_1670 = tpu.memref_slice %arg13[%dma_wait3A_1667] : memref<6x!tpu.dma_semaphore, #tpu.memory_space<semaphore_mem>> -> memref<1x!tpu.dma_semaphore, #tpu.memory_space<semaphore_mem>>
    %dma_wait3A_1671 = tpu.memref_squeeze %dma_wait3A_1670 : memref<1x!tpu.dma_semaphore, #tpu.memory_space<semaphore_mem>> -> memref<!tpu.dma_semaphore, #tpu.memory_space<semaphore_mem>>
    %dma_wait3A_1672 = arith.constant 0 : i32
    %dma_wait3A_1673 = tpu.memref_slice %arg4[%add3A_1666, %dma_wait3A_1672] : memref<204800x64xf32, #tpu.memory_space<hbm>> -> memref<128x64xf32, #tpu.memory_space<hbm>>
    tpu.wait_dma2 semaphore(%dma_wait3A_1671 : memref<!tpu.dma_semaphore, #tpu.memory_space<semaphore_mem>>) src(%arg10 : memref<128x64xf32, #tpu.memory_space<vmem>>) dst(%dma_wait3A_1673 : memref<128x64xf32, #tpu.memory_space<hbm>>)
    %add3A_1674 = arith.constant 6016 : i32
    %add3A_1675 = arith.addi %mul3A_2, %add3A_1674 : i32
    %dma_wait3A_1676 = arith.constant 5 : i32
    %dma_wait3A_1677 = arith.constant 0 : i32
    %dma_wait3A_1678 = tpu.memref_slice %arg4[%add3A_1675, %dma_wait3A_1677] : memref<204800x64xf32, #tpu.memory_space<hbm>> -> memref<128x64xf32, #tpu.memory_space<hbm>>
    %dma_wait3A_1679 = tpu.memref_slice %arg13[%dma_wait3A_1676] : memref<6x!tpu.dma_semaphore, #tpu.memory_space<semaphore_mem>> -> memref<1x!tpu.dma_semaphore, #tpu.memory_space<semaphore_mem>>
    %dma_wait3A_1680 = tpu.memref_squeeze %dma_wait3A_1679 : memref<1x!tpu.dma_semaphore, #tpu.memory_space<semaphore_mem>> -> memref<!tpu.dma_semaphore, #tpu.memory_space<semaphore_mem>>
    %dma_wait3A_1681 = arith.constant 0 : i32
    %dma_wait3A_1682 = tpu.memref_slice %arg4[%add3A_1675, %dma_wait3A_1681] : memref<204800x64xf32, #tpu.memory_space<hbm>> -> memref<128x64xf32, #tpu.memory_space<hbm>>
    tpu.wait_dma2 semaphore(%dma_wait3A_1680 : memref<!tpu.dma_semaphore, #tpu.memory_space<semaphore_mem>>) src(%arg11 : memref<128x64xf32, #tpu.memory_space<vmem>>) dst(%dma_wait3A_1682 : memref<128x64xf32, #tpu.memory_space<hbm>>)
    %add3A_1683 = arith.constant 6144 : i32
    %add3A_1684 = arith.addi %mul3A_2, %add3A_1683 : i32
    %dma_wait3A_1685 = arith.constant 0 : i32
    %dma_wait3A_1686 = arith.constant 0 : i32
    %dma_wait3A_1687 = tpu.memref_slice %arg4[%add3A_1684, %dma_wait3A_1686] : memref<204800x64xf32, #tpu.memory_space<hbm>> -> memref<128x64xf32, #tpu.memory_space<hbm>>
    %dma_wait3A_1688 = tpu.memref_slice %arg13[%dma_wait3A_1685] : memref<6x!tpu.dma_semaphore, #tpu.memory_space<semaphore_mem>> -> memref<1x!tpu.dma_semaphore, #tpu.memory_space<semaphore_mem>>
    %dma_wait3A_1689 = tpu.memref_squeeze %dma_wait3A_1688 : memref<1x!tpu.dma_semaphore, #tpu.memory_space<semaphore_mem>> -> memref<!tpu.dma_semaphore, #tpu.memory_space<semaphore_mem>>
    %dma_wait3A_1690 = arith.constant 0 : i32
    %dma_wait3A_1691 = tpu.memref_slice %arg4[%add3A_1684, %dma_wait3A_1690] : memref<204800x64xf32, #tpu.memory_space<hbm>> -> memref<128x64xf32, #tpu.memory_space<hbm>>
    tpu.wait_dma2 semaphore(%dma_wait3A_1689 : memref<!tpu.dma_semaphore, #tpu.memory_space<semaphore_mem>>) src(%arg6 : memref<128x64xf32, #tpu.memory_space<vmem>>) dst(%dma_wait3A_1691 : memref<128x64xf32, #tpu.memory_space<hbm>>)
    %add3A_1692 = arith.constant 6272 : i32
    %add3A_1693 = arith.addi %mul3A_2, %add3A_1692 : i32
    %dma_wait3A_1694 = arith.constant 1 : i32
    %dma_wait3A_1695 = arith.constant 0 : i32
    %dma_wait3A_1696 = tpu.memref_slice %arg4[%add3A_1693, %dma_wait3A_1695] : memref<204800x64xf32, #tpu.memory_space<hbm>> -> memref<128x64xf32, #tpu.memory_space<hbm>>
    %dma_wait3A_1697 = tpu.memref_slice %arg13[%dma_wait3A_1694] : memref<6x!tpu.dma_semaphore, #tpu.memory_space<semaphore_mem>> -> memref<1x!tpu.dma_semaphore, #tpu.memory_space<semaphore_mem>>
    %dma_wait3A_1698 = tpu.memref_squeeze %dma_wait3A_1697 : memref<1x!tpu.dma_semaphore, #tpu.memory_space<semaphore_mem>> -> memref<!tpu.dma_semaphore, #tpu.memory_space<semaphore_mem>>
    %dma_wait3A_1699 = arith.constant 0 : i32
    %dma_wait3A_1700 = tpu.memref_slice %arg4[%add3A_1693, %dma_wait3A_1699] : memref<204800x64xf32, #tpu.memory_space<hbm>> -> memref<128x64xf32, #tpu.memory_space<hbm>>
    tpu.wait_dma2 semaphore(%dma_wait3A_1698 : memref<!tpu.dma_semaphore, #tpu.memory_space<semaphore_mem>>) src(%arg7 : memref<128x64xf32, #tpu.memory_space<vmem>>) dst(%dma_wait3A_1700 : memref<128x64xf32, #tpu.memory_space<hbm>>)
    return
  }
}

</mosaic_0001>

<sc_bundles>
// kernel: kernel.3.cloned.1.call-start
scs
__scs_entry_jumppad:
0x0: {  	(pc) =	sbr.rel $0x88, $3  }
0x1: {  	(tag) =	ssettag $0x0;
	lr =	simm.s32 $0x1  }
0x2: {  	[smem:$0x3F9E] =	sst lr;
	_ =	strace $0xD0000000  }
0x3: {  	_ = 	snop  }
0x4: {  	_ = 	snop  }
0x5: {  	_ = 	snop  }
0x6: {  	_ = 	snop  }
0x7: {  	_ = 	snop  }
__scs_overlays_trampoline_lowered:
0x8: {  	[smem:$0x3FAD] =	sst s0  }
0x9: {  	[smem:$0x3FAE] =	sst s1  }
0xa: {  	[smem:$0x3FAF] =	sst s2  }
0xb: {  	[smem:$0x3FB0] =	sst s3  }
0xc: {  	[smem:$0x3FB1] =	sst s4  }
0xd: {  	[smem:$0x3FB2] =	sst s5  }
0xe: {  	[smem:$0x3FB3] =	sst s6  }
0xf: {  	[smem:$0x3FB4] =	sst s7  }
0x10: {  	[smem:$0x3FB5] =	sst s8  }
0x11: {  	[smem:$0x3FB6] =	sst s9;
	s0 =	simm.s32 @!p0 $0x0  }
0x12: {  	s1 =	sld [smem:$0x3F9C];
	s0 =	simm.s32 @p0 $0x1  }
0x13: {  	[smem:$0x3FB7] =	sst s0;
	s0 =	simm.s32 @!p1 $0x0  }
0x14: {  	s2 =	sld [smem:$0x3F9B];
	s0 =	simm.s32 @p1 $0x1  }
0x15: {  	[smem:$0x3FB8] =	sst s0;
	s0 =	simm.s32 @!p2 $0x0  }
0x16: {  	s3 =	sld [smem:$0x3FDB];
	s0 =	simm.s32 @p2 $0x1  }
0x17: {  	s4 =	simm.s32 $0x1BF5;
	[smem:$0x3FBA] =	sst s0  }
0x18: {  	s0 =	sld [smem:$0x3F9D];
	_ =	swait.ge [sflag:s4], $0x0  }
0x19: {  	s7 =	sld [smem:$0x3F9E]  }
0x1a: {  	s8 =	sadd.s32 $0xFFFFE003, lr  }
0x1b: {  	s9 =	sadd.s32 $0xFFFFFEF7, lr;
	s5 =	simm.s32 $0xFFFFFFFF;
	p2 =	slt.u32 s8, $0xFFFFF086  }
0x1c: {  	p1 =	slt.u32 s9, $0xF7A;
	s5 =	simm.s32 @!p2 $0x0  }
0x1d: {  	s5 =	simm.s32 @p1 $0x1;
	p0 =	seq.s32 s7, s2  }
0x1e: {  	s7 =	smul.u32 @!p0 $0xF7A, s2;
	p2 =	seq.s32 @!p0 s5, $0x0  }
0x1f: {  	s9 =	smul.u32 $0xF7A, s1;
	s8 =	simm.s32 @!p0 $0x1BF5;
	p2 =	por !p2, p0  }
0x20: {  	[sflag:s8] =	ssyncset.s32 @!p0 $0xFFFFF086;
	s6 =	sadd.s32 @!p0 s3, s7;
	s7 =	simm.s32 @!p0 $0x108  }
0x21: {  	s3 =	sadd.s32 s3, s9;
	s6 =	sadd.s32 @!p0 $0x88, s6;
	s7 =	simm.s32 @p2 $0x1082  }
0x22: {  	[simem:s7], [sflag:s8] =	dma.local @!p0 [hbm:s6], $0xF7A  }
0x23: {  	s9 =	sor.u32 $0xD0000000, s2;
	s6 =	simm.s32 $0x108;
	_ =	swait.ge @!p0 [sflag:s8], $0x0  }
0x24: {  	s3 =	sadd.s32 $0x88, s3;
	s6 =	simm.s32 @!p1 $0x1082;
	[sflag:s4] =	ssyncset.s32 $0xFFFFF086  }
0x25: {  	[simem:s6], [sflag:s4] =	dma.local [hbm:s3], $0xF7A  }
0x26: {  	[smem:$0x3F9E] =	sst s1;
	(tag) =	ssettag s2;
	_ =	strace s9  }
0x27: {  	s1 =	sld [smem:$0x3FAE]  }
0x28: {  	s2 =	sld [smem:$0x3FAF]  }
0x29: {  	s4 =	sld [smem:$0x3FB1]  }
0x2a: {  	p0 =	seq.s32 s5, $0x0;
	s5 =	sld [smem:$0x3FB2]  }
0x2b: {  	s6 =	sld [smem:$0x3FB3]  }
0x2c: {  	s7 =	sld [smem:$0x3FB4]  }
0x2d: {  	s3 =	simm.s32 $0x108;
	s8 =	sld [smem:$0x3FB5]  }
0x2e: {  	s3 =	simm.s32 @!p0 $0x1082;
	s9 =	sld [smem:$0x3FB6]  }
0x2f: {  	lr =	sadd.s32 s0, s3;
	s0 =	sld [smem:$0x3FAD]  }
0x30: {  	s3 =	sld [smem:$0x3FB0]  }
0x31: {  	[smem:$0x3FB9] =	sst s10  }
0x32: {  	s10 =	sld [smem:$0x3FB7];
	_ =	sdelay $0x3  }
0x33: {  	p0 =	seq.s32 s10, $0x1;
	s10 =	sld [smem:$0x3FB9];
	_ =	sdelay $0x3  }
0x34: {  	[smem:$0x3FB9] =	sst s10  }
0x35: {  	s10 =	sld [smem:$0x3FB8];
	_ =	sdelay $0x3  }
0x36: {  	p1 =	seq.s32 s10, $0x1;
	s10 =	sld [smem:$0x3FB9];
	_ =	sdelay $0x3  }
0x37: {  	[smem:$0x3FB9] =	sst s10  }
0x38: {  	s10 =	sld [smem:$0x3FBA]  }
0x39: {  	_ = 	snop;
	(pc) =	sbr.ind lr, $3  }
0x3a: {  	_ = 	snop  }
0x3b: {  	_ = 	snop  }
0x3c: {  	p2 =	seq.s32 s10, $0x1;
	s10 =	sld [smem:$0x3FB9]  }
0x3d: {  	_ =	shalt  }
0x3e: {  	_ =	shalt  }
0x3f: {  	_ =	shalt  }
0x40: {  	_ =	shalt  }
0x41: {  	_ =	shalt  }
0x42: {  	_ =	shalt  }
0x43: {  	_ =	shalt  }
0x44: {  	_ =	shalt  }
0x45: {  	_ =	shalt  }
0x46: {  	_ =	shalt  }
0x47: {  	_ =	shalt  }
0x48: {  	_ =	shalt  }
0x49: {  	_ =	shalt  }
0x4a: {  	_ =	shalt  }
0x4b: {  	_ =	shalt  }
0x4c: {  	_ =	shalt  }
0x4d: {  	_ =	shalt  }
0x4e: {  	_ =	shalt  }
0x4f: {  	_ =	shalt  }
0x50: {  	_ =	shalt  }
0x51: {  	_ =	shalt  }
0x52: {  	_ =	shalt  }
0x53: {  	_ =	shalt  }
0x54: {  	_ =	shalt  }
0x55: {  	_ =	shalt  }
0x56: {  	_ =	shalt  }
0x57: {  	_ =	shalt  }
0x58: {  	_ =	shalt  }
0x59: {  	_ =	shalt  }
0x5a: {  	_ =	shalt  }
0x5b: {  	_ =	shalt  }
0x5c: {  	_ =	shalt  }
0x5d: {  	_ =	shalt  }
0x5e: {  	_ =	shalt  }
0x5f: {  	_ =	shalt  }
0x60: {  	_ =	shalt  }
0x61: {  	_ =	shalt  }
0x62: {  	_ =	shalt  }
0x63: {  	_ =	shalt  }
0x64: {  	_ =	shalt  }
0x65: {  	_ =	shalt  }
0x66: {  	_ =	shalt  }
0x67: {  	_ =	shalt  }
0x68: {  	_ =	shalt  }
0x69: {  	_ =	shalt  }
0x6a: {  	_ =	shalt  }
0x6b: {  	_ =	shalt  }
0x6c: {  	_ =	shalt  }
0x6d: {  	_ =	shalt  }
0x6e: {  	_ =	shalt  }
0x6f: {  	_ =	shalt  }
0x70: {  	_ =	shalt  }
0x71: {  	_ =	shalt  }
0x72: {  	_ =	shalt  }
0x73: {  	_ =	shalt  }
0x74: {  	_ =	shalt  }
0x75: {  	_ =	shalt  }
0x76: {  	_ =	shalt  }
0x77: {  	_ =	shalt  }
0x78: {  	_ =	shalt  }
0x79: {  	_ =	shalt  }
0x7a: {  	_ =	shalt  }
0x7b: {  	_ =	shalt  }
0x7c: {  	_ =	shalt  }
0x7d: {  	_ =	shalt  }
0x7e: {  	_ =	shalt  }
0x7f: {  	_ =	shalt  }
0x80: {  	_ =	shalt  }
0x81: {  	_ =	shalt  }
0x82: {  	_ =	shalt  }
0x83: {  	_ =	shalt  }
0x84: {  	_ =	shalt  }
0x85: {  	_ =	shalt  }
0x86: {  	_ =	shalt  }
0x87: {  	_ =	shalt  }
.Lfunc_end0:
.L_simem_size_0:
called_computation.1_lowered:
.L_overlay_start_0:
0x88: {  	s2 =	sld [smem:$0x3FD9]  }
0x89: {  	s3 =	sld [smem:$0x3FFE];
	_ =	sdelay $0x1  }
0x8a: {  	s1 =	srdreg.scid  }
0x8b: {  	s0 =	sand.u32 $0x1, s1  }
0x8c: {  	s14 =	sshll.u32 s0, $0xA;
	s2 =	sadd.s32 s3, s2  }
0x8d: {  	s2 =	sadd.s32 s2, s14  }
0x8e: {  	[smem:$0x3FC5] =	sst s2  }
0x8f: {  	_ = 	snop  }
0x90: {  	s2 =	sld [smem:$0x3FD0];
	_ =	sdelay $0x2  }
0x91: {  	s15 =	simm.s32 $0xA;
	s4 =	simm.s32 $0x10  }
0x92: {  	[smem:s4], [sflag:s15] =	dma.local [hbm:s2], $0x1  }
0x93: {  	_ =	swait.eq [sflag:s15], $0x1  }
0x94: {  	[sflag:s15] =	ssyncset.done $0x0  }
0x95: {  	[sflag:s15] =	ssyncadd.s32 $0xFFFFFFFF  }
0x96: {  	s16 =	sld [smem:$0x10];
	(tm) =	ssettm $0x1  }
0x97: {  	s17 =	sld [smem:$0x3FFB];
	_ =	sdelay $0x3  }
0x98: {  	_ =	strace s17  }
0x99: {  	s3 =	sld [smem:$0x3FFC];
	_ =	sdelay $0x3  }
0x9a: {  	_ =	strace s3  }
0x9b: {  	s3 =	sld [smem:$0x3FFD];
	_ =	sdelay $0x3  }
0x9c: {  	_ =	strace s3  }
0x9d: {  	_ =	strace $0x8FFFFFFF  }
0x9e: {  	s18 =	sld [smem:$0x3FDB];
	_ =	sdelay $0x1  }
0x9f: {  	s19 =	simm.s32 $_scs_section_size  }
0xa0: {  	s5 =	simm.s32 $_size__tile_overlayer_lowered;
	s6 =	simm.s32 $_tile_overlayer_lowered  }
0xa1: {  	s22 =	simm.s32 $0x1BFF;
	s21 =	sshll.u32 s6, $0x1;
	s3 =	sadd.s32 s19, s18  }
0xa2: {  	s7 =	simm.s32 $0x0;
	s20 =	sshll.u32 s5, $0x1;
	s5 =	sadd.s32 s21, s3  }
0xa3: {  	[timem:s7], [sflag:s22] =	dma.local [hbm:s5], s20  }
0xa4: {  	_ =	swait.ge [sflag:s22], s20  }
0xa5: {  	s4 =	ssub.s32 $0x0, s20;
	[sflag:s22] =	ssyncset.done $0x0  }
0xa6: {  	[sflag:s22] =	ssyncadd.s32 s4;
	_ =	sdelay $0x1  }
0xa7: {  	s23 =	simm.s32 $0x1B8B  }
0xa8: {  	_ =	swait.ge [sflag:s23], $0x1  }
0xa9: {  	[sflag:s23] =	ssyncset.done $0x0  }
0xaa: {  	s25 =	simm.s32 $0x1B8E;
	s24 =	sld [smem:$0x3FFE];
	[sflag:s23] =	ssyncadd.s32 $0xFFFFFFFF  }
0xab: {  	s26 =	simm.s32 $execute0_lowered;
	[smem:$0x3FD2] =	sst s25  }
0xac: {  	s5 =	sshll.u32 s26, $0x1;
	_ =	strace $0x80000046;
	[dreg:$0x1] =	wrdreg $0xFFFFFFFF  }
0xad: {  	s28 =	simm.s32 $_size_execute0_lowered;
	s3 =	sadd.s32 s3, s5;
	[dreg:$0x0] =	wrdreg $0x0  }
0xae: {  	s5 =	sshll.u32 s28, $0x1;
	[dreg:$0x2] =	wrdreg s3  }
0xaf: {  	[dreg:$0x3] =	wrdreg s5  }
0xb0: {  	[dreg:$0x4] =	wrdreg $0xC0  }
0xb1: {  	_ =	task [dreg:s7], $0x5FFFF  }
0xb2: {  	[dreg:$0x1] =	wrdreg $0xFFFFFFFF  }
0xb3: {  	[dreg:$0x0] =	wrdreg $0x60  }
0xb4: {  	[dreg:$0x2] =	wrdreg s24  }
0xb5: {  	[dreg:$0x3] =	wrdreg s16  }
0xb6: {  	[dreg:$0x4] =	wrdreg $0x9  }
0xb7: {  	_ =	task.clear_ibuf [dreg:s7], $0x5FFFF;
	_ =	strace $0x90000046  }
0xb8: {  	s29 =	simm.s32 $0x9;
	_ =	strace $0x80000048  }
0xb9: {  	_ =	swait.ge [sflag:s29], $0x1  }
0xba: {  	[sflag:s29] =	ssyncadd.s32 $0xFFFFFFFF  }
0xbb: {  	_ =	strace $0x90000048  }
0xbc: {  	_ =	sfence  }
0xbd: {  	s30 =	sld [smem:$0x0];
	_ =	sdelay $0x2  }
0xbe: {  	s31 =	sshll.u32 s1, $0xD;
	s1 =	sshrl.u32 s1, $0x2  }
0xbf: {  	s3 =	sand.u32 $0x4000, s31;
	s1 =	sadd.s32 s1, s30  }
0xc0: {  	s0 =	sor.u32 s3, s0;
	s1 =	sshll.u32 s1, $0x11  }
0xc1: {  	s0 =	sor.u32 s1, s0  }
0xc2: {  	s0 =	sadd.s32 $0x8F2B, s0  }
0xc3: {  	[sflag:s0] =	ssyncadd.remote.s32 $0x1  }
0xc4: {  	_ =	sfence.sel $0xFFFF  }
0xc5: {  	[dreg:$0x0] =	wrdreg $0xFFFFFFFF;
	(pc) =	sbr.abs _section_cstart, $3  }
0xc6: {  	[dreg:$0x1] =	wrdreg $0xFFFFFFFF  }
0xc7: {  	_ =	task.clear_ibuf [dreg:s7], $0x2FFFF;
	_ =	strace $0x9FFFFFFF  }
0xc8: {  	(tm) =	ssettm $0x7FFFFFFF  }
0xc9: {  	_ =	shalt  }
tec
execute0_lowered:
.L_overlay_start_1:
0x0: {  	(tag) =	ssettag $0x1  }
0x1: {  	s0 =	srdreg.scid;
	s23 =	stileid.u32  }
0x2: {  	s1 =	sand.u32 $0x1, s0;
	s7 =	sshll.u32 s23, $0x1  }
0x3: {  	s0 =	sor.u32 s1, s7  }
0x4: {  	s5 =	smul.u32 $0x320, s0  }
0x5: {  	s3 =	rddreg [dreg:$0x0];
	s2 =	simm.s32 $0x0;
	s6 =	smul.u32 $0xC800, s0  }
0x6: {  	[smem:$0x7FF] =	sst s2;
	s0 =	smul.u32 $0x64000, s0  }
0x7: {  	s4 =	rddreg [dreg:$0x1];
	_ =	strace $0x80000047;
	s5 =	sadd.s32 s5, s3  }
0x8: {  	s30 =	sadd.s32 s4, s6;
	s0 =	sshrl.u32 s0, $0x3;
	s5 =	sadd.s32 $0xC00, s5  }
0x9: {  	s8 =	sadd.s32 $0x400, s30;
	s4 =	sadd.s32 s4, s0;
	[dreg:$0x3] =	wrdreg s5  }
0xa: {  	[dreg:$0x4] =	wrdreg s8;
	s0 =	sadd.s32 $0x800, s4  }
0xb: {  	s9 =	sadd.s32 $0xC00, s4;
	[dreg:$0x5] =	wrdreg s0  }
0xc: {  	s10 =	sadd.s32 $0x1000, s4;
	[dreg:$0x6] =	wrdreg s9  }
0xd: {  	s11 =	sadd.s32 $0x1400, s4;
	[dreg:$0x7] =	wrdreg s10  }
0xe: {  	s12 =	sadd.s32 $0x1800, s4;
	[dreg:$0x8] =	wrdreg s11  }
0xf: {  	s13 =	sadd.s32 $0x1C00, s4;
	[dreg:$0x9] =	wrdreg s12  }
0x10: {  	s14 =	sadd.s32 $0x2000, s4;
	[dreg:$0xa] =	wrdreg s13  }
0x11: {  	s15 =	sadd.s32 $0x2400, s4;
	[dreg:$0xb] =	wrdreg s14  }
0x12: {  	s16 =	sadd.s32 $0x2800, s4;
	[dreg:$0xc] =	wrdreg s15  }
0x13: {  	s17 =	sadd.s32 $0x2C00, s4;
	[dreg:$0xd] =	wrdreg s16  }
0x14: {  	s18 =	sadd.s32 $0x3000, s4;
	[dreg:$0xe] =	wrdreg s17  }
0x15: {  	s19 =	sadd.s32 $0x3400, s4;
	[dreg:$0xf] =	wrdreg s18  }
0x16: {  	s20 =	sadd.s32 $0x3800, s4;
	[dreg:$0x10] =	wrdreg s19  }
0x17: {  	s21 =	sadd.s32 $0x3C00, s4;
	[dreg:$0x11] =	wrdreg s20  }
0x18: {  	s22 =	sadd.s32 $0x4000, s4;
	[dreg:$0x12] =	wrdreg s21  }
0x19: {  	s24 =	sadd.s32 $0x4400, s4;
	[dreg:$0x13] =	wrdreg s22  }
0x1a: {  	s25 =	sadd.s32 $0x4800, s4;
	[dreg:$0x14] =	wrdreg s24  }
0x1b: {  	s26 =	sadd.s32 $0x4C00, s4;
	[dreg:$0x15] =	wrdreg s25  }
0x1c: {  	s5 =	sadd.s32 $0x5000, s4;
	[dreg:$0x16] =	wrdreg s26  }
0x1d: {  	s6 =	sadd.s32 $0x5400, s4;
	[dreg:$0x17] =	wrdreg s5  }
0x1e: {  	s7 =	sadd.s32 $0x5800, s4;
	[dreg:$0x18] =	wrdreg s6  }
0x1f: {  	s8 =	sadd.s32 $0x5C00, s4;
	[dreg:$0x19] =	wrdreg s7  }
0x20: {  	[dreg:$0x1a] =	wrdreg s8  }
0x21: {  	s9 =	sadd.s32 $0x6000, s4;
	s0 =	rddreg [dreg:$0x3]  }
0x22: {  	s10 =	sadd.s32 $0x6400, s4;
	[dreg:$0x1b] =	wrdreg s9  }
0x23: {  	s11 =	sadd.s32 $0x6800, s4;
	[dreg:$0x1c] =	wrdreg s10  }
0x24: {  	s12 =	sadd.s32 $0x6C00, s4;
	[dreg:$0x1d] =	wrdreg s11  }
0x25: {  	s13 =	sadd.s32 $0x7000, s4;
	[dreg:$0x1e] =	wrdreg s12  }
0x26: {  	s14 =	sadd.s32 $0x7400, s4;
	[dreg:$0x1f] =	wrdreg s13  }
0x27: {  	s15 =	sadd.s32 $0x7800, s4;
	[smem:$0x7BF] =	sst s14  }
0x28: {  	s16 =	sadd.s32 $0x7C00, s4;
	[smem:$0x7C0] =	sst s15  }
0x29: {  	s17 =	sadd.s32 $0x8000, s4;
	[smem:$0x7C1] =	sst s16  }
0x2a: {  	s18 =	sadd.s32 $0x8400, s4;
	[smem:$0x7C2] =	sst s17  }
0x2b: {  	s19 =	sadd.s32 $0x8800, s4;
	[smem:$0x7C3] =	sst s18  }
0x2c: {  	s20 =	sadd.s32 $0x8C00, s4;
	[smem:$0x7C4] =	sst s19  }
0x2d: {  	s21 =	sadd.s32 $0x9000, s4;
	[smem:$0x7C5] =	sst s20  }
0x2e: {  	s22 =	sadd.s32 $0x9400, s4;
	[smem:$0x7C6] =	sst s21  }
0x2f: {  	s24 =	sadd.s32 $0x9800, s4;
	[smem:$0x7C7] =	sst s22  }
0x30: {  	s25 =	sadd.s32 $0x9C00, s4;
	[smem:$0x7C8] =	sst s24  }
0x31: {  	s26 =	sadd.s32 $0xA000, s4;
	[smem:$0x7C9] =	sst s25  }
0x32: {  	s5 =	sadd.s32 $0xA400, s4;
	[smem:$0x7CA] =	sst s26  }
0x33: {  	s6 =	sadd.s32 $0xA800, s4;
	[smem:$0x7CB] =	sst s5  }
0x34: {  	s7 =	sadd.s32 $0xAC00, s4;
	[smem:$0x7CC] =	sst s6  }
0x35: {  	s8 =	sadd.s32 $0xB000, s4;
	[smem:$0x7CD] =	sst s7  }
0x36: {  	[smem:$0x7CE] =	sst s8;
	s9 =	sadd.s32 $0xB400, s4  }
0x37: {  	s10 =	sadd.s32 $0xB800, s4;
	[smem:$0x7CF] =	sst s9  }
0x38: {  	s11 =	sadd.s32 $0xBC00, s4;
	[smem:$0x7D0] =	sst s10  }
0x39: {  	s12 =	sadd.s32 $0xC000, s4;
	[smem:$0x7D1] =	sst s11  }
0x3a: {  	s13 =	sadd.s32 $0xC400, s4;
	[smem:$0x7D2] =	sst s12  }
0x3b: {  	s14 =	simm.s32 $0x100;
	[smem:$0x7D3] =	sst s13  }
0x3c: {  	s15 =	simm.s32 $0x180;
	[smem:$0x7D4] =	sst s14  }
0x3d: {  	s16 =	simm.s32 $0x200;
	[smem:$0x7D5] =	sst s15  }
0x3e: {  	s17 =	simm.s32 $0x280;
	[smem:$0x7D6] =	sst s16  }
0x3f: {  	s18 =	simm.s32 $0x300;
	[smem:$0x7D7] =	sst s17  }
0x40: {  	s19 =	simm.s32 $0x380;
	[smem:$0x7D8] =	sst s18  }
0x41: {  	s20 =	simm.s32 $0x400;
	[smem:$0x7D9] =	sst s19  }
0x42: {  	s21 =	simm.s32 $0x480;
	[smem:$0x7DA] =	sst s20  }
0x43: {  	s22 =	simm.s32 $0x500;
	[smem:$0x7DB] =	sst s21  }
0x44: {  	s24 =	simm.s32 $0x580;
	[smem:$0x7DC] =	sst s22  }
0x45: {  	s25 =	simm.s32 $0x600;
	[smem:$0x7DD] =	sst s24  }
0x46: {  	s26 =	simm.s32 $0x680;
	[smem:$0x7DE] =	sst s25  }
0x47: {  	s4 =	simm.s32 $0x700;
	[smem:$0x7DF] =	sst s26  }
0x48: {  	s5 =	simm.s32 $0x780;
	[smem:$0x7E0] =	sst s4  }
0x49: {  	s6 =	simm.s32 $0x800;
	[smem:$0x7E1] =	sst s5  }
0x4a: {  	s7 =	simm.s32 $0x880;
	[smem:$0x7E2] =	sst s6  }
0x4b: {  	s31 =	simm.s32 $0xD;
	s8 =	simm.s32 $0x900;
	[smem:$0x7E3] =	sst s7  }
0x4c: {  	p0 =	por $0x0, $0x0;
	[smem:$0x7E4] =	sst s8;
	s9 =	simm.s32 $0x980  }
0x4d: {  	s29 =	simm.s32 $0x1680;
	s10 =	simm.s32 $0xA00;
	[smem:$0x7E5] =	sst s9  }
0x4e: {  	s28 =	simm.s32 $0x1700;
	s11 =	simm.s32 $0xA80;
	[smem:$0x7E6] =	sst s10  }
0x4f: {  	s1 =	ssub.s32 $0x2, s1;
	s13 =	simm.s32 $0xB00;
	[smem:$0x7E7] =	sst s11  }
0x50: {  	s4 =	sadd.s32 $0xF43000, s3;
	s14 =	simm.s32 $0xB80;
	[smem:$0x7E8] =	sst s13  }
0x51: {  	s12 =	sshrl.u32 s1, $0x1;
	s15 =	simm.s32 $0xC00;
	[smem:$0x7E9] =	sst s14  }
0x52: {  	s16 =	simm.s32 $0xC80;
	s17 =	simm.s32 $0xD00;
	[smem:$0x7EA] =	sst s15  }
0x53: {  	s5 =	simm.s32 $0x1900;
	s18 =	simm.s32 $0xD80;
	[smem:$0x7EB] =	sst s16  }
0x54: {  	s3 =	simm.s32 $0x3900;
	s19 =	simm.s32 $0xE00;
	[smem:$0x7EC] =	sst s17  }
0x55: {  	s20 =	simm.s32 $0xE80;
	s21 =	simm.s32 $0xF00;
	[smem:$0x7ED] =	sst s18  }
0x56: {  	s22 =	simm.s32 $0xF80;
	s8 =	simm.s32 $0x1;
	[smem:$0x7EE] =	sst s19  }
0x57: {  	s24 =	simm.s32 $0x1000;
	s25 =	simm.s32 $0x1080;
	[smem:$0x7EF] =	sst s20  }
0x58: {  	s26 =	simm.s32 $0x1100;
	s6 =	simm.s32 $0x7;
	[smem:$0x7F0] =	sst s21  }
0x59: {  	s7 =	simm.s32 $0x1180;
	s1 =	ssub.s32 s1, s12;
	[smem:$0x7F1] =	sst s22  }
0x5a: {  	s9 =	simm.s32 $0x80;
	s15 =	simm.s32 $0x5900;
	[smem:$0x7F2] =	sst s24  }
0x5b: {  	s13 =	simm.s32 $0x7900;
	s11 =	simm.s32 $0x9900;
	[smem:$0x7F3] =	sst s25  }
0x5c: {  	s12 =	simm.s32 $0xB900;
	s10 =	simm.s32 $0x2;
	[smem:$0x7F4] =	sst s26  }
0x5d: {  	s22 =	simm.s32 $0x3;
	[smem:$0x7F5] =	sst s7;
	s14 =	simm.s32 $0x1200  }
0x5e: {  	s7 =	simm.s32 $0x8;
	s16 =	simm.s32 $0x1280;
	s19 =	simm.s32 $0x4  }
0x5f: {  	s17 =	simm.s32 $0x1300;
	s18 =	simm.s32 $0x1380;
	[smem:$0x7F6] =	sst s14  }
0x60: {  	s20 =	simm.s32 $0x5;
	s21 =	simm.s32 $0x1400;
	[smem:$0x7F7] =	sst s16  }
0x61: {  	s24 =	simm.s32 $0x1480;
	s1 =	smax.u32 s1, $0x1;
	[smem:$0x7F8] =	sst s17  }
0x62: {  	s25 =	simm.s32 $0x1500;
	[smem:$0x7F9] =	sst s18;
	p1 =	sne.s32 s1, $0x1  }
.Ltmp0:
0x63: {  	s26 =	simm.s32 $0x1580;
	[smem:$0x7FA] =	sst s21;
	(pc) =	sbr.rel @!p1 .LBB2_1-.Ltmp0, $4  }
0x64: {  	s14 =	simm.s32 $0x9;
	s16 =	simm.s32 $0xA;
	[smem:$0x7FB] =	sst s24  }
0x65: {  	s21 =	simm.s32 $0x6;
	s17 =	simm.s32 $0xB;
	[smem:$0x7FC] =	sst s25  }
0x66: {  	[smem:$0x7FD] =	sst s26;
	s18 =	simm.s32 $0xC;
	s26 =	simm.s32 $0x1780  }
0x67: {  	s25 =	simm.s32 $0x1800;
	s24 =	simm.s32 $0x1880;
	s1 =	sadd.s32 $0xFFFFFFFF, s1  }
0x68: {  	[tilespmem:s2], [sflag:$0xD] =	stream.linear.gather [hbm4b:s0+s2], $0x1900, $0x38;
	[tilespmem:$0xD900] =	vst v63  }
0x69: {  	_ =	swait.ge [sflag:s31], $0x1900  }
0x6a: {  	[sflag:s31] =	ssyncset.done $0x0  }
0x6b: {  	[sflag:s31] =	ssyncadd.s32 $0xFFFFE700  }
0x6c: {  	[tilespmem:s5], [sflag:$0x1] =	stream.indirect.gather [hbm4b:s4+s9], $0x40, s2, s9, $0xb8;
	[tilespmem:$0xD900] =	vst v63  }
0x6d: {  	s0 =	sld [smem:$0x7D4]  }
0x6e: {  	[tilespmem:s3], [sflag:$0x2] =	stream.indirect.gather [hbm4b:s4+s9], $0x40, s9, s9, $0xb8;
	[tilespmem:$0xD900] =	vst v63  }
0x6f: {  	s23 =	smov.u32 s1;
	s1 =	sld [smem:$0x7D5]  }
0x70: {  	[tilespmem:s15], [sflag:$0x3] =	stream.indirect.gather [hbm4b:s4+s9], $0x40, s0, s9, $0xb8;
	[tilespmem:$0xD900] =	vst v63  }
0x71: {  	s0 =	sld [smem:$0x7D6]  }
0x72: {  	[tilespmem:s13], [sflag:$0x4] =	stream.indirect.gather [hbm4b:s4+s9], $0x40, s1, s9, $0xb8;
	[tilespmem:$0xD900] =	vst v63  }
0x73: {  	_ = 	snop  }
0x74: {  	[tilespmem:s11], [sflag:$0x5] =	stream.indirect.gather [hbm4b:s4+s9], $0x40, s0, s9, $0xb8;
	[tilespmem:$0xD900] =	vst v63  }
0x75: {  	_ =	swait.ge [sflag:s8], $0x2000  }
0x76: {  	[sflag:s8] =	ssyncset.done $0x0  }
0x77: {  	s1 =	sld [smem:$0x7D7];
	[sflag:s8] =	ssyncadd.s32 $0xFFFFE000  }
0x78: {  	[hbm4b:s30+s2] =	stream.linear.scatter [tilespmem:s5], [sflag:$0x7], $0x2000, $0x38;
	[tilespmem:$0xD900] =	vst v63  }
0x79: {  	_ = 	snop  }
0x7a: {  	[tilespmem:s12], [sflag:$0x6] =	stream.indirect.gather [hbm4b:s4+s9], $0x40, s1, s9, $0xb8;
	[tilespmem:$0xD900] =	vst v63  }
0x7b: {  	_ =	swait.ge [sflag:s10], $0x2000  }
0x7c: {  	[sflag:s10] =	ssyncset.done $0x0  }
0x7d: {  	s1 =	rddreg [dreg:$0x4];
	[sflag:s10] =	ssyncadd.s32 $0xFFFFE000  }
0x7e: {  	[hbm4b:s1+s2] =	stream.linear.scatter [tilespmem:s3], [sflag:$0x8], $0x2000, $0x38;
	[tilespmem:$0xD900] =	vst v63  }
0x7f: {  	_ =	swait.ge [sflag:s6], $0x2000  }
0x80: {  	s1 =	sld [smem:$0x7D8]  }
0x81: {  	[sflag:s6] =	ssyncset.done $0x0  }
0x82: {  	[sflag:s6] =	ssyncadd.s32 $0xFFFFE000  }
0x83: {  	[tilespmem:s5], [sflag:$0x1] =	stream.indirect.gather [hbm4b:s4+s9], $0x40, s1, s9, $0xb8;
	[tilespmem:$0xD900] =	vst v63  }
0x84: {  	_ =	swait.ge [sflag:s22], $0x2000  }
0x85: {  	[sflag:s22] =	ssyncset.done $0x0  }
0x86: {  	s1 =	rddreg [dreg:$0x5];
	[sflag:s22] =	ssyncadd.s32 $0xFFFFE000  }
0x87: {  	[hbm4b:s1+s2] =	stream.linear.scatter [tilespmem:s15], [sflag:$0x9], $0x2000, $0x38;
	[tilespmem:$0xD900] =	vst v63  }
0x88: {  	_ =	swait.ge [sflag:s7], $0x2000  }
0x89: {  	s1 =	sld [smem:$0x7D9]  }
0x8a: {  	[sflag:s7] =	ssyncset.done $0x0  }
0x8b: {  	[sflag:s7] =	ssyncadd.s32 $0xFFFFE000  }
0x8c: {  	[tilespmem:s3], [sflag:$0x2] =	stream.indirect.gather [hbm4b:s4+s9], $0x40, s1, s9, $0xb8;
	[tilespmem:$0xD900] =	vst v63  }
0x8d: {  	_ =	swait.ge [sflag:s19], $0x2000  }
0x8e: {  	[sflag:s19] =	ssyncset.done $0x0  }
0x8f: {  	s1 =	rddreg [dreg:$0x6];
	[sflag:s19] =	ssyncadd.s32 $0xFFFFE000  }
0x90: {  	[hbm4b:s1+s2] =	stream.linear.scatter [tilespmem:s13], [sflag:$0xA], $0x2000, $0x38;
	[tilespmem:$0xD900] =	vst v63  }
0x91: {  	_ =	swait.ge [sflag:s14], $0x2000  }
0x92: {  	s1 =	sld [smem:$0x7DA]  }
0x93: {  	[sflag:s14] =	ssyncset.done $0x0  }
0x94: {  	[sflag:s14] =	ssyncadd.s32 $0xFFFFE000  }
0x95: {  	[tilespmem:s15], [sflag:$0x3] =	stream.indirect.gather [hbm4b:s4+s9], $0x40, s1, s9, $0xb8;
	[tilespmem:$0xD900] =	vst v63  }
0x96: {  	_ =	swait.ge [sflag:s20], $0x2000  }
0x97: {  	[sflag:s20] =	ssyncset.done $0x0  }
0x98: {  	s1 =	rddreg [dreg:$0x7];
	[sflag:s20] =	ssyncadd.s32 $0xFFFFE000  }
0x99: {  	[hbm4b:s1+s2] =	stream.linear.scatter [tilespmem:s11], [sflag:$0xB], $0x2000, $0x38;
	[tilespmem:$0xD900] =	vst v63  }
0x9a: {  	_ =	swait.ge [sflag:s16], $0x2000  }
0x9b: {  	s1 =	sld [smem:$0x7DB]  }
0x9c: {  	[sflag:s16] =	ssyncset.done $0x0  }
0x9d: {  	[sflag:s16] =	ssyncadd.s32 $0xFFFFE000  }
0x9e: {  	[tilespmem:s13], [sflag:$0x4] =	stream.indirect.gather [hbm4b:s4+s9], $0x40, s1, s9, $0xb8;
	[tilespmem:$0xD900] =	vst v63  }
0x9f: {  	_ =	swait.ge [sflag:s21], $0x2000  }
0xa0: {  	[sflag:s21] =	ssyncset.done $0x0  }
0xa1: {  	s1 =	rddreg [dreg:$0x8];
	[sflag:s21] =	ssyncadd.s32 $0xFFFFE000  }
0xa2: {  	[hbm4b:s1+s2] =	stream.linear.scatter [tilespmem:s12], [sflag:$0xC], $0x2000, $0x38;
	[tilespmem:$0xD900] =	vst v63  }
0xa3: {  	_ =	swait.ge [sflag:s17], $0x2000  }
0xa4: {  	s1 =	sld [smem:$0x7DC]  }
0xa5: {  	[sflag:s17] =	ssyncset.done $0x0  }
0xa6: {  	[sflag:s17] =	ssyncadd.s32 $0xFFFFE000  }
0xa7: {  	[tilespmem:s11], [sflag:$0x5] =	stream.indirect.gather [hbm4b:s4+s9], $0x40, s1, s9, $0xb8;
	[tilespmem:$0xD900] =	vst v63  }
0xa8: {  	_ =	swait.ge [sflag:s8], $0x2000  }
0xa9: {  	[sflag:s8] =	ssyncset.done $0x0  }
0xaa: {  	s1 =	rddreg [dreg:$0x9];
	[sflag:s8] =	ssyncadd.s32 $0xFFFFE000  }
0xab: {  	[hbm4b:s1+s2] =	stream.linear.scatter [tilespmem:s5], [sflag:$0x7], $0x2000, $0x38;
	[tilespmem:$0xD900] =	vst v63  }
0xac: {  	_ =	swait.ge [sflag:s18], $0x2000  }
0xad: {  	s1 =	sld [smem:$0x7DD]  }
0xae: {  	[sflag:s18] =	ssyncset.done $0x0  }
0xaf: {  	[sflag:s18] =	ssyncadd.s32 $0xFFFFE000  }
0xb0: {  	[tilespmem:s12], [sflag:$0x6] =	stream.indirect.gather [hbm4b:s4+s9], $0x40, s1, s9, $0xb8;
	[tilespmem:$0xD900] =	vst v63  }
0xb1: {  	_ =	swait.ge [sflag:s10], $0x2000  }
0xb2: {  	[sflag:s10] =	ssyncset.done $0x0  }
0xb3: {  	s1 =	rddreg [dreg:$0xa];
	[sflag:s10] =	ssyncadd.s32 $0xFFFFE000  }
0xb4: {  	[hbm4b:s1+s2] =	stream.linear.scatter [tilespmem:s3], [sflag:$0x8], $0x2000, $0x38;
	[tilespmem:$0xD900] =	vst v63  }
0xb5: {  	_ =	swait.ge [sflag:s6], $0x2000  }
0xb6: {  	s1 =	sld [smem:$0x7DE]  }
0xb7: {  	[sflag:s6] =	ssyncset.done $0x0  }
0xb8: {  	[sflag:s6] =	ssyncadd.s32 $0xFFFFE000  }
0xb9: {  	[tilespmem:s5], [sflag:$0x1] =	stream.indirect.gather [hbm4b:s4+s9], $0x40, s1, s9, $0xb8;
	[tilespmem:$0xD900] =	vst v63  }
0xba: {  	_ =	swait.ge [sflag:s22], $0x2000  }
0xbb: {  	[sflag:s22] =	ssyncset.done $0x0  }
0xbc: {  	s1 =	rddreg [dreg:$0xb];
	[sflag:s22] =	ssyncadd.s32 $0xFFFFE000  }
0xbd: {  	[hbm4b:s1+s2] =	stream.linear.scatter [tilespmem:s15], [sflag:$0x9], $0x2000, $0x38;
	[tilespmem:$0xD900] =	vst v63  }
0xbe: {  	_ =	swait.ge [sflag:s7], $0x2000  }
0xbf: {  	s1 =	sld [smem:$0x7DF]  }
0xc0: {  	[sflag:s7] =	ssyncset.done $0x0  }
0xc1: {  	[sflag:s7] =	ssyncadd.s32 $0xFFFFE000  }
0xc2: {  	[tilespmem:s3], [sflag:$0x2] =	stream.indirect.gather [hbm4b:s4+s9], $0x40, s1, s9, $0xb8;
	[tilespmem:$0xD900] =	vst v63  }
0xc3: {  	_ =	swait.ge [sflag:s19], $0x2000  }
0xc4: {  	[sflag:s19] =	ssyncset.done $0x0  }
0xc5: {  	s1 =	rddreg [dreg:$0xc];
	[sflag:s19] =	ssyncadd.s32 $0xFFFFE000  }
0xc6: {  	[hbm4b:s1+s2] =	stream.linear.scatter [tilespmem:s13], [sflag:$0xA], $0x2000, $0x38;
	[tilespmem:$0xD900] =	vst v63  }
0xc7: {  	_ =	swait.ge [sflag:s14], $0x2000  }
0xc8: {  	s1 =	sld [smem:$0x7E0]  }
0xc9: {  	[sflag:s14] =	ssyncset.done $0x0  }
0xca: {  	[sflag:s14] =	ssyncadd.s32 $0xFFFFE000  }
0xcb: {  	[tilespmem:s15], [sflag:$0x3] =	stream.indirect.gather [hbm4b:s4+s9], $0x40, s1, s9, $0xb8;
	[tilespmem:$0xD900] =	vst v63  }
0xcc: {  	_ =	swait.ge [sflag:s20], $0x2000  }
0xcd: {  	[sflag:s20] =	ssyncset.done $0x0  }
0xce: {  	s1 =	rddreg [dreg:$0xd];
	[sflag:s20] =	ssyncadd.s32 $0xFFFFE000  }
0xcf: {  	[hbm4b:s1+s2] =	stream.linear.scatter [tilespmem:s11], [sflag:$0xB], $0x2000, $0x38;
	[tilespmem:$0xD900] =	vst v63  }
0xd0: {  	_ =	swait.ge [sflag:s16], $0x2000  }
0xd1: {  	s1 =	sld [smem:$0x7E1]  }
0xd2: {  	[sflag:s16] =	ssyncset.done $0x0  }
0xd3: {  	[sflag:s16] =	ssyncadd.s32 $0xFFFFE000  }
0xd4: {  	[tilespmem:s13], [sflag:$0x4] =	stream.indirect.gather [hbm4b:s4+s9], $0x40, s1, s9, $0xb8;
	[tilespmem:$0xD900] =	vst v63  }
0xd5: {  	_ =	swait.ge [sflag:s21], $0x2000  }
0xd6: {  	[sflag:s21] =	ssyncset.done $0x0  }
0xd7: {  	s1 =	rddreg [dreg:$0xe];
	[sflag:s21] =	ssyncadd.s32 $0xFFFFE000  }
0xd8: {  	[hbm4b:s1+s2] =	stream.linear.scatter [tilespmem:s12], [sflag:$0xC], $0x2000, $0x38;
	[tilespmem:$0xD900] =	vst v63  }
0xd9: {  	_ =	swait.ge [sflag:s17], $0x2000  }
0xda: {  	s1 =	sld [smem:$0x7E2]  }
0xdb: {  	[sflag:s17] =	ssyncset.done $0x0  }
0xdc: {  	[sflag:s17] =	ssyncadd.s32 $0xFFFFE000  }
0xdd: {  	[tilespmem:s11], [sflag:$0x5] =	stream.indirect.gather [hbm4b:s4+s9], $0x40, s1, s9, $0xb8;
	[tilespmem:$0xD900] =	vst v63  }
0xde: {  	_ =	swait.ge [sflag:s8], $0x2000  }
0xdf: {  	[sflag:s8] =	ssyncset.done $0x0  }
0xe0: {  	s1 =	rddreg [dreg:$0xf];
	[sflag:s8] =	ssyncadd.s32 $0xFFFFE000  }
0xe1: {  	[hbm4b:s1+s2] =	stream.linear.scatter [tilespmem:s5], [sflag:$0x7], $0x2000, $0x38;
	[tilespmem:$0xD900] =	vst v63  }
0xe2: {  	_ =	swait.ge [sflag:s18], $0x2000  }
0xe3: {  	s1 =	sld [smem:$0x7E3]  }
0xe4: {  	[sflag:s18] =	ssyncset.done $0x0  }
0xe5: {  	[sflag:s18] =	ssyncadd.s32 $0xFFFFE000  }
0xe6: {  	[tilespmem:s12], [sflag:$0x6] =	stream.indirect.gather [hbm4b:s4+s9], $0x40, s1, s9, $0xb8;
	[tilespmem:$0xD900] =	vst v63  }
0xe7: {  	_ =	swait.ge [sflag:s10], $0x2000  }
0xe8: {  	[sflag:s10] =	ssyncset.done $0x0  }
0xe9: {  	s1 =	rddreg [dreg:$0x10];
	[sflag:s10] =	ssyncadd.s32 $0xFFFFE000  }
0xea: {  	[hbm4b:s1+s2] =	stream.linear.scatter [tilespmem:s3], [sflag:$0x8], $0x2000, $0x38;
	[tilespmem:$0xD900] =	vst v63  }
0xeb: {  	_ =	swait.ge [sflag:s6], $0x2000  }
0xec: {  	s1 =	sld [smem:$0x7E4]  }
0xed: {  	[sflag:s6] =	ssyncset.done $0x0  }
0xee: {  	[sflag:s6] =	ssyncadd.s32 $0xFFFFE000  }
0xef: {  	[tilespmem:s5], [sflag:$0x1] =	stream.indirect.gather [hbm4b:s4+s9], $0x40, s1, s9, $0xb8;
	[tilespmem:$0xD900] =	vst v63  }
0xf0: {  	_ =	swait.ge [sflag:s22], $0x2000  }
0xf1: {  	[sflag:s22] =	ssyncset.done $0x0  }
0xf2: {  	s1 =	rddreg [dreg:$0x11];
	[sflag:s22] =	ssyncadd.s32 $0xFFFFE000  }
0xf3: {  	[hbm4b:s1+s2] =	stream.linear.scatter [tilespmem:s15], [sflag:$0x9], $0x2000, $0x38;
	[tilespmem:$0xD900] =	vst v63  }
0xf4: {  	_ =	swait.ge [sflag:s7], $0x2000  }
0xf5: {  	s1 =	sld [smem:$0x7E5]  }
0xf6: {  	[sflag:s7] =	ssyncset.done $0x0  }
0xf7: {  	[sflag:s7] =	ssyncadd.s32 $0xFFFFE000  }
0xf8: {  	[tilespmem:s3], [sflag:$0x2] =	stream.indirect.gather [hbm4b:s4+s9], $0x40, s1, s9, $0xb8;
	[tilespmem:$0xD900] =	vst v63  }
0xf9: {  	_ =	swait.ge [sflag:s19], $0x2000  }
0xfa: {  	[sflag:s19] =	ssyncset.done $0x0  }
0xfb: {  	s1 =	rddreg [dreg:$0x12];
	[sflag:s19] =	ssyncadd.s32 $0xFFFFE000  }
0xfc: {  	[hbm4b:s1+s2] =	stream.linear.scatter [tilespmem:s13], [sflag:$0xA], $0x2000, $0x38;
	[tilespmem:$0xD900] =	vst v63  }
0xfd: {  	_ =	swait.ge [sflag:s14], $0x2000  }
0xfe: {  	s1 =	sld [smem:$0x7E6]  }
0xff: {  	[sflag:s14] =	ssyncset.done $0x0  }
0x100: {  	[sflag:s14] =	ssyncadd.s32 $0xFFFFE000  }
0x101: {  	[tilespmem:s15], [sflag:$0x3] =	stream.indirect.gather [hbm4b:s4+s9], $0x40, s1, s9, $0xb8;
	[tilespmem:$0xD900] =	vst v63  }
0x102: {  	_ =	swait.ge [sflag:s20], $0x2000  }
0x103: {  	[sflag:s20] =	ssyncset.done $0x0  }
0x104: {  	s1 =	rddreg [dreg:$0x13];
	[sflag:s20] =	ssyncadd.s32 $0xFFFFE000  }
0x105: {  	[hbm4b:s1+s2] =	stream.linear.scatter [tilespmem:s11], [sflag:$0xB], $0x2000, $0x38;
	[tilespmem:$0xD900] =	vst v63  }
0x106: {  	_ =	swait.ge [sflag:s16], $0x2000  }
0x107: {  	s1 =	sld [smem:$0x7E7]  }
0x108: {  	[sflag:s16] =	ssyncset.done $0x0  }
0x109: {  	[sflag:s16] =	ssyncadd.s32 $0xFFFFE000  }
0x10a: {  	[tilespmem:s13], [sflag:$0x4] =	stream.indirect.gather [hbm4b:s4+s9], $0x40, s1, s9, $0xb8;
	[tilespmem:$0xD900] =	vst v63  }
0x10b: {  	_ =	swait.ge [sflag:s21], $0x2000  }
0x10c: {  	[sflag:s21] =	ssyncset.done $0x0  }
0x10d: {  	s1 =	rddreg [dreg:$0x14];
	[sflag:s21] =	ssyncadd.s32 $0xFFFFE000  }
0x10e: {  	[hbm4b:s1+s2] =	stream.linear.scatter [tilespmem:s12], [sflag:$0xC], $0x2000, $0x38;
	[tilespmem:$0xD900] =	vst v63  }
0x10f: {  	_ =	swait.ge [sflag:s17], $0x2000  }
0x110: {  	s1 =	sld [smem:$0x7E8]  }
0x111: {  	[sflag:s17] =	ssyncset.done $0x0  }
0x112: {  	[sflag:s17] =	ssyncadd.s32 $0xFFFFE000  }
0x113: {  	[tilespmem:s11], [sflag:$0x5] =	stream.indirect.gather [hbm4b:s4+s9], $0x40, s1, s9, $0xb8;
	[tilespmem:$0xD900] =	vst v63  }
0x114: {  	_ =	swait.ge [sflag:s8], $0x2000  }
0x115: {  	[sflag:s8] =	ssyncset.done $0x0  }
0x116: {  	s1 =	rddreg [dreg:$0x15];
	[sflag:s8] =	ssyncadd.s32 $0xFFFFE000  }
0x117: {  	[hbm4b:s1+s2] =	stream.linear.scatter [tilespmem:s5], [sflag:$0x7], $0x2000, $0x38;
	[tilespmem:$0xD900] =	vst v63  }
0x118: {  	_ =	swait.ge [sflag:s18], $0x2000  }
0x119: {  	s1 =	sld [smem:$0x7E9]  }
0x11a: {  	[sflag:s18] =	ssyncset.done $0x0  }
0x11b: {  	[sflag:s18] =	ssyncadd.s32 $0xFFFFE000  }
0x11c: {  	[tilespmem:s12], [sflag:$0x6] =	stream.indirect.gather [hbm4b:s4+s9], $0x40, s1, s9, $0xb8;
	[tilespmem:$0xD900] =	vst v63  }
0x11d: {  	_ =	swait.ge [sflag:s10], $0x2000  }
0x11e: {  	[sflag:s10] =	ssyncset.done $0x0  }
0x11f: {  	s1 =	rddreg [dreg:$0x16];
	[sflag:s10] =	ssyncadd.s32 $0xFFFFE000  }
0x120: {  	[hbm4b:s1+s2] =	stream.linear.scatter [tilespmem:s3], [sflag:$0x8], $0x2000, $0x38;
	[tilespmem:$0xD900] =	vst v63  }
0x121: {  	_ =	swait.ge [sflag:s6], $0x2000  }
0x122: {  	s1 =	sld [smem:$0x7EA]  }
0x123: {  	[sflag:s6] =	ssyncset.done $0x0  }
0x124: {  	[sflag:s6] =	ssyncadd.s32 $0xFFFFE000  }
0x125: {  	[tilespmem:s5], [sflag:$0x1] =	stream.indirect.gather [hbm4b:s4+s9], $0x40, s1, s9, $0xb8;
	[tilespmem:$0xD900] =	vst v63  }
0x126: {  	_ =	swait.ge [sflag:s22], $0x2000  }
0x127: {  	[sflag:s22] =	ssyncset.done $0x0  }
0x128: {  	s1 =	rddreg [dreg:$0x17];
	[sflag:s22] =	ssyncadd.s32 $0xFFFFE000  }
0x129: {  	[hbm4b:s1+s2] =	stream.linear.scatter [tilespmem:s15], [sflag:$0x9], $0x2000, $0x38;
	[tilespmem:$0xD900] =	vst v63  }
0x12a: {  	_ =	swait.ge [sflag:s7], $0x2000  }
0x12b: {  	s1 =	sld [smem:$0x7EB]  }
0x12c: {  	[sflag:s7] =	ssyncset.done $0x0  }
0x12d: {  	[sflag:s7] =	ssyncadd.s32 $0xFFFFE000  }
0x12e: {  	[tilespmem:s3], [sflag:$0x2] =	stream.indirect.gather [hbm4b:s4+s9], $0x40, s1, s9, $0xb8;
	[tilespmem:$0xD900] =	vst v63  }
0x12f: {  	_ =	swait.ge [sflag:s19], $0x2000  }
0x130: {  	[sflag:s19] =	ssyncset.done $0x0  }
0x131: {  	s1 =	rddreg [dreg:$0x18];
	[sflag:s19] =	ssyncadd.s32 $0xFFFFE000  }
0x132: {  	[hbm4b:s1+s2] =	stream.linear.scatter [tilespmem:s13], [sflag:$0xA], $0x2000, $0x38;
	[tilespmem:$0xD900] =	vst v63  }
0x133: {  	_ =	swait.ge [sflag:s14], $0x2000  }
0x134: {  	s1 =	sld [smem:$0x7EC]  }
0x135: {  	[sflag:s14] =	ssyncset.done $0x0  }
0x136: {  	[sflag:s14] =	ssyncadd.s32 $0xFFFFE000  }
0x137: {  	[tilespmem:s15], [sflag:$0x3] =	stream.indirect.gather [hbm4b:s4+s9], $0x40, s1, s9, $0xb8;
	[tilespmem:$0xD900] =	vst v63  }
0x138: {  	_ =	swait.ge [sflag:s20], $0x2000  }
0x139: {  	[sflag:s20] =	ssyncset.done $0x0  }
0x13a: {  	s1 =	rddreg [dreg:$0x19];
	[sflag:s20] =	ssyncadd.s32 $0xFFFFE000  }
0x13b: {  	[hbm4b:s1+s2] =	stream.linear.scatter [tilespmem:s11], [sflag:$0xB], $0x2000, $0x38;
	[tilespmem:$0xD900] =	vst v63  }
0x13c: {  	_ =	swait.ge [sflag:s16], $0x2000  }
0x13d: {  	s1 =	sld [smem:$0x7ED]  }
0x13e: {  	[sflag:s16] =	ssyncset.done $0x0  }
0x13f: {  	[sflag:s16] =	ssyncadd.s32 $0xFFFFE000  }
0x140: {  	[tilespmem:s13], [sflag:$0x4] =	stream.indirect.gather [hbm4b:s4+s9], $0x40, s1, s9, $0xb8;
	[tilespmem:$0xD900] =	vst v63  }
0x141: {  	_ =	swait.ge [sflag:s21], $0x2000  }
0x142: {  	[sflag:s21] =	ssyncset.done $0x0  }
0x143: {  	s1 =	rddreg [dreg:$0x1a];
	[sflag:s21] =	ssyncadd.s32 $0xFFFFE000  }
0x144: {  	[hbm4b:s1+s2] =	stream.linear.scatter [tilespmem:s12], [sflag:$0xC], $0x2000, $0x38;
	[tilespmem:$0xD900] =	vst v63  }
0x145: {  	_ =	swait.ge [sflag:s17], $0x2000  }
0x146: {  	s1 =	sld [smem:$0x7EE]  }
0x147: {  	[sflag:s17] =	ssyncset.done $0x0  }
0x148: {  	[sflag:s17] =	ssyncadd.s32 $0xFFFFE000  }
0x149: {  	[tilespmem:s11], [sflag:$0x5] =	stream.indirect.gather [hbm4b:s4+s9], $0x40, s1, s9, $0xb8;
	[tilespmem:$0xD900] =	vst v63  }
0x14a: {  	_ =	swait.ge [sflag:s8], $0x2000  }
0x14b: {  	[sflag:s8] =	ssyncset.done $0x0  }
0x14c: {  	s1 =	rddreg [dreg:$0x1b];
	[sflag:s8] =	ssyncadd.s32 $0xFFFFE000  }
0x14d: {  	[hbm4b:s1+s2] =	stream.linear.scatter [tilespmem:s5], [sflag:$0x7], $0x2000, $0x38;
	[tilespmem:$0xD900] =	vst v63  }
0x14e: {  	_ =	swait.ge [sflag:s18], $0x2000  }
0x14f: {  	s1 =	sld [smem:$0x7EF]  }
0x150: {  	[sflag:s18] =	ssyncset.done $0x0  }
0x151: {  	[sflag:s18] =	ssyncadd.s32 $0xFFFFE000  }
0x152: {  	[tilespmem:s12], [sflag:$0x6] =	stream.indirect.gather [hbm4b:s4+s9], $0x40, s1, s9, $0xb8;
	[tilespmem:$0xD900] =	vst v63  }
0x153: {  	_ =	swait.ge [sflag:s10], $0x2000  }
0x154: {  	[sflag:s10] =	ssyncset.done $0x0  }
0x155: {  	s1 =	rddreg [dreg:$0x1c];
	[sflag:s10] =	ssyncadd.s32 $0xFFFFE000  }
0x156: {  	[hbm4b:s1+s2] =	stream.linear.scatter [tilespmem:s3], [sflag:$0x8], $0x2000, $0x38;
	[tilespmem:$0xD900] =	vst v63  }
0x157: {  	_ =	swait.ge [sflag:s6], $0x2000  }
0x158: {  	s1 =	sld [smem:$0x7F0]  }
0x159: {  	[sflag:s6] =	ssyncset.done $0x0  }
0x15a: {  	[sflag:s6] =	ssyncadd.s32 $0xFFFFE000  }
0x15b: {  	[tilespmem:s5], [sflag:$0x1] =	stream.indirect.gather [hbm4b:s4+s9], $0x40, s1, s9, $0xb8;
	[tilespmem:$0xD900] =	vst v63  }
0x15c: {  	_ =	swait.ge [sflag:s22], $0x2000  }
0x15d: {  	[sflag:s22] =	ssyncset.done $0x0  }
0x15e: {  	s1 =	rddreg [dreg:$0x1d];
	[sflag:s22] =	ssyncadd.s32 $0xFFFFE000  }
0x15f: {  	[hbm4b:s1+s2] =	stream.linear.scatter [tilespmem:s15], [sflag:$0x9], $0x2000, $0x38;
	[tilespmem:$0xD900] =	vst v63  }
0x160: {  	_ =	swait.ge [sflag:s7], $0x2000  }
0x161: {  	s1 =	sld [smem:$0x7F1]  }
0x162: {  	[sflag:s7] =	ssyncset.done $0x0  }
0x163: {  	[sflag:s7] =	ssyncadd.s32 $0xFFFFE000  }
0x164: {  	[tilespmem:s3], [sflag:$0x2] =	stream.indirect.gather [hbm4b:s4+s9], $0x40, s1, s9, $0xb8;
	[tilespmem:$0xD900] =	vst v63  }
0x165: {  	_ =	swait.ge [sflag:s19], $0x2000  }
0x166: {  	[sflag:s19] =	ssyncset.done $0x0  }
0x167: {  	s1 =	rddreg [dreg:$0x1e];
	[sflag:s19] =	ssyncadd.s32 $0xFFFFE000  }
0x168: {  	[hbm4b:s1+s2] =	stream.linear.scatter [tilespmem:s13], [sflag:$0xA], $0x2000, $0x38;
	[tilespmem:$0xD900] =	vst v63  }
0x169: {  	_ =	swait.ge [sflag:s14], $0x2000  }
0x16a: {  	s1 =	sld [smem:$0x7F2]  }
0x16b: {  	[sflag:s14] =	ssyncset.done $0x0  }
0x16c: {  	[sflag:s14] =	ssyncadd.s32 $0xFFFFE000  }
0x16d: {  	[tilespmem:s15], [sflag:$0x3] =	stream.indirect.gather [hbm4b:s4+s9], $0x40, s1, s9, $0xb8;
	[tilespmem:$0xD900] =	vst v63  }
0x16e: {  	_ =	swait.ge [sflag:s20], $0x2000  }
0x16f: {  	[sflag:s20] =	ssyncset.done $0x0  }
0x170: {  	s1 =	rddreg [dreg:$0x1f];
	[sflag:s20] =	ssyncadd.s32 $0xFFFFE000  }
0x171: {  	[hbm4b:s1+s2] =	stream.linear.scatter [tilespmem:s11], [sflag:$0xB], $0x2000, $0x38;
	[tilespmem:$0xD900] =	vst v63  }
0x172: {  	_ =	swait.ge [sflag:s16], $0x2000  }
0x173: {  	s1 =	sld [smem:$0x7F3]  }
0x174: {  	[sflag:s16] =	ssyncset.done $0x0  }
0x175: {  	[sflag:s16] =	ssyncadd.s32 $0xFFFFE000  }
0x176: {  	[tilespmem:s13], [sflag:$0x4] =	stream.indirect.gather [hbm4b:s4+s9], $0x40, s1, s9, $0xb8;
	[tilespmem:$0xD900] =	vst v63  }
0x177: {  	_ =	swait.ge [sflag:s21], $0x2000  }
0x178: {  	s1 =	sld [smem:$0x7BF]  }
0x179: {  	[sflag:s21] =	ssyncset.done $0x0  }
0x17a: {  	[sflag:s21] =	ssyncadd.s32 $0xFFFFE000  }
0x17b: {  	[hbm4b:s1+s2] =	stream.linear.scatter [tilespmem:s12], [sflag:$0xC], $0x2000, $0x38;
	[tilespmem:$0xD900] =	vst v63  }
0x17c: {  	_ =	swait.ge [sflag:s17], $0x2000  }
0x17d: {  	s1 =	sld [smem:$0x7F4]  }
0x17e: {  	[sflag:s17] =	ssyncset.done $0x0  }
0x17f: {  	[sflag:s17] =	ssyncadd.s32 $0xFFFFE000  }
0x180: {  	[tilespmem:s11], [sflag:$0x5] =	stream.indirect.gather [hbm4b:s4+s9], $0x40, s1, s9, $0xb8;
	[tilespmem:$0xD900] =	vst v63  }
0x181: {  	_ =	swait.ge [sflag:s8], $0x2000  }
0x182: {  	s1 =	sld [smem:$0x7C0]  }
0x183: {  	[sflag:s8] =	ssyncset.done $0x0  }
0x184: {  	[sflag:s8] =	ssyncadd.s32 $0xFFFFE000  }
0x185: {  	[hbm4b:s1+s2] =	stream.linear.scatter [tilespmem:s5], [sflag:$0x7], $0x2000, $0x38;
	[tilespmem:$0xD900] =	vst v63  }
0x186: {  	_ =	swait.ge [sflag:s18], $0x2000  }
0x187: {  	s1 =	sld [smem:$0x7F5]  }
0x188: {  	[sflag:s18] =	ssyncset.done $0x0  }
0x189: {  	[sflag:s18] =	ssyncadd.s32 $0xFFFFE000  }
0x18a: {  	[tilespmem:s12], [sflag:$0x6] =	stream.indirect.gather [hbm4b:s4+s9], $0x40, s1, s9, $0xb8;
	[tilespmem:$0xD900] =	vst v63  }
0x18b: {  	_ =	swait.ge [sflag:s10], $0x2000  }
0x18c: {  	s1 =	sld [smem:$0x7C1]  }
0x18d: {  	[sflag:s10] =	ssyncset.done $0x0  }
0x18e: {  	[sflag:s10] =	ssyncadd.s32 $0xFFFFE000  }
0x18f: {  	[hbm4b:s1+s2] =	stream.linear.scatter [tilespmem:s3], [sflag:$0x8], $0x2000, $0x38;
	[tilespmem:$0xD900] =	vst v63  }
0x190: {  	_ =	swait.ge [sflag:s6], $0x2000  }
0x191: {  	s1 =	sld [smem:$0x7F6]  }
0x192: {  	[sflag:s6] =	ssyncset.done $0x0  }
0x193: {  	[sflag:s6] =	ssyncadd.s32 $0xFFFFE000  }
0x194: {  	[tilespmem:s5], [sflag:$0x1] =	stream.indirect.gather [hbm4b:s4+s9], $0x40, s1, s9, $0xb8;
	[tilespmem:$0xD900] =	vst v63  }
0x195: {  	_ =	swait.ge [sflag:s22], $0x2000  }
0x196: {  	s1 =	sld [smem:$0x7C2]  }
0x197: {  	[sflag:s22] =	ssyncset.done $0x0  }
0x198: {  	[sflag:s22] =	ssyncadd.s32 $0xFFFFE000  }
0x199: {  	[hbm4b:s1+s2] =	stream.linear.scatter [tilespmem:s15], [sflag:$0x9], $0x2000, $0x38;
	[tilespmem:$0xD900] =	vst v63  }
0x19a: {  	_ =	swait.ge [sflag:s7], $0x2000  }
0x19b: {  	s1 =	sld [smem:$0x7F7]  }
0x19c: {  	[sflag:s7] =	ssyncset.done $0x0  }
0x19d: {  	[sflag:s7] =	ssyncadd.s32 $0xFFFFE000  }
0x19e: {  	[tilespmem:s3], [sflag:$0x2] =	stream.indirect.gather [hbm4b:s4+s9], $0x40, s1, s9, $0xb8;
	[tilespmem:$0xD900] =	vst v63  }
0x19f: {  	_ =	swait.ge [sflag:s19], $0x2000  }
0x1a0: {  	s1 =	sld [smem:$0x7C3]  }
0x1a1: {  	[sflag:s19] =	ssyncset.done $0x0  }
0x1a2: {  	[sflag:s19] =	ssyncadd.s32 $0xFFFFE000  }
0x1a3: {  	[hbm4b:s1+s2] =	stream.linear.scatter [tilespmem:s13], [sflag:$0xA], $0x2000, $0x38;
	[tilespmem:$0xD900] =	vst v63  }
0x1a4: {  	_ =	swait.ge [sflag:s14], $0x2000  }
0x1a5: {  	s1 =	sld [smem:$0x7F8]  }
0x1a6: {  	[sflag:s14] =	ssyncset.done $0x0  }
0x1a7: {  	[sflag:s14] =	ssyncadd.s32 $0xFFFFE000  }
0x1a8: {  	[tilespmem:s15], [sflag:$0x3] =	stream.indirect.gather [hbm4b:s4+s9], $0x40, s1, s9, $0xb8;
	[tilespmem:$0xD900] =	vst v63  }
0x1a9: {  	_ =	swait.ge [sflag:s20], $0x2000  }
0x1aa: {  	s1 =	sld [smem:$0x7C4]  }
0x1ab: {  	[sflag:s20] =	ssyncset.done $0x0  }
0x1ac: {  	[sflag:s20] =	ssyncadd.s32 $0xFFFFE000  }
0x1ad: {  	[hbm4b:s1+s2] =	stream.linear.scatter [tilespmem:s11], [sflag:$0xB], $0x2000, $0x38;
	[tilespmem:$0xD900] =	vst v63  }
0x1ae: {  	_ =	swait.ge [sflag:s16], $0x2000  }
0x1af: {  	s1 =	sld [smem:$0x7F9]  }
0x1b0: {  	[sflag:s16] =	ssyncset.done $0x0  }
0x1b1: {  	[sflag:s16] =	ssyncadd.s32 $0xFFFFE000  }
0x1b2: {  	[tilespmem:s13], [sflag:$0x4] =	stream.indirect.gather [hbm4b:s4+s9], $0x40, s1, s9, $0xb8;
	[tilespmem:$0xD900] =	vst v63  }
0x1b3: {  	_ =	swait.ge [sflag:s21], $0x2000  }
0x1b4: {  	s1 =	sld [smem:$0x7C5]  }
0x1b5: {  	[sflag:s21] =	ssyncset.done $0x0  }
0x1b6: {  	[sflag:s21] =	ssyncadd.s32 $0xFFFFE000  }
0x1b7: {  	[hbm4b:s1+s2] =	stream.linear.scatter [tilespmem:s12], [sflag:$0xC], $0x2000, $0x38;
	[tilespmem:$0xD900] =	vst v63  }
0x1b8: {  	_ =	swait.ge [sflag:s17], $0x2000  }
0x1b9: {  	s1 =	sld [smem:$0x7FA]  }
0x1ba: {  	[sflag:s17] =	ssyncset.done $0x0  }
0x1bb: {  	[sflag:s17] =	ssyncadd.s32 $0xFFFFE000  }
0x1bc: {  	[tilespmem:s11], [sflag:$0x5] =	stream.indirect.gather [hbm4b:s4+s9], $0x40, s1, s9, $0xb8;
	[tilespmem:$0xD900] =	vst v63  }
0x1bd: {  	_ =	swait.ge [sflag:s8], $0x2000  }
0x1be: {  	s1 =	sld [smem:$0x7C6]  }
0x1bf: {  	[sflag:s8] =	ssyncset.done $0x0  }
0x1c0: {  	[sflag:s8] =	ssyncadd.s32 $0xFFFFE000  }
0x1c1: {  	[hbm4b:s1+s2] =	stream.linear.scatter [tilespmem:s5], [sflag:$0x7], $0x2000, $0x38;
	[tilespmem:$0xD900] =	vst v63  }
0x1c2: {  	_ =	swait.ge [sflag:s18], $0x2000  }
0x1c3: {  	s1 =	sld [smem:$0x7FB]  }
0x1c4: {  	[sflag:s18] =	ssyncset.done $0x0  }
0x1c5: {  	[sflag:s18] =	ssyncadd.s32 $0xFFFFE000  }
0x1c6: {  	[tilespmem:s12], [sflag:$0x6] =	stream.indirect.gather [hbm4b:s4+s9], $0x40, s1, s9, $0xb8;
	[tilespmem:$0xD900] =	vst v63  }
0x1c7: {  	_ =	swait.ge [sflag:s10], $0x2000  }
0x1c8: {  	s1 =	sld [smem:$0x7C7]  }
0x1c9: {  	[sflag:s10] =	ssyncset.done $0x0  }
0x1ca: {  	[sflag:s10] =	ssyncadd.s32 $0xFFFFE000  }
0x1cb: {  	[hbm4b:s1+s2] =	stream.linear.scatter [tilespmem:s3], [sflag:$0x8], $0x2000, $0x38;
	[tilespmem:$0xD900] =	vst v63  }
0x1cc: {  	_ =	swait.ge [sflag:s6], $0x2000  }
0x1cd: {  	s1 =	sld [smem:$0x7FC]  }
0x1ce: {  	[sflag:s6] =	ssyncset.done $0x0  }
0x1cf: {  	[sflag:s6] =	ssyncadd.s32 $0xFFFFE000  }
0x1d0: {  	[tilespmem:s5], [sflag:$0x1] =	stream.indirect.gather [hbm4b:s4+s9], $0x40, s1, s9, $0xb8;
	[tilespmem:$0xD900] =	vst v63  }
0x1d1: {  	_ =	swait.ge [sflag:s22], $0x2000  }
0x1d2: {  	s1 =	sld [smem:$0x7C8]  }
0x1d3: {  	[sflag:s22] =	ssyncset.done $0x0  }
0x1d4: {  	[sflag:s22] =	ssyncadd.s32 $0xFFFFE000  }
0x1d5: {  	[hbm4b:s1+s2] =	stream.linear.scatter [tilespmem:s15], [sflag:$0x9], $0x2000, $0x38;
	[tilespmem:$0xD900] =	vst v63  }
0x1d6: {  	_ =	swait.ge [sflag:s7], $0x2000  }
0x1d7: {  	s1 =	sld [smem:$0x7FD]  }
0x1d8: {  	[sflag:s7] =	ssyncset.done $0x0  }
0x1d9: {  	[sflag:s7] =	ssyncadd.s32 $0xFFFFE000  }
0x1da: {  	[tilespmem:s3], [sflag:$0x2] =	stream.indirect.gather [hbm4b:s4+s9], $0x40, s1, s9, $0xb8;
	[tilespmem:$0xD900] =	vst v63  }
0x1db: {  	_ =	swait.ge [sflag:s19], $0x2000  }
0x1dc: {  	s1 =	sld [smem:$0x7C9]  }
0x1dd: {  	[sflag:s19] =	ssyncset.done $0x0  }
0x1de: {  	[sflag:s19] =	ssyncadd.s32 $0xFFFFE000  }
0x1df: {  	[hbm4b:s1+s2] =	stream.linear.scatter [tilespmem:s13], [sflag:$0xA], $0x2000, $0x38;
	[tilespmem:$0xD900] =	vst v63  }
0x1e0: {  	_ =	swait.ge [sflag:s14], $0x2000  }
0x1e1: {  	[sflag:s14] =	ssyncset.done $0x0  }
0x1e2: {  	s1 =	simm.s32 $0x1600;
	[sflag:s14] =	ssyncadd.s32 $0xFFFFE000  }
0x1e3: {  	[tilespmem:s15], [sflag:$0x3] =	stream.indirect.gather [hbm4b:s4+s9], $0x40, s1, s9, $0xb8;
	[tilespmem:$0xD900] =	vst v63  }
0x1e4: {  	_ =	swait.ge [sflag:s20], $0x2000  }
0x1e5: {  	s1 =	sld [smem:$0x7CA]  }
0x1e6: {  	[sflag:s20] =	ssyncset.done $0x0  }
0x1e7: {  	[sflag:s20] =	ssyncadd.s32 $0xFFFFE000  }
0x1e8: {  	[hbm4b:s1+s2] =	stream.linear.scatter [tilespmem:s11], [sflag:$0xB], $0x2000, $0x38;
	[tilespmem:$0xD900] =	vst v63  }
0x1e9: {  	_ =	swait.ge [sflag:s16], $0x2000  }
0x1ea: {  	[sflag:s16] =	ssyncset.done $0x0  }
0x1eb: {  	[sflag:s16] =	ssyncadd.s32 $0xFFFFE000  }
0x1ec: {  	[tilespmem:s13], [sflag:$0x4] =	stream.indirect.gather [hbm4b:s4+s9], $0x40, s29, s9, $0xb8;
	[tilespmem:$0xD900] =	vst v63  }
0x1ed: {  	_ =	swait.ge [sflag:s21], $0x2000  }
0x1ee: {  	s1 =	sld [smem:$0x7CB]  }
0x1ef: {  	[sflag:s21] =	ssyncset.done $0x0  }
0x1f0: {  	[sflag:s21] =	ssyncadd.s32 $0xFFFFE000  }
0x1f1: {  	[hbm4b:s1+s2] =	stream.linear.scatter [tilespmem:s12], [sflag:$0xC], $0x2000, $0x38;
	[tilespmem:$0xD900] =	vst v63  }
0x1f2: {  	_ =	swait.ge [sflag:s17], $0x2000  }
0x1f3: {  	[sflag:s17] =	ssyncset.done $0x0  }
0x1f4: {  	[sflag:s17] =	ssyncadd.s32 $0xFFFFE000  }
0x1f5: {  	[tilespmem:s11], [sflag:$0x5] =	stream.indirect.gather [hbm4b:s4+s9], $0x40, s28, s9, $0xb8;
	[tilespmem:$0xD900] =	vst v63  }
0x1f6: {  	_ =	swait.ge [sflag:s8], $0x2000  }
0x1f7: {  	s1 =	sld [smem:$0x7CC]  }
0x1f8: {  	[sflag:s8] =	ssyncset.done $0x0  }
0x1f9: {  	[sflag:s8] =	ssyncadd.s32 $0xFFFFE000  }
0x1fa: {  	[hbm4b:s1+s2] =	stream.linear.scatter [tilespmem:s5], [sflag:$0x7], $0x2000, $0x38;
	[tilespmem:$0xD900] =	vst v63  }
0x1fb: {  	_ =	swait.ge [sflag:s18], $0x2000  }
0x1fc: {  	[sflag:s18] =	ssyncset.done $0x0  }
0x1fd: {  	[sflag:s18] =	ssyncadd.s32 $0xFFFFE000  }
0x1fe: {  	[tilespmem:s12], [sflag:$0x6] =	stream.indirect.gather [hbm4b:s4+s9], $0x40, s26, s9, $0xb8;
	[tilespmem:$0xD900] =	vst v63  }
0x1ff: {  	_ =	swait.ge [sflag:s10], $0x2000  }
0x200: {  	s1 =	sld [smem:$0x7CD]  }
0x201: {  	[sflag:s10] =	ssyncset.done $0x0  }
0x202: {  	[sflag:s10] =	ssyncadd.s32 $0xFFFFE000  }
0x203: {  	[hbm4b:s1+s2] =	stream.linear.scatter [tilespmem:s3], [sflag:$0x8], $0x2000, $0x38;
	[tilespmem:$0xD900] =	vst v63  }
0x204: {  	_ =	swait.ge [sflag:s6], $0x2000  }
0x205: {  	[sflag:s6] =	ssyncset.done $0x0  }
0x206: {  	[sflag:s6] =	ssyncadd.s32 $0xFFFFE000  }
0x207: {  	[tilespmem:s5], [sflag:$0x1] =	stream.indirect.gather [hbm4b:s4+s9], $0x40, s25, s9, $0xb8;
	[tilespmem:$0xD900] =	vst v63  }
0x208: {  	_ =	swait.ge [sflag:s22], $0x2000  }
0x209: {  	s1 =	sld [smem:$0x7CE]  }
0x20a: {  	[sflag:s22] =	ssyncset.done $0x0  }
0x20b: {  	[sflag:s22] =	ssyncadd.s32 $0xFFFFE000  }
0x20c: {  	[hbm4b:s1+s2] =	stream.linear.scatter [tilespmem:s15], [sflag:$0x9], $0x2000, $0x38;
	[tilespmem:$0xD900] =	vst v63  }
0x20d: {  	_ =	swait.ge [sflag:s7], $0x2000  }
0x20e: {  	[sflag:s7] =	ssyncset.done $0x0  }
0x20f: {  	[sflag:s7] =	ssyncadd.s32 $0xFFFFE000  }
0x210: {  	[tilespmem:s3], [sflag:$0x2] =	stream.indirect.gather [hbm4b:s4+s9], $0x40, s24, s9, $0xb8;
	[tilespmem:$0xD900] =	vst v63  }
0x211: {  	_ =	swait.ge [sflag:s19], $0x2000  }
0x212: {  	s1 =	sld [smem:$0x7CF]  }
0x213: {  	[sflag:s19] =	ssyncset.done $0x0  }
0x214: {  	[sflag:s19] =	ssyncadd.s32 $0xFFFFE000  }
0x215: {  	[hbm4b:s1+s2] =	stream.linear.scatter [tilespmem:s13], [sflag:$0xA], $0x2000, $0x38;
	[tilespmem:$0xD900] =	vst v63  }
0x216: {  	_ =	swait.ge [sflag:s20], $0x2000  }
0x217: {  	s1 =	sld [smem:$0x7D0]  }
0x218: {  	[sflag:s20] =	ssyncset.done $0x0  }
0x219: {  	[sflag:s20] =	ssyncadd.s32 $0xFFFFE000  }
0x21a: {  	[hbm4b:s1+s2] =	stream.linear.scatter [tilespmem:s11], [sflag:$0xB], $0x2000, $0x38;
	[tilespmem:$0xD900] =	vst v63  }
0x21b: {  	_ =	swait.ge [sflag:s21], $0x2000  }
0x21c: {  	s1 =	sld [smem:$0x7D1]  }
0x21d: {  	[sflag:s21] =	ssyncset.done $0x0  }
0x21e: {  	[sflag:s21] =	ssyncadd.s32 $0xFFFFE000  }
0x21f: {  	[hbm4b:s1+s2] =	stream.linear.scatter [tilespmem:s12], [sflag:$0xC], $0x2000, $0x38;
	[tilespmem:$0xD900] =	vst v63  }
0x220: {  	_ =	swait.ge [sflag:s8], $0x2000  }
0x221: {  	s1 =	sld [smem:$0x7D2]  }
0x222: {  	[sflag:s8] =	ssyncset.done $0x0  }
0x223: {  	[sflag:s8] =	ssyncadd.s32 $0xFFFFE000  }
0x224: {  	[hbm4b:s1+s2] =	stream.linear.scatter [tilespmem:s5], [sflag:$0x7], $0x2000, $0x38;
	[tilespmem:$0xD900] =	vst v63  }
0x225: {  	_ =	swait.ge [sflag:s10], $0x2000  }
0x226: {  	s1 =	sld [smem:$0x7D3]  }
0x227: {  	[sflag:s10] =	ssyncset.done $0x0  }
0x228: {  	[sflag:s10] =	ssyncadd.s32 $0xFFFFE000  }
0x229: {  	[hbm4b:s1+s2] =	stream.linear.scatter [tilespmem:s3], [sflag:$0x8], $0x2000, $0x38;
	[tilespmem:$0xD900] =	vst v63  }
0x22a: {  	_ =	swait.ge [sflag:s14], $0x2000  }
0x22b: {  	[sflag:s14] =	ssyncset.done $0x0  }
0x22c: {  	[sflag:s14] =	ssyncadd.s32 $0xFFFFE000  }
0x22d: {  	_ =	swait.ge [sflag:s16], $0x2000  }
0x22e: {  	[sflag:s16] =	ssyncset.done $0x0  }
0x22f: {  	[sflag:s16] =	ssyncadd.s32 $0xFFFFE000  }
0x230: {  	_ =	swait.ge [sflag:s17], $0x2000  }
0x231: {  	[sflag:s17] =	ssyncset.done $0x0  }
0x232: {  	[sflag:s17] =	ssyncadd.s32 $0xFFFFE000  }
0x233: {  	_ =	swait.ge [sflag:s18], $0x2000  }
0x234: {  	[sflag:s18] =	ssyncset.done $0x0  }
0x235: {  	p1 =	sne.s32 s23, $0x1;
	[sflag:s18] =	ssyncadd.s32 $0xFFFFE000  }
.Ltmp1:
0x236: {  	_ =	swait.ge [sflag:s6], $0x2000;
	(pc) =	sbr.rel @!p1 .LBB2_3-.Ltmp1, $4  }
0x237: {  	[sflag:s6] =	ssyncset.done $0x0  }
0x238: {  	[sflag:s6] =	ssyncadd.s32 $0xFFFFE000  }
0x239: {  	p0 =	por $0x1, $0x1;
	_ =	swait.ge [sflag:s7], $0x2000  }
0x23a: {  	s1 =	sadd.s32 $0xFFFFFFFF, s23;
	s0 =	rddreg [dreg:$0x3];
	[sflag:s7] =	ssyncset.done $0x0  }
.LBB2_4:
0x23b: {  	[sflag:s7] =	ssyncadd.s32 $0xFFFFE000  }
0x23c: {  	[tilespmem:s2], [sflag:$0xD] =	stream.linear.gather [hbm4b:s0+s2], $0x1900, $0x38;
	[tilespmem:$0xD900] =	vst v63  }
0x23d: {  	_ =	swait.ge [sflag:s31], $0x1900  }
0x23e: {  	[sflag:s31] =	ssyncset.done $0x0  }
0x23f: {  	[sflag:s31] =	ssyncadd.s32 $0xFFFFE700  }
0x240: {  	[tilespmem:s5], [sflag:$0x1] =	stream.indirect.gather [hbm4b:s4+s9], $0x40, s2, s9, $0xb8;
	[tilespmem:$0xD900] =	vst v63  }
0x241: {  	s0 =	sld [smem:$0x7D4]  }
0x242: {  	[tilespmem:s3], [sflag:$0x2] =	stream.indirect.gather [hbm4b:s4+s9], $0x40, s9, s9, $0xb8;
	[tilespmem:$0xD900] =	vst v63  }
0x243: {  	s23 =	sld [smem:$0x7D5]  }
0x244: {  	[tilespmem:s15], [sflag:$0x3] =	stream.indirect.gather [hbm4b:s4+s9], $0x40, s0, s9, $0xb8;
	[tilespmem:$0xD900] =	vst v63  }
0x245: {  	s0 =	sld [smem:$0x7D6]  }
0x246: {  	[tilespmem:s13], [sflag:$0x4] =	stream.indirect.gather [hbm4b:s4+s9], $0x40, s23, s9, $0xb8;
	[tilespmem:$0xD900] =	vst v63  }
0x247: {  	_ = 	snop  }
0x248: {  	[tilespmem:s11], [sflag:$0x5] =	stream.indirect.gather [hbm4b:s4+s9], $0x40, s0, s9, $0xb8;
	[tilespmem:$0xD900] =	vst v63  }
0x249: {  	_ =	swait.ge [sflag:s8], $0x2000  }
0x24a: {  	[sflag:s8] =	ssyncset.done $0x0  }
0x24b: {  	s23 =	sld [smem:$0x7D7];
	[sflag:s8] =	ssyncadd.s32 $0xFFFFE000  }
0x24c: {  	[hbm4b:s30+s2] =	stream.linear.scatter [tilespmem:s5], [sflag:$0x7], $0x2000, $0x38;
	[tilespmem:$0xD900] =	vst v63  }
0x24d: {  	_ = 	snop  }
0x24e: {  	[tilespmem:s12], [sflag:$0x6] =	stream.indirect.gather [hbm4b:s4+s9], $0x40, s23, s9, $0xb8;
	[tilespmem:$0xD900] =	vst v63  }
0x24f: {  	_ =	swait.ge [sflag:s10], $0x2000  }
0x250: {  	[sflag:s10] =	ssyncset.done $0x0  }
0x251: {  	s23 =	rddreg [dreg:$0x4];
	[sflag:s10] =	ssyncadd.s32 $0xFFFFE000  }
0x252: {  	[hbm4b:s23+s2] =	stream.linear.scatter [tilespmem:s3], [sflag:$0x8], $0x2000, $0x38;
	[tilespmem:$0xD900] =	vst v63  }
0x253: {  	_ =	swait.ge [sflag:s6], $0x2000  }
0x254: {  	s23 =	sld [smem:$0x7D8]  }
0x255: {  	[sflag:s6] =	ssyncset.done $0x0  }
0x256: {  	[sflag:s6] =	ssyncadd.s32 $0xFFFFE000  }
0x257: {  	[tilespmem:s5], [sflag:$0x1] =	stream.indirect.gather [hbm4b:s4+s9], $0x40, s23, s9, $0xb8;
	[tilespmem:$0xD900] =	vst v63  }
0x258: {  	_ =	swait.ge [sflag:s22], $0x2000  }
0x259: {  	[sflag:s22] =	ssyncset.done $0x0  }
0x25a: {  	s23 =	rddreg [dreg:$0x5];
	[sflag:s22] =	ssyncadd.s32 $0xFFFFE000  }
0x25b: {  	[hbm4b:s23+s2] =	stream.linear.scatter [tilespmem:s15], [sflag:$0x9], $0x2000, $0x38;
	[tilespmem:$0xD900] =	vst v63  }
0x25c: {  	_ =	swait.ge [sflag:s7], $0x2000  }
0x25d: {  	s23 =	sld [smem:$0x7D9]  }
0x25e: {  	[sflag:s7] =	ssyncset.done $0x0  }
0x25f: {  	[sflag:s7] =	ssyncadd.s32 $0xFFFFE000  }
0x260: {  	[tilespmem:s3], [sflag:$0x2] =	stream.indirect.gather [hbm4b:s4+s9], $0x40, s23, s9, $0xb8;
	[tilespmem:$0xD900] =	vst v63  }
0x261: {  	_ =	swait.ge [sflag:s19], $0x2000  }
0x262: {  	[sflag:s19] =	ssyncset.done $0x0  }
0x263: {  	s23 =	rddreg [dreg:$0x6];
	[sflag:s19] =	ssyncadd.s32 $0xFFFFE000  }
0x264: {  	[hbm4b:s23+s2] =	stream.linear.scatter [tilespmem:s13], [sflag:$0xA], $0x2000, $0x38;
	[tilespmem:$0xD900] =	vst v63  }
0x265: {  	_ =	swait.ge [sflag:s14], $0x2000  }
0x266: {  	s23 =	sld [smem:$0x7DA]  }
0x267: {  	[sflag:s14] =	ssyncset.done $0x0  }
0x268: {  	[sflag:s14] =	ssyncadd.s32 $0xFFFFE000  }
0x269: {  	[tilespmem:s15], [sflag:$0x3] =	stream.indirect.gather [hbm4b:s4+s9], $0x40, s23, s9, $0xb8;
	[tilespmem:$0xD900] =	vst v63  }
0x26a: {  	_ =	swait.ge [sflag:s20], $0x2000  }
0x26b: {  	[sflag:s20] =	ssyncset.done $0x0  }
0x26c: {  	s23 =	rddreg [dreg:$0x7];
	[sflag:s20] =	ssyncadd.s32 $0xFFFFE000  }
0x26d: {  	[hbm4b:s23+s2] =	stream.linear.scatter [tilespmem:s11], [sflag:$0xB], $0x2000, $0x38;
	[tilespmem:$0xD900] =	vst v63  }
0x26e: {  	_ =	swait.ge [sflag:s16], $0x2000  }
0x26f: {  	s23 =	sld [smem:$0x7DB]  }
0x270: {  	[sflag:s16] =	ssyncset.done $0x0  }
0x271: {  	[sflag:s16] =	ssyncadd.s32 $0xFFFFE000  }
0x272: {  	[tilespmem:s13], [sflag:$0x4] =	stream.indirect.gather [hbm4b:s4+s9], $0x40, s23, s9, $0xb8;
	[tilespmem:$0xD900] =	vst v63  }
0x273: {  	_ =	swait.ge [sflag:s21], $0x2000  }
0x274: {  	[sflag:s21] =	ssyncset.done $0x0  }
0x275: {  	s23 =	rddreg [dreg:$0x8];
	[sflag:s21] =	ssyncadd.s32 $0xFFFFE000  }
0x276: {  	[hbm4b:s23+s2] =	stream.linear.scatter [tilespmem:s12], [sflag:$0xC], $0x2000, $0x38;
	[tilespmem:$0xD900] =	vst v63  }
0x277: {  	_ =	swait.ge [sflag:s17], $0x2000  }
0x278: {  	s23 =	sld [smem:$0x7DC]  }
0x279: {  	[sflag:s17] =	ssyncset.done $0x0  }
0x27a: {  	[sflag:s17] =	ssyncadd.s32 $0xFFFFE000  }
0x27b: {  	[tilespmem:s11], [sflag:$0x5] =	stream.indirect.gather [hbm4b:s4+s9], $0x40, s23, s9, $0xb8;
	[tilespmem:$0xD900] =	vst v63  }
0x27c: {  	_ =	swait.ge [sflag:s8], $0x2000  }
0x27d: {  	[sflag:s8] =	ssyncset.done $0x0  }
0x27e: {  	s23 =	rddreg [dreg:$0x9];
	[sflag:s8] =	ssyncadd.s32 $0xFFFFE000  }
0x27f: {  	[hbm4b:s23+s2] =	stream.linear.scatter [tilespmem:s5], [sflag:$0x7], $0x2000, $0x38;
	[tilespmem:$0xD900] =	vst v63  }
0x280: {  	_ =	swait.ge [sflag:s18], $0x2000  }
0x281: {  	s23 =	sld [smem:$0x7DD]  }
0x282: {  	[sflag:s18] =	ssyncset.done $0x0  }
0x283: {  	[sflag:s18] =	ssyncadd.s32 $0xFFFFE000  }
0x284: {  	[tilespmem:s12], [sflag:$0x6] =	stream.indirect.gather [hbm4b:s4+s9], $0x40, s23, s9, $0xb8;
	[tilespmem:$0xD900] =	vst v63  }
0x285: {  	_ =	swait.ge [sflag:s10], $0x2000  }
0x286: {  	[sflag:s10] =	ssyncset.done $0x0  }
0x287: {  	s23 =	rddreg [dreg:$0xa];
	[sflag:s10] =	ssyncadd.s32 $0xFFFFE000  }
0x288: {  	[hbm4b:s23+s2] =	stream.linear.scatter [tilespmem:s3], [sflag:$0x8], $0x2000, $0x38;
	[tilespmem:$0xD900] =	vst v63  }
0x289: {  	_ =	swait.ge [sflag:s6], $0x2000  }
0x28a: {  	s23 =	sld [smem:$0x7DE]  }
0x28b: {  	[sflag:s6] =	ssyncset.done $0x0  }
0x28c: {  	[sflag:s6] =	ssyncadd.s32 $0xFFFFE000  }
0x28d: {  	[tilespmem:s5], [sflag:$0x1] =	stream.indirect.gather [hbm4b:s4+s9], $0x40, s23, s9, $0xb8;
	[tilespmem:$0xD900] =	vst v63  }
0x28e: {  	_ =	swait.ge [sflag:s22], $0x2000  }
0x28f: {  	[sflag:s22] =	ssyncset.done $0x0  }
0x290: {  	s23 =	rddreg [dreg:$0xb];
	[sflag:s22] =	ssyncadd.s32 $0xFFFFE000  }
0x291: {  	[hbm4b:s23+s2] =	stream.linear.scatter [tilespmem:s15], [sflag:$0x9], $0x2000, $0x38;
	[tilespmem:$0xD900] =	vst v63  }
0x292: {  	_ =	swait.ge [sflag:s7], $0x2000  }
0x293: {  	s23 =	sld [smem:$0x7DF]  }
0x294: {  	[sflag:s7] =	ssyncset.done $0x0  }
0x295: {  	[sflag:s7] =	ssyncadd.s32 $0xFFFFE000  }
0x296: {  	[tilespmem:s3], [sflag:$0x2] =	stream.indirect.gather [hbm4b:s4+s9], $0x40, s23, s9, $0xb8;
	[tilespmem:$0xD900] =	vst v63  }
0x297: {  	_ =	swait.ge [sflag:s19], $0x2000  }
0x298: {  	[sflag:s19] =	ssyncset.done $0x0  }
0x299: {  	s23 =	rddreg [dreg:$0xc];
	[sflag:s19] =	ssyncadd.s32 $0xFFFFE000  }
0x29a: {  	[hbm4b:s23+s2] =	stream.linear.scatter [tilespmem:s13], [sflag:$0xA], $0x2000, $0x38;
	[tilespmem:$0xD900] =	vst v63  }
0x29b: {  	_ =	swait.ge [sflag:s14], $0x2000  }
0x29c: {  	s23 =	sld [smem:$0x7E0]  }
0x29d: {  	[sflag:s14] =	ssyncset.done $0x0  }
0x29e: {  	[sflag:s14] =	ssyncadd.s32 $0xFFFFE000  }
0x29f: {  	[tilespmem:s15], [sflag:$0x3] =	stream.indirect.gather [hbm4b:s4+s9], $0x40, s23, s9, $0xb8;
	[tilespmem:$0xD900] =	vst v63  }
0x2a0: {  	_ =	swait.ge [sflag:s20], $0x2000  }
0x2a1: {  	[sflag:s20] =	ssyncset.done $0x0  }
0x2a2: {  	s23 =	rddreg [dreg:$0xd];
	[sflag:s20] =	ssyncadd.s32 $0xFFFFE000  }
0x2a3: {  	[hbm4b:s23+s2] =	stream.linear.scatter [tilespmem:s11], [sflag:$0xB], $0x2000, $0x38;
	[tilespmem:$0xD900] =	vst v63  }
0x2a4: {  	_ =	swait.ge [sflag:s16], $0x2000  }
0x2a5: {  	s23 =	sld [smem:$0x7E1]  }
0x2a6: {  	[sflag:s16] =	ssyncset.done $0x0  }
0x2a7: {  	[sflag:s16] =	ssyncadd.s32 $0xFFFFE000  }
0x2a8: {  	[tilespmem:s13], [sflag:$0x4] =	stream.indirect.gather [hbm4b:s4+s9], $0x40, s23, s9, $0xb8;
	[tilespmem:$0xD900] =	vst v63  }
0x2a9: {  	_ =	swait.ge [sflag:s21], $0x2000  }
0x2aa: {  	[sflag:s21] =	ssyncset.done $0x0  }
0x2ab: {  	s23 =	rddreg [dreg:$0xe];
	[sflag:s21] =	ssyncadd.s32 $0xFFFFE000  }
0x2ac: {  	[hbm4b:s23+s2] =	stream.linear.scatter [tilespmem:s12], [sflag:$0xC], $0x2000, $0x38;
	[tilespmem:$0xD900] =	vst v63  }
0x2ad: {  	_ =	swait.ge [sflag:s17], $0x2000  }
0x2ae: {  	s23 =	sld [smem:$0x7E2]  }
0x2af: {  	[sflag:s17] =	ssyncset.done $0x0  }
0x2b0: {  	[sflag:s17] =	ssyncadd.s32 $0xFFFFE000  }
0x2b1: {  	[tilespmem:s11], [sflag:$0x5] =	stream.indirect.gather [hbm4b:s4+s9], $0x40, s23, s9, $0xb8;
	[tilespmem:$0xD900] =	vst v63  }
0x2b2: {  	_ =	swait.ge [sflag:s8], $0x2000  }
0x2b3: {  	[sflag:s8] =	ssyncset.done $0x0  }
0x2b4: {  	s23 =	rddreg [dreg:$0xf];
	[sflag:s8] =	ssyncadd.s32 $0xFFFFE000  }
0x2b5: {  	[hbm4b:s23+s2] =	stream.linear.scatter [tilespmem:s5], [sflag:$0x7], $0x2000, $0x38;
	[tilespmem:$0xD900] =	vst v63  }
0x2b6: {  	_ =	swait.ge [sflag:s18], $0x2000  }
0x2b7: {  	s23 =	sld [smem:$0x7E3]  }
0x2b8: {  	[sflag:s18] =	ssyncset.done $0x0  }
0x2b9: {  	[sflag:s18] =	ssyncadd.s32 $0xFFFFE000  }
0x2ba: {  	[tilespmem:s12], [sflag:$0x6] =	stream.indirect.gather [hbm4b:s4+s9], $0x40, s23, s9, $0xb8;
	[tilespmem:$0xD900] =	vst v63  }
0x2bb: {  	_ =	swait.ge [sflag:s10], $0x2000  }
0x2bc: {  	[sflag:s10] =	ssyncset.done $0x0  }
0x2bd: {  	s23 =	rddreg [dreg:$0x10];
	[sflag:s10] =	ssyncadd.s32 $0xFFFFE000  }
0x2be: {  	[hbm4b:s23+s2] =	stream.linear.scatter [tilespmem:s3], [sflag:$0x8], $0x2000, $0x38;
	[tilespmem:$0xD900] =	vst v63  }
0x2bf: {  	_ =	swait.ge [sflag:s6], $0x2000  }
0x2c0: {  	s23 =	sld [smem:$0x7E4]  }
0x2c1: {  	[sflag:s6] =	ssyncset.done $0x0  }
0x2c2: {  	[sflag:s6] =	ssyncadd.s32 $0xFFFFE000  }
0x2c3: {  	[tilespmem:s5], [sflag:$0x1] =	stream.indirect.gather [hbm4b:s4+s9], $0x40, s23, s9, $0xb8;
	[tilespmem:$0xD900] =	vst v63  }
0x2c4: {  	_ =	swait.ge [sflag:s22], $0x2000  }
0x2c5: {  	[sflag:s22] =	ssyncset.done $0x0  }
0x2c6: {  	s23 =	rddreg [dreg:$0x11];
	[sflag:s22] =	ssyncadd.s32 $0xFFFFE000  }
0x2c7: {  	[hbm4b:s23+s2] =	stream.linear.scatter [tilespmem:s15], [sflag:$0x9], $0x2000, $0x38;
	[tilespmem:$0xD900] =	vst v63  }
0x2c8: {  	_ =	swait.ge [sflag:s7], $0x2000  }
0x2c9: {  	s23 =	sld [smem:$0x7E5]  }
0x2ca: {  	[sflag:s7] =	ssyncset.done $0x0  }
0x2cb: {  	[sflag:s7] =	ssyncadd.s32 $0xFFFFE000  }
0x2cc: {  	[tilespmem:s3], [sflag:$0x2] =	stream.indirect.gather [hbm4b:s4+s9], $0x40, s23, s9, $0xb8;
	[tilespmem:$0xD900] =	vst v63  }
0x2cd: {  	_ =	swait.ge [sflag:s19], $0x2000  }
0x2ce: {  	[sflag:s19] =	ssyncset.done $0x0  }
0x2cf: {  	s23 =	rddreg [dreg:$0x12];
	[sflag:s19] =	ssyncadd.s32 $0xFFFFE000  }
0x2d0: {  	[hbm4b:s23+s2] =	stream.linear.scatter [tilespmem:s13], [sflag:$0xA], $0x2000, $0x38;
	[tilespmem:$0xD900] =	vst v63  }
0x2d1: {  	_ =	swait.ge [sflag:s14], $0x2000  }
0x2d2: {  	s23 =	sld [smem:$0x7E6]  }
0x2d3: {  	[sflag:s14] =	ssyncset.done $0x0  }
0x2d4: {  	[sflag:s14] =	ssyncadd.s32 $0xFFFFE000  }
0x2d5: {  	[tilespmem:s15], [sflag:$0x3] =	stream.indirect.gather [hbm4b:s4+s9], $0x40, s23, s9, $0xb8;
	[tilespmem:$0xD900] =	vst v63  }
0x2d6: {  	_ =	swait.ge [sflag:s20], $0x2000  }
0x2d7: {  	[sflag:s20] =	ssyncset.done $0x0  }
0x2d8: {  	s23 =	rddreg [dreg:$0x13];
	[sflag:s20] =	ssyncadd.s32 $0xFFFFE000  }
0x2d9: {  	[hbm4b:s23+s2] =	stream.linear.scatter [tilespmem:s11], [sflag:$0xB], $0x2000, $0x38;
	[tilespmem:$0xD900] =	vst v63  }
0x2da: {  	_ =	swait.ge [sflag:s16], $0x2000  }
0x2db: {  	s23 =	sld [smem:$0x7E7]  }
0x2dc: {  	[sflag:s16] =	ssyncset.done $0x0  }
0x2dd: {  	[sflag:s16] =	ssyncadd.s32 $0xFFFFE000  }
0x2de: {  	[tilespmem:s13], [sflag:$0x4] =	stream.indirect.gather [hbm4b:s4+s9], $0x40, s23, s9, $0xb8;
	[tilespmem:$0xD900] =	vst v63  }
0x2df: {  	_ =	swait.ge [sflag:s21], $0x2000  }
0x2e0: {  	[sflag:s21] =	ssyncset.done $0x0  }
0x2e1: {  	s23 =	rddreg [dreg:$0x14];
	[sflag:s21] =	ssyncadd.s32 $0xFFFFE000  }
0x2e2: {  	[hbm4b:s23+s2] =	stream.linear.scatter [tilespmem:s12], [sflag:$0xC], $0x2000, $0x38;
	[tilespmem:$0xD900] =	vst v63  }
0x2e3: {  	_ =	swait.ge [sflag:s17], $0x2000  }
0x2e4: {  	s23 =	sld [smem:$0x7E8]  }
0x2e5: {  	[sflag:s17] =	ssyncset.done $0x0  }
0x2e6: {  	[sflag:s17] =	ssyncadd.s32 $0xFFFFE000  }
0x2e7: {  	[tilespmem:s11], [sflag:$0x5] =	stream.indirect.gather [hbm4b:s4+s9], $0x40, s23, s9, $0xb8;
	[tilespmem:$0xD900] =	vst v63  }
0x2e8: {  	_ =	swait.ge [sflag:s8], $0x2000  }
0x2e9: {  	[sflag:s8] =	ssyncset.done $0x0  }
0x2ea: {  	s23 =	rddreg [dreg:$0x15];
	[sflag:s8] =	ssyncadd.s32 $0xFFFFE000  }
0x2eb: {  	[hbm4b:s23+s2] =	stream.linear.scatter [tilespmem:s5], [sflag:$0x7], $0x2000, $0x38;
	[tilespmem:$0xD900] =	vst v63  }
0x2ec: {  	_ =	swait.ge [sflag:s18], $0x2000  }
0x2ed: {  	s23 =	sld [smem:$0x7E9]  }
0x2ee: {  	[sflag:s18] =	ssyncset.done $0x0  }
0x2ef: {  	[sflag:s18] =	ssyncadd.s32 $0xFFFFE000  }
0x2f0: {  	[tilespmem:s12], [sflag:$0x6] =	stream.indirect.gather [hbm4b:s4+s9], $0x40, s23, s9, $0xb8;
	[tilespmem:$0xD900] =	vst v63  }
0x2f1: {  	_ =	swait.ge [sflag:s10], $0x2000  }
0x2f2: {  	[sflag:s10] =	ssyncset.done $0x0  }
0x2f3: {  	s23 =	rddreg [dreg:$0x16];
	[sflag:s10] =	ssyncadd.s32 $0xFFFFE000  }
0x2f4: {  	[hbm4b:s23+s2] =	stream.linear.scatter [tilespmem:s3], [sflag:$0x8], $0x2000, $0x38;
	[tilespmem:$0xD900] =	vst v63  }
0x2f5: {  	_ =	swait.ge [sflag:s6], $0x2000  }
0x2f6: {  	s23 =	sld [smem:$0x7EA]  }
0x2f7: {  	[sflag:s6] =	ssyncset.done $0x0  }
0x2f8: {  	[sflag:s6] =	ssyncadd.s32 $0xFFFFE000  }
0x2f9: {  	[tilespmem:s5], [sflag:$0x1] =	stream.indirect.gather [hbm4b:s4+s9], $0x40, s23, s9, $0xb8;
	[tilespmem:$0xD900] =	vst v63  }
0x2fa: {  	_ =	swait.ge [sflag:s22], $0x2000  }
0x2fb: {  	[sflag:s22] =	ssyncset.done $0x0  }
0x2fc: {  	s23 =	rddreg [dreg:$0x17];
	[sflag:s22] =	ssyncadd.s32 $0xFFFFE000  }
0x2fd: {  	[hbm4b:s23+s2] =	stream.linear.scatter [tilespmem:s15], [sflag:$0x9], $0x2000, $0x38;
	[tilespmem:$0xD900] =	vst v63  }
0x2fe: {  	_ =	swait.ge [sflag:s7], $0x2000  }
0x2ff: {  	s23 =	sld [smem:$0x7EB]  }
0x300: {  	[sflag:s7] =	ssyncset.done $0x0  }
0x301: {  	[sflag:s7] =	ssyncadd.s32 $0xFFFFE000  }
0x302: {  	[tilespmem:s3], [sflag:$0x2] =	stream.indirect.gather [hbm4b:s4+s9], $0x40, s23, s9, $0xb8;
	[tilespmem:$0xD900] =	vst v63  }
0x303: {  	_ =	swait.ge [sflag:s19], $0x2000  }
0x304: {  	[sflag:s19] =	ssyncset.done $0x0  }
0x305: {  	s23 =	rddreg [dreg:$0x18];
	[sflag:s19] =	ssyncadd.s32 $0xFFFFE000  }
0x306: {  	[hbm4b:s23+s2] =	stream.linear.scatter [tilespmem:s13], [sflag:$0xA], $0x2000, $0x38;
	[tilespmem:$0xD900] =	vst v63  }
0x307: {  	_ =	swait.ge [sflag:s14], $0x2000  }
0x308: {  	s23 =	sld [smem:$0x7EC]  }
0x309: {  	[sflag:s14] =	ssyncset.done $0x0  }
0x30a: {  	[sflag:s14] =	ssyncadd.s32 $0xFFFFE000  }
0x30b: {  	[tilespmem:s15], [sflag:$0x3] =	stream.indirect.gather [hbm4b:s4+s9], $0x40, s23, s9, $0xb8;
	[tilespmem:$0xD900] =	vst v63  }
0x30c: {  	_ =	swait.ge [sflag:s20], $0x2000  }
0x30d: {  	[sflag:s20] =	ssyncset.done $0x0  }
0x30e: {  	s23 =	rddreg [dreg:$0x19];
	[sflag:s20] =	ssyncadd.s32 $0xFFFFE000  }
0x30f: {  	[hbm4b:s23+s2] =	stream.linear.scatter [tilespmem:s11], [sflag:$0xB], $0x2000, $0x38;
	[tilespmem:$0xD900] =	vst v63  }
0x310: {  	_ =	swait.ge [sflag:s16], $0x2000  }
0x311: {  	s23 =	sld [smem:$0x7ED]  }
0x312: {  	[sflag:s16] =	ssyncset.done $0x0  }
0x313: {  	[sflag:s16] =	ssyncadd.s32 $0xFFFFE000  }
0x314: {  	[tilespmem:s13], [sflag:$0x4] =	stream.indirect.gather [hbm4b:s4+s9], $0x40, s23, s9, $0xb8;
	[tilespmem:$0xD900] =	vst v63  }
0x315: {  	_ =	swait.ge [sflag:s21], $0x2000  }
0x316: {  	[sflag:s21] =	ssyncset.done $0x0  }
0x317: {  	s23 =	rddreg [dreg:$0x1a];
	[sflag:s21] =	ssyncadd.s32 $0xFFFFE000  }
0x318: {  	[hbm4b:s23+s2] =	stream.linear.scatter [tilespmem:s12], [sflag:$0xC], $0x2000, $0x38;
	[tilespmem:$0xD900] =	vst v63  }
0x319: {  	_ =	swait.ge [sflag:s17], $0x2000  }
0x31a: {  	s23 =	sld [smem:$0x7EE]  }
0x31b: {  	[sflag:s17] =	ssyncset.done $0x0  }
0x31c: {  	[sflag:s17] =	ssyncadd.s32 $0xFFFFE000  }
0x31d: {  	[tilespmem:s11], [sflag:$0x5] =	stream.indirect.gather [hbm4b:s4+s9], $0x40, s23, s9, $0xb8;
	[tilespmem:$0xD900] =	vst v63  }
0x31e: {  	_ =	swait.ge [sflag:s8], $0x2000  }
0x31f: {  	[sflag:s8] =	ssyncset.done $0x0  }
0x320: {  	s23 =	rddreg [dreg:$0x1b];
	[sflag:s8] =	ssyncadd.s32 $0xFFFFE000  }
0x321: {  	[hbm4b:s23+s2] =	stream.linear.scatter [tilespmem:s5], [sflag:$0x7], $0x2000, $0x38;
	[tilespmem:$0xD900] =	vst v63  }
0x322: {  	_ =	swait.ge [sflag:s18], $0x2000  }
0x323: {  	s23 =	sld [smem:$0x7EF]  }
0x324: {  	[sflag:s18] =	ssyncset.done $0x0  }
0x325: {  	[sflag:s18] =	ssyncadd.s32 $0xFFFFE000  }
0x326: {  	[tilespmem:s12], [sflag:$0x6] =	stream.indirect.gather [hbm4b:s4+s9], $0x40, s23, s9, $0xb8;
	[tilespmem:$0xD900] =	vst v63  }
0x327: {  	_ =	swait.ge [sflag:s10], $0x2000  }
0x328: {  	[sflag:s10] =	ssyncset.done $0x0  }
0x329: {  	s23 =	rddreg [dreg:$0x1c];
	[sflag:s10] =	ssyncadd.s32 $0xFFFFE000  }
0x32a: {  	[hbm4b:s23+s2] =	stream.linear.scatter [tilespmem:s3], [sflag:$0x8], $0x2000, $0x38;
	[tilespmem:$0xD900] =	vst v63  }
0x32b: {  	_ =	swait.ge [sflag:s6], $0x2000  }
0x32c: {  	s23 =	sld [smem:$0x7F0]  }
0x32d: {  	[sflag:s6] =	ssyncset.done $0x0  }
0x32e: {  	[sflag:s6] =	ssyncadd.s32 $0xFFFFE000  }
0x32f: {  	[tilespmem:s5], [sflag:$0x1] =	stream.indirect.gather [hbm4b:s4+s9], $0x40, s23, s9, $0xb8;
	[tilespmem:$0xD900] =	vst v63  }
0x330: {  	_ =	swait.ge [sflag:s22], $0x2000  }
0x331: {  	[sflag:s22] =	ssyncset.done $0x0  }
0x332: {  	s23 =	rddreg [dreg:$0x1d];
	[sflag:s22] =	ssyncadd.s32 $0xFFFFE000  }
0x333: {  	[hbm4b:s23+s2] =	stream.linear.scatter [tilespmem:s15], [sflag:$0x9], $0x2000, $0x38;
	[tilespmem:$0xD900] =	vst v63  }
0x334: {  	_ =	swait.ge [sflag:s7], $0x2000  }
0x335: {  	s23 =	sld [smem:$0x7F1]  }
0x336: {  	[sflag:s7] =	ssyncset.done $0x0  }
0x337: {  	[sflag:s7] =	ssyncadd.s32 $0xFFFFE000  }
0x338: {  	[tilespmem:s3], [sflag:$0x2] =	stream.indirect.gather [hbm4b:s4+s9], $0x40, s23, s9, $0xb8;
	[tilespmem:$0xD900] =	vst v63  }
0x339: {  	_ =	swait.ge [sflag:s19], $0x2000  }
0x33a: {  	[sflag:s19] =	ssyncset.done $0x0  }
0x33b: {  	s23 =	rddreg [dreg:$0x1e];
	[sflag:s19] =	ssyncadd.s32 $0xFFFFE000  }
0x33c: {  	[hbm4b:s23+s2] =	stream.linear.scatter [tilespmem:s13], [sflag:$0xA], $0x2000, $0x38;
	[tilespmem:$0xD900] =	vst v63  }
0x33d: {  	_ =	swait.ge [sflag:s14], $0x2000  }
0x33e: {  	s23 =	sld [smem:$0x7F2]  }
0x33f: {  	[sflag:s14] =	ssyncset.done $0x0  }
0x340: {  	[sflag:s14] =	ssyncadd.s32 $0xFFFFE000  }
0x341: {  	[tilespmem:s15], [sflag:$0x3] =	stream.indirect.gather [hbm4b:s4+s9], $0x40, s23, s9, $0xb8;
	[tilespmem:$0xD900] =	vst v63  }
0x342: {  	_ =	swait.ge [sflag:s20], $0x2000  }
0x343: {  	[sflag:s20] =	ssyncset.done $0x0  }
0x344: {  	s23 =	rddreg [dreg:$0x1f];
	[sflag:s20] =	ssyncadd.s32 $0xFFFFE000  }
0x345: {  	[hbm4b:s23+s2] =	stream.linear.scatter [tilespmem:s11], [sflag:$0xB], $0x2000, $0x38;
	[tilespmem:$0xD900] =	vst v63  }
0x346: {  	_ =	swait.ge [sflag:s16], $0x2000  }
0x347: {  	s23 =	sld [smem:$0x7F3]  }
0x348: {  	[sflag:s16] =	ssyncset.done $0x0  }
0x349: {  	[sflag:s16] =	ssyncadd.s32 $0xFFFFE000  }
0x34a: {  	[tilespmem:s13], [sflag:$0x4] =	stream.indirect.gather [hbm4b:s4+s9], $0x40, s23, s9, $0xb8;
	[tilespmem:$0xD900] =	vst v63  }
0x34b: {  	_ =	swait.ge [sflag:s21], $0x2000  }
0x34c: {  	s23 =	sld [smem:$0x7BF]  }
0x34d: {  	[sflag:s21] =	ssyncset.done $0x0  }
0x34e: {  	[sflag:s21] =	ssyncadd.s32 $0xFFFFE000  }
0x34f: {  	[hbm4b:s23+s2] =	stream.linear.scatter [tilespmem:s12], [sflag:$0xC], $0x2000, $0x38;
	[tilespmem:$0xD900] =	vst v63  }
0x350: {  	_ =	swait.ge [sflag:s17], $0x2000  }
0x351: {  	s23 =	sld [smem:$0x7F4]  }
0x352: {  	[sflag:s17] =	ssyncset.done $0x0  }
0x353: {  	[sflag:s17] =	ssyncadd.s32 $0xFFFFE000  }
0x354: {  	[tilespmem:s11], [sflag:$0x5] =	stream.indirect.gather [hbm4b:s4+s9], $0x40, s23, s9, $0xb8;
	[tilespmem:$0xD900] =	vst v63  }
0x355: {  	_ =	swait.ge [sflag:s8], $0x2000  }
0x356: {  	s23 =	sld [smem:$0x7C0]  }
0x357: {  	[sflag:s8] =	ssyncset.done $0x0  }
0x358: {  	[sflag:s8] =	ssyncadd.s32 $0xFFFFE000  }
0x359: {  	[hbm4b:s23+s2] =	stream.linear.scatter [tilespmem:s5], [sflag:$0x7], $0x2000, $0x38;
	[tilespmem:$0xD900] =	vst v63  }
0x35a: {  	_ =	swait.ge [sflag:s18], $0x2000  }
0x35b: {  	s23 =	sld [smem:$0x7F5]  }
0x35c: {  	[sflag:s18] =	ssyncset.done $0x0  }
0x35d: {  	[sflag:s18] =	ssyncadd.s32 $0xFFFFE000  }
0x35e: {  	[tilespmem:s12], [sflag:$0x6] =	stream.indirect.gather [hbm4b:s4+s9], $0x40, s23, s9, $0xb8;
	[tilespmem:$0xD900] =	vst v63  }
0x35f: {  	_ =	swait.ge [sflag:s10], $0x2000  }
0x360: {  	s23 =	sld [smem:$0x7C1]  }
0x361: {  	[sflag:s10] =	ssyncset.done $0x0  }
0x362: {  	[sflag:s10] =	ssyncadd.s32 $0xFFFFE000  }
0x363: {  	[hbm4b:s23+s2] =	stream.linear.scatter [tilespmem:s3], [sflag:$0x8], $0x2000, $0x38;
	[tilespmem:$0xD900] =	vst v63  }
0x364: {  	_ =	swait.ge [sflag:s6], $0x2000  }
0x365: {  	s23 =	sld [smem:$0x7F6]  }
0x366: {  	[sflag:s6] =	ssyncset.done $0x0  }
0x367: {  	[sflag:s6] =	ssyncadd.s32 $0xFFFFE000  }
0x368: {  	[tilespmem:s5], [sflag:$0x1] =	stream.indirect.gather [hbm4b:s4+s9], $0x40, s23, s9, $0xb8;
	[tilespmem:$0xD900] =	vst v63  }
0x369: {  	_ =	swait.ge [sflag:s22], $0x2000  }
0x36a: {  	s23 =	sld [smem:$0x7C2]  }
0x36b: {  	[sflag:s22] =	ssyncset.done $0x0  }
0x36c: {  	[sflag:s22] =	ssyncadd.s32 $0xFFFFE000  }
0x36d: {  	[hbm4b:s23+s2] =	stream.linear.scatter [tilespmem:s15], [sflag:$0x9], $0x2000, $0x38;
	[tilespmem:$0xD900] =	vst v63  }
0x36e: {  	_ =	swait.ge [sflag:s7], $0x2000  }
0x36f: {  	s23 =	sld [smem:$0x7F7]  }
0x370: {  	[sflag:s7] =	ssyncset.done $0x0  }
0x371: {  	[sflag:s7] =	ssyncadd.s32 $0xFFFFE000  }
0x372: {  	[tilespmem:s3], [sflag:$0x2] =	stream.indirect.gather [hbm4b:s4+s9], $0x40, s23, s9, $0xb8;
	[tilespmem:$0xD900] =	vst v63  }
0x373: {  	_ =	swait.ge [sflag:s19], $0x2000  }
0x374: {  	s23 =	sld [smem:$0x7C3]  }
0x375: {  	[sflag:s19] =	ssyncset.done $0x0  }
0x376: {  	[sflag:s19] =	ssyncadd.s32 $0xFFFFE000  }
0x377: {  	[hbm4b:s23+s2] =	stream.linear.scatter [tilespmem:s13], [sflag:$0xA], $0x2000, $0x38;
	[tilespmem:$0xD900] =	vst v63  }
0x378: {  	_ =	swait.ge [sflag:s14], $0x2000  }
0x379: {  	s23 =	sld [smem:$0x7F8]  }
0x37a: {  	[sflag:s14] =	ssyncset.done $0x0  }
0x37b: {  	[sflag:s14] =	ssyncadd.s32 $0xFFFFE000  }
0x37c: {  	[tilespmem:s15], [sflag:$0x3] =	stream.indirect.gather [hbm4b:s4+s9], $0x40, s23, s9, $0xb8;
	[tilespmem:$0xD900] =	vst v63  }
0x37d: {  	_ =	swait.ge [sflag:s20], $0x2000  }
0x37e: {  	s23 =	sld [smem:$0x7C4]  }
0x37f: {  	[sflag:s20] =	ssyncset.done $0x0  }
0x380: {  	[sflag:s20] =	ssyncadd.s32 $0xFFFFE000  }
0x381: {  	[hbm4b:s23+s2] =	stream.linear.scatter [tilespmem:s11], [sflag:$0xB], $0x2000, $0x38;
	[tilespmem:$0xD900] =	vst v63  }
0x382: {  	_ =	swait.ge [sflag:s16], $0x2000  }
0x383: {  	s23 =	sld [smem:$0x7F9]  }
0x384: {  	[sflag:s16] =	ssyncset.done $0x0  }
0x385: {  	[sflag:s16] =	ssyncadd.s32 $0xFFFFE000  }
0x386: {  	[tilespmem:s13], [sflag:$0x4] =	stream.indirect.gather [hbm4b:s4+s9], $0x40, s23, s9, $0xb8;
	[tilespmem:$0xD900] =	vst v63  }
0x387: {  	_ =	swait.ge [sflag:s21], $0x2000  }
0x388: {  	s23 =	sld [smem:$0x7C5]  }
0x389: {  	[sflag:s21] =	ssyncset.done $0x0  }
0x38a: {  	[sflag:s21] =	ssyncadd.s32 $0xFFFFE000  }
0x38b: {  	[hbm4b:s23+s2] =	stream.linear.scatter [tilespmem:s12], [sflag:$0xC], $0x2000, $0x38;
	[tilespmem:$0xD900] =	vst v63  }
0x38c: {  	_ =	swait.ge [sflag:s17], $0x2000  }
0x38d: {  	s23 =	sld [smem:$0x7FA]  }
0x38e: {  	[sflag:s17] =	ssyncset.done $0x0  }
0x38f: {  	[sflag:s17] =	ssyncadd.s32 $0xFFFFE000  }
0x390: {  	[tilespmem:s11], [sflag:$0x5] =	stream.indirect.gather [hbm4b:s4+s9], $0x40, s23, s9, $0xb8;
	[tilespmem:$0xD900] =	vst v63  }
0x391: {  	_ =	swait.ge [sflag:s8], $0x2000  }
0x392: {  	s23 =	sld [smem:$0x7C6]  }
0x393: {  	[sflag:s8] =	ssyncset.done $0x0  }
0x394: {  	[sflag:s8] =	ssyncadd.s32 $0xFFFFE000  }
0x395: {  	[hbm4b:s23+s2] =	stream.linear.scatter [tilespmem:s5], [sflag:$0x7], $0x2000, $0x38;
	[tilespmem:$0xD900] =	vst v63  }
0x396: {  	_ =	swait.ge [sflag:s18], $0x2000  }
0x397: {  	s23 =	sld [smem:$0x7FB]  }
0x398: {  	[sflag:s18] =	ssyncset.done $0x0  }
0x399: {  	[sflag:s18] =	ssyncadd.s32 $0xFFFFE000  }
0x39a: {  	[tilespmem:s12], [sflag:$0x6] =	stream.indirect.gather [hbm4b:s4+s9], $0x40, s23, s9, $0xb8;
	[tilespmem:$0xD900] =	vst v63  }
0x39b: {  	_ =	swait.ge [sflag:s10], $0x2000  }
0x39c: {  	s23 =	sld [smem:$0x7C7]  }
0x39d: {  	[sflag:s10] =	ssyncset.done $0x0  }
0x39e: {  	[sflag:s10] =	ssyncadd.s32 $0xFFFFE000  }
0x39f: {  	[hbm4b:s23+s2] =	stream.linear.scatter [tilespmem:s3], [sflag:$0x8], $0x2000, $0x38;
	[tilespmem:$0xD900] =	vst v63  }
0x3a0: {  	_ =	swait.ge [sflag:s6], $0x2000  }
0x3a1: {  	s23 =	sld [smem:$0x7FC]  }
0x3a2: {  	[sflag:s6] =	ssyncset.done $0x0  }
0x3a3: {  	[sflag:s6] =	ssyncadd.s32 $0xFFFFE000  }
0x3a4: {  	[tilespmem:s5], [sflag:$0x1] =	stream.indirect.gather [hbm4b:s4+s9], $0x40, s23, s9, $0xb8;
	[tilespmem:$0xD900] =	vst v63  }
0x3a5: {  	_ =	swait.ge [sflag:s22], $0x2000  }
0x3a6: {  	s23 =	sld [smem:$0x7C8]  }
0x3a7: {  	[sflag:s22] =	ssyncset.done $0x0  }
0x3a8: {  	[sflag:s22] =	ssyncadd.s32 $0xFFFFE000  }
0x3a9: {  	[hbm4b:s23+s2] =	stream.linear.scatter [tilespmem:s15], [sflag:$0x9], $0x2000, $0x38;
	[tilespmem:$0xD900] =	vst v63  }
0x3aa: {  	_ =	swait.ge [sflag:s7], $0x2000  }
0x3ab: {  	s23 =	sld [smem:$0x7FD]  }
0x3ac: {  	[sflag:s7] =	ssyncset.done $0x0  }
0x3ad: {  	[sflag:s7] =	ssyncadd.s32 $0xFFFFE000  }
0x3ae: {  	[tilespmem:s3], [sflag:$0x2] =	stream.indirect.gather [hbm4b:s4+s9], $0x40, s23, s9, $0xb8;
	[tilespmem:$0xD900] =	vst v63  }
0x3af: {  	_ =	swait.ge [sflag:s19], $0x2000  }
0x3b0: {  	s23 =	sld [smem:$0x7C9]  }
0x3b1: {  	[sflag:s19] =	ssyncset.done $0x0  }
0x3b2: {  	[sflag:s19] =	ssyncadd.s32 $0xFFFFE000  }
0x3b3: {  	[hbm4b:s23+s2] =	stream.linear.scatter [tilespmem:s13], [sflag:$0xA], $0x2000, $0x38;
	[tilespmem:$0xD900] =	vst v63  }
0x3b4: {  	_ =	swait.ge [sflag:s14], $0x2000  }
0x3b5: {  	[sflag:s14] =	ssyncset.done $0x0  }
0x3b6: {  	s23 =	simm.s32 $0x1600;
	[sflag:s14] =	ssyncadd.s32 $0xFFFFE000  }
0x3b7: {  	[tilespmem:s15], [sflag:$0x3] =	stream.indirect.gather [hbm4b:s4+s9], $0x40, s23, s9, $0xb8;
	[tilespmem:$0xD900] =	vst v63  }
0x3b8: {  	_ =	swait.ge [sflag:s20], $0x2000  }
0x3b9: {  	s23 =	sld [smem:$0x7CA]  }
0x3ba: {  	[sflag:s20] =	ssyncset.done $0x0  }
0x3bb: {  	[sflag:s20] =	ssyncadd.s32 $0xFFFFE000  }
0x3bc: {  	[hbm4b:s23+s2] =	stream.linear.scatter [tilespmem:s11], [sflag:$0xB], $0x2000, $0x38;
	[tilespmem:$0xD900] =	vst v63  }
0x3bd: {  	_ =	swait.ge [sflag:s16], $0x2000  }
0x3be: {  	[sflag:s16] =	ssyncset.done $0x0  }
0x3bf: {  	[sflag:s16] =	ssyncadd.s32 $0xFFFFE000  }
0x3c0: {  	[tilespmem:s13], [sflag:$0x4] =	stream.indirect.gather [hbm4b:s4+s9], $0x40, s29, s9, $0xb8;
	[tilespmem:$0xD900] =	vst v63  }
0x3c1: {  	_ =	swait.ge [sflag:s21], $0x2000  }
0x3c2: {  	s23 =	sld [smem:$0x7CB]  }
0x3c3: {  	[sflag:s21] =	ssyncset.done $0x0  }
0x3c4: {  	[sflag:s21] =	ssyncadd.s32 $0xFFFFE000  }
0x3c5: {  	[hbm4b:s23+s2] =	stream.linear.scatter [tilespmem:s12], [sflag:$0xC], $0x2000, $0x38;
	[tilespmem:$0xD900] =	vst v63  }
0x3c6: {  	_ =	swait.ge [sflag:s17], $0x2000  }
0x3c7: {  	[sflag:s17] =	ssyncset.done $0x0  }
0x3c8: {  	[sflag:s17] =	ssyncadd.s32 $0xFFFFE000  }
0x3c9: {  	[tilespmem:s11], [sflag:$0x5] =	stream.indirect.gather [hbm4b:s4+s9], $0x40, s28, s9, $0xb8;
	[tilespmem:$0xD900] =	vst v63  }
0x3ca: {  	_ =	swait.ge [sflag:s8], $0x2000  }
0x3cb: {  	s23 =	sld [smem:$0x7CC]  }
0x3cc: {  	[sflag:s8] =	ssyncset.done $0x0  }
0x3cd: {  	[sflag:s8] =	ssyncadd.s32 $0xFFFFE000  }
0x3ce: {  	[hbm4b:s23+s2] =	stream.linear.scatter [tilespmem:s5], [sflag:$0x7], $0x2000, $0x38;
	[tilespmem:$0xD900] =	vst v63  }
0x3cf: {  	_ =	swait.ge [sflag:s18], $0x2000  }
0x3d0: {  	[sflag:s18] =	ssyncset.done $0x0  }
0x3d1: {  	[sflag:s18] =	ssyncadd.s32 $0xFFFFE000  }
0x3d2: {  	[tilespmem:s12], [sflag:$0x6] =	stream.indirect.gather [hbm4b:s4+s9], $0x40, s26, s9, $0xb8;
	[tilespmem:$0xD900] =	vst v63  }
0x3d3: {  	_ =	swait.ge [sflag:s10], $0x2000  }
0x3d4: {  	s23 =	sld [smem:$0x7CD]  }
0x3d5: {  	[sflag:s10] =	ssyncset.done $0x0  }
0x3d6: {  	[sflag:s10] =	ssyncadd.s32 $0xFFFFE000  }
0x3d7: {  	[hbm4b:s23+s2] =	stream.linear.scatter [tilespmem:s3], [sflag:$0x8], $0x2000, $0x38;
	[tilespmem:$0xD900] =	vst v63  }
0x3d8: {  	_ =	swait.ge [sflag:s6], $0x2000  }
0x3d9: {  	[sflag:s6] =	ssyncset.done $0x0  }
0x3da: {  	[sflag:s6] =	ssyncadd.s32 $0xFFFFE000  }
0x3db: {  	[tilespmem:s5], [sflag:$0x1] =	stream.indirect.gather [hbm4b:s4+s9], $0x40, s25, s9, $0xb8;
	[tilespmem:$0xD900] =	vst v63  }
0x3dc: {  	_ =	swait.ge [sflag:s22], $0x2000  }
0x3dd: {  	s23 =	sld [smem:$0x7CE]  }
0x3de: {  	[sflag:s22] =	ssyncset.done $0x0  }
0x3df: {  	[sflag:s22] =	ssyncadd.s32 $0xFFFFE000  }
0x3e0: {  	[hbm4b:s23+s2] =	stream.linear.scatter [tilespmem:s15], [sflag:$0x9], $0x2000, $0x38;
	[tilespmem:$0xD900] =	vst v63  }
0x3e1: {  	_ =	swait.ge [sflag:s7], $0x2000  }
0x3e2: {  	[sflag:s7] =	ssyncset.done $0x0  }
0x3e3: {  	[sflag:s7] =	ssyncadd.s32 $0xFFFFE000  }
0x3e4: {  	[tilespmem:s3], [sflag:$0x2] =	stream.indirect.gather [hbm4b:s4+s9], $0x40, s24, s9, $0xb8;
	[tilespmem:$0xD900] =	vst v63  }
0x3e5: {  	_ =	swait.ge [sflag:s19], $0x2000  }
0x3e6: {  	s23 =	sld [smem:$0x7CF]  }
0x3e7: {  	[sflag:s19] =	ssyncset.done $0x0  }
0x3e8: {  	[sflag:s19] =	ssyncadd.s32 $0xFFFFE000  }
0x3e9: {  	[hbm4b:s23+s2] =	stream.linear.scatter [tilespmem:s13], [sflag:$0xA], $0x2000, $0x38;
	[tilespmem:$0xD900] =	vst v63  }
0x3ea: {  	_ =	swait.ge [sflag:s20], $0x2000  }
0x3eb: {  	s23 =	sld [smem:$0x7D0]  }
0x3ec: {  	[sflag:s20] =	ssyncset.done $0x0  }
0x3ed: {  	[sflag:s20] =	ssyncadd.s32 $0xFFFFE000  }
0x3ee: {  	[hbm4b:s23+s2] =	stream.linear.scatter [tilespmem:s11], [sflag:$0xB], $0x2000, $0x38;
	[tilespmem:$0xD900] =	vst v63  }
0x3ef: {  	_ =	swait.ge [sflag:s21], $0x2000  }
0x3f0: {  	s23 =	sld [smem:$0x7D1]  }
0x3f1: {  	[sflag:s21] =	ssyncset.done $0x0  }
0x3f2: {  	[sflag:s21] =	ssyncadd.s32 $0xFFFFE000  }
0x3f3: {  	[hbm4b:s23+s2] =	stream.linear.scatter [tilespmem:s12], [sflag:$0xC], $0x2000, $0x38;
	[tilespmem:$0xD900] =	vst v63  }
0x3f4: {  	_ =	swait.ge [sflag:s8], $0x2000  }
0x3f5: {  	s23 =	sld [smem:$0x7D2]  }
0x3f6: {  	[sflag:s8] =	ssyncset.done $0x0  }
0x3f7: {  	[sflag:s8] =	ssyncadd.s32 $0xFFFFE000  }
0x3f8: {  	[hbm4b:s23+s2] =	stream.linear.scatter [tilespmem:s5], [sflag:$0x7], $0x2000, $0x38;
	[tilespmem:$0xD900] =	vst v63  }
0x3f9: {  	_ =	swait.ge [sflag:s10], $0x2000  }
0x3fa: {  	s23 =	sld [smem:$0x7D3]  }
0x3fb: {  	[sflag:s10] =	ssyncset.done $0x0  }
0x3fc: {  	[sflag:s10] =	ssyncadd.s32 $0xFFFFE000  }
0x3fd: {  	[hbm4b:s23+s2] =	stream.linear.scatter [tilespmem:s3], [sflag:$0x8], $0x2000, $0x38;
	[tilespmem:$0xD900] =	vst v63  }
0x3fe: {  	_ =	swait.ge [sflag:s14], $0x2000  }
0x3ff: {  	[sflag:s14] =	ssyncset.done $0x0  }
0x400: {  	[sflag:s14] =	ssyncadd.s32 $0xFFFFE000  }
0x401: {  	_ =	swait.ge [sflag:s16], $0x2000  }
0x402: {  	[sflag:s16] =	ssyncset.done $0x0  }
0x403: {  	[sflag:s16] =	ssyncadd.s32 $0xFFFFE000  }
0x404: {  	_ =	swait.ge [sflag:s17], $0x2000  }
0x405: {  	[sflag:s17] =	ssyncset.done $0x0  }
0x406: {  	[sflag:s17] =	ssyncadd.s32 $0xFFFFE000  }
0x407: {  	_ =	swait.ge [sflag:s18], $0x2000  }
0x408: {  	[sflag:s18] =	ssyncset.done $0x0  }
0x409: {  	p1 =	sne.s32 s1, $0x1;
	[sflag:s18] =	ssyncadd.s32 $0xFFFFE000  }
.Ltmp2:
0x40a: {  	_ =	swait.ge [sflag:s6], $0x2000;
	(pc) =	sbr.rel @p1 .LBB2_4-.Ltmp2, $4  }
0x40b: {  	[sflag:s6] =	ssyncset.done $0x0  }
0x40c: {  	[sflag:s6] =	ssyncadd.s32 $0xFFFFE000  }
0x40d: {  	_ =	swait.ge [sflag:s7], $0x2000  }
0x40e: {  	s1 =	sadd.s32 $0xFFFFFFFF, s1;
	s0 =	rddreg [dreg:$0x3];
	[sflag:s7] =	ssyncset.done $0x0  }
0x40f: {  	s24 =	simm.s32 $0x1600;
	s29 =	simm.s32 $0x1680;
	s28 =	simm.s32 $0x1700  }
0x410: {  	s26 =	simm.s32 $0x1780;
	s25 =	simm.s32 $0x1800;
	s23 =	stileid.u32  }
.LBB2_6:
0x411: {  	[sflag:s7] =	ssyncadd.s32 @p0 $0xFFFFE000  }
0x412: {  	[tilespmem:s2], [sflag:$0xD] =	stream.linear.gather [hbm4b:s0+s2], $0x1900, $0x38;
	[tilespmem:$0xD900] =	vst v63  }
0x413: {  	_ =	swait.ge [sflag:s31], $0x1900  }
0x414: {  	[sflag:s31] =	ssyncset.done $0x0  }
0x415: {  	[sflag:s31] =	ssyncadd.s32 $0xFFFFE700  }
0x416: {  	[tilespmem:s5], [sflag:$0x1] =	stream.indirect.gather [hbm4b:s4+s9], $0x40, s2, s9, $0xb8;
	[tilespmem:$0xD900] =	vst v63  }
0x417: {  	s31 =	sld [smem:$0x7D4]  }
0x418: {  	[tilespmem:s3], [sflag:$0x2] =	stream.indirect.gather [hbm4b:s4+s9], $0x40, s9, s9, $0xb8;
	[tilespmem:$0xD900] =	vst v63  }
0x419: {  	s1 =	sld [smem:$0x7D5]  }
0x41a: {  	[tilespmem:s15], [sflag:$0x3] =	stream.indirect.gather [hbm4b:s4+s9], $0x40, s31, s9, $0xb8;
	[tilespmem:$0xD900] =	vst v63  }
0x41b: {  	s31 =	sld [smem:$0x7D6]  }
0x41c: {  	[tilespmem:s13], [sflag:$0x4] =	stream.indirect.gather [hbm4b:s4+s9], $0x40, s1, s9, $0xb8;
	[tilespmem:$0xD900] =	vst v63  }
0x41d: {  	_ = 	snop  }
0x41e: {  	[tilespmem:s11], [sflag:$0x5] =	stream.indirect.gather [hbm4b:s4+s9], $0x40, s31, s9, $0xb8;
	[tilespmem:$0xD900] =	vst v63  }
0x41f: {  	_ =	swait.ge [sflag:s8], $0x2000  }
0x420: {  	[sflag:s8] =	ssyncset.done $0x0  }
0x421: {  	s1 =	sld [smem:$0x7D7];
	[sflag:s8] =	ssyncadd.s32 $0xFFFFE000  }
0x422: {  	[hbm4b:s30+s2] =	stream.linear.scatter [tilespmem:s5], [sflag:$0x7], $0x2000, $0x38;
	[tilespmem:$0xD900] =	vst v63  }
0x423: {  	_ = 	snop  }
0x424: {  	[tilespmem:s12], [sflag:$0x6] =	stream.indirect.gather [hbm4b:s4+s9], $0x40, s1, s9, $0xb8;
	[tilespmem:$0xD900] =	vst v63  }
0x425: {  	_ =	swait.ge [sflag:s10], $0x2000  }
0x426: {  	[sflag:s10] =	ssyncset.done $0x0  }
0x427: {  	s31 =	rddreg [dreg:$0x4];
	[sflag:s10] =	ssyncadd.s32 $0xFFFFE000  }
0x428: {  	[hbm4b:s31+s2] =	stream.linear.scatter [tilespmem:s3], [sflag:$0x8], $0x2000, $0x38;
	[tilespmem:$0xD900] =	vst v63  }
0x429: {  	_ =	swait.ge [sflag:s6], $0x2000  }
0x42a: {  	s1 =	sld [smem:$0x7D8]  }
0x42b: {  	[sflag:s6] =	ssyncset.done $0x0  }
0x42c: {  	[sflag:s6] =	ssyncadd.s32 $0xFFFFE000  }
0x42d: {  	[tilespmem:s5], [sflag:$0x1] =	stream.indirect.gather [hbm4b:s4+s9], $0x40, s1, s9, $0xb8;
	[tilespmem:$0xD900] =	vst v63  }
0x42e: {  	_ =	swait.ge [sflag:s22], $0x2000  }
0x42f: {  	[sflag:s22] =	ssyncset.done $0x0  }
0x430: {  	s30 =	rddreg [dreg:$0x5];
	[sflag:s22] =	ssyncadd.s32 $0xFFFFE000  }
0x431: {  	[hbm4b:s30+s2] =	stream.linear.scatter [tilespmem:s15], [sflag:$0x9], $0x2000, $0x38;
	[tilespmem:$0xD900] =	vst v63  }
0x432: {  	_ =	swait.ge [sflag:s7], $0x2000  }
0x433: {  	s31 =	sld [smem:$0x7D9]  }
0x434: {  	[sflag:s7] =	ssyncset.done $0x0  }
0x435: {  	[sflag:s7] =	ssyncadd.s32 $0xFFFFE000  }
0x436: {  	[tilespmem:s3], [sflag:$0x2] =	stream.indirect.gather [hbm4b:s4+s9], $0x40, s31, s9, $0xb8;
	[tilespmem:$0xD900] =	vst v63  }
0x437: {  	_ =	swait.ge [sflag:s19], $0x2000  }
0x438: {  	[sflag:s19] =	ssyncset.done $0x0  }
0x439: {  	s1 =	rddreg [dreg:$0x6];
	[sflag:s19] =	ssyncadd.s32 $0xFFFFE000  }
0x43a: {  	[hbm4b:s1+s2] =	stream.linear.scatter [tilespmem:s13], [sflag:$0xA], $0x2000, $0x38;
	[tilespmem:$0xD900] =	vst v63  }
0x43b: {  	_ =	swait.ge [sflag:s14], $0x2000  }
0x43c: {  	s30 =	sld [smem:$0x7DA]  }
0x43d: {  	[sflag:s14] =	ssyncset.done $0x0  }
0x43e: {  	[sflag:s14] =	ssyncadd.s32 $0xFFFFE000  }
0x43f: {  	[tilespmem:s15], [sflag:$0x3] =	stream.indirect.gather [hbm4b:s4+s9], $0x40, s30, s9, $0xb8;
	[tilespmem:$0xD900] =	vst v63  }
0x440: {  	_ =	swait.ge [sflag:s20], $0x2000  }
0x441: {  	[sflag:s20] =	ssyncset.done $0x0  }
0x442: {  	s31 =	rddreg [dreg:$0x7];
	[sflag:s20] =	ssyncadd.s32 $0xFFFFE000  }
0x443: {  	[hbm4b:s31+s2] =	stream.linear.scatter [tilespmem:s11], [sflag:$0xB], $0x2000, $0x38;
	[tilespmem:$0xD900] =	vst v63  }
0x444: {  	_ =	swait.ge [sflag:s16], $0x2000  }
0x445: {  	s1 =	sld [smem:$0x7DB]  }
0x446: {  	[sflag:s16] =	ssyncset.done $0x0  }
0x447: {  	[sflag:s16] =	ssyncadd.s32 $0xFFFFE000  }
0x448: {  	[tilespmem:s13], [sflag:$0x4] =	stream.indirect.gather [hbm4b:s4+s9], $0x40, s1, s9, $0xb8;
	[tilespmem:$0xD900] =	vst v63  }
0x449: {  	_ =	swait.ge [sflag:s21], $0x2000  }
0x44a: {  	[sflag:s21] =	ssyncset.done $0x0  }
0x44b: {  	s30 =	rddreg [dreg:$0x8];
	[sflag:s21] =	ssyncadd.s32 $0xFFFFE000  }
0x44c: {  	[hbm4b:s30+s2] =	stream.linear.scatter [tilespmem:s12], [sflag:$0xC], $0x2000, $0x38;
	[tilespmem:$0xD900] =	vst v63  }
0x44d: {  	_ =	swait.ge [sflag:s17], $0x2000  }
0x44e: {  	s31 =	sld [smem:$0x7DC]  }
0x44f: {  	[sflag:s17] =	ssyncset.done $0x0  }
0x450: {  	[sflag:s17] =	ssyncadd.s32 $0xFFFFE000  }
0x451: {  	[tilespmem:s11], [sflag:$0x5] =	stream.indirect.gather [hbm4b:s4+s9], $0x40, s31, s9, $0xb8;
	[tilespmem:$0xD900] =	vst v63  }
0x452: {  	_ =	swait.ge [sflag:s8], $0x2000  }
0x453: {  	[sflag:s8] =	ssyncset.done $0x0  }
0x454: {  	s1 =	rddreg [dreg:$0x9];
	[sflag:s8] =	ssyncadd.s32 $0xFFFFE000  }
0x455: {  	[hbm4b:s1+s2] =	stream.linear.scatter [tilespmem:s5], [sflag:$0x7], $0x2000, $0x38;
	[tilespmem:$0xD900] =	vst v63  }
0x456: {  	_ =	swait.ge [sflag:s18], $0x2000  }
0x457: {  	s30 =	sld [smem:$0x7DD]  }
0x458: {  	[sflag:s18] =	ssyncset.done $0x0  }
0x459: {  	[sflag:s18] =	ssyncadd.s32 $0xFFFFE000  }
0x45a: {  	[tilespmem:s12], [sflag:$0x6] =	stream.indirect.gather [hbm4b:s4+s9], $0x40, s30, s9, $0xb8;
	[tilespmem:$0xD900] =	vst v63  }
0x45b: {  	_ =	swait.ge [sflag:s10], $0x2000  }
0x45c: {  	[sflag:s10] =	ssyncset.done $0x0  }
0x45d: {  	s31 =	rddreg [dreg:$0xa];
	[sflag:s10] =	ssyncadd.s32 $0xFFFFE000  }
0x45e: {  	[hbm4b:s31+s2] =	stream.linear.scatter [tilespmem:s3], [sflag:$0x8], $0x2000, $0x38;
	[tilespmem:$0xD900] =	vst v63  }
0x45f: {  	_ =	swait.ge [sflag:s6], $0x2000  }
0x460: {  	s1 =	sld [smem:$0x7DE]  }
0x461: {  	[sflag:s6] =	ssyncset.done $0x0  }
0x462: {  	[sflag:s6] =	ssyncadd.s32 $0xFFFFE000  }
0x463: {  	[tilespmem:s5], [sflag:$0x1] =	stream.indirect.gather [hbm4b:s4+s9], $0x40, s1, s9, $0xb8;
	[tilespmem:$0xD900] =	vst v63  }
0x464: {  	_ =	swait.ge [sflag:s22], $0x2000  }
0x465: {  	[sflag:s22] =	ssyncset.done $0x0  }
0x466: {  	s30 =	rddreg [dreg:$0xb];
	[sflag:s22] =	ssyncadd.s32 $0xFFFFE000  }
0x467: {  	[hbm4b:s30+s2] =	stream.linear.scatter [tilespmem:s15], [sflag:$0x9], $0x2000, $0x38;
	[tilespmem:$0xD900] =	vst v63  }
0x468: {  	_ =	swait.ge [sflag:s7], $0x2000  }
0x469: {  	s31 =	sld [smem:$0x7DF]  }
0x46a: {  	[sflag:s7] =	ssyncset.done $0x0  }
0x46b: {  	[sflag:s7] =	ssyncadd.s32 $0xFFFFE000  }
0x46c: {  	[tilespmem:s3], [sflag:$0x2] =	stream.indirect.gather [hbm4b:s4+s9], $0x40, s31, s9, $0xb8;
	[tilespmem:$0xD900] =	vst v63  }
0x46d: {  	_ =	swait.ge [sflag:s19], $0x2000  }
0x46e: {  	[sflag:s19] =	ssyncset.done $0x0  }
0x46f: {  	s1 =	rddreg [dreg:$0xc];
	[sflag:s19] =	ssyncadd.s32 $0xFFFFE000  }
0x470: {  	[hbm4b:s1+s2] =	stream.linear.scatter [tilespmem:s13], [sflag:$0xA], $0x2000, $0x38;
	[tilespmem:$0xD900] =	vst v63  }
0x471: {  	_ =	swait.ge [sflag:s14], $0x2000  }
0x472: {  	s30 =	sld [smem:$0x7E0]  }
0x473: {  	[sflag:s14] =	ssyncset.done $0x0  }
0x474: {  	[sflag:s14] =	ssyncadd.s32 $0xFFFFE000  }
0x475: {  	[tilespmem:s15], [sflag:$0x3] =	stream.indirect.gather [hbm4b:s4+s9], $0x40, s30, s9, $0xb8;
	[tilespmem:$0xD900] =	vst v63  }
0x476: {  	_ =	swait.ge [sflag:s20], $0x2000  }
0x477: {  	[sflag:s20] =	ssyncset.done $0x0  }
0x478: {  	s31 =	rddreg [dreg:$0xd];
	[sflag:s20] =	ssyncadd.s32 $0xFFFFE000  }
0x479: {  	[hbm4b:s31+s2] =	stream.linear.scatter [tilespmem:s11], [sflag:$0xB], $0x2000, $0x38;
	[tilespmem:$0xD900] =	vst v63  }
0x47a: {  	_ =	swait.ge [sflag:s16], $0x2000  }
0x47b: {  	s1 =	sld [smem:$0x7E1]  }
0x47c: {  	[sflag:s16] =	ssyncset.done $0x0  }
0x47d: {  	[sflag:s16] =	ssyncadd.s32 $0xFFFFE000  }
0x47e: {  	[tilespmem:s13], [sflag:$0x4] =	stream.indirect.gather [hbm4b:s4+s9], $0x40, s1, s9, $0xb8;
	[tilespmem:$0xD900] =	vst v63  }
0x47f: {  	_ =	swait.ge [sflag:s21], $0x2000  }
0x480: {  	[sflag:s21] =	ssyncset.done $0x0  }
0x481: {  	s30 =	rddreg [dreg:$0xe];
	[sflag:s21] =	ssyncadd.s32 $0xFFFFE000  }
0x482: {  	[hbm4b:s30+s2] =	stream.linear.scatter [tilespmem:s12], [sflag:$0xC], $0x2000, $0x38;
	[tilespmem:$0xD900] =	vst v63  }
0x483: {  	_ =	swait.ge [sflag:s17], $0x2000  }
0x484: {  	s31 =	sld [smem:$0x7E2]  }
0x485: {  	[sflag:s17] =	ssyncset.done $0x0  }
0x486: {  	[sflag:s17] =	ssyncadd.s32 $0xFFFFE000  }
0x487: {  	[tilespmem:s11], [sflag:$0x5] =	stream.indirect.gather [hbm4b:s4+s9], $0x40, s31, s9, $0xb8;
	[tilespmem:$0xD900] =	vst v63  }
0x488: {  	_ =	swait.ge [sflag:s8], $0x2000  }
0x489: {  	[sflag:s8] =	ssyncset.done $0x0  }
0x48a: {  	s1 =	rddreg [dreg:$0xf];
	[sflag:s8] =	ssyncadd.s32 $0xFFFFE000  }
0x48b: {  	[hbm4b:s1+s2] =	stream.linear.scatter [tilespmem:s5], [sflag:$0x7], $0x2000, $0x38;
	[tilespmem:$0xD900] =	vst v63  }
0x48c: {  	_ =	swait.ge [sflag:s18], $0x2000  }
0x48d: {  	s30 =	sld [smem:$0x7E3]  }
0x48e: {  	[sflag:s18] =	ssyncset.done $0x0  }
0x48f: {  	[sflag:s18] =	ssyncadd.s32 $0xFFFFE000  }
0x490: {  	[tilespmem:s12], [sflag:$0x6] =	stream.indirect.gather [hbm4b:s4+s9], $0x40, s30, s9, $0xb8;
	[tilespmem:$0xD900] =	vst v63  }
0x491: {  	_ =	swait.ge [sflag:s10], $0x2000  }
0x492: {  	[sflag:s10] =	ssyncset.done $0x0  }
0x493: {  	s31 =	rddreg [dreg:$0x10];
	[sflag:s10] =	ssyncadd.s32 $0xFFFFE000  }
0x494: {  	[hbm4b:s31+s2] =	stream.linear.scatter [tilespmem:s3], [sflag:$0x8], $0x2000, $0x38;
	[tilespmem:$0xD900] =	vst v63  }
0x495: {  	_ =	swait.ge [sflag:s6], $0x2000  }
0x496: {  	s1 =	sld [smem:$0x7E4]  }
0x497: {  	[sflag:s6] =	ssyncset.done $0x0  }
0x498: {  	[sflag:s6] =	ssyncadd.s32 $0xFFFFE000  }
0x499: {  	[tilespmem:s5], [sflag:$0x1] =	stream.indirect.gather [hbm4b:s4+s9], $0x40, s1, s9, $0xb8;
	[tilespmem:$0xD900] =	vst v63  }
0x49a: {  	_ =	swait.ge [sflag:s22], $0x2000  }
0x49b: {  	[sflag:s22] =	ssyncset.done $0x0  }
0x49c: {  	s30 =	rddreg [dreg:$0x11];
	[sflag:s22] =	ssyncadd.s32 $0xFFFFE000  }
0x49d: {  	[hbm4b:s30+s2] =	stream.linear.scatter [tilespmem:s15], [sflag:$0x9], $0x2000, $0x38;
	[tilespmem:$0xD900] =	vst v63  }
0x49e: {  	_ =	swait.ge [sflag:s7], $0x2000  }
0x49f: {  	s31 =	sld [smem:$0x7E5]  }
0x4a0: {  	[sflag:s7] =	ssyncset.done $0x0  }
0x4a1: {  	[sflag:s7] =	ssyncadd.s32 $0xFFFFE000  }
0x4a2: {  	[tilespmem:s3], [sflag:$0x2] =	stream.indirect.gather [hbm4b:s4+s9], $0x40, s31, s9, $0xb8;
	[tilespmem:$0xD900] =	vst v63  }
0x4a3: {  	_ =	swait.ge [sflag:s19], $0x2000  }
0x4a4: {  	[sflag:s19] =	ssyncset.done $0x0  }
0x4a5: {  	s1 =	rddreg [dreg:$0x12];
	[sflag:s19] =	ssyncadd.s32 $0xFFFFE000  }
0x4a6: {  	[hbm4b:s1+s2] =	stream.linear.scatter [tilespmem:s13], [sflag:$0xA], $0x2000, $0x38;
	[tilespmem:$0xD900] =	vst v63  }
0x4a7: {  	_ =	swait.ge [sflag:s14], $0x2000  }
0x4a8: {  	s30 =	sld [smem:$0x7E6]  }
0x4a9: {  	[sflag:s14] =	ssyncset.done $0x0  }
0x4aa: {  	[sflag:s14] =	ssyncadd.s32 $0xFFFFE000  }
0x4ab: {  	[tilespmem:s15], [sflag:$0x3] =	stream.indirect.gather [hbm4b:s4+s9], $0x40, s30, s9, $0xb8;
	[tilespmem:$0xD900] =	vst v63  }
0x4ac: {  	_ =	swait.ge [sflag:s20], $0x2000  }
0x4ad: {  	[sflag:s20] =	ssyncset.done $0x0  }
0x4ae: {  	s31 =	rddreg [dreg:$0x13];
	[sflag:s20] =	ssyncadd.s32 $0xFFFFE000  }
0x4af: {  	[hbm4b:s31+s2] =	stream.linear.scatter [tilespmem:s11], [sflag:$0xB], $0x2000, $0x38;
	[tilespmem:$0xD900] =	vst v63  }
0x4b0: {  	_ =	swait.ge [sflag:s16], $0x2000  }
0x4b1: {  	s1 =	sld [smem:$0x7E7]  }
0x4b2: {  	[sflag:s16] =	ssyncset.done $0x0  }
0x4b3: {  	[sflag:s16] =	ssyncadd.s32 $0xFFFFE000  }
0x4b4: {  	[tilespmem:s13], [sflag:$0x4] =	stream.indirect.gather [hbm4b:s4+s9], $0x40, s1, s9, $0xb8;
	[tilespmem:$0xD900] =	vst v63  }
0x4b5: {  	_ =	swait.ge [sflag:s21], $0x2000  }
0x4b6: {  	[sflag:s21] =	ssyncset.done $0x0  }
0x4b7: {  	s30 =	rddreg [dreg:$0x14];
	[sflag:s21] =	ssyncadd.s32 $0xFFFFE000  }
0x4b8: {  	[hbm4b:s30+s2] =	stream.linear.scatter [tilespmem:s12], [sflag:$0xC], $0x2000, $0x38;
	[tilespmem:$0xD900] =	vst v63  }
0x4b9: {  	_ =	swait.ge [sflag:s17], $0x2000  }
0x4ba: {  	s31 =	sld [smem:$0x7E8]  }
0x4bb: {  	[sflag:s17] =	ssyncset.done $0x0  }
0x4bc: {  	[sflag:s17] =	ssyncadd.s32 $0xFFFFE000  }
0x4bd: {  	[tilespmem:s11], [sflag:$0x5] =	stream.indirect.gather [hbm4b:s4+s9], $0x40, s31, s9, $0xb8;
	[tilespmem:$0xD900] =	vst v63  }
0x4be: {  	_ =	swait.ge [sflag:s8], $0x2000  }
0x4bf: {  	[sflag:s8] =	ssyncset.done $0x0  }
0x4c0: {  	s1 =	rddreg [dreg:$0x15];
	[sflag:s8] =	ssyncadd.s32 $0xFFFFE000  }
0x4c1: {  	[hbm4b:s1+s2] =	stream.linear.scatter [tilespmem:s5], [sflag:$0x7], $0x2000, $0x38;
	[tilespmem:$0xD900] =	vst v63  }
0x4c2: {  	_ =	swait.ge [sflag:s18], $0x2000  }
0x4c3: {  	s30 =	sld [smem:$0x7E9]  }
0x4c4: {  	[sflag:s18] =	ssyncset.done $0x0  }
0x4c5: {  	[sflag:s18] =	ssyncadd.s32 $0xFFFFE000  }
0x4c6: {  	[tilespmem:s12], [sflag:$0x6] =	stream.indirect.gather [hbm4b:s4+s9], $0x40, s30, s9, $0xb8;
	[tilespmem:$0xD900] =	vst v63  }
0x4c7: {  	_ =	swait.ge [sflag:s10], $0x2000  }
0x4c8: {  	[sflag:s10] =	ssyncset.done $0x0  }
0x4c9: {  	s31 =	rddreg [dreg:$0x16];
	[sflag:s10] =	ssyncadd.s32 $0xFFFFE000  }
0x4ca: {  	[hbm4b:s31+s2] =	stream.linear.scatter [tilespmem:s3], [sflag:$0x8], $0x2000, $0x38;
	[tilespmem:$0xD900] =	vst v63  }
0x4cb: {  	_ =	swait.ge [sflag:s6], $0x2000  }
0x4cc: {  	s1 =	sld [smem:$0x7EA]  }
0x4cd: {  	[sflag:s6] =	ssyncset.done $0x0  }
0x4ce: {  	[sflag:s6] =	ssyncadd.s32 $0xFFFFE000  }
0x4cf: {  	[tilespmem:s5], [sflag:$0x1] =	stream.indirect.gather [hbm4b:s4+s9], $0x40, s1, s9, $0xb8;
	[tilespmem:$0xD900] =	vst v63  }
0x4d0: {  	_ =	swait.ge [sflag:s22], $0x2000  }
0x4d1: {  	[sflag:s22] =	ssyncset.done $0x0  }
0x4d2: {  	s30 =	rddreg [dreg:$0x17];
	[sflag:s22] =	ssyncadd.s32 $0xFFFFE000  }
0x4d3: {  	[hbm4b:s30+s2] =	stream.linear.scatter [tilespmem:s15], [sflag:$0x9], $0x2000, $0x38;
	[tilespmem:$0xD900] =	vst v63  }
0x4d4: {  	_ =	swait.ge [sflag:s7], $0x2000  }
0x4d5: {  	s31 =	sld [smem:$0x7EB]  }
0x4d6: {  	[sflag:s7] =	ssyncset.done $0x0  }
0x4d7: {  	[sflag:s7] =	ssyncadd.s32 $0xFFFFE000  }
0x4d8: {  	[tilespmem:s3], [sflag:$0x2] =	stream.indirect.gather [hbm4b:s4+s9], $0x40, s31, s9, $0xb8;
	[tilespmem:$0xD900] =	vst v63  }
0x4d9: {  	_ =	swait.ge [sflag:s19], $0x2000  }
0x4da: {  	[sflag:s19] =	ssyncset.done $0x0  }
0x4db: {  	s1 =	rddreg [dreg:$0x18];
	[sflag:s19] =	ssyncadd.s32 $0xFFFFE000  }
0x4dc: {  	[hbm4b:s1+s2] =	stream.linear.scatter [tilespmem:s13], [sflag:$0xA], $0x2000, $0x38;
	[tilespmem:$0xD900] =	vst v63  }
0x4dd: {  	_ =	swait.ge [sflag:s14], $0x2000  }
0x4de: {  	s30 =	sld [smem:$0x7EC]  }
0x4df: {  	[sflag:s14] =	ssyncset.done $0x0  }
0x4e0: {  	[sflag:s14] =	ssyncadd.s32 $0xFFFFE000  }
0x4e1: {  	[tilespmem:s15], [sflag:$0x3] =	stream.indirect.gather [hbm4b:s4+s9], $0x40, s30, s9, $0xb8;
	[tilespmem:$0xD900] =	vst v63  }
0x4e2: {  	_ =	swait.ge [sflag:s20], $0x2000  }
0x4e3: {  	[sflag:s20] =	ssyncset.done $0x0  }
0x4e4: {  	s31 =	rddreg [dreg:$0x19];
	[sflag:s20] =	ssyncadd.s32 $0xFFFFE000  }
0x4e5: {  	[hbm4b:s31+s2] =	stream.linear.scatter [tilespmem:s11], [sflag:$0xB], $0x2000, $0x38;
	[tilespmem:$0xD900] =	vst v63  }
0x4e6: {  	_ =	swait.ge [sflag:s16], $0x2000  }
0x4e7: {  	s1 =	sld [smem:$0x7ED]  }
0x4e8: {  	[sflag:s16] =	ssyncset.done $0x0  }
0x4e9: {  	[sflag:s16] =	ssyncadd.s32 $0xFFFFE000  }
0x4ea: {  	[tilespmem:s13], [sflag:$0x4] =	stream.indirect.gather [hbm4b:s4+s9], $0x40, s1, s9, $0xb8;
	[tilespmem:$0xD900] =	vst v63  }
0x4eb: {  	_ =	swait.ge [sflag:s21], $0x2000  }
0x4ec: {  	[sflag:s21] =	ssyncset.done $0x0  }
0x4ed: {  	s30 =	rddreg [dreg:$0x1a];
	[sflag:s21] =	ssyncadd.s32 $0xFFFFE000  }
0x4ee: {  	[hbm4b:s30+s2] =	stream.linear.scatter [tilespmem:s12], [sflag:$0xC], $0x2000, $0x38;
	[tilespmem:$0xD900] =	vst v63  }
0x4ef: {  	_ =	swait.ge [sflag:s17], $0x2000  }
0x4f0: {  	s31 =	sld [smem:$0x7EE]  }
0x4f1: {  	[sflag:s17] =	ssyncset.done $0x0  }
0x4f2: {  	[sflag:s17] =	ssyncadd.s32 $0xFFFFE000  }
0x4f3: {  	[tilespmem:s11], [sflag:$0x5] =	stream.indirect.gather [hbm4b:s4+s9], $0x40, s31, s9, $0xb8;
	[tilespmem:$0xD900] =	vst v63  }
0x4f4: {  	_ =	swait.ge [sflag:s8], $0x2000  }
0x4f5: {  	[sflag:s8] =	ssyncset.done $0x0  }
0x4f6: {  	s1 =	rddreg [dreg:$0x1b];
	[sflag:s8] =	ssyncadd.s32 $0xFFFFE000  }
0x4f7: {  	[hbm4b:s1+s2] =	stream.linear.scatter [tilespmem:s5], [sflag:$0x7], $0x2000, $0x38;
	[tilespmem:$0xD900] =	vst v63  }
0x4f8: {  	_ =	swait.ge [sflag:s18], $0x2000  }
0x4f9: {  	s30 =	sld [smem:$0x7EF]  }
0x4fa: {  	[sflag:s18] =	ssyncset.done $0x0  }
0x4fb: {  	[sflag:s18] =	ssyncadd.s32 $0xFFFFE000  }
0x4fc: {  	[tilespmem:s12], [sflag:$0x6] =	stream.indirect.gather [hbm4b:s4+s9], $0x40, s30, s9, $0xb8;
	[tilespmem:$0xD900] =	vst v63  }
0x4fd: {  	_ =	swait.ge [sflag:s10], $0x2000  }
0x4fe: {  	[sflag:s10] =	ssyncset.done $0x0  }
0x4ff: {  	s31 =	rddreg [dreg:$0x1c];
	[sflag:s10] =	ssyncadd.s32 $0xFFFFE000  }
0x500: {  	[hbm4b:s31+s2] =	stream.linear.scatter [tilespmem:s3], [sflag:$0x8], $0x2000, $0x38;
	[tilespmem:$0xD900] =	vst v63  }
0x501: {  	_ =	swait.ge [sflag:s6], $0x2000  }
0x502: {  	s1 =	sld [smem:$0x7F0]  }
0x503: {  	[sflag:s6] =	ssyncset.done $0x0  }
0x504: {  	[sflag:s6] =	ssyncadd.s32 $0xFFFFE000  }
0x505: {  	[tilespmem:s5], [sflag:$0x1] =	stream.indirect.gather [hbm4b:s4+s9], $0x40, s1, s9, $0xb8;
	[tilespmem:$0xD900] =	vst v63  }
0x506: {  	_ =	swait.ge [sflag:s22], $0x2000  }
0x507: {  	[sflag:s22] =	ssyncset.done $0x0  }
0x508: {  	s30 =	rddreg [dreg:$0x1d];
	[sflag:s22] =	ssyncadd.s32 $0xFFFFE000  }
0x509: {  	[hbm4b:s30+s2] =	stream.linear.scatter [tilespmem:s15], [sflag:$0x9], $0x2000, $0x38;
	[tilespmem:$0xD900] =	vst v63  }
0x50a: {  	_ =	swait.ge [sflag:s7], $0x2000  }
0x50b: {  	s31 =	sld [smem:$0x7F1]  }
0x50c: {  	[sflag:s7] =	ssyncset.done $0x0  }
0x50d: {  	[sflag:s7] =	ssyncadd.s32 $0xFFFFE000  }
0x50e: {  	[tilespmem:s3], [sflag:$0x2] =	stream.indirect.gather [hbm4b:s4+s9], $0x40, s31, s9, $0xb8;
	[tilespmem:$0xD900] =	vst v63  }
0x50f: {  	_ =	swait.ge [sflag:s19], $0x2000  }
0x510: {  	[sflag:s19] =	ssyncset.done $0x0  }
0x511: {  	s1 =	rddreg [dreg:$0x1e];
	[sflag:s19] =	ssyncadd.s32 $0xFFFFE000  }
0x512: {  	[hbm4b:s1+s2] =	stream.linear.scatter [tilespmem:s13], [sflag:$0xA], $0x2000, $0x38;
	[tilespmem:$0xD900] =	vst v63  }
0x513: {  	_ =	swait.ge [sflag:s14], $0x2000  }
0x514: {  	s30 =	sld [smem:$0x7F2]  }
0x515: {  	[sflag:s14] =	ssyncset.done $0x0  }
0x516: {  	[sflag:s14] =	ssyncadd.s32 $0xFFFFE000  }
0x517: {  	[tilespmem:s15], [sflag:$0x3] =	stream.indirect.gather [hbm4b:s4+s9], $0x40, s30, s9, $0xb8;
	[tilespmem:$0xD900] =	vst v63  }
0x518: {  	_ =	swait.ge [sflag:s20], $0x2000  }
0x519: {  	[sflag:s20] =	ssyncset.done $0x0  }
0x51a: {  	s31 =	rddreg [dreg:$0x1f];
	[sflag:s20] =	ssyncadd.s32 $0xFFFFE000  }
0x51b: {  	[hbm4b:s31+s2] =	stream.linear.scatter [tilespmem:s11], [sflag:$0xB], $0x2000, $0x38;
	[tilespmem:$0xD900] =	vst v63  }
0x51c: {  	_ =	swait.ge [sflag:s16], $0x2000  }
0x51d: {  	s1 =	sld [smem:$0x7F3]  }
0x51e: {  	[sflag:s16] =	ssyncset.done $0x0  }
0x51f: {  	[sflag:s16] =	ssyncadd.s32 $0xFFFFE000  }
0x520: {  	[tilespmem:s13], [sflag:$0x4] =	stream.indirect.gather [hbm4b:s4+s9], $0x40, s1, s9, $0xb8;
	[tilespmem:$0xD900] =	vst v63  }
0x521: {  	_ =	swait.ge [sflag:s21], $0x2000  }
0x522: {  	s30 =	sld [smem:$0x7BF]  }
0x523: {  	[sflag:s21] =	ssyncset.done $0x0  }
0x524: {  	[sflag:s21] =	ssyncadd.s32 $0xFFFFE000  }
0x525: {  	[hbm4b:s30+s2] =	stream.linear.scatter [tilespmem:s12], [sflag:$0xC], $0x2000, $0x38;
	[tilespmem:$0xD900] =	vst v63  }
0x526: {  	_ =	swait.ge [sflag:s17], $0x2000  }
0x527: {  	s31 =	sld [smem:$0x7F4]  }
0x528: {  	[sflag:s17] =	ssyncset.done $0x0  }
0x529: {  	[sflag:s17] =	ssyncadd.s32 $0xFFFFE000  }
0x52a: {  	[tilespmem:s11], [sflag:$0x5] =	stream.indirect.gather [hbm4b:s4+s9], $0x40, s31, s9, $0xb8;
	[tilespmem:$0xD900] =	vst v63  }
0x52b: {  	_ =	swait.ge [sflag:s8], $0x2000  }
0x52c: {  	s1 =	sld [smem:$0x7C0]  }
0x52d: {  	[sflag:s8] =	ssyncset.done $0x0  }
0x52e: {  	[sflag:s8] =	ssyncadd.s32 $0xFFFFE000  }
0x52f: {  	[hbm4b:s1+s2] =	stream.linear.scatter [tilespmem:s5], [sflag:$0x7], $0x2000, $0x38;
	[tilespmem:$0xD900] =	vst v63  }
0x530: {  	_ =	swait.ge [sflag:s18], $0x2000  }
0x531: {  	s30 =	sld [smem:$0x7F5]  }
0x532: {  	[sflag:s18] =	ssyncset.done $0x0  }
0x533: {  	[sflag:s18] =	ssyncadd.s32 $0xFFFFE000  }
0x534: {  	[tilespmem:s12], [sflag:$0x6] =	stream.indirect.gather [hbm4b:s4+s9], $0x40, s30, s9, $0xb8;
	[tilespmem:$0xD900] =	vst v63  }
0x535: {  	_ =	swait.ge [sflag:s10], $0x2000  }
0x536: {  	s31 =	sld [smem:$0x7C1]  }
0x537: {  	[sflag:s10] =	ssyncset.done $0x0  }
0x538: {  	[sflag:s10] =	ssyncadd.s32 $0xFFFFE000  }
0x539: {  	[hbm4b:s31+s2] =	stream.linear.scatter [tilespmem:s3], [sflag:$0x8], $0x2000, $0x38;
	[tilespmem:$0xD900] =	vst v63  }
0x53a: {  	_ =	swait.ge [sflag:s6], $0x2000  }
0x53b: {  	s1 =	sld [smem:$0x7F6]  }
0x53c: {  	[sflag:s6] =	ssyncset.done $0x0  }
0x53d: {  	[sflag:s6] =	ssyncadd.s32 $0xFFFFE000  }
0x53e: {  	[tilespmem:s5], [sflag:$0x1] =	stream.indirect.gather [hbm4b:s4+s9], $0x40, s1, s9, $0xb8;
	[tilespmem:$0xD900] =	vst v63  }
0x53f: {  	_ =	swait.ge [sflag:s22], $0x2000  }
0x540: {  	s30 =	sld [smem:$0x7C2]  }
0x541: {  	[sflag:s22] =	ssyncset.done $0x0  }
0x542: {  	[sflag:s22] =	ssyncadd.s32 $0xFFFFE000  }
0x543: {  	[hbm4b:s30+s2] =	stream.linear.scatter [tilespmem:s15], [sflag:$0x9], $0x2000, $0x38;
	[tilespmem:$0xD900] =	vst v63  }
0x544: {  	_ =	swait.ge [sflag:s7], $0x2000  }
0x545: {  	s31 =	sld [smem:$0x7F7]  }
0x546: {  	[sflag:s7] =	ssyncset.done $0x0  }
0x547: {  	[sflag:s7] =	ssyncadd.s32 $0xFFFFE000  }
0x548: {  	[tilespmem:s3], [sflag:$0x2] =	stream.indirect.gather [hbm4b:s4+s9], $0x40, s31, s9, $0xb8;
	[tilespmem:$0xD900] =	vst v63  }
0x549: {  	_ =	swait.ge [sflag:s19], $0x2000  }
0x54a: {  	s1 =	sld [smem:$0x7C3]  }
0x54b: {  	[sflag:s19] =	ssyncset.done $0x0  }
0x54c: {  	[sflag:s19] =	ssyncadd.s32 $0xFFFFE000  }
0x54d: {  	[hbm4b:s1+s2] =	stream.linear.scatter [tilespmem:s13], [sflag:$0xA], $0x2000, $0x38;
	[tilespmem:$0xD900] =	vst v63  }
0x54e: {  	_ =	swait.ge [sflag:s14], $0x2000  }
0x54f: {  	s30 =	sld [smem:$0x7F8]  }
0x550: {  	[sflag:s14] =	ssyncset.done $0x0  }
0x551: {  	[sflag:s14] =	ssyncadd.s32 $0xFFFFE000  }
0x552: {  	[tilespmem:s15], [sflag:$0x3] =	stream.indirect.gather [hbm4b:s4+s9], $0x40, s30, s9, $0xb8;
	[tilespmem:$0xD900] =	vst v63  }
0x553: {  	_ =	swait.ge [sflag:s20], $0x2000  }
0x554: {  	s31 =	sld [smem:$0x7C4]  }
0x555: {  	[sflag:s20] =	ssyncset.done $0x0  }
0x556: {  	[sflag:s20] =	ssyncadd.s32 $0xFFFFE000  }
0x557: {  	[hbm4b:s31+s2] =	stream.linear.scatter [tilespmem:s11], [sflag:$0xB], $0x2000, $0x38;
	[tilespmem:$0xD900] =	vst v63  }
0x558: {  	_ =	swait.ge [sflag:s16], $0x2000  }
0x559: {  	s1 =	sld [smem:$0x7F9]  }
0x55a: {  	[sflag:s16] =	ssyncset.done $0x0  }
0x55b: {  	[sflag:s16] =	ssyncadd.s32 $0xFFFFE000  }
0x55c: {  	[tilespmem:s13], [sflag:$0x4] =	stream.indirect.gather [hbm4b:s4+s9], $0x40, s1, s9, $0xb8;
	[tilespmem:$0xD900] =	vst v63  }
0x55d: {  	_ =	swait.ge [sflag:s21], $0x2000  }
0x55e: {  	s30 =	sld [smem:$0x7C5]  }
0x55f: {  	[sflag:s21] =	ssyncset.done $0x0  }
0x560: {  	[sflag:s21] =	ssyncadd.s32 $0xFFFFE000  }
0x561: {  	[hbm4b:s30+s2] =	stream.linear.scatter [tilespmem:s12], [sflag:$0xC], $0x2000, $0x38;
	[tilespmem:$0xD900] =	vst v63  }
0x562: {  	_ =	swait.ge [sflag:s17], $0x2000  }
0x563: {  	s31 =	sld [smem:$0x7FA]  }
0x564: {  	[sflag:s17] =	ssyncset.done $0x0  }
0x565: {  	[sflag:s17] =	ssyncadd.s32 $0xFFFFE000  }
0x566: {  	[tilespmem:s11], [sflag:$0x5] =	stream.indirect.gather [hbm4b:s4+s9], $0x40, s31, s9, $0xb8;
	[tilespmem:$0xD900] =	vst v63  }
0x567: {  	_ =	swait.ge [sflag:s8], $0x2000  }
0x568: {  	s1 =	sld [smem:$0x7C6]  }
0x569: {  	[sflag:s8] =	ssyncset.done $0x0  }
0x56a: {  	[sflag:s8] =	ssyncadd.s32 $0xFFFFE000  }
0x56b: {  	[hbm4b:s1+s2] =	stream.linear.scatter [tilespmem:s5], [sflag:$0x7], $0x2000, $0x38;
	[tilespmem:$0xD900] =	vst v63  }
0x56c: {  	_ =	swait.ge [sflag:s18], $0x2000  }
0x56d: {  	s30 =	sld [smem:$0x7FB]  }
0x56e: {  	[sflag:s18] =	ssyncset.done $0x0  }
0x56f: {  	[sflag:s18] =	ssyncadd.s32 $0xFFFFE000  }
0x570: {  	[tilespmem:s12], [sflag:$0x6] =	stream.indirect.gather [hbm4b:s4+s9], $0x40, s30, s9, $0xb8;
	[tilespmem:$0xD900] =	vst v63  }
0x571: {  	_ =	swait.ge [sflag:s10], $0x2000  }
0x572: {  	s31 =	sld [smem:$0x7C7]  }
0x573: {  	[sflag:s10] =	ssyncset.done $0x0  }
0x574: {  	[sflag:s10] =	ssyncadd.s32 $0xFFFFE000  }
0x575: {  	[hbm4b:s31+s2] =	stream.linear.scatter [tilespmem:s3], [sflag:$0x8], $0x2000, $0x38;
	[tilespmem:$0xD900] =	vst v63  }
0x576: {  	_ =	swait.ge [sflag:s6], $0x2000  }
0x577: {  	s1 =	sld [smem:$0x7FC]  }
0x578: {  	[sflag:s6] =	ssyncset.done $0x0  }
0x579: {  	[sflag:s6] =	ssyncadd.s32 $0xFFFFE000  }
0x57a: {  	[tilespmem:s5], [sflag:$0x1] =	stream.indirect.gather [hbm4b:s4+s9], $0x40, s1, s9, $0xb8;
	[tilespmem:$0xD900] =	vst v63  }
0x57b: {  	_ =	swait.ge [sflag:s22], $0x2000  }
0x57c: {  	s30 =	sld [smem:$0x7C8]  }
0x57d: {  	[sflag:s22] =	ssyncset.done $0x0  }
0x57e: {  	[sflag:s22] =	ssyncadd.s32 $0xFFFFE000  }
0x57f: {  	[hbm4b:s30+s2] =	stream.linear.scatter [tilespmem:s15], [sflag:$0x9], $0x2000, $0x38;
	[tilespmem:$0xD900] =	vst v63  }
0x580: {  	_ =	swait.ge [sflag:s7], $0x2000  }
0x581: {  	s31 =	sld [smem:$0x7FD]  }
0x582: {  	[sflag:s7] =	ssyncset.done $0x0  }
0x583: {  	[sflag:s7] =	ssyncadd.s32 $0xFFFFE000  }
0x584: {  	[tilespmem:s3], [sflag:$0x2] =	stream.indirect.gather [hbm4b:s4+s9], $0x40, s31, s9, $0xb8;
	[tilespmem:$0xD900] =	vst v63  }
0x585: {  	_ =	swait.ge [sflag:s19], $0x2000  }
0x586: {  	s1 =	sld [smem:$0x7C9]  }
0x587: {  	[sflag:s19] =	ssyncset.done $0x0  }
0x588: {  	[sflag:s19] =	ssyncadd.s32 $0xFFFFE000  }
0x589: {  	[hbm4b:s1+s2] =	stream.linear.scatter [tilespmem:s13], [sflag:$0xA], $0x2000, $0x38;
	[tilespmem:$0xD900] =	vst v63  }
0x58a: {  	_ =	swait.ge [sflag:s14], $0x2000  }
0x58b: {  	[sflag:s14] =	ssyncset.done $0x0  }
0x58c: {  	[sflag:s14] =	ssyncadd.s32 $0xFFFFE000  }
0x58d: {  	[tilespmem:s15], [sflag:$0x3] =	stream.indirect.gather [hbm4b:s4+s9], $0x40, s24, s9, $0xb8;
	[tilespmem:$0xD900] =	vst v63  }
0x58e: {  	_ =	swait.ge [sflag:s20], $0x2000  }
0x58f: {  	s24 =	sld [smem:$0x7CA]  }
0x590: {  	[sflag:s20] =	ssyncset.done $0x0  }
0x591: {  	[sflag:s20] =	ssyncadd.s32 $0xFFFFE000  }
0x592: {  	[hbm4b:s24+s2] =	stream.linear.scatter [tilespmem:s11], [sflag:$0xB], $0x2000, $0x38;
	[tilespmem:$0xD900] =	vst v63  }
0x593: {  	_ =	swait.ge [sflag:s16], $0x2000  }
0x594: {  	[sflag:s16] =	ssyncset.done $0x0  }
0x595: {  	[sflag:s16] =	ssyncadd.s32 $0xFFFFE000  }
0x596: {  	[tilespmem:s13], [sflag:$0x4] =	stream.indirect.gather [hbm4b:s4+s9], $0x40, s29, s9, $0xb8;
	[tilespmem:$0xD900] =	vst v63  }
0x597: {  	_ =	swait.ge [sflag:s21], $0x2000  }
0x598: {  	s30 =	sld [smem:$0x7CB]  }
0x599: {  	[sflag:s21] =	ssyncset.done $0x0  }
0x59a: {  	[sflag:s21] =	ssyncadd.s32 $0xFFFFE000  }
0x59b: {  	[hbm4b:s30+s2] =	stream.linear.scatter [tilespmem:s12], [sflag:$0xC], $0x2000, $0x38;
	[tilespmem:$0xD900] =	vst v63  }
0x59c: {  	_ =	swait.ge [sflag:s17], $0x2000  }
0x59d: {  	[sflag:s17] =	ssyncset.done $0x0  }
0x59e: {  	[sflag:s17] =	ssyncadd.s32 $0xFFFFE000  }
0x59f: {  	[tilespmem:s11], [sflag:$0x5] =	stream.indirect.gather [hbm4b:s4+s9], $0x40, s28, s9, $0xb8;
	[tilespmem:$0xD900] =	vst v63  }
0x5a0: {  	_ =	swait.ge [sflag:s8], $0x2000  }
0x5a1: {  	s31 =	sld [smem:$0x7CC]  }
0x5a2: {  	[sflag:s8] =	ssyncset.done $0x0  }
0x5a3: {  	[sflag:s8] =	ssyncadd.s32 $0xFFFFE000  }
0x5a4: {  	[hbm4b:s31+s2] =	stream.linear.scatter [tilespmem:s5], [sflag:$0x7], $0x2000, $0x38;
	[tilespmem:$0xD900] =	vst v63  }
0x5a5: {  	_ =	swait.ge [sflag:s18], $0x2000  }
0x5a6: {  	[sflag:s18] =	ssyncset.done $0x0  }
0x5a7: {  	[sflag:s18] =	ssyncadd.s32 $0xFFFFE000  }
0x5a8: {  	[tilespmem:s12], [sflag:$0x6] =	stream.indirect.gather [hbm4b:s4+s9], $0x40, s26, s9, $0xb8;
	[tilespmem:$0xD900] =	vst v63  }
0x5a9: {  	_ =	swait.ge [sflag:s10], $0x2000  }
0x5aa: {  	s1 =	sld [smem:$0x7CD]  }
0x5ab: {  	[sflag:s10] =	ssyncset.done $0x0  }
0x5ac: {  	[sflag:s10] =	ssyncadd.s32 $0xFFFFE000  }
0x5ad: {  	[hbm4b:s1+s2] =	stream.linear.scatter [tilespmem:s3], [sflag:$0x8], $0x2000, $0x38;
	[tilespmem:$0xD900] =	vst v63  }
0x5ae: {  	_ =	swait.ge [sflag:s6], $0x2000  }
0x5af: {  	[sflag:s6] =	ssyncset.done $0x0  }
0x5b0: {  	[sflag:s6] =	ssyncadd.s32 $0xFFFFE000  }
0x5b1: {  	[tilespmem:s5], [sflag:$0x1] =	stream.indirect.gather [hbm4b:s4+s9], $0x40, s25, s9, $0xb8;
	[tilespmem:$0xD900] =	vst v63  }
0x5b2: {  	_ =	swait.ge [sflag:s22], $0x2000  }
0x5b3: {  	s24 =	sld [smem:$0x7CE]  }
0x5b4: {  	[sflag:s22] =	ssyncset.done $0x0  }
0x5b5: {  	[sflag:s22] =	ssyncadd.s32 $0xFFFFE000  }
0x5b6: {  	[hbm4b:s24+s2] =	stream.linear.scatter [tilespmem:s15], [sflag:$0x9], $0x2000, $0x38;
	[tilespmem:$0xD900] =	vst v63  }
0x5b7: {  	_ =	swait.ge [sflag:s7], $0x2000  }
0x5b8: {  	[sflag:s7] =	ssyncset.done $0x0  }
0x5b9: {  	s25 =	simm.s32 $0x1880;
	[sflag:s7] =	ssyncadd.s32 $0xFFFFE000  }
0x5ba: {  	[tilespmem:s3], [sflag:$0x2] =	stream.indirect.gather [hbm4b:s4+s9], $0x40, s25, s9, $0xb8;
	[tilespmem:$0xD900] =	vst v63  }
0x5bb: {  	_ =	swait.ge [sflag:s19], $0x2000  }
0x5bc: {  	s26 =	sld [smem:$0x7CF]  }
0x5bd: {  	[sflag:s19] =	ssyncset.done $0x0  }
0x5be: {  	[sflag:s19] =	ssyncadd.s32 $0xFFFFE000  }
0x5bf: {  	[hbm4b:s26+s2] =	stream.linear.scatter [tilespmem:s13], [sflag:$0xA], $0x2000, $0x38;
	[tilespmem:$0xD900] =	vst v63  }
0x5c0: {  	_ =	swait.ge [sflag:s20], $0x2000  }
0x5c1: {  	s28 =	sld [smem:$0x7D0]  }
0x5c2: {  	[sflag:s20] =	ssyncset.done $0x0  }
0x5c3: {  	[sflag:s20] =	ssyncadd.s32 $0xFFFFE000  }
0x5c4: {  	[hbm4b:s28+s2] =	stream.linear.scatter [tilespmem:s11], [sflag:$0xB], $0x2000, $0x38;
	[tilespmem:$0xD900] =	vst v63  }
0x5c5: {  	_ =	swait.ge [sflag:s21], $0x2000  }
0x5c6: {  	s29 =	sld [smem:$0x7D1]  }
0x5c7: {  	[sflag:s21] =	ssyncset.done $0x0  }
0x5c8: {  	[sflag:s21] =	ssyncadd.s32 $0xFFFFE000  }
0x5c9: {  	[hbm4b:s29+s2] =	stream.linear.scatter [tilespmem:s12], [sflag:$0xC], $0x2000, $0x38;
	[tilespmem:$0xD900] =	vst v63  }
0x5ca: {  	_ =	swait.ge [sflag:s8], $0x2000  }
0x5cb: {  	s30 =	sld [smem:$0x7D2]  }
0x5cc: {  	[sflag:s8] =	ssyncset.done $0x0  }
0x5cd: {  	[sflag:s8] =	ssyncadd.s32 $0xFFFFE000  }
0x5ce: {  	[hbm4b:s30+s2] =	stream.linear.scatter [tilespmem:s5], [sflag:$0x7], $0x2000, $0x38;
	[tilespmem:$0xD900] =	vst v63  }
0x5cf: {  	_ =	swait.ge [sflag:s10], $0x2000  }
0x5d0: {  	s31 =	sld [smem:$0x7D3]  }
0x5d1: {  	[sflag:s10] =	ssyncset.done $0x0  }
0x5d2: {  	[sflag:s10] =	ssyncadd.s32 $0xFFFFE000  }
0x5d3: {  	[hbm4b:s31+s2] =	stream.linear.scatter [tilespmem:s3], [sflag:$0x8], $0x2000, $0x38;
	[tilespmem:$0xD900] =	vst v63  }
0x5d4: {  	_ =	swait.ge [sflag:s14], $0x2000  }
0x5d5: {  	[sflag:s14] =	ssyncset.done $0x0  }
0x5d6: {  	[sflag:s14] =	ssyncadd.s32 $0xFFFFE000  }
0x5d7: {  	_ =	swait.ge [sflag:s16], $0x2000  }
0x5d8: {  	[sflag:s16] =	ssyncset.done $0x0  }
0x5d9: {  	[sflag:s16] =	ssyncadd.s32 $0xFFFFE000  }
0x5da: {  	_ =	swait.ge [sflag:s17], $0x2000  }
0x5db: {  	[sflag:s17] =	ssyncset.done $0x0  }
0x5dc: {  	[sflag:s17] =	ssyncadd.s32 $0xFFFFE000  }
0x5dd: {  	_ =	swait.ge [sflag:s18], $0x2000  }
0x5de: {  	[sflag:s18] =	ssyncset.done $0x0  }
0x5df: {  	[sflag:s18] =	ssyncadd.s32 $0xFFFFE000  }
0x5e0: {  	_ =	swait.ge [sflag:s6], $0x2000  }
0x5e1: {  	[sflag:s6] =	ssyncset.done $0x0  }
0x5e2: {  	[sflag:s6] =	ssyncadd.s32 $0xFFFFE000  }
0x5e3: {  	_ =	swait.ge [sflag:s7], $0x2000  }
0x5e4: {  	[sflag:s7] =	ssyncset.done $0x0  }
0x5e5: {  	[sflag:s7] =	ssyncadd.s32 $0xFFFFE000  }
0x5e6: {  	_ =	sfence.sel $0x180000  }
0x5e7: {  	[bflag:$0x0] =	sbarrier.arrive $0xFFFF  }
0x5e8: {  	_ =	strace $0x90000047  }
0x5e9: {  	[bflag:$0x2] =	sbarrier.arrive $0xFFFF  }
0x5ea: {  	p0 =	sne.s32 s23, $0x0;
	s0 =	rddreg [dreg:$0x2]  }
0x5eb: {  	s0 =	sadd.s32 @!p0 $0x100000, s0  }
0x5ec: {  	[sflag:s0] =	ssyncadd.tile.s32 @!p0 $0x1;
	_ =	shalt  }
.LBB2_1:
.Ltmp3:
0x5ed: {  	(pc) =	sbr.rel .LBB2_6-.Ltmp3, $3  }
0x5ee: {  	_ =	sdelay $0x1  }
0x5ef: {  	s24 =	simm.s32 $0x1600;
	s29 =	simm.s32 $0x1680  }
0x5f0: {  	s28 =	simm.s32 $0x1700;
	s26 =	simm.s32 $0x1780;
	s25 =	simm.s32 $0x1800  }
.LBB2_3:
.Ltmp4:
0x5f1: {  	(pc) =	sbr.rel .LBB2_6-.Ltmp4, $3  }
0x5f2: {  	_ =	sdelay $0x1  }
0x5f3: {  	s24 =	simm.s32 $0x1600;
	s29 =	simm.s32 $0x1680;
	s28 =	simm.s32 $0x1700  }
0x5f4: {  	s26 =	simm.s32 $0x1780;
	s25 =	simm.s32 $0x1800;
	s23 =	stileid.u32  }
.Lfunc_end2:
_tile_overlayer_lowered:
.L_overlay_start_2:
0x5f5: {  	(tag) =	ssettag $0x2  }
0x5f6: {  	s0 =	rddreg [dreg:$0x0];
	s2 =	stileid.u32  }
0x5f7: {  	s1 =	rddreg [dreg:$0x1];
	p0 =	sne.s32 s2, $0x0  }
0x5f8: {  	s3 =	rddreg [dreg:$0x2];
	[bflag:$0x3] =	sbarrier.arrive $0xFFFF;
	s2 =	simm.s32 @!p0 $0x1C0D  }
0x5f9: {  	[timem:s3], [sflag:s2] =	dma.local @!p0 [hbm:s0], s1  }
0x5fa: {  	s0 =	simm.s32 @!p0 $0xD  }
0x5fb: {  	_ =	swait.ge @!p0 [sflag:s0], s1  }
0x5fc: {  	s1 =	ssub.s32 @!p0 $0x0, s1;
	[sflag:s0] =	ssyncset.done @!p0 $0x0  }
0x5fd: {  	[sflag:s0] =	ssyncadd.s32 @!p0 s1  }
0x5fe: {  	[bflag:$0x3] =	sbarrier.arrive $0xFFFF  }
0x5ff: {  	_ =	shalt  }

// kernel: sparse-core-data-format-call.cloned.1.call-start
scs
called_computation_lowered:
.L_overlay_start_0:
0x0: {  	s2 =	sld [smem:$0x3FD9]  }
0x1: {  	s3 =	sld [smem:$0x3FFE];
	_ =	sdelay $0x1  }
0x2: {  	s1 =	srdreg.scid  }
0x3: {  	s0 =	sand.u32 $0x1, s1  }
0x4: {  	s15 =	sshll.u32 s0, $0xA;
	s2 =	sadd.s32 s3, s2  }
0x5: {  	s2 =	sadd.s32 s2, s15  }
0x6: {  	[smem:$0x3FC5] =	sst s2  }
0x7: {  	_ = 	snop  }
0x8: {  	s2 =	sld [smem:$0x3FD0];
	_ =	sdelay $0x2  }
0x9: {  	s16 =	simm.s32 $0xA;
	s4 =	simm.s32 $0x10  }
0xa: {  	[smem:s4], [sflag:s16] =	dma.local [hbm:s2], $0x1  }
0xb: {  	_ =	swait.eq [sflag:s16], $0x1  }
0xc: {  	[sflag:s16] =	ssyncset.done $0x0  }
0xd: {  	[sflag:s16] =	ssyncadd.s32 $0xFFFFFFFF  }
0xe: {  	s17 =	sld [smem:$0x10];
	(tm) =	ssettm $0x1  }
0xf: {  	s18 =	sld [smem:$0x3FFB];
	_ =	sdelay $0x3  }
0x10: {  	_ =	strace s18  }
0x11: {  	s3 =	sld [smem:$0x3FFC];
	_ =	sdelay $0x3  }
0x12: {  	_ =	strace s3  }
0x13: {  	s3 =	sld [smem:$0x3FFD];
	_ =	sdelay $0x3  }
0x14: {  	_ =	strace s3  }
0x15: {  	_ =	strace $0x8FFFFFFF  }
0x16: {  	s19 =	sld [smem:$0x3FDB];
	_ =	sdelay $0x1  }
0x17: {  	s20 =	simm.s32 $_scs_section_size  }
0x18: {  	s5 =	simm.s32 $_size__tile_overlayer_lowered;
	s6 =	simm.s32 $_tile_overlayer_lowered  }
0x19: {  	s23 =	simm.s32 $0x1BFF;
	s22 =	sshll.u32 s6, $0x1;
	s3 =	sadd.s32 s20, s19  }
0x1a: {  	s7 =	simm.s32 $0x0;
	s21 =	sshll.u32 s5, $0x1;
	s5 =	sadd.s32 s22, s3  }
0x1b: {  	[timem:s7], [sflag:s23] =	dma.local [hbm:s5], s21  }
0x1c: {  	_ =	swait.ge [sflag:s23], s21  }
0x1d: {  	s4 =	ssub.s32 $0x0, s21;
	[sflag:s23] =	ssyncset.done $0x0  }
0x1e: {  	[sflag:s23] =	ssyncadd.s32 s4;
	_ =	sdelay $0x1  }
0x1f: {  	s24 =	simm.s32 $0x1B8B  }
0x20: {  	_ =	swait.ge [sflag:s24], $0x1  }
0x21: {  	[sflag:s24] =	ssyncset.done $0x0  }
0x22: {  	s26 =	simm.s32 $0x1B8E;
	s25 =	sld [smem:$0x3FFE];
	[sflag:s24] =	ssyncadd.s32 $0xFFFFFFFF  }
0x23: {  	s27 =	simm.s32 $execute0_lowered;
	[smem:$0x3FD2] =	sst s26  }
0x24: {  	s5 =	sshll.u32 s27, $0x1;
	_ =	strace $0x80000049;
	[dreg:$0x1] =	wrdreg $0xFFFFFFFF  }
0x25: {  	s28 =	simm.s32 $_size_execute0_lowered;
	s3 =	sadd.s32 s3, s5;
	[dreg:$0x0] =	wrdreg $0x0  }
0x26: {  	s5 =	sshll.u32 s28, $0x1;
	[dreg:$0x2] =	wrdreg s3  }
0x27: {  	[dreg:$0x3] =	wrdreg s5  }
0x28: {  	[dreg:$0x4] =	wrdreg $0xC0  }
0x29: {  	_ =	task [dreg:s7], $0x5FFFF  }
0x2a: {  	[dreg:$0x1] =	wrdreg $0xFFFFFFFF  }
0x2b: {  	[dreg:$0x0] =	wrdreg $0x60  }
0x2c: {  	[dreg:$0x2] =	wrdreg s25  }
0x2d: {  	[dreg:$0x3] =	wrdreg s17  }
0x2e: {  	[dreg:$0x4] =	wrdreg $0x9  }
0x2f: {  	_ =	task.clear_ibuf [dreg:s7], $0x5FFFF;
	_ =	strace $0x90000049  }
0x30: {  	s29 =	simm.s32 $0x9;
	_ =	strace $0x8000004B  }
0x31: {  	_ =	swait.ge [sflag:s29], $0x1  }
0x32: {  	[sflag:s29] =	ssyncadd.s32 $0xFFFFFFFF  }
0x33: {  	_ =	strace $0x9000004B  }
0x34: {  	_ =	sfence  }
0x35: {  	s30 =	sld [smem:$0x0];
	_ =	sdelay $0x2  }
0x36: {  	s31 =	sshll.u32 s1, $0xD;
	s1 =	sshrl.u32 s1, $0x2  }
0x37: {  	s3 =	sand.u32 $0x4000, s31;
	s1 =	sadd.s32 s1, s30  }
0x38: {  	s0 =	sor.u32 s3, s0;
	s1 =	sshll.u32 s1, $0x11  }
0x39: {  	s0 =	sor.u32 s1, s0  }
0x3a: {  	s0 =	sadd.s32 $0x8F2B, s0  }
0x3b: {  	[sflag:s0] =	ssyncadd.remote.s32 $0x1  }
0x3c: {  	_ =	sfence.sel $0xFFFF  }
0x3d: {  	[dreg:$0x0] =	wrdreg $0xFFFFFFFF;
	(pc) =	sbr.abs _section_cstart, $3  }
0x3e: {  	[dreg:$0x1] =	wrdreg $0xFFFFFFFF  }
0x3f: {  	_ =	task.clear_ibuf [dreg:s7], $0x2FFFF;
	_ =	strace $0x9FFFFFFF  }
0x40: {  	(tm) =	ssettm $0x7FFFFFFF  }
0x41: {  	_ =	shalt  }
tec
execute0_lowered:
.L_overlay_start_1:
0x0: {  	(tag) =	ssettag $0x1  }
0x1: {  	s0 =	srdreg.scid  }
0x2: {  	s1 =	sshll.u32 s0, $0x4  }
0x3: {  	s0 =	stileid.u32;
	s1 =	sand.u32 $0x10, s1  }
0x4: {  	s1 =	sor.u32 s0, s1  }
0x5: {  	s6 =	rddreg [dreg:$0x0];
	s4 =	simm.s32 $0x1;
	s2 =	sshll.u32 s1, $0x7  }
0x6: {  	s7 =	simm.s32 $0x2;
	s12 =	simm.s32 $0x0;
	s1 =	ssub.s32 $0x1000, s2  }
0x7: {  	s8 =	simm.s32 $0x8000;
	s13 =	simm.s32 $0x0;
	s3 =	sand.u32 $0xF80, s1  }
0x8: {  	s9 =	simm.s32 $0x0;
	s5 =	sshrl.u32 s1, $0xC;
	p0 =	sne.s32 s3, $0x0  }
.Ltmp0:
0x9: {  	s1 =	rddreg [dreg:$0x2];
	s4 =	simm.s32 @!p0 $0x0;
	(pc) =	sbr.rel .LBB1_1-.Ltmp0, $4  }
0xa: {  	s11 =	simm.s32 $0x0;
	s3 =	rddreg [dreg:$0x1];
	s5 =	sadd.s32 s4, s5  }
0xb: {  	_ =	strace $0x8000004A;
	s4 =	simm.s32 $0x1;
	s5 =	smul.u32 $0x32, s5  }
0xc: {  	s6 =	sadd.s32 $0xC00, s6;
	s10 =	smov.u32 s2;
	[sflag:s4] =	ssyncpa.u1 $0x0  }
0xd: {  	p0 =	por $0x0, $0x0;
	[sflag:s7] =	ssyncpa.u1 $0x0;
	s7 =	sor.u32 $0x1, s5  }
.LBB1_4:
0xe: {  	s16 =	sshll.u32 s13, $0x3;
	s17 =	sand.u32 $0x78, s13  }
0xf: {  	s30 =	sand.u32 $0x7E00, s13;
	s12 =	sshll.u32 s12, $0xF;
	s16 =	sand.u32 $0xC00, s16  }
0x10: {  	[tilespmem:s15+$0x810 ss:$0x81] =	vst.msk $0xffff, v2;
	s31 =	sand.u32 $0x7, s13;
	s16 =	sor.u32 s17, s16;
	s17 =	sadd.s32 s3, s30  }
0x11: {  	[tilespmem:s15+$0x1020 ss:$0x81] =	vst.msk $0xffff, v0;
	s13 =	sshll.u32 s31, $0x12;
	s12 =	sadd.s32 s12, s17;
	s16 =	sshrl.u32 s16, $0x3  }
0x12: {  	[tilespmem:s15+$0x0 ss:$0x81] =	vst.msk $0xffff, v1;
	s13 =	sor.u32 $0x400, s13;
	s12 =	sadd.s32 s16, s12  }
0x13: {  	[hbm4b:s12+s13] =	stream.strided.scatter [tilespmem:s14], [sflag:$0x2], $0x2000, s8, s13, $0x20;
	[tilespmem:$0x8080] =	vst v63  }
.LBB1_5:
0x14: {  	s14 =	sadd.s32 $0x1, s9  }
0x15: {  	s12 =	sadd.s32 $0x1000, s10;
	s16 =	smov.u32 s10;
	p2 =	sgt.s32 s14, $0x31  }
0x16: {  	s16 =	smov.u32 @p2 s12  }
0x17: {  	s14 =	simm.s32 @p2 $0x0;
	p2 =	sgt.s32 s16, $0xFFF  }
0x18: {  	s16 =	smov.u32 @p2 s2;
	p2 =	sne.s32 s11, s7  }
.Ltmp1:
0x19: {  	p1 =	slt.u32 s11, $0x2;
	(pc) =	sbr.rel @!p2 .LBB1_6-.Ltmp1, $4  }
0x1a: {  	s15 =	simm.s32 @!p1 $0x2  }
0x1b: {  	s13 =	smov.u32 s10;
	p0 =	por !p0, !p0;
	_ =	swait.ge @!p1 [sflag:s15], $0x2000  }
0x1c: {  	s12 =	smov.u32 s9;
	[sflag:s15] =	ssyncset.done @!p1 $0x0;
	s9 =	smov.u32 s14  }
0x1d: {  	s11 =	sadd.s32 $0x1, s11;
	[sflag:s15] =	ssyncadd.s32 @!p1 $0xFFFFE000;
	s10 =	smov.u32 s16  }
.LBB1_1:
0x1e: {  	p1 =	sge.u32 s11, s5  }
0x1f: {  	s14 =	sand.u32 @!p1 $0x1FFFFFF, s9  }
0x20: {  	s15 =	smulhi.u32 @!p1 $0x4924925, s14;
	_ =	sdelay $0x1  }
0x21: {  	s15 =	smul.u32 @!p1 $0x38, s15  }
0x22: {  	s16 =	sxor.u32 @!p1 $0xFFFFFFFF, s11;
	s17 =	smul.u32 @!p1 $0x380, s10  }
0x23: {  	s31 =	sadd.s32 $0xFFFFFFFF, s11;
	s16 =	sshll.u32 @!p1 s16, $0xD;
	s14 =	ssub.s32 @!p1 s14, s15  }
0x24: {  	s15 =	sand.u32 @!p1 $0x2000, s16;
	s16 =	sadd.s32 @!p1 s6, s17;
	s14 =	sshll.u32 @!p1 s14, $0x4  }
0x25: {  	s17 =	simm.s32 @!p1 $0x1C00;
	s14 =	sadd.s32 @!p1 s14, s16;
	s16 =	simm.s32 @!p1 $0x40  }
0x26: {  	[tilespmem:s15], [sflag:$0x1] =	stream.strided.gather @!p1 [hbm4b:s14+s16], $0x2000, s17, s16, $0x38;
	[tilespmem:$0x8080] =	vst v63  }
0x27: {  	p1 =	sge.u32 s31, s5  }
.Ltmp2:
0x28: {  	_ = 	snop;
	(pc) =	sbr.rel @p1 .LBB1_5-.Ltmp2, $1  }
0x29: {  	_ =	sdelay $0x3  }
0x2a: {  	s14 =	simm.s32 $0x1  }
0x2b: {  	_ =	swait.ge [sflag:s4], $0x2000;
	s14 =	simm.s32 @!p0 $0x0  }
0x2c: {  	[sflag:s4] =	ssyncset.done $0x0;
	s15 =	sshll.u32 s14, $0xD  }
0x2d: {  	[sflag:s4] =	ssyncadd.s32 $0xFFFFE000;
	s18 =	sor.u32 $0x20, s15  }
0x2e: {  	s14 =	smul.u32 $0x8100, s14;
	v3 =	vld [tilespmem:s18+$0x10]  }
0x2f: {  	s30 =	sand.u32 $0x1, s11;
	v2 =	vld [tilespmem:s18+$0xFFFFFFF0]  }
0x30: {  	s15 =	smul.u32 $0x8100, s30;
	s14 =	sshrl.u32 s14, $0x2;
	v0 =	vld [tilespmem:s18+$0x0]  }
0x31: {  	v1 =	vld [tilespmem:s18+$0xFFFFFFE0];
	s16 =	sor.u32 $0x4000, s14  }
0x32: {  	s31 =	sshrl.u32 s15, $0x2;
	s15 =	sadd.s32 $0x0, s16  }
0x33: {  	s17 =	simm.s32 $0x4;
	s18 =	sadd.s32 $0x40, s18;
	s14 =	sor.u32 $0x4000, s31;
	[tilespmem:s15+$0x1830 ss:$0x81] =	vst.msk $0xffff, v3  }
.LBB1_3:
0x34: {  	v3 =	vld [tilespmem:s18+$0x10];
	p1 =	sne.s32 s17, $0x1FC;
	[tilespmem:s15+$0x810 ss:$0x81] =	vst.msk $0xffff, v2;
	s19 =	smov.u32 s17;
	s17 =	sadd.s32 $0x4, s17  }
.Ltmp3:
0x35: {  	v2 =	vld [tilespmem:s18+$0xFFFFFFF0];
	[tilespmem:s15+$0x1020 ss:$0x81] =	vst.msk $0xffff, v0;
	(pc) =	sbr.rel @p1 .LBB1_3-.Ltmp3, $4  }
0x36: {  	v0 =	vld [tilespmem:s18+$0x0];
	[tilespmem:s15+$0x0 ss:$0x81] =	vst.msk $0xffff, v1  }
0x37: {  	s15 =	sshra.s32 s19, $0x2;
	v1 =	vld [tilespmem:s18+$0xFFFFFFE0]  }
0x38: {  	s15 =	sadd.s32 s15, s16  }
0x39: {  	s18 =	sadd.s32 $0x40, s18;
	[tilespmem:s15+$0x1830 ss:$0x81] =	vst.msk $0xffff, v3  }
.Ltmp4:
0x3a: {  	_ = 	snop;
	(pc) =	sbr.rel .LBB1_4-.Ltmp4, $1  }
0x3b: {  	_ =	sdelay $0x3  }
.LBB1_6:
0x3c: {  	_ =	sfence.sel $0x180000  }
0x3d: {  	s2 =	simm.s32 $0x1;
	[bflag:$0x0] =	sbarrier.arrive $0xFFFF  }
0x3e: {  	s31 =	simm.s32 $0x2;
	[sflag:s2] =	ssyncpa.u1 $0x1  }
0x3f: {  	[sflag:s31] =	ssyncpa.u1 $0x1  }
0x40: {  	p0 =	sne.s32 s0, $0x0;
	_ =	strace $0x9000004A  }
0x41: {  	s0 =	sadd.s32 @!p0 $0x100000, s1;
	[bflag:$0x2] =	sbarrier.arrive $0xFFFF  }
0x42: {  	[sflag:s0] =	ssyncadd.tile.s32 @!p0 $0x1;
	_ =	shalt  }
.Lfunc_end1:
_tile_overlayer_lowered:
.L_overlay_start_2:
0x43: {  	(tag) =	ssettag $0x2  }
0x44: {  	s0 =	rddreg [dreg:$0x0];
	s2 =	stileid.u32  }
0x45: {  	s1 =	rddreg [dreg:$0x1];
	p0 =	sne.s32 s2, $0x0  }
0x46: {  	s3 =	rddreg [dreg:$0x2];
	[bflag:$0x3] =	sbarrier.arrive $0xFFFF;
	s2 =	simm.s32 @!p0 $0x1C01  }
0x47: {  	[timem:s3], [sflag:s2] =	dma.local @!p0 [hbm:s0], s1  }
0x48: {  	s0 =	simm.s32 @!p0 $0x1  }
0x49: {  	_ =	swait.ge @!p0 [sflag:s0], s1  }
0x4a: {  	s1 =	ssub.s32 @!p0 $0x0, s1;
	[sflag:s0] =	ssyncset.done @!p0 $0x0  }
0x4b: {  	[sflag:s0] =	ssyncadd.s32 @!p0 s1  }
0x4c: {  	[bflag:$0x3] =	sbarrier.arrive $0xFFFF  }
0x4d: {  	_ =	shalt  }

</sc_bundles>
